<compile_context>
chip_gen: v7x
topology: tpu7x:2x2x1
jax: 0.10.2.dev20260603
libtpu: 0.0.44.dev20260713+nightly
codegen_flags: <defaults>
</compile_context>

<pallas_src>
import functools

import jax
import jax.numpy as jnp
from jax import lax
from jax.experimental import pallas as pl
from jax.experimental.pallas import tpu as pltpu
from jax.experimental.pallas import tpu_sc as plsc

_NC = 2
_NS = 16
_NW = _NC * _NS

_CHUNK = 128
_LANES = 16


@functools.lru_cache(maxsize=None)
def _build_gather(s: int, b: int, d: int, v: int):
    n_chunks = s * (b // _CHUNK)
    assert n_chunks % (4 * _NW) == 0
    cpw = n_chunks // _NW
    cols = b // _CHUNK
    dt = d // 8

    mesh = plsc.VectorSubcoreMesh(core_axis_name="c", subcore_axis_name="s",
                                  num_cores=_NC, num_subcores=_NS)

    @functools.partial(
        pl.kernel,
        out_type=jax.ShapeDtypeStruct((s * dt, cols, 8 * _CHUNK), jnp.float32),
        mesh=mesh,
        scratch_types=[
            pltpu.VMEM((cpw, _CHUNK), jnp.int32),
            pltpu.VMEM((4, _CHUNK, d), jnp.float32),
            pltpu.VMEM((4, dt, 8 * _CHUNK), jnp.float32),
            pltpu.SemaphoreType.DMA,
            pltpu.SemaphoreType.DMA,
            pltpu.SemaphoreType.DMA,
            pltpu.SemaphoreType.DMA,
            pltpu.SemaphoreType.DMA,
            pltpu.SemaphoreType.DMA,
            pltpu.SemaphoreType.DMA,
            pltpu.SemaphoreType.DMA,
        ],
        compiler_params=pltpu.CompilerParams(use_tc_tiling_on_sc=False,
                                             needs_layout_passes=False),
    )
    def gather_kernel(idx_hbm, wte_hbm, out_hbm, idx_v, in_v, ob_v,
                      gsem0, gsem1, gsem2, gsem3, wsem0, wsem1, wsem2, wsem3):
        wid = lax.axis_index("s") * _NC + lax.axis_index("c")
        c0 = pl.multiple_of(wid * cpw, cpw)
        gsems = (gsem0, gsem1, gsem2, gsem3)
        wsems = (wsem0, wsem1, wsem2, wsem3)

        pltpu.sync_copy(idx_hbm.at[pl.ds(c0, cpw), :], idx_v)

        jb = lax.iota(jnp.int32, 16)

        def fire(c, buf):
            pltpu.async_copy(wte_hbm.at[idx_v.at[c]], in_v.at[buf],
                             gsems[buf])

        def wait_gather(c, buf):
            pltpu.make_async_copy(wte_hbm.at[idx_v.at[c]], in_v.at[buf],
                                  gsems[buf]).wait()

        rots = [lax.bitwise_and(jb + r, 15) for r in range(16)]
        iv_outs = [rots[r] * _CHUNK + jb for r in range(16)]
        n_jblk = _CHUNK // 16
        n_dblk = d // 16

        def transpose(buf):
            src = in_v.at[buf]
            dst = ob_v.at[buf]
            @plsc.parallel_loop(0, n_dblk * 16, unroll=4)
            def _(q):
                r = lax.bitwise_and(q, 15)
                dblk = lax.shift_right_logical(q, 4)
                rot = lax.bitwise_and(jb + r, 15)
                dvec = dblk * 16 + rot
                row = lax.shift_right_logical(dvec, 3)
                colbase = lax.shift_left(lax.bitwise_and(dvec, 7), 7)
                for jblk in range(n_jblk):
                    jcol = jb + jblk * 16
                    g16 = plsc.load_gather(src, [jcol, dvec])
                    plsc.store_scatter(dst, [row, colbase + jcol], g16)

        def write(c, buf):
            g = c0 + c
            t = g // cols
            col = g % cols
            del t, col
            pltpu.async_copy(
                ob_v.at[buf],
                out_hbm.at[g // 4, pl.ds(pl.multiple_of((g % 4) * 8, 8), 8), :],
                wsems[buf])

        def wait_write(buf):
            pltpu.make_async_copy(ob_v.at[buf],
                                  out_hbm.at[0, pl.ds(0, 8), :],
                                  wsems[buf]).wait()

        for buf in range(4):
            fire(buf, buf)

        def body(i, carry):
            for buf in range(4):
                c = i * 4 + buf
                wait_gather(c, buf)

                @pl.when(i > 0)
                def _():
                    wait_write(buf)

                transpose(buf)
                write(c, buf)

                @pl.when(i * 4 + buf + 4 < cpw)
                def _():
                    fire(c + 4, buf)

            return carry

        lax.fori_loop(0, cpw // 4, body, 0)
        for buf in range(4):
            wait_write(buf)

    return gather_kernel


def kernel(tokens, wte_weight, learned_embedding):
    b, s = tokens.shape
    v, d = wte_weight.shape
    nt = learned_embedding.shape[0]
    tokens_t = tokens.T
    row = lax.broadcasted_iota(jnp.int32, (s, b), 0)
    src_t = tokens_t.astype(jnp.int32)
    idx2d = src_t.reshape(-1, _CHUNK)
    out3d = _build_gather(s, b, d, v)(idx2d, wte_weight)
    out5 = out3d.reshape(s, d // 8, b // _CHUNK, 8, _CHUNK)
    return out5.transpose(2, 4, 0, 1, 3).reshape(b, s, d)

# --- scband reference (transcript-rebuilt; emitter-appended) ---
"""Pipeline reference for scband-promptembedding-9431748182344 (READ-ONLY COPY).

The authoritative reference and input builder live on the scoring server;
editing this copy changes nothing except your own understanding.
"""

import jax, jax.numpy as jnp
import numpy as np

VOCAB = 100000
EMBED_DIM = 64
BATCH = 4096
SEQ = 200
N_TOKENS = 20


def setup_inputs(seed: int = 0) -> dict:
    key = jax.random.key(seed)
    k_tok, k_wte = jax.random.split(key)
    tokens = jax.random.randint(k_tok, (BATCH, SEQ), 0, VOCAB, dtype=jnp.int64 if jax.config.jax_enable_x64 else jnp.int32)
    wte_weight = jax.random.normal(k_wte, (VOCAB, EMBED_DIM), dtype=jnp.float32)
    # initialize_from_vocab=True: learned prompt embedding is a clone of first n_tokens rows
    learned_embedding = wte_weight[:N_TOKENS]
    return {"tokens": tokens, "wte_weight": wte_weight, "learned_embedding": learned_embedding}


def reference(tokens, wte_weight, learned_embedding):
    # input_embedding = self.wte(tokens[:, self.n_tokens:])
    input_embedding = jnp.take(wte_weight, tokens[:, N_TOKENS:], axis=0)  # [B, SEQ-n_tokens, D]
    # learned_embedding.repeat(B, 1, 1)
    b = input_embedding.shape[0]
    learned = jnp.broadcast_to(learned_embedding[None, :, :], (b, N_TOKENS, EMBED_DIM))
    # torch.cat([learned_embedding, input_embedding], 1)
    return jnp.concatenate([learned, input_embedding], axis=1)  # [B, SEQ, D]

if __name__ == "__main__":
    import jax
    _d = setup_inputs()
    print(jax.jit(kernel)(*tuple(_d.values())))

</pallas_src>

<mosaic_0001>
#map = affine_map<(d0, d1) -> (0, 0)>
#map1 = affine_map<(d0, d1) -> (0, 0, 0)>
module attributes {stable_mosaic.version = 14 : i64} {
  func.func @gather_kernel(%arg0: i32, %arg1: i32, %arg2: memref<6400x128xi32, #tpu.memory_space<hbm>>, %arg3: memref<100000x64xf32, #tpu.memory_space<hbm>>, %arg4: memref<1600x32x1024xf32, #tpu.memory_space<hbm>>, %arg5: memref<200x128xi32, #tpu.memory_space<vmem>>, %arg6: memref<4x128x64xf32, #tpu.memory_space<vmem>>, %arg7: memref<4x8x1024xf32, #tpu.memory_space<vmem>>, %arg8: memref<!tpu.dma_semaphore, #tpu.memory_space<semaphore_mem>>, %arg9: memref<!tpu.dma_semaphore, #tpu.memory_space<semaphore_mem>>, %arg10: memref<!tpu.dma_semaphore, #tpu.memory_space<semaphore_mem>>, %arg11: memref<!tpu.dma_semaphore, #tpu.memory_space<semaphore_mem>>, %arg12: memref<!tpu.dma_semaphore, #tpu.memory_space<semaphore_mem>>, %arg13: memref<!tpu.dma_semaphore, #tpu.memory_space<semaphore_mem>>, %arg14: memref<!tpu.dma_semaphore, #tpu.memory_space<semaphore_mem>>, %arg15: memref<!tpu.dma_semaphore, #tpu.memory_space<semaphore_mem>>) attributes {dimension_semantics = [#tpu.dimension_semantics<core_parallel>, #tpu.dimension_semantics<subcore_parallel>], iteration_bounds = array<i64: 2, 16>, scalar_prefetch = 0 : i64, scratch_operands = 11 : i64, tpu.core_type = #tpu.core_type<sc_vector_subcore>, window_params = [{transform_indices = #map}, {transform_indices = #map}, {transform_indices = #map1}]} {
    %mul3A = arith.constant 2 : i32
    %mul3A_0 = arith.muli %arg1, %mul3A : i32
    %add3A = arith.addi %mul3A_0, %arg0 : i32
    %mul3A_1 = arith.constant 200 : i32
    %mul3A_2 = arith.muli %add3A, %mul3A_1 : i32
    %multiple_of3A = tpu.assume_multiple %mul3A_2, 200 : i32
    "tpu.region"() ({
      %run_scoped3A = tpu.sem_alloc : memref<!tpu.dma_semaphore, #tpu.memory_space<semaphore_mem>>
      %dma_start3A_285 = arith.constant 0 : i32
      %dma_start3A_286 = tpu.memref_slice %arg2[%multiple_of3A, %dma_start3A_285] : memref<6400x128xi32, #tpu.memory_space<hbm>> -> memref<200x128xi32, #tpu.memory_space<hbm>>
      %dma_start3A_287 = arith.constant 0 : i32
      %dma_start3A_288 = tpu.memref_slice %arg2[%multiple_of3A, %dma_start3A_287] : memref<6400x128xi32, #tpu.memory_space<hbm>> -> memref<200x128xi32, #tpu.memory_space<hbm>>
      tpu.enqueue_dma source(%dma_start3A_288 : memref<200x128xi32, #tpu.memory_space<hbm>>) target(%arg5 : memref<200x128xi32, #tpu.memory_space<vmem>>) target_semaphore(%run_scoped3A : memref<!tpu.dma_semaphore, #tpu.memory_space<semaphore_mem>>)
      %dma_wait3A_289 = arith.constant 0 : i32
      %dma_wait3A_290 = tpu.memref_slice %arg2[%multiple_of3A, %dma_wait3A_289] : memref<6400x128xi32, #tpu.memory_space<hbm>> -> memref<200x128xi32, #tpu.memory_space<hbm>>
      %dma_wait3A_291 = arith.constant 0 : i32
      %dma_wait3A_292 = tpu.memref_slice %arg2[%multiple_of3A, %dma_wait3A_291] : memref<6400x128xi32, #tpu.memory_space<hbm>> -> memref<200x128xi32, #tpu.memory_space<hbm>>
      tpu.wait_dma2 semaphore(%run_scoped3A : memref<!tpu.dma_semaphore, #tpu.memory_space<semaphore_mem>>) src(%dma_wait3A_292 : memref<200x128xi32, #tpu.memory_space<hbm>>) dst(%arg5 : memref<200x128xi32, #tpu.memory_space<vmem>>)
      tpu.yield
    }) : () -> ()
    %iota3A = tpu.iota {dimensions = array<i32: 0>} : vector<16xi32>
    %add3A_3 = arith.constant 0 : i32
    %add3A_4 = vector.broadcast %add3A_3 : i32 to vector<16xi32>
    %add3A_5 = arith.addi %iota3A, %add3A_4 : vector<16xi32>
    %and3A = arith.constant 15 : i32
    %and3A_6 = vector.broadcast %and3A : i32 to vector<16xi32>
    %and3A_7 = arith.andi %add3A_5, %and3A_6 : vector<16xi32>
    %add3A_8 = arith.constant 1 : i32
    %add3A_9 = vector.broadcast %add3A_8 : i32 to vector<16xi32>
    %add3A_10 = arith.addi %iota3A, %add3A_9 : vector<16xi32>
    %and3A_11 = arith.constant 15 : i32
    %and3A_12 = vector.broadcast %and3A_11 : i32 to vector<16xi32>
    %and3A_13 = arith.andi %add3A_10, %and3A_12 : vector<16xi32>
    %add3A_14 = arith.constant 2 : i32
    %add3A_15 = vector.broadcast %add3A_14 : i32 to vector<16xi32>
    %add3A_16 = arith.addi %iota3A, %add3A_15 : vector<16xi32>
    %and3A_17 = arith.constant 15 : i32
    %and3A_18 = vector.broadcast %and3A_17 : i32 to vector<16xi32>
    %and3A_19 = arith.andi %add3A_16, %and3A_18 : vector<16xi32>
    %add3A_20 = arith.constant 3 : i32
    %add3A_21 = vector.broadcast %add3A_20 : i32 to vector<16xi32>
    %add3A_22 = arith.addi %iota3A, %add3A_21 : vector<16xi32>
    %and3A_23 = arith.constant 15 : i32
    %and3A_24 = vector.broadcast %and3A_23 : i32 to vector<16xi32>
    %and3A_25 = arith.andi %add3A_22, %and3A_24 : vector<16xi32>
    %add3A_26 = arith.constant 4 : i32
    %add3A_27 = vector.broadcast %add3A_26 : i32 to vector<16xi32>
    %add3A_28 = arith.addi %iota3A, %add3A_27 : vector<16xi32>
    %and3A_29 = arith.constant 15 : i32
    %and3A_30 = vector.broadcast %and3A_29 : i32 to vector<16xi32>
    %and3A_31 = arith.andi %add3A_28, %and3A_30 : vector<16xi32>
    %add3A_32 = arith.constant 5 : i32
    %add3A_33 = vector.broadcast %add3A_32 : i32 to vector<16xi32>
    %add3A_34 = arith.addi %iota3A, %add3A_33 : vector<16xi32>
    %and3A_35 = arith.constant 15 : i32
    %and3A_36 = vector.broadcast %and3A_35 : i32 to vector<16xi32>
    %and3A_37 = arith.andi %add3A_34, %and3A_36 : vector<16xi32>
    %add3A_38 = arith.constant 6 : i32
    %add3A_39 = vector.broadcast %add3A_38 : i32 to vector<16xi32>
    %add3A_40 = arith.addi %iota3A, %add3A_39 : vector<16xi32>
    %and3A_41 = arith.constant 15 : i32
    %and3A_42 = vector.broadcast %and3A_41 : i32 to vector<16xi32>
    %and3A_43 = arith.andi %add3A_40, %and3A_42 : vector<16xi32>
    %add3A_44 = arith.constant 7 : i32
    %add3A_45 = vector.broadcast %add3A_44 : i32 to vector<16xi32>
    %add3A_46 = arith.addi %iota3A, %add3A_45 : vector<16xi32>
    %and3A_47 = arith.constant 15 : i32
    %and3A_48 = vector.broadcast %and3A_47 : i32 to vector<16xi32>
    %and3A_49 = arith.andi %add3A_46, %and3A_48 : vector<16xi32>
    %add3A_50 = arith.constant 8 : i32
    %add3A_51 = vector.broadcast %add3A_50 : i32 to vector<16xi32>
    %add3A_52 = arith.addi %iota3A, %add3A_51 : vector<16xi32>
    %and3A_53 = arith.constant 15 : i32
    %and3A_54 = vector.broadcast %and3A_53 : i32 to vector<16xi32>
    %and3A_55 = arith.andi %add3A_52, %and3A_54 : vector<16xi32>
    %add3A_56 = arith.constant 9 : i32
    %add3A_57 = vector.broadcast %add3A_56 : i32 to vector<16xi32>
    %add3A_58 = arith.addi %iota3A, %add3A_57 : vector<16xi32>
    %and3A_59 = arith.constant 15 : i32
    %and3A_60 = vector.broadcast %and3A_59 : i32 to vector<16xi32>
    %and3A_61 = arith.andi %add3A_58, %and3A_60 : vector<16xi32>
    %add3A_62 = arith.constant 10 : i32
    %add3A_63 = vector.broadcast %add3A_62 : i32 to vector<16xi32>
    %add3A_64 = arith.addi %iota3A, %add3A_63 : vector<16xi32>
    %and3A_65 = arith.constant 15 : i32
    %and3A_66 = vector.broadcast %and3A_65 : i32 to vector<16xi32>
    %and3A_67 = arith.andi %add3A_64, %and3A_66 : vector<16xi32>
    %add3A_68 = arith.constant 11 : i32
    %add3A_69 = vector.broadcast %add3A_68 : i32 to vector<16xi32>
    %add3A_70 = arith.addi %iota3A, %add3A_69 : vector<16xi32>
    %and3A_71 = arith.constant 15 : i32
    %and3A_72 = vector.broadcast %and3A_71 : i32 to vector<16xi32>
    %and3A_73 = arith.andi %add3A_70, %and3A_72 : vector<16xi32>
    %add3A_74 = arith.constant 12 : i32
    %add3A_75 = vector.broadcast %add3A_74 : i32 to vector<16xi32>
    %add3A_76 = arith.addi %iota3A, %add3A_75 : vector<16xi32>
    %and3A_77 = arith.constant 15 : i32
    %and3A_78 = vector.broadcast %and3A_77 : i32 to vector<16xi32>
    %and3A_79 = arith.andi %add3A_76, %and3A_78 : vector<16xi32>
    %add3A_80 = arith.constant 13 : i32
    %add3A_81 = vector.broadcast %add3A_80 : i32 to vector<16xi32>
    %add3A_82 = arith.addi %iota3A, %add3A_81 : vector<16xi32>
    %and3A_83 = arith.constant 15 : i32
    %and3A_84 = vector.broadcast %and3A_83 : i32 to vector<16xi32>
    %and3A_85 = arith.andi %add3A_82, %and3A_84 : vector<16xi32>
    %add3A_86 = arith.constant 14 : i32
    %add3A_87 = vector.broadcast %add3A_86 : i32 to vector<16xi32>
    %add3A_88 = arith.addi %iota3A, %add3A_87 : vector<16xi32>
    %and3A_89 = arith.constant 15 : i32
    %and3A_90 = vector.broadcast %and3A_89 : i32 to vector<16xi32>
    %and3A_91 = arith.andi %add3A_88, %and3A_90 : vector<16xi32>
    %add3A_92 = arith.constant 15 : i32
    %add3A_93 = vector.broadcast %add3A_92 : i32 to vector<16xi32>
    %add3A_94 = arith.addi %iota3A, %add3A_93 : vector<16xi32>
    %and3A_95 = arith.constant 15 : i32
    %and3A_96 = vector.broadcast %and3A_95 : i32 to vector<16xi32>
    %and3A_97 = arith.andi %add3A_94, %and3A_96 : vector<16xi32>
    %mul3A_98 = arith.constant 128 : i32
    %mul3A_99 = vector.broadcast %mul3A_98 : i32 to vector<16xi32>
    %mul3A_100 = arith.muli %and3A_7, %mul3A_99 : vector<16xi32>
    %add3A_101 = arith.addi %mul3A_100, %iota3A : vector<16xi32>
    %mul3A_102 = arith.constant 128 : i32
    %mul3A_103 = vector.broadcast %mul3A_102 : i32 to vector<16xi32>
    %mul3A_104 = arith.muli %and3A_13, %mul3A_103 : vector<16xi32>
    %add3A_105 = arith.addi %mul3A_104, %iota3A : vector<16xi32>
    %mul3A_106 = arith.constant 128 : i32
    %mul3A_107 = vector.broadcast %mul3A_106 : i32 to vector<16xi32>
    %mul3A_108 = arith.muli %and3A_19, %mul3A_107 : vector<16xi32>
    %add3A_109 = arith.addi %mul3A_108, %iota3A : vector<16xi32>
    %mul3A_110 = arith.constant 128 : i32
    %mul3A_111 = vector.broadcast %mul3A_110 : i32 to vector<16xi32>
    %mul3A_112 = arith.muli %and3A_25, %mul3A_111 : vector<16xi32>
    %add3A_113 = arith.addi %mul3A_112, %iota3A : vector<16xi32>
    %mul3A_114 = arith.constant 128 : i32
    %mul3A_115 = vector.broadcast %mul3A_114 : i32 to vector<16xi32>
    %mul3A_116 = arith.muli %and3A_31, %mul3A_115 : vector<16xi32>
    %add3A_117 = arith.addi %mul3A_116, %iota3A : vector<16xi32>
    %mul3A_118 = arith.constant 128 : i32
    %mul3A_119 = vector.broadcast %mul3A_118 : i32 to vector<16xi32>
    %mul3A_120 = arith.muli %and3A_37, %mul3A_119 : vector<16xi32>
    %add3A_121 = arith.addi %mul3A_120, %iota3A : vector<16xi32>
    %mul3A_122 = arith.constant 128 : i32
    %mul3A_123 = vector.broadcast %mul3A_122 : i32 to vector<16xi32>
    %mul3A_124 = arith.muli %and3A_43, %mul3A_123 : vector<16xi32>
    %add3A_125 = arith.addi %mul3A_124, %iota3A : vector<16xi32>
    %mul3A_126 = arith.constant 128 : i32
    %mul3A_127 = vector.broadcast %mul3A_126 : i32 to vector<16xi32>
    %mul3A_128 = arith.muli %and3A_49, %mul3A_127 : vector<16xi32>
    %add3A_129 = arith.addi %mul3A_128, %iota3A : vector<16xi32>
    %mul3A_130 = arith.constant 128 : i32
    %mul3A_131 = vector.broadcast %mul3A_130 : i32 to vector<16xi32>
    %mul3A_132 = arith.muli %and3A_55, %mul3A_131 : vector<16xi32>
    %add3A_133 = arith.addi %mul3A_132, %iota3A : vector<16xi32>
    %mul3A_134 = arith.constant 128 : i32
    %mul3A_135 = vector.broadcast %mul3A_134 : i32 to vector<16xi32>
    %mul3A_136 = arith.muli %and3A_61, %mul3A_135 : vector<16xi32>
    %add3A_137 = arith.addi %mul3A_136, %iota3A : vector<16xi32>
    %mul3A_138 = arith.constant 128 : i32
    %mul3A_139 = vector.broadcast %mul3A_138 : i32 to vector<16xi32>
    %mul3A_140 = arith.muli %and3A_67, %mul3A_139 : vector<16xi32>
    %add3A_141 = arith.addi %mul3A_140, %iota3A : vector<16xi32>
    %mul3A_142 = arith.constant 128 : i32
    %mul3A_143 = vector.broadcast %mul3A_142 : i32 to vector<16xi32>
    %mul3A_144 = arith.muli %and3A_73, %mul3A_143 : vector<16xi32>
    %add3A_145 = arith.addi %mul3A_144, %iota3A : vector<16xi32>
    %mul3A_146 = arith.constant 128 : i32
    %mul3A_147 = vector.broadcast %mul3A_146 : i32 to vector<16xi32>
    %mul3A_148 = arith.muli %and3A_79, %mul3A_147 : vector<16xi32>
    %add3A_149 = arith.addi %mul3A_148, %iota3A : vector<16xi32>
    %mul3A_150 = arith.constant 128 : i32
    %mul3A_151 = vector.broadcast %mul3A_150 : i32 to vector<16xi32>
    %mul3A_152 = arith.muli %and3A_85, %mul3A_151 : vector<16xi32>
    %add3A_153 = arith.addi %mul3A_152, %iota3A : vector<16xi32>
    %mul3A_154 = arith.constant 128 : i32
    %mul3A_155 = vector.broadcast %mul3A_154 : i32 to vector<16xi32>
    %mul3A_156 = arith.muli %and3A_91, %mul3A_155 : vector<16xi32>
    %add3A_157 = arith.addi %mul3A_156, %iota3A : vector<16xi32>
    %mul3A_158 = arith.constant 128 : i32
    %mul3A_159 = vector.broadcast %mul3A_158 : i32 to vector<16xi32>
    %mul3A_160 = arith.muli %and3A_97, %mul3A_159 : vector<16xi32>
    %add3A_161 = arith.addi %mul3A_160, %iota3A : vector<16xi32>
    %dma_start3A = arith.constant 0 : i32
    %dma_start3A_162 = arith.constant 0 : i32
    %dma_start3A_163 = arith.constant 0 : i32
    %dma_start3A_164 = arith.constant 0 : i32
    %dma_start3A_165 = tpu.memref_slice %arg6[%dma_start3A_162, %dma_start3A_163, %dma_start3A_164] : memref<4x128x64xf32, #tpu.memory_space<vmem>> -> memref<1x128x64xf32, #tpu.memory_space<vmem>>
    %dma_start3A_166 = tpu.memref_squeeze %dma_start3A_165 : memref<1x128x64xf32, #tpu.memory_space<vmem>> -> memref<128x64xf32, #tpu.memory_space<vmem>>
    %dma_start3A_167 = arith.constant 0 : i32
    %dma_start3A_168 = tpu.memref_slice %arg5[%dma_start3A, %dma_start3A_167] : memref<200x128xi32, #tpu.memory_space<vmem>> -> memref<1x128xi32, #tpu.memory_space<vmem>>
    %dma_start3A_169 = tpu.memref_squeeze %dma_start3A_168 : memref<1x128xi32, #tpu.memory_space<vmem>> -> memref<128xi32, #tpu.memory_space<vmem>>
    %dma_start3A_170 = arith.constant 0 : i32
    %dma_start3A_171 = arith.constant 0 : i32
    %dma_start3A_172 = tpu.memref_slice %arg3[%dma_start3A_170, %dma_start3A_171] : memref<100000x64xf32, #tpu.memory_space<hbm>> -> memref<100000x64xf32, #tpu.memory_space<hbm>>
    tpu.enqueue_indirect_dma source(%dma_start3A_172 : memref<100000x64xf32, #tpu.memory_space<hbm>>) target(%dma_start3A_166 : memref<128x64xf32, #tpu.memory_space<vmem>>) offsets(%dma_start3A_169 : memref<128xi32, #tpu.memory_space<vmem>>) semaphore(%arg8 : memref<!tpu.dma_semaphore, #tpu.memory_space<semaphore_mem>>)
    %dma_start3A_173 = arith.constant 1 : i32
    %dma_start3A_174 = arith.constant 1 : i32
    %dma_start3A_175 = arith.constant 0 : i32
    %dma_start3A_176 = arith.constant 0 : i32
    %dma_start3A_177 = tpu.memref_slice %arg6[%dma_start3A_174, %dma_start3A_175, %dma_start3A_176] : memref<4x128x64xf32, #tpu.memory_space<vmem>> -> memref<1x128x64xf32, #tpu.memory_space<vmem>>
    %dma_start3A_178 = tpu.memref_squeeze %dma_start3A_177 : memref<1x128x64xf32, #tpu.memory_space<vmem>> -> memref<128x64xf32, #tpu.memory_space<vmem>>
    %dma_start3A_179 = arith.constant 0 : i32
    %dma_start3A_180 = tpu.memref_slice %arg5[%dma_start3A_173, %dma_start3A_179] : memref<200x128xi32, #tpu.memory_space<vmem>> -> memref<1x128xi32, #tpu.memory_space<vmem>>
    %dma_start3A_181 = tpu.memref_squeeze %dma_start3A_180 : memref<1x128xi32, #tpu.memory_space<vmem>> -> memref<128xi32, #tpu.memory_space<vmem>>
    %dma_start3A_182 = arith.constant 0 : i32
    %dma_start3A_183 = arith.constant 0 : i32
    %dma_start3A_184 = tpu.memref_slice %arg3[%dma_start3A_182, %dma_start3A_183] : memref<100000x64xf32, #tpu.memory_space<hbm>> -> memref<100000x64xf32, #tpu.memory_space<hbm>>
    tpu.enqueue_indirect_dma source(%dma_start3A_184 : memref<100000x64xf32, #tpu.memory_space<hbm>>) target(%dma_start3A_178 : memref<128x64xf32, #tpu.memory_space<vmem>>) offsets(%dma_start3A_181 : memref<128xi32, #tpu.memory_space<vmem>>) semaphore(%arg9 : memref<!tpu.dma_semaphore, #tpu.memory_space<semaphore_mem>>)
    %dma_start3A_185 = arith.constant 2 : i32
    %dma_start3A_186 = arith.constant 2 : i32
    %dma_start3A_187 = arith.constant 0 : i32
    %dma_start3A_188 = arith.constant 0 : i32
    %dma_start3A_189 = tpu.memref_slice %arg6[%dma_start3A_186, %dma_start3A_187, %dma_start3A_188] : memref<4x128x64xf32, #tpu.memory_space<vmem>> -> memref<1x128x64xf32, #tpu.memory_space<vmem>>
    %dma_start3A_190 = tpu.memref_squeeze %dma_start3A_189 : memref<1x128x64xf32, #tpu.memory_space<vmem>> -> memref<128x64xf32, #tpu.memory_space<vmem>>
    %dma_start3A_191 = arith.constant 0 : i32
    %dma_start3A_192 = tpu.memref_slice %arg5[%dma_start3A_185, %dma_start3A_191] : memref<200x128xi32, #tpu.memory_space<vmem>> -> memref<1x128xi32, #tpu.memory_space<vmem>>
    %dma_start3A_193 = tpu.memref_squeeze %dma_start3A_192 : memref<1x128xi32, #tpu.memory_space<vmem>> -> memref<128xi32, #tpu.memory_space<vmem>>
    %dma_start3A_194 = arith.constant 0 : i32
    %dma_start3A_195 = arith.constant 0 : i32
    %dma_start3A_196 = tpu.memref_slice %arg3[%dma_start3A_194, %dma_start3A_195] : memref<100000x64xf32, #tpu.memory_space<hbm>> -> memref<100000x64xf32, #tpu.memory_space<hbm>>
    tpu.enqueue_indirect_dma source(%dma_start3A_196 : memref<100000x64xf32, #tpu.memory_space<hbm>>) target(%dma_start3A_190 : memref<128x64xf32, #tpu.memory_space<vmem>>) offsets(%dma_start3A_193 : memref<128xi32, #tpu.memory_space<vmem>>) semaphore(%arg10 : memref<!tpu.dma_semaphore, #tpu.memory_space<semaphore_mem>>)
    %dma_start3A_197 = arith.constant 3 : i32
    %dma_start3A_198 = arith.constant 3 : i32
    %dma_start3A_199 = arith.constant 0 : i32
    %dma_start3A_200 = arith.constant 0 : i32
    %dma_start3A_201 = tpu.memref_slice %arg6[%dma_start3A_198, %dma_start3A_199, %dma_start3A_200] : memref<4x128x64xf32, #tpu.memory_space<vmem>> -> memref<1x128x64xf32, #tpu.memory_space<vmem>>
    %dma_start3A_202 = tpu.memref_squeeze %dma_start3A_201 : memref<1x128x64xf32, #tpu.memory_space<vmem>> -> memref<128x64xf32, #tpu.memory_space<vmem>>
    %dma_start3A_203 = arith.constant 0 : i32
    %dma_start3A_204 = tpu.memref_slice %arg5[%dma_start3A_197, %dma_start3A_203] : memref<200x128xi32, #tpu.memory_space<vmem>> -> memref<1x128xi32, #tpu.memory_space<vmem>>
    %dma_start3A_205 = tpu.memref_squeeze %dma_start3A_204 : memref<1x128xi32, #tpu.memory_space<vmem>> -> memref<128xi32, #tpu.memory_space<vmem>>
    %dma_start3A_206 = arith.constant 0 : i32
    %dma_start3A_207 = arith.constant 0 : i32
    %dma_start3A_208 = tpu.memref_slice %arg3[%dma_start3A_206, %dma_start3A_207] : memref<100000x64xf32, #tpu.memory_space<hbm>> -> memref<100000x64xf32, #tpu.memory_space<hbm>>
    tpu.enqueue_indirect_dma source(%dma_start3A_208 : memref<100000x64xf32, #tpu.memory_space<hbm>>) target(%dma_start3A_202 : memref<128x64xf32, #tpu.memory_space<vmem>>) offsets(%dma_start3A_205 : memref<128xi32, #tpu.memory_space<vmem>>) semaphore(%arg11 : memref<!tpu.dma_semaphore, #tpu.memory_space<semaphore_mem>>)
    %scan3A = arith.constant 0 : i32
    %scan3A_209 = arith.constant 0 : i32
    %scan3A_210 = arith.constant 50 : i32
    %scan3A_211 = arith.addi %scan3A_209, %scan3A_210 : i32
    %scan3A_212 = arith.constant 1 : i32
    scf.for %scan3A_285 = %scan3A_209 to %scan3A_211 step %scan3A_212  : i32 {
      %mul3A_286 = arith.constant 4 : i32
      %mul3A_287 = arith.muli %scan3A_285, %mul3A_286 : i32
      %add3A_288 = arith.constant 0 : i32
      %add3A_289 = arith.addi %mul3A_287, %add3A_288 : i32
      %dma_wait3A_290 = arith.constant 0 : i32
      %dma_wait3A_291 = arith.constant 0 : i32
      %dma_wait3A_292 = arith.constant 0 : i32
      %dma_wait3A_293 = tpu.memref_slice %arg6[%dma_wait3A_290, %dma_wait3A_291, %dma_wait3A_292] : memref<4x128x64xf32, #tpu.memory_space<vmem>> -> memref<1x128x64xf32, #tpu.memory_space<vmem>>
      %dma_wait3A_294 = tpu.memref_squeeze %dma_wait3A_293 : memref<1x128x64xf32, #tpu.memory_space<vmem>> -> memref<128x64xf32, #tpu.memory_space<vmem>>
      %dma_wait3A_295 = arith.constant 0 : i32
      %dma_wait3A_296 = tpu.memref_slice %arg5[%add3A_289, %dma_wait3A_295] : memref<200x128xi32, #tpu.memory_space<vmem>> -> memref<1x128xi32, #tpu.memory_space<vmem>>
      %dma_wait3A_297 = tpu.memref_squeeze %dma_wait3A_296 : memref<1x128xi32, #tpu.memory_space<vmem>> -> memref<128xi32, #tpu.memory_space<vmem>>
      %dma_wait3A_298 = arith.constant 0 : i32
      %dma_wait3A_299 = arith.constant 0 : i32
      %dma_wait3A_300 = tpu.memref_slice %arg3[%dma_wait3A_298, %dma_wait3A_299] : memref<100000x64xf32, #tpu.memory_space<hbm>> -> memref<100000x64xf32, #tpu.memory_space<hbm>>
      tpu.wait_indirect_dma semaphore(%arg8 : memref<!tpu.dma_semaphore, #tpu.memory_space<semaphore_mem>>) src(%dma_wait3A_300 : memref<100000x64xf32, #tpu.memory_space<hbm>>) dst(%dma_wait3A_294 : memref<128x64xf32, #tpu.memory_space<vmem>>)
      %gt3A = arith.constant 0 : i32
      %gt3A_301 = arith.cmpi sgt, %scan3A_285, %gt3A : i32
      %convert_element_type3A = arith.extui %gt3A_301 : i1 to i32
      %cond3A = arith.constant 0 : i32
      %cond3A_302 = arith.cmpi ne, %convert_element_type3A, %cond3A : i32
      scf.if %cond3A_302 {
        %dma_wait3A_813 = arith.constant 0 : i32
        %dma_wait3A_814 = arith.constant 0 : i32
        %dma_wait3A_815 = arith.constant 0 : i32
        %dma_wait3A_816 = arith.constant 0 : i32
        %dma_wait3A_817 = tpu.memref_slice %arg7[%dma_wait3A_813, %dma_wait3A_815, %dma_wait3A_816] : memref<4x8x1024xf32, #tpu.memory_space<vmem>> -> memref<1x8x1024xf32, #tpu.memory_space<vmem>>
        %dma_wait3A_818 = tpu.memref_squeeze %dma_wait3A_817 : memref<1x8x1024xf32, #tpu.memory_space<vmem>> -> memref<8x1024xf32, #tpu.memory_space<vmem>>
        %dma_wait3A_819 = arith.constant 0 : i32
        %dma_wait3A_820 = arith.constant 0 : i32
        %dma_wait3A_821 = tpu.memref_slice %arg4[%dma_wait3A_814, %dma_wait3A_819, %dma_wait3A_820] : memref<1600x32x1024xf32, #tpu.memory_space<hbm>> -> memref<1x8x1024xf32, #tpu.memory_space<hbm>>
        %dma_wait3A_822 = tpu.memref_squeeze %dma_wait3A_821 : memref<1x8x1024xf32, #tpu.memory_space<hbm>> -> memref<8x1024xf32, #tpu.memory_space<hbm>>
        %dma_wait3A_823 = arith.constant 0 : i32
        %dma_wait3A_824 = arith.constant 0 : i32
        %dma_wait3A_825 = tpu.memref_slice %arg4[%dma_wait3A_814, %dma_wait3A_823, %dma_wait3A_824] : memref<1600x32x1024xf32, #tpu.memory_space<hbm>> -> memref<1x8x1024xf32, #tpu.memory_space<hbm>>
        %dma_wait3A_826 = tpu.memref_squeeze %dma_wait3A_825 : memref<1x8x1024xf32, #tpu.memory_space<hbm>> -> memref<8x1024xf32, #tpu.memory_space<hbm>>
        %dma_wait3A_827 = arith.constant 0 : i32
        %dma_wait3A_828 = arith.constant 0 : i32
        %dma_wait3A_829 = tpu.memref_slice %arg7[%dma_wait3A_813, %dma_wait3A_827, %dma_wait3A_828] : memref<4x8x1024xf32, #tpu.memory_space<vmem>> -> memref<1x8x1024xf32, #tpu.memory_space<vmem>>
        %dma_wait3A_830 = tpu.memref_squeeze %dma_wait3A_829 : memref<1x8x1024xf32, #tpu.memory_space<vmem>> -> memref<8x1024xf32, #tpu.memory_space<vmem>>
        tpu.wait_dma2 semaphore(%arg12 : memref<!tpu.dma_semaphore, #tpu.memory_space<semaphore_mem>>) src(%dma_wait3A_830 : memref<8x1024xf32, #tpu.memory_space<vmem>>) dst(%dma_wait3A_826 : memref<8x1024xf32, #tpu.memory_space<hbm>>)
      } else {
      }
      %parallel_loop3A = arith.constant 0 : i32
      %parallel_loop3A_303 = arith.constant 64 : i32
      %parallel_loop3A_304 = arith.constant 1 : i32
      %parallel_loop3A_305 = arith.constant 0 : i32
      %parallel_loop3A_306 = arith.constant 0 : i32
      scf.for %parallel_loop3A_813 = %parallel_loop3A to %parallel_loop3A_303 step %parallel_loop3A_304  : i32 {
        %parallel_loop3A_814 = arith.constant 15 : i32
        %parallel_loop3A_815 = arith.andi %parallel_loop3A_813, %parallel_loop3A_814 : i32
        %parallel_loop3A_816 = arith.constant 4 : i32
        %parallel_loop3A_817 = arith.shrui %parallel_loop3A_813, %parallel_loop3A_816 : i32
        %parallel_loop3A_818 = vector.broadcast %parallel_loop3A_815 : i32 to vector<16xi32>
        %parallel_loop3A_819 = arith.addi %iota3A, %parallel_loop3A_818 : vector<16xi32>
        %parallel_loop3A_820 = arith.constant 15 : i32
        %parallel_loop3A_821 = vector.broadcast %parallel_loop3A_820 : i32 to vector<16xi32>
        %parallel_loop3A_822 = arith.andi %parallel_loop3A_819, %parallel_loop3A_821 : vector<16xi32>
        %parallel_loop3A_823 = arith.constant 16 : i32
        %parallel_loop3A_824 = arith.muli %parallel_loop3A_817, %parallel_loop3A_823 : i32
        %parallel_loop3A_825 = vector.broadcast %parallel_loop3A_824 : i32 to vector<16xi32>
        %parallel_loop3A_826 = arith.addi %parallel_loop3A_825, %parallel_loop3A_822 : vector<16xi32>
        %parallel_loop3A_827 = arith.constant 3 : i32
        %parallel_loop3A_828 = vector.broadcast %parallel_loop3A_827 : i32 to vector<16xi32>
        %parallel_loop3A_829 = arith.shrui %parallel_loop3A_826, %parallel_loop3A_828 : vector<16xi32>
        %parallel_loop3A_830 = arith.constant 7 : i32
        %parallel_loop3A_831 = vector.broadcast %parallel_loop3A_830 : i32 to vector<16xi32>
        %parallel_loop3A_832 = arith.andi %parallel_loop3A_826, %parallel_loop3A_831 : vector<16xi32>
        %parallel_loop3A_833 = arith.constant 7 : i32
        %parallel_loop3A_834 = vector.broadcast %parallel_loop3A_833 : i32 to vector<16xi32>
        %parallel_loop3A_835 = arith.shli %parallel_loop3A_832, %parallel_loop3A_834 : vector<16xi32>
        %parallel_loop3A_836 = arith.constant 0 : i32
        %parallel_loop3A_837 = vector.broadcast %parallel_loop3A_836 : i32 to vector<16xi32>
        %parallel_loop3A_838 = arith.addi %iota3A, %parallel_loop3A_837 : vector<16xi32>
        %parallel_loop3A_839 = arith.constant 0 : i32
        %parallel_loop3A_840 = arith.constant 0 : i32
        %parallel_loop3A_841 = tpu.memref_slice %arg6[%parallel_loop3A_305, %parallel_loop3A_839, %parallel_loop3A_840] : memref<4x128x64xf32, #tpu.memory_space<vmem>> -> memref<1x128x64xf32, #tpu.memory_space<vmem>>
        %parallel_loop3A_842 = tpu.memref_squeeze %parallel_loop3A_841 : memref<1x128x64xf32, #tpu.memory_space<vmem>> -> memref<128x64xf32, #tpu.memory_space<vmem>>
        %parallel_loop3A_843 = tpu.vector_load_idx %parallel_loop3A_842[%parallel_loop3A_838, %parallel_loop3A_826] : memref<128x64xf32, #tpu.memory_space<vmem>>[vector<16xi32>, vector<16xi32>], vector<16xf32>,
        %parallel_loop3A_844 = arith.addi %parallel_loop3A_835, %parallel_loop3A_838 : vector<16xi32>
        %parallel_loop3A_845 = arith.constant 0 : i32
        %parallel_loop3A_846 = arith.constant 0 : i32
        %parallel_loop3A_847 = tpu.memref_slice %arg7[%parallel_loop3A_306, %parallel_loop3A_845, %parallel_loop3A_846] : memref<4x8x1024xf32, #tpu.memory_space<vmem>> -> memref<1x8x1024xf32, #tpu.memory_space<vmem>>
        %parallel_loop3A_848 = tpu.memref_squeeze %parallel_loop3A_847 : memref<1x8x1024xf32, #tpu.memory_space<vmem>> -> memref<8x1024xf32, #tpu.memory_space<vmem>>
        tpu.vector_store_idx %parallel_loop3A_848[%parallel_loop3A_829, %parallel_loop3A_844], %parallel_loop3A_843 : memref<8x1024xf32, #tpu.memory_space<vmem>>[vector<16xi32>, vector<16xi32>], vector<16xf32>,
        %parallel_loop3A_849 = arith.constant 16 : i32
        %parallel_loop3A_850 = vector.broadcast %parallel_loop3A_849 : i32 to vector<16xi32>
        %parallel_loop3A_851 = arith.addi %iota3A, %parallel_loop3A_850 : vector<16xi32>
        %parallel_loop3A_852 = arith.constant 0 : i32
        %parallel_loop3A_853 = arith.constant 0 : i32
        %parallel_loop3A_854 = tpu.memref_slice %arg6[%parallel_loop3A_305, %parallel_loop3A_852, %parallel_loop3A_853] : memref<4x128x64xf32, #tpu.memory_space<vmem>> -> memref<1x128x64xf32, #tpu.memory_space<vmem>>
        %parallel_loop3A_855 = tpu.memref_squeeze %parallel_loop3A_854 : memref<1x128x64xf32, #tpu.memory_space<vmem>> -> memref<128x64xf32, #tpu.memory_space<vmem>>
        %parallel_loop3A_856 = tpu.vector_load_idx %parallel_loop3A_855[%parallel_loop3A_851, %parallel_loop3A_826] : memref<128x64xf32, #tpu.memory_space<vmem>>[vector<16xi32>, vector<16xi32>], vector<16xf32>,
        %parallel_loop3A_857 = arith.addi %parallel_loop3A_835, %parallel_loop3A_851 : vector<16xi32>
        %parallel_loop3A_858 = arith.constant 0 : i32
        %parallel_loop3A_859 = arith.constant 0 : i32
        %parallel_loop3A_860 = tpu.memref_slice %arg7[%parallel_loop3A_306, %parallel_loop3A_858, %parallel_loop3A_859] : memref<4x8x1024xf32, #tpu.memory_space<vmem>> -> memref<1x8x1024xf32, #tpu.memory_space<vmem>>
        %parallel_loop3A_861 = tpu.memref_squeeze %parallel_loop3A_860 : memref<1x8x1024xf32, #tpu.memory_space<vmem>> -> memref<8x1024xf32, #tpu.memory_space<vmem>>
        tpu.vector_store_idx %parallel_loop3A_861[%parallel_loop3A_829, %parallel_loop3A_857], %parallel_loop3A_856 : memref<8x1024xf32, #tpu.memory_space<vmem>>[vector<16xi32>, vector<16xi32>], vector<16xf32>,
        %parallel_loop3A_862 = arith.constant 32 : i32
        %parallel_loop3A_863 = vector.broadcast %parallel_loop3A_862 : i32 to vector<16xi32>
        %parallel_loop3A_864 = arith.addi %iota3A, %parallel_loop3A_863 : vector<16xi32>
        %parallel_loop3A_865 = arith.constant 0 : i32
        %parallel_loop3A_866 = arith.constant 0 : i32
        %parallel_loop3A_867 = tpu.memref_slice %arg6[%parallel_loop3A_305, %parallel_loop3A_865, %parallel_loop3A_866] : memref<4x128x64xf32, #tpu.memory_space<vmem>> -> memref<1x128x64xf32, #tpu.memory_space<vmem>>
        %parallel_loop3A_868 = tpu.memref_squeeze %parallel_loop3A_867 : memref<1x128x64xf32, #tpu.memory_space<vmem>> -> memref<128x64xf32, #tpu.memory_space<vmem>>
        %parallel_loop3A_869 = tpu.vector_load_idx %parallel_loop3A_868[%parallel_loop3A_864, %parallel_loop3A_826] : memref<128x64xf32, #tpu.memory_space<vmem>>[vector<16xi32>, vector<16xi32>], vector<16xf32>,
        %parallel_loop3A_870 = arith.addi %parallel_loop3A_835, %parallel_loop3A_864 : vector<16xi32>
        %parallel_loop3A_871 = arith.constant 0 : i32
        %parallel_loop3A_872 = arith.constant 0 : i32
        %parallel_loop3A_873 = tpu.memref_slice %arg7[%parallel_loop3A_306, %parallel_loop3A_871, %parallel_loop3A_872] : memref<4x8x1024xf32, #tpu.memory_space<vmem>> -> memref<1x8x1024xf32, #tpu.memory_space<vmem>>
        %parallel_loop3A_874 = tpu.memref_squeeze %parallel_loop3A_873 : memref<1x8x1024xf32, #tpu.memory_space<vmem>> -> memref<8x1024xf32, #tpu.memory_space<vmem>>
        tpu.vector_store_idx %parallel_loop3A_874[%parallel_loop3A_829, %parallel_loop3A_870], %parallel_loop3A_869 : memref<8x1024xf32, #tpu.memory_space<vmem>>[vector<16xi32>, vector<16xi32>], vector<16xf32>,
        %parallel_loop3A_875 = arith.constant 48 : i32
        %parallel_loop3A_876 = vector.broadcast %parallel_loop3A_875 : i32 to vector<16xi32>
        %parallel_loop3A_877 = arith.addi %iota3A, %parallel_loop3A_876 : vector<16xi32>
        %parallel_loop3A_878 = arith.constant 0 : i32
        %parallel_loop3A_879 = arith.constant 0 : i32
        %parallel_loop3A_880 = tpu.memref_slice %arg6[%parallel_loop3A_305, %parallel_loop3A_878, %parallel_loop3A_879] : memref<4x128x64xf32, #tpu.memory_space<vmem>> -> memref<1x128x64xf32, #tpu.memory_space<vmem>>
        %parallel_loop3A_881 = tpu.memref_squeeze %parallel_loop3A_880 : memref<1x128x64xf32, #tpu.memory_space<vmem>> -> memref<128x64xf32, #tpu.memory_space<vmem>>
        %parallel_loop3A_882 = tpu.vector_load_idx %parallel_loop3A_881[%parallel_loop3A_877, %parallel_loop3A_826] : memref<128x64xf32, #tpu.memory_space<vmem>>[vector<16xi32>, vector<16xi32>], vector<16xf32>,
        %parallel_loop3A_883 = arith.addi %parallel_loop3A_835, %parallel_loop3A_877 : vector<16xi32>
        %parallel_loop3A_884 = arith.constant 0 : i32
        %parallel_loop3A_885 = arith.constant 0 : i32
        %parallel_loop3A_886 = tpu.memref_slice %arg7[%parallel_loop3A_306, %parallel_loop3A_884, %parallel_loop3A_885] : memref<4x8x1024xf32, #tpu.memory_space<vmem>> -> memref<1x8x1024xf32, #tpu.memory_space<vmem>>
        %parallel_loop3A_887 = tpu.memref_squeeze %parallel_loop3A_886 : memref<1x8x1024xf32, #tpu.memory_space<vmem>> -> memref<8x1024xf32, #tpu.memory_space<vmem>>
        tpu.vector_store_idx %parallel_loop3A_887[%parallel_loop3A_829, %parallel_loop3A_883], %parallel_loop3A_882 : memref<8x1024xf32, #tpu.memory_space<vmem>>[vector<16xi32>, vector<16xi32>], vector<16xf32>,
        %parallel_loop3A_888 = arith.constant 64 : i32
        %parallel_loop3A_889 = vector.broadcast %parallel_loop3A_888 : i32 to vector<16xi32>
        %parallel_loop3A_890 = arith.addi %iota3A, %parallel_loop3A_889 : vector<16xi32>
        %parallel_loop3A_891 = arith.constant 0 : i32
        %parallel_loop3A_892 = arith.constant 0 : i32
        %parallel_loop3A_893 = tpu.memref_slice %arg6[%parallel_loop3A_305, %parallel_loop3A_891, %parallel_loop3A_892] : memref<4x128x64xf32, #tpu.memory_space<vmem>> -> memref<1x128x64xf32, #tpu.memory_space<vmem>>
        %parallel_loop3A_894 = tpu.memref_squeeze %parallel_loop3A_893 : memref<1x128x64xf32, #tpu.memory_space<vmem>> -> memref<128x64xf32, #tpu.memory_space<vmem>>
        %parallel_loop3A_895 = tpu.vector_load_idx %parallel_loop3A_894[%parallel_loop3A_890, %parallel_loop3A_826] : memref<128x64xf32, #tpu.memory_space<vmem>>[vector<16xi32>, vector<16xi32>], vector<16xf32>,
        %parallel_loop3A_896 = arith.addi %parallel_loop3A_835, %parallel_loop3A_890 : vector<16xi32>
        %parallel_loop3A_897 = arith.constant 0 : i32
        %parallel_loop3A_898 = arith.constant 0 : i32
        %parallel_loop3A_899 = tpu.memref_slice %arg7[%parallel_loop3A_306, %parallel_loop3A_897, %parallel_loop3A_898] : memref<4x8x1024xf32, #tpu.memory_space<vmem>> -> memref<1x8x1024xf32, #tpu.memory_space<vmem>>
        %parallel_loop3A_900 = tpu.memref_squeeze %parallel_loop3A_899 : memref<1x8x1024xf32, #tpu.memory_space<vmem>> -> memref<8x1024xf32, #tpu.memory_space<vmem>>
        tpu.vector_store_idx %parallel_loop3A_900[%parallel_loop3A_829, %parallel_loop3A_896], %parallel_loop3A_895 : memref<8x1024xf32, #tpu.memory_space<vmem>>[vector<16xi32>, vector<16xi32>], vector<16xf32>,
        %parallel_loop3A_901 = arith.constant 80 : i32
        %parallel_loop3A_902 = vector.broadcast %parallel_loop3A_901 : i32 to vector<16xi32>
        %parallel_loop3A_903 = arith.addi %iota3A, %parallel_loop3A_902 : vector<16xi32>
        %parallel_loop3A_904 = arith.constant 0 : i32
        %parallel_loop3A_905 = arith.constant 0 : i32
        %parallel_loop3A_906 = tpu.memref_slice %arg6[%parallel_loop3A_305, %parallel_loop3A_904, %parallel_loop3A_905] : memref<4x128x64xf32, #tpu.memory_space<vmem>> -> memref<1x128x64xf32, #tpu.memory_space<vmem>>
        %parallel_loop3A_907 = tpu.memref_squeeze %parallel_loop3A_906 : memref<1x128x64xf32, #tpu.memory_space<vmem>> -> memref<128x64xf32, #tpu.memory_space<vmem>>
        %parallel_loop3A_908 = tpu.vector_load_idx %parallel_loop3A_907[%parallel_loop3A_903, %parallel_loop3A_826] : memref<128x64xf32, #tpu.memory_space<vmem>>[vector<16xi32>, vector<16xi32>], vector<16xf32>,
        %parallel_loop3A_909 = arith.addi %parallel_loop3A_835, %parallel_loop3A_903 : vector<16xi32>
        %parallel_loop3A_910 = arith.constant 0 : i32
        %parallel_loop3A_911 = arith.constant 0 : i32
        %parallel_loop3A_912 = tpu.memref_slice %arg7[%parallel_loop3A_306, %parallel_loop3A_910, %parallel_loop3A_911] : memref<4x8x1024xf32, #tpu.memory_space<vmem>> -> memref<1x8x1024xf32, #tpu.memory_space<vmem>>
        %parallel_loop3A_913 = tpu.memref_squeeze %parallel_loop3A_912 : memref<1x8x1024xf32, #tpu.memory_space<vmem>> -> memref<8x1024xf32, #tpu.memory_space<vmem>>
        tpu.vector_store_idx %parallel_loop3A_913[%parallel_loop3A_829, %parallel_loop3A_909], %parallel_loop3A_908 : memref<8x1024xf32, #tpu.memory_space<vmem>>[vector<16xi32>, vector<16xi32>], vector<16xf32>,
        %parallel_loop3A_914 = arith.constant 96 : i32
        %parallel_loop3A_915 = vector.broadcast %parallel_loop3A_914 : i32 to vector<16xi32>
        %parallel_loop3A_916 = arith.addi %iota3A, %parallel_loop3A_915 : vector<16xi32>
        %parallel_loop3A_917 = arith.constant 0 : i32
        %parallel_loop3A_918 = arith.constant 0 : i32
        %parallel_loop3A_919 = tpu.memref_slice %arg6[%parallel_loop3A_305, %parallel_loop3A_917, %parallel_loop3A_918] : memref<4x128x64xf32, #tpu.memory_space<vmem>> -> memref<1x128x64xf32, #tpu.memory_space<vmem>>
        %parallel_loop3A_920 = tpu.memref_squeeze %parallel_loop3A_919 : memref<1x128x64xf32, #tpu.memory_space<vmem>> -> memref<128x64xf32, #tpu.memory_space<vmem>>
        %parallel_loop3A_921 = tpu.vector_load_idx %parallel_loop3A_920[%parallel_loop3A_916, %parallel_loop3A_826] : memref<128x64xf32, #tpu.memory_space<vmem>>[vector<16xi32>, vector<16xi32>], vector<16xf32>,
        %parallel_loop3A_922 = arith.addi %parallel_loop3A_835, %parallel_loop3A_916 : vector<16xi32>
        %parallel_loop3A_923 = arith.constant 0 : i32
        %parallel_loop3A_924 = arith.constant 0 : i32
        %parallel_loop3A_925 = tpu.memref_slice %arg7[%parallel_loop3A_306, %parallel_loop3A_923, %parallel_loop3A_924] : memref<4x8x1024xf32, #tpu.memory_space<vmem>> -> memref<1x8x1024xf32, #tpu.memory_space<vmem>>
        %parallel_loop3A_926 = tpu.memref_squeeze %parallel_loop3A_925 : memref<1x8x1024xf32, #tpu.memory_space<vmem>> -> memref<8x1024xf32, #tpu.memory_space<vmem>>
        tpu.vector_store_idx %parallel_loop3A_926[%parallel_loop3A_829, %parallel_loop3A_922], %parallel_loop3A_921 : memref<8x1024xf32, #tpu.memory_space<vmem>>[vector<16xi32>, vector<16xi32>], vector<16xf32>,
        %parallel_loop3A_927 = arith.constant 112 : i32
        %parallel_loop3A_928 = vector.broadcast %parallel_loop3A_927 : i32 to vector<16xi32>
        %parallel_loop3A_929 = arith.addi %iota3A, %parallel_loop3A_928 : vector<16xi32>
        %parallel_loop3A_930 = arith.constant 0 : i32
        %parallel_loop3A_931 = arith.constant 0 : i32
        %parallel_loop3A_932 = tpu.memref_slice %arg6[%parallel_loop3A_305, %parallel_loop3A_930, %parallel_loop3A_931] : memref<4x128x64xf32, #tpu.memory_space<vmem>> -> memref<1x128x64xf32, #tpu.memory_space<vmem>>
        %parallel_loop3A_933 = tpu.memref_squeeze %parallel_loop3A_932 : memref<1x128x64xf32, #tpu.memory_space<vmem>> -> memref<128x64xf32, #tpu.memory_space<vmem>>
        %parallel_loop3A_934 = tpu.vector_load_idx %parallel_loop3A_933[%parallel_loop3A_929, %parallel_loop3A_826] : memref<128x64xf32, #tpu.memory_space<vmem>>[vector<16xi32>, vector<16xi32>], vector<16xf32>,
        %parallel_loop3A_935 = arith.addi %parallel_loop3A_835, %parallel_loop3A_929 : vector<16xi32>
        %parallel_loop3A_936 = arith.constant 0 : i32
        %parallel_loop3A_937 = arith.constant 0 : i32
        %parallel_loop3A_938 = tpu.memref_slice %arg7[%parallel_loop3A_306, %parallel_loop3A_936, %parallel_loop3A_937] : memref<4x8x1024xf32, #tpu.memory_space<vmem>> -> memref<1x8x1024xf32, #tpu.memory_space<vmem>>
        %parallel_loop3A_939 = tpu.memref_squeeze %parallel_loop3A_938 : memref<1x8x1024xf32, #tpu.memory_space<vmem>> -> memref<8x1024xf32, #tpu.memory_space<vmem>>
        tpu.vector_store_idx %parallel_loop3A_939[%parallel_loop3A_829, %parallel_loop3A_935], %parallel_loop3A_934 : memref<8x1024xf32, #tpu.memory_space<vmem>>[vector<16xi32>, vector<16xi32>], vector<16xf32>,
      } {sc.loop_unroll_factor = 4 : i64, sc.parallel_access}
      %add3A_307 = arith.addi %multiple_of3A, %add3A_289 : i32
      %jit3A = arith.constant 32 : i32
      %div3A = arith.divsi %add3A_307, %jit3A : i32
      %sign3A = arith.constant 0 : i32
      %sign3A_308 = arith.cmpi sgt, %add3A_307, %sign3A : i32
      %sign3A_309 = arith.extui %sign3A_308 : i1 to i32
      %sign3A_310 = arith.constant 0 : i32
      %sign3A_311 = arith.cmpi slt, %add3A_307, %sign3A_310 : i32
      %sign3A_312 = arith.extui %sign3A_311 : i1 to i32
      %sign3A_313 = arith.subi %sign3A_309, %sign3A_312 : i32
      %sign3A_314 = arith.constant 0 : i32
      %sign3A_315 = arith.cmpi sgt, %jit3A, %sign3A_314 : i32
      %sign3A_316 = arith.extui %sign3A_315 : i1 to i32
      %sign3A_317 = arith.constant 0 : i32
      %sign3A_318 = arith.cmpi slt, %jit3A, %sign3A_317 : i32
      %sign3A_319 = arith.extui %sign3A_318 : i1 to i32
      %sign3A_320 = arith.subi %sign3A_316, %sign3A_319 : i32
      %ne3A = arith.cmpi ne, %sign3A_313, %sign3A_320 : i32
      %rem3A = arith.remsi %add3A_307, %jit3A : i32
      %ne3A_321 = arith.constant 0 : i32
      %ne3A_322 = arith.cmpi ne, %rem3A, %ne3A_321 : i32
      %and3A_323 = arith.andi %ne3A, %ne3A_322 : i1
      %sub3A = arith.constant 1 : i32
      %sub3A_324 = arith.subi %div3A, %sub3A : i32
      %select_n3A = arith.select %and3A_323, %sub3A_324, %div3A : i32
      %jit3A_325 = arith.constant 32 : i32
      %eq3A = arith.constant 0 : i32
      %eq3A_326 = arith.cmpi eq, %jit3A_325, %eq3A : i32
      %jit3A_327 = arith.constant 1 : i32
      %select_n3A_328 = arith.select %eq3A_326, %jit3A_327, %jit3A_325 : i32
      %rem3A_329 = arith.remsi %add3A_307, %select_n3A_328 : i32
      %ne3A_330 = arith.constant 0 : i32
      %ne3A_331 = arith.cmpi ne, %rem3A_329, %ne3A_330 : i32
      %lt3A = arith.constant 0 : i32
      %lt3A_332 = arith.cmpi slt, %rem3A_329, %lt3A : i32
      %lt3A_333 = arith.constant 0 : i32
      %lt3A_334 = arith.cmpi slt, %select_n3A_328, %lt3A_333 : i32
      %ne3A_335 = arith.xori %lt3A_332, %lt3A_334 : i1
      %and3A_336 = arith.andi %ne3A_335, %ne3A_331 : i1
      %add3A_337 = arith.addi %rem3A_329, %select_n3A_328 : i32
      %select_n3A_338 = arith.select %and3A_336, %add3A_337, %rem3A_329 : i32
      %jit3A_339 = arith.constant 4 : i32
      %div3A_340 = arith.divsi %add3A_307, %jit3A_339 : i32
      %sign3A_341 = arith.constant 0 : i32
      %sign3A_342 = arith.cmpi sgt, %add3A_307, %sign3A_341 : i32
      %sign3A_343 = arith.extui %sign3A_342 : i1 to i32
      %sign3A_344 = arith.constant 0 : i32
      %sign3A_345 = arith.cmpi slt, %add3A_307, %sign3A_344 : i32
      %sign3A_346 = arith.extui %sign3A_345 : i1 to i32
      %sign3A_347 = arith.subi %sign3A_343, %sign3A_346 : i32
      %sign3A_348 = arith.constant 0 : i32
      %sign3A_349 = arith.cmpi sgt, %jit3A_339, %sign3A_348 : i32
      %sign3A_350 = arith.extui %sign3A_349 : i1 to i32
      %sign3A_351 = arith.constant 0 : i32
      %sign3A_352 = arith.cmpi slt, %jit3A_339, %sign3A_351 : i32
      %sign3A_353 = arith.extui %sign3A_352 : i1 to i32
      %sign3A_354 = arith.subi %sign3A_350, %sign3A_353 : i32
      %ne3A_355 = arith.cmpi ne, %sign3A_347, %sign3A_354 : i32
      %rem3A_356 = arith.remsi %add3A_307, %jit3A_339 : i32
      %ne3A_357 = arith.constant 0 : i32
      %ne3A_358 = arith.cmpi ne, %rem3A_356, %ne3A_357 : i32
      %and3A_359 = arith.andi %ne3A_355, %ne3A_358 : i1
      %sub3A_360 = arith.constant 1 : i32
      %sub3A_361 = arith.subi %div3A_340, %sub3A_360 : i32
      %select_n3A_362 = arith.select %and3A_359, %sub3A_361, %div3A_340 : i32
      %jit3A_363 = arith.constant 4 : i32
      %eq3A_364 = arith.constant 0 : i32
      %eq3A_365 = arith.cmpi eq, %jit3A_363, %eq3A_364 : i32
      %jit3A_366 = arith.constant 1 : i32
      %select_n3A_367 = arith.select %eq3A_365, %jit3A_366, %jit3A_363 : i32
      %rem3A_368 = arith.remsi %add3A_307, %select_n3A_367 : i32
      %ne3A_369 = arith.constant 0 : i32
      %ne3A_370 = arith.cmpi ne, %rem3A_368, %ne3A_369 : i32
      %lt3A_371 = arith.constant 0 : i32
      %lt3A_372 = arith.cmpi slt, %rem3A_368, %lt3A_371 : i32
      %lt3A_373 = arith.constant 0 : i32
      %lt3A_374 = arith.cmpi slt, %select_n3A_367, %lt3A_373 : i32
      %ne3A_375 = arith.xori %lt3A_372, %lt3A_374 : i1
      %and3A_376 = arith.andi %ne3A_375, %ne3A_370 : i1
      %add3A_377 = arith.addi %rem3A_368, %select_n3A_367 : i32
      %select_n3A_378 = arith.select %and3A_376, %add3A_377, %rem3A_368 : i32
      %mul3A_379 = arith.constant 8 : i32
      %mul3A_380 = arith.muli %select_n3A_378, %mul3A_379 : i32
      %multiple_of3A_381 = tpu.assume_multiple %mul3A_380, 8 : i32
      %dma_start3A_382 = arith.constant 0 : i32
      %dma_start3A_383 = arith.constant 0 : i32
      %dma_start3A_384 = arith.constant 0 : i32
      %dma_start3A_385 = tpu.memref_slice %arg7[%dma_start3A_382, %dma_start3A_383, %dma_start3A_384] : memref<4x8x1024xf32, #tpu.memory_space<vmem>> -> memref<1x8x1024xf32, #tpu.memory_space<vmem>>
      %dma_start3A_386 = tpu.memref_squeeze %dma_start3A_385 : memref<1x8x1024xf32, #tpu.memory_space<vmem>> -> memref<8x1024xf32, #tpu.memory_space<vmem>>
      %dma_start3A_387 = arith.constant 0 : i32
      %dma_start3A_388 = tpu.memref_slice %arg4[%select_n3A_362, %multiple_of3A_381, %dma_start3A_387] : memref<1600x32x1024xf32, #tpu.memory_space<hbm>> -> memref<1x8x1024xf32, #tpu.memory_space<hbm>>
      %dma_start3A_389 = tpu.memref_squeeze %dma_start3A_388 : memref<1x8x1024xf32, #tpu.memory_space<hbm>> -> memref<8x1024xf32, #tpu.memory_space<hbm>>
      %dma_start3A_390 = arith.constant 0 : i32
      %dma_start3A_391 = tpu.memref_slice %arg4[%select_n3A_362, %multiple_of3A_381, %dma_start3A_390] : memref<1600x32x1024xf32, #tpu.memory_space<hbm>> -> memref<1x8x1024xf32, #tpu.memory_space<hbm>>
      %dma_start3A_392 = tpu.memref_squeeze %dma_start3A_391 : memref<1x8x1024xf32, #tpu.memory_space<hbm>> -> memref<8x1024xf32, #tpu.memory_space<hbm>>
      %dma_start3A_393 = arith.constant 0 : i32
      %dma_start3A_394 = arith.constant 0 : i32
      %dma_start3A_395 = tpu.memref_slice %arg7[%dma_start3A_382, %dma_start3A_393, %dma_start3A_394] : memref<4x8x1024xf32, #tpu.memory_space<vmem>> -> memref<1x8x1024xf32, #tpu.memory_space<vmem>>
      %dma_start3A_396 = tpu.memref_squeeze %dma_start3A_395 : memref<1x8x1024xf32, #tpu.memory_space<vmem>> -> memref<8x1024xf32, #tpu.memory_space<vmem>>
      tpu.enqueue_dma source(%dma_start3A_396 : memref<8x1024xf32, #tpu.memory_space<vmem>>) target(%dma_start3A_392 : memref<8x1024xf32, #tpu.memory_space<hbm>>) target_semaphore(%arg12 : memref<!tpu.dma_semaphore, #tpu.memory_space<semaphore_mem>>)
      %mul3A_397 = arith.constant 4 : i32
      %mul3A_398 = arith.muli %scan3A_285, %mul3A_397 : i32
      %add3A_399 = arith.constant 0 : i32
      %add3A_400 = arith.addi %mul3A_398, %add3A_399 : i32
      %add3A_401 = arith.constant 4 : i32
      %add3A_402 = arith.addi %add3A_400, %add3A_401 : i32
      %lt3A_403 = arith.constant 200 : i32
      %lt3A_404 = arith.cmpi slt, %add3A_402, %lt3A_403 : i32
      %convert_element_type3A_405 = arith.extui %lt3A_404 : i1 to i32
      %cond3A_406 = arith.constant 0 : i32
      %cond3A_407 = arith.cmpi ne, %convert_element_type3A_405, %cond3A_406 : i32
      scf.if %cond3A_407 {
        %add3A_813 = arith.constant 4 : i32
        %add3A_814 = arith.addi %add3A_289, %add3A_813 : i32
        %dma_start3A_815 = arith.constant 0 : i32
        %dma_start3A_816 = arith.constant 0 : i32
        %dma_start3A_817 = arith.constant 0 : i32
        %dma_start3A_818 = tpu.memref_slice %arg6[%dma_start3A_815, %dma_start3A_816, %dma_start3A_817] : memref<4x128x64xf32, #tpu.memory_space<vmem>> -> memref<1x128x64xf32, #tpu.memory_space<vmem>>
        %dma_start3A_819 = tpu.memref_squeeze %dma_start3A_818 : memref<1x128x64xf32, #tpu.memory_space<vmem>> -> memref<128x64xf32, #tpu.memory_space<vmem>>
        %dma_start3A_820 = arith.constant 0 : i32
        %dma_start3A_821 = tpu.memref_slice %arg5[%add3A_814, %dma_start3A_820] : memref<200x128xi32, #tpu.memory_space<vmem>> -> memref<1x128xi32, #tpu.memory_space<vmem>>
        %dma_start3A_822 = tpu.memref_squeeze %dma_start3A_821 : memref<1x128xi32, #tpu.memory_space<vmem>> -> memref<128xi32, #tpu.memory_space<vmem>>
        %dma_start3A_823 = arith.constant 0 : i32
        %dma_start3A_824 = arith.constant 0 : i32
        %dma_start3A_825 = tpu.memref_slice %arg3[%dma_start3A_823, %dma_start3A_824] : memref<100000x64xf32, #tpu.memory_space<hbm>> -> memref<100000x64xf32, #tpu.memory_space<hbm>>
        tpu.enqueue_indirect_dma source(%dma_start3A_825 : memref<100000x64xf32, #tpu.memory_space<hbm>>) target(%dma_start3A_819 : memref<128x64xf32, #tpu.memory_space<vmem>>) offsets(%dma_start3A_822 : memref<128xi32, #tpu.memory_space<vmem>>) semaphore(%arg8 : memref<!tpu.dma_semaphore, #tpu.memory_space<semaphore_mem>>)
      } else {
      }
      %mul3A_408 = arith.constant 4 : i32
      %mul3A_409 = arith.muli %scan3A_285, %mul3A_408 : i32
      %add3A_410 = arith.constant 1 : i32
      %add3A_411 = arith.addi %mul3A_409, %add3A_410 : i32
      %dma_wait3A_412 = arith.constant 1 : i32
      %dma_wait3A_413 = arith.constant 0 : i32
      %dma_wait3A_414 = arith.constant 0 : i32
      %dma_wait3A_415 = tpu.memref_slice %arg6[%dma_wait3A_412, %dma_wait3A_413, %dma_wait3A_414] : memref<4x128x64xf32, #tpu.memory_space<vmem>> -> memref<1x128x64xf32, #tpu.memory_space<vmem>>
      %dma_wait3A_416 = tpu.memref_squeeze %dma_wait3A_415 : memref<1x128x64xf32, #tpu.memory_space<vmem>> -> memref<128x64xf32, #tpu.memory_space<vmem>>
      %dma_wait3A_417 = arith.constant 0 : i32
      %dma_wait3A_418 = tpu.memref_slice %arg5[%add3A_411, %dma_wait3A_417] : memref<200x128xi32, #tpu.memory_space<vmem>> -> memref<1x128xi32, #tpu.memory_space<vmem>>
      %dma_wait3A_419 = tpu.memref_squeeze %dma_wait3A_418 : memref<1x128xi32, #tpu.memory_space<vmem>> -> memref<128xi32, #tpu.memory_space<vmem>>
      %dma_wait3A_420 = arith.constant 0 : i32
      %dma_wait3A_421 = arith.constant 0 : i32
      %dma_wait3A_422 = tpu.memref_slice %arg3[%dma_wait3A_420, %dma_wait3A_421] : memref<100000x64xf32, #tpu.memory_space<hbm>> -> memref<100000x64xf32, #tpu.memory_space<hbm>>
      tpu.wait_indirect_dma semaphore(%arg9 : memref<!tpu.dma_semaphore, #tpu.memory_space<semaphore_mem>>) src(%dma_wait3A_422 : memref<100000x64xf32, #tpu.memory_space<hbm>>) dst(%dma_wait3A_416 : memref<128x64xf32, #tpu.memory_space<vmem>>)
      %gt3A_423 = arith.constant 0 : i32
      %gt3A_424 = arith.cmpi sgt, %scan3A_285, %gt3A_423 : i32
      %convert_element_type3A_425 = arith.extui %gt3A_424 : i1 to i32
      %cond3A_426 = arith.constant 0 : i32
      %cond3A_427 = arith.cmpi ne, %convert_element_type3A_425, %cond3A_426 : i32
      scf.if %cond3A_427 {
        %dma_wait3A_813 = arith.constant 1 : i32
        %dma_wait3A_814 = arith.constant 0 : i32
        %dma_wait3A_815 = arith.constant 0 : i32
        %dma_wait3A_816 = arith.constant 0 : i32
        %dma_wait3A_817 = tpu.memref_slice %arg7[%dma_wait3A_813, %dma_wait3A_815, %dma_wait3A_816] : memref<4x8x1024xf32, #tpu.memory_space<vmem>> -> memref<1x8x1024xf32, #tpu.memory_space<vmem>>
        %dma_wait3A_818 = tpu.memref_squeeze %dma_wait3A_817 : memref<1x8x1024xf32, #tpu.memory_space<vmem>> -> memref<8x1024xf32, #tpu.memory_space<vmem>>
        %dma_wait3A_819 = arith.constant 0 : i32
        %dma_wait3A_820 = arith.constant 0 : i32
        %dma_wait3A_821 = tpu.memref_slice %arg4[%dma_wait3A_814, %dma_wait3A_819, %dma_wait3A_820] : memref<1600x32x1024xf32, #tpu.memory_space<hbm>> -> memref<1x8x1024xf32, #tpu.memory_space<hbm>>
        %dma_wait3A_822 = tpu.memref_squeeze %dma_wait3A_821 : memref<1x8x1024xf32, #tpu.memory_space<hbm>> -> memref<8x1024xf32, #tpu.memory_space<hbm>>
        %dma_wait3A_823 = arith.constant 0 : i32
        %dma_wait3A_824 = arith.constant 0 : i32
        %dma_wait3A_825 = tpu.memref_slice %arg4[%dma_wait3A_814, %dma_wait3A_823, %dma_wait3A_824] : memref<1600x32x1024xf32, #tpu.memory_space<hbm>> -> memref<1x8x1024xf32, #tpu.memory_space<hbm>>
        %dma_wait3A_826 = tpu.memref_squeeze %dma_wait3A_825 : memref<1x8x1024xf32, #tpu.memory_space<hbm>> -> memref<8x1024xf32, #tpu.memory_space<hbm>>
        %dma_wait3A_827 = arith.constant 0 : i32
        %dma_wait3A_828 = arith.constant 0 : i32
        %dma_wait3A_829 = tpu.memref_slice %arg7[%dma_wait3A_813, %dma_wait3A_827, %dma_wait3A_828] : memref<4x8x1024xf32, #tpu.memory_space<vmem>> -> memref<1x8x1024xf32, #tpu.memory_space<vmem>>
        %dma_wait3A_830 = tpu.memref_squeeze %dma_wait3A_829 : memref<1x8x1024xf32, #tpu.memory_space<vmem>> -> memref<8x1024xf32, #tpu.memory_space<vmem>>
        tpu.wait_dma2 semaphore(%arg13 : memref<!tpu.dma_semaphore, #tpu.memory_space<semaphore_mem>>) src(%dma_wait3A_830 : memref<8x1024xf32, #tpu.memory_space<vmem>>) dst(%dma_wait3A_826 : memref<8x1024xf32, #tpu.memory_space<hbm>>)
      } else {
      }
      %parallel_loop3A_428 = arith.constant 0 : i32
      %parallel_loop3A_429 = arith.constant 64 : i32
      %parallel_loop3A_430 = arith.constant 1 : i32
      %parallel_loop3A_431 = arith.constant 1 : i32
      %parallel_loop3A_432 = arith.constant 1 : i32
      scf.for %parallel_loop3A_813 = %parallel_loop3A_428 to %parallel_loop3A_429 step %parallel_loop3A_430  : i32 {
        %parallel_loop3A_814 = arith.constant 15 : i32
        %parallel_loop3A_815 = arith.andi %parallel_loop3A_813, %parallel_loop3A_814 : i32
        %parallel_loop3A_816 = arith.constant 4 : i32
        %parallel_loop3A_817 = arith.shrui %parallel_loop3A_813, %parallel_loop3A_816 : i32
        %parallel_loop3A_818 = vector.broadcast %parallel_loop3A_815 : i32 to vector<16xi32>
        %parallel_loop3A_819 = arith.addi %iota3A, %parallel_loop3A_818 : vector<16xi32>
        %parallel_loop3A_820 = arith.constant 15 : i32
        %parallel_loop3A_821 = vector.broadcast %parallel_loop3A_820 : i32 to vector<16xi32>
        %parallel_loop3A_822 = arith.andi %parallel_loop3A_819, %parallel_loop3A_821 : vector<16xi32>
        %parallel_loop3A_823 = arith.constant 16 : i32
        %parallel_loop3A_824 = arith.muli %parallel_loop3A_817, %parallel_loop3A_823 : i32
        %parallel_loop3A_825 = vector.broadcast %parallel_loop3A_824 : i32 to vector<16xi32>
        %parallel_loop3A_826 = arith.addi %parallel_loop3A_825, %parallel_loop3A_822 : vector<16xi32>
        %parallel_loop3A_827 = arith.constant 3 : i32
        %parallel_loop3A_828 = vector.broadcast %parallel_loop3A_827 : i32 to vector<16xi32>
        %parallel_loop3A_829 = arith.shrui %parallel_loop3A_826, %parallel_loop3A_828 : vector<16xi32>
        %parallel_loop3A_830 = arith.constant 7 : i32
        %parallel_loop3A_831 = vector.broadcast %parallel_loop3A_830 : i32 to vector<16xi32>
        %parallel_loop3A_832 = arith.andi %parallel_loop3A_826, %parallel_loop3A_831 : vector<16xi32>
        %parallel_loop3A_833 = arith.constant 7 : i32
        %parallel_loop3A_834 = vector.broadcast %parallel_loop3A_833 : i32 to vector<16xi32>
        %parallel_loop3A_835 = arith.shli %parallel_loop3A_832, %parallel_loop3A_834 : vector<16xi32>
        %parallel_loop3A_836 = arith.constant 0 : i32
        %parallel_loop3A_837 = vector.broadcast %parallel_loop3A_836 : i32 to vector<16xi32>
        %parallel_loop3A_838 = arith.addi %iota3A, %parallel_loop3A_837 : vector<16xi32>
        %parallel_loop3A_839 = arith.constant 0 : i32
        %parallel_loop3A_840 = arith.constant 0 : i32
        %parallel_loop3A_841 = tpu.memref_slice %arg6[%parallel_loop3A_431, %parallel_loop3A_839, %parallel_loop3A_840] : memref<4x128x64xf32, #tpu.memory_space<vmem>> -> memref<1x128x64xf32, #tpu.memory_space<vmem>>
        %parallel_loop3A_842 = tpu.memref_squeeze %parallel_loop3A_841 : memref<1x128x64xf32, #tpu.memory_space<vmem>> -> memref<128x64xf32, #tpu.memory_space<vmem>>
        %parallel_loop3A_843 = tpu.vector_load_idx %parallel_loop3A_842[%parallel_loop3A_838, %parallel_loop3A_826] : memref<128x64xf32, #tpu.memory_space<vmem>>[vector<16xi32>, vector<16xi32>], vector<16xf32>,
        %parallel_loop3A_844 = arith.addi %parallel_loop3A_835, %parallel_loop3A_838 : vector<16xi32>
        %parallel_loop3A_845 = arith.constant 0 : i32
        %parallel_loop3A_846 = arith.constant 0 : i32
        %parallel_loop3A_847 = tpu.memref_slice %arg7[%parallel_loop3A_432, %parallel_loop3A_845, %parallel_loop3A_846] : memref<4x8x1024xf32, #tpu.memory_space<vmem>> -> memref<1x8x1024xf32, #tpu.memory_space<vmem>>
        %parallel_loop3A_848 = tpu.memref_squeeze %parallel_loop3A_847 : memref<1x8x1024xf32, #tpu.memory_space<vmem>> -> memref<8x1024xf32, #tpu.memory_space<vmem>>
        tpu.vector_store_idx %parallel_loop3A_848[%parallel_loop3A_829, %parallel_loop3A_844], %parallel_loop3A_843 : memref<8x1024xf32, #tpu.memory_space<vmem>>[vector<16xi32>, vector<16xi32>], vector<16xf32>,
        %parallel_loop3A_849 = arith.constant 16 : i32
        %parallel_loop3A_850 = vector.broadcast %parallel_loop3A_849 : i32 to vector<16xi32>
        %parallel_loop3A_851 = arith.addi %iota3A, %parallel_loop3A_850 : vector<16xi32>
        %parallel_loop3A_852 = arith.constant 0 : i32
        %parallel_loop3A_853 = arith.constant 0 : i32
        %parallel_loop3A_854 = tpu.memref_slice %arg6[%parallel_loop3A_431, %parallel_loop3A_852, %parallel_loop3A_853] : memref<4x128x64xf32, #tpu.memory_space<vmem>> -> memref<1x128x64xf32, #tpu.memory_space<vmem>>
        %parallel_loop3A_855 = tpu.memref_squeeze %parallel_loop3A_854 : memref<1x128x64xf32, #tpu.memory_space<vmem>> -> memref<128x64xf32, #tpu.memory_space<vmem>>
        %parallel_loop3A_856 = tpu.vector_load_idx %parallel_loop3A_855[%parallel_loop3A_851, %parallel_loop3A_826] : memref<128x64xf32, #tpu.memory_space<vmem>>[vector<16xi32>, vector<16xi32>], vector<16xf32>,
        %parallel_loop3A_857 = arith.addi %parallel_loop3A_835, %parallel_loop3A_851 : vector<16xi32>
        %parallel_loop3A_858 = arith.constant 0 : i32
        %parallel_loop3A_859 = arith.constant 0 : i32
        %parallel_loop3A_860 = tpu.memref_slice %arg7[%parallel_loop3A_432, %parallel_loop3A_858, %parallel_loop3A_859] : memref<4x8x1024xf32, #tpu.memory_space<vmem>> -> memref<1x8x1024xf32, #tpu.memory_space<vmem>>
        %parallel_loop3A_861 = tpu.memref_squeeze %parallel_loop3A_860 : memref<1x8x1024xf32, #tpu.memory_space<vmem>> -> memref<8x1024xf32, #tpu.memory_space<vmem>>
        tpu.vector_store_idx %parallel_loop3A_861[%parallel_loop3A_829, %parallel_loop3A_857], %parallel_loop3A_856 : memref<8x1024xf32, #tpu.memory_space<vmem>>[vector<16xi32>, vector<16xi32>], vector<16xf32>,
        %parallel_loop3A_862 = arith.constant 32 : i32
        %parallel_loop3A_863 = vector.broadcast %parallel_loop3A_862 : i32 to vector<16xi32>
        %parallel_loop3A_864 = arith.addi %iota3A, %parallel_loop3A_863 : vector<16xi32>
        %parallel_loop3A_865 = arith.constant 0 : i32
        %parallel_loop3A_866 = arith.constant 0 : i32
        %parallel_loop3A_867 = tpu.memref_slice %arg6[%parallel_loop3A_431, %parallel_loop3A_865, %parallel_loop3A_866] : memref<4x128x64xf32, #tpu.memory_space<vmem>> -> memref<1x128x64xf32, #tpu.memory_space<vmem>>
        %parallel_loop3A_868 = tpu.memref_squeeze %parallel_loop3A_867 : memref<1x128x64xf32, #tpu.memory_space<vmem>> -> memref<128x64xf32, #tpu.memory_space<vmem>>
        %parallel_loop3A_869 = tpu.vector_load_idx %parallel_loop3A_868[%parallel_loop3A_864, %parallel_loop3A_826] : memref<128x64xf32, #tpu.memory_space<vmem>>[vector<16xi32>, vector<16xi32>], vector<16xf32>,
        %parallel_loop3A_870 = arith.addi %parallel_loop3A_835, %parallel_loop3A_864 : vector<16xi32>
        %parallel_loop3A_871 = arith.constant 0 : i32
        %parallel_loop3A_872 = arith.constant 0 : i32
        %parallel_loop3A_873 = tpu.memref_slice %arg7[%parallel_loop3A_432, %parallel_loop3A_871, %parallel_loop3A_872] : memref<4x8x1024xf32, #tpu.memory_space<vmem>> -> memref<1x8x1024xf32, #tpu.memory_space<vmem>>
        %parallel_loop3A_874 = tpu.memref_squeeze %parallel_loop3A_873 : memref<1x8x1024xf32, #tpu.memory_space<vmem>> -> memref<8x1024xf32, #tpu.memory_space<vmem>>
        tpu.vector_store_idx %parallel_loop3A_874[%parallel_loop3A_829, %parallel_loop3A_870], %parallel_loop3A_869 : memref<8x1024xf32, #tpu.memory_space<vmem>>[vector<16xi32>, vector<16xi32>], vector<16xf32>,
        %parallel_loop3A_875 = arith.constant 48 : i32
        %parallel_loop3A_876 = vector.broadcast %parallel_loop3A_875 : i32 to vector<16xi32>
        %parallel_loop3A_877 = arith.addi %iota3A, %parallel_loop3A_876 : vector<16xi32>
        %parallel_loop3A_878 = arith.constant 0 : i32
        %parallel_loop3A_879 = arith.constant 0 : i32
        %parallel_loop3A_880 = tpu.memref_slice %arg6[%parallel_loop3A_431, %parallel_loop3A_878, %parallel_loop3A_879] : memref<4x128x64xf32, #tpu.memory_space<vmem>> -> memref<1x128x64xf32, #tpu.memory_space<vmem>>
        %parallel_loop3A_881 = tpu.memref_squeeze %parallel_loop3A_880 : memref<1x128x64xf32, #tpu.memory_space<vmem>> -> memref<128x64xf32, #tpu.memory_space<vmem>>
        %parallel_loop3A_882 = tpu.vector_load_idx %parallel_loop3A_881[%parallel_loop3A_877, %parallel_loop3A_826] : memref<128x64xf32, #tpu.memory_space<vmem>>[vector<16xi32>, vector<16xi32>], vector<16xf32>,
        %parallel_loop3A_883 = arith.addi %parallel_loop3A_835, %parallel_loop3A_877 : vector<16xi32>
        %parallel_loop3A_884 = arith.constant 0 : i32
        %parallel_loop3A_885 = arith.constant 0 : i32
        %parallel_loop3A_886 = tpu.memref_slice %arg7[%parallel_loop3A_432, %parallel_loop3A_884, %parallel_loop3A_885] : memref<4x8x1024xf32, #tpu.memory_space<vmem>> -> memref<1x8x1024xf32, #tpu.memory_space<vmem>>
        %parallel_loop3A_887 = tpu.memref_squeeze %parallel_loop3A_886 : memref<1x8x1024xf32, #tpu.memory_space<vmem>> -> memref<8x1024xf32, #tpu.memory_space<vmem>>
        tpu.vector_store_idx %parallel_loop3A_887[%parallel_loop3A_829, %parallel_loop3A_883], %parallel_loop3A_882 : memref<8x1024xf32, #tpu.memory_space<vmem>>[vector<16xi32>, vector<16xi32>], vector<16xf32>,
        %parallel_loop3A_888 = arith.constant 64 : i32
        %parallel_loop3A_889 = vector.broadcast %parallel_loop3A_888 : i32 to vector<16xi32>
        %parallel_loop3A_890 = arith.addi %iota3A, %parallel_loop3A_889 : vector<16xi32>
        %parallel_loop3A_891 = arith.constant 0 : i32
        %parallel_loop3A_892 = arith.constant 0 : i32
        %parallel_loop3A_893 = tpu.memref_slice %arg6[%parallel_loop3A_431, %parallel_loop3A_891, %parallel_loop3A_892] : memref<4x128x64xf32, #tpu.memory_space<vmem>> -> memref<1x128x64xf32, #tpu.memory_space<vmem>>
        %parallel_loop3A_894 = tpu.memref_squeeze %parallel_loop3A_893 : memref<1x128x64xf32, #tpu.memory_space<vmem>> -> memref<128x64xf32, #tpu.memory_space<vmem>>
        %parallel_loop3A_895 = tpu.vector_load_idx %parallel_loop3A_894[%parallel_loop3A_890, %parallel_loop3A_826] : memref<128x64xf32, #tpu.memory_space<vmem>>[vector<16xi32>, vector<16xi32>], vector<16xf32>,
        %parallel_loop3A_896 = arith.addi %parallel_loop3A_835, %parallel_loop3A_890 : vector<16xi32>
        %parallel_loop3A_897 = arith.constant 0 : i32
        %parallel_loop3A_898 = arith.constant 0 : i32
        %parallel_loop3A_899 = tpu.memref_slice %arg7[%parallel_loop3A_432, %parallel_loop3A_897, %parallel_loop3A_898] : memref<4x8x1024xf32, #tpu.memory_space<vmem>> -> memref<1x8x1024xf32, #tpu.memory_space<vmem>>
        %parallel_loop3A_900 = tpu.memref_squeeze %parallel_loop3A_899 : memref<1x8x1024xf32, #tpu.memory_space<vmem>> -> memref<8x1024xf32, #tpu.memory_space<vmem>>
        tpu.vector_store_idx %parallel_loop3A_900[%parallel_loop3A_829, %parallel_loop3A_896], %parallel_loop3A_895 : memref<8x1024xf32, #tpu.memory_space<vmem>>[vector<16xi32>, vector<16xi32>], vector<16xf32>,
        %parallel_loop3A_901 = arith.constant 80 : i32
        %parallel_loop3A_902 = vector.broadcast %parallel_loop3A_901 : i32 to vector<16xi32>
        %parallel_loop3A_903 = arith.addi %iota3A, %parallel_loop3A_902 : vector<16xi32>
        %parallel_loop3A_904 = arith.constant 0 : i32
        %parallel_loop3A_905 = arith.constant 0 : i32
        %parallel_loop3A_906 = tpu.memref_slice %arg6[%parallel_loop3A_431, %parallel_loop3A_904, %parallel_loop3A_905] : memref<4x128x64xf32, #tpu.memory_space<vmem>> -> memref<1x128x64xf32, #tpu.memory_space<vmem>>
        %parallel_loop3A_907 = tpu.memref_squeeze %parallel_loop3A_906 : memref<1x128x64xf32, #tpu.memory_space<vmem>> -> memref<128x64xf32, #tpu.memory_space<vmem>>
        %parallel_loop3A_908 = tpu.vector_load_idx %parallel_loop3A_907[%parallel_loop3A_903, %parallel_loop3A_826] : memref<128x64xf32, #tpu.memory_space<vmem>>[vector<16xi32>, vector<16xi32>], vector<16xf32>,
        %parallel_loop3A_909 = arith.addi %parallel_loop3A_835, %parallel_loop3A_903 : vector<16xi32>
        %parallel_loop3A_910 = arith.constant 0 : i32
        %parallel_loop3A_911 = arith.constant 0 : i32
        %parallel_loop3A_912 = tpu.memref_slice %arg7[%parallel_loop3A_432, %parallel_loop3A_910, %parallel_loop3A_911] : memref<4x8x1024xf32, #tpu.memory_space<vmem>> -> memref<1x8x1024xf32, #tpu.memory_space<vmem>>
        %parallel_loop3A_913 = tpu.memref_squeeze %parallel_loop3A_912 : memref<1x8x1024xf32, #tpu.memory_space<vmem>> -> memref<8x1024xf32, #tpu.memory_space<vmem>>
        tpu.vector_store_idx %parallel_loop3A_913[%parallel_loop3A_829, %parallel_loop3A_909], %parallel_loop3A_908 : memref<8x1024xf32, #tpu.memory_space<vmem>>[vector<16xi32>, vector<16xi32>], vector<16xf32>,
        %parallel_loop3A_914 = arith.constant 96 : i32
        %parallel_loop3A_915 = vector.broadcast %parallel_loop3A_914 : i32 to vector<16xi32>
        %parallel_loop3A_916 = arith.addi %iota3A, %parallel_loop3A_915 : vector<16xi32>
        %parallel_loop3A_917 = arith.constant 0 : i32
        %parallel_loop3A_918 = arith.constant 0 : i32
        %parallel_loop3A_919 = tpu.memref_slice %arg6[%parallel_loop3A_431, %parallel_loop3A_917, %parallel_loop3A_918] : memref<4x128x64xf32, #tpu.memory_space<vmem>> -> memref<1x128x64xf32, #tpu.memory_space<vmem>>
        %parallel_loop3A_920 = tpu.memref_squeeze %parallel_loop3A_919 : memref<1x128x64xf32, #tpu.memory_space<vmem>> -> memref<128x64xf32, #tpu.memory_space<vmem>>
        %parallel_loop3A_921 = tpu.vector_load_idx %parallel_loop3A_920[%parallel_loop3A_916, %parallel_loop3A_826] : memref<128x64xf32, #tpu.memory_space<vmem>>[vector<16xi32>, vector<16xi32>], vector<16xf32>,
        %parallel_loop3A_922 = arith.addi %parallel_loop3A_835, %parallel_loop3A_916 : vector<16xi32>
        %parallel_loop3A_923 = arith.constant 0 : i32
        %parallel_loop3A_924 = arith.constant 0 : i32
        %parallel_loop3A_925 = tpu.memref_slice %arg7[%parallel_loop3A_432, %parallel_loop3A_923, %parallel_loop3A_924] : memref<4x8x1024xf32, #tpu.memory_space<vmem>> -> memref<1x8x1024xf32, #tpu.memory_space<vmem>>
        %parallel_loop3A_926 = tpu.memref_squeeze %parallel_loop3A_925 : memref<1x8x1024xf32, #tpu.memory_space<vmem>> -> memref<8x1024xf32, #tpu.memory_space<vmem>>
        tpu.vector_store_idx %parallel_loop3A_926[%parallel_loop3A_829, %parallel_loop3A_922], %parallel_loop3A_921 : memref<8x1024xf32, #tpu.memory_space<vmem>>[vector<16xi32>, vector<16xi32>], vector<16xf32>,
        %parallel_loop3A_927 = arith.constant 112 : i32
        %parallel_loop3A_928 = vector.broadcast %parallel_loop3A_927 : i32 to vector<16xi32>
        %parallel_loop3A_929 = arith.addi %iota3A, %parallel_loop3A_928 : vector<16xi32>
        %parallel_loop3A_930 = arith.constant 0 : i32
        %parallel_loop3A_931 = arith.constant 0 : i32
        %parallel_loop3A_932 = tpu.memref_slice %arg6[%parallel_loop3A_431, %parallel_loop3A_930, %parallel_loop3A_931] : memref<4x128x64xf32, #tpu.memory_space<vmem>> -> memref<1x128x64xf32, #tpu.memory_space<vmem>>
        %parallel_loop3A_933 = tpu.memref_squeeze %parallel_loop3A_932 : memref<1x128x64xf32, #tpu.memory_space<vmem>> -> memref<128x64xf32, #tpu.memory_space<vmem>>
        %parallel_loop3A_934 = tpu.vector_load_idx %parallel_loop3A_933[%parallel_loop3A_929, %parallel_loop3A_826] : memref<128x64xf32, #tpu.memory_space<vmem>>[vector<16xi32>, vector<16xi32>], vector<16xf32>,
        %parallel_loop3A_935 = arith.addi %parallel_loop3A_835, %parallel_loop3A_929 : vector<16xi32>
        %parallel_loop3A_936 = arith.constant 0 : i32
        %parallel_loop3A_937 = arith.constant 0 : i32
        %parallel_loop3A_938 = tpu.memref_slice %arg7[%parallel_loop3A_432, %parallel_loop3A_936, %parallel_loop3A_937] : memref<4x8x1024xf32, #tpu.memory_space<vmem>> -> memref<1x8x1024xf32, #tpu.memory_space<vmem>>
        %parallel_loop3A_939 = tpu.memref_squeeze %parallel_loop3A_938 : memref<1x8x1024xf32, #tpu.memory_space<vmem>> -> memref<8x1024xf32, #tpu.memory_space<vmem>>
        tpu.vector_store_idx %parallel_loop3A_939[%parallel_loop3A_829, %parallel_loop3A_935], %parallel_loop3A_934 : memref<8x1024xf32, #tpu.memory_space<vmem>>[vector<16xi32>, vector<16xi32>], vector<16xf32>,
      } {sc.loop_unroll_factor = 4 : i64, sc.parallel_access}
      %add3A_433 = arith.addi %multiple_of3A, %add3A_411 : i32
      %jit3A_434 = arith.constant 32 : i32
      %div3A_435 = arith.divsi %add3A_433, %jit3A_434 : i32
      %sign3A_436 = arith.constant 0 : i32
      %sign3A_437 = arith.cmpi sgt, %add3A_433, %sign3A_436 : i32
      %sign3A_438 = arith.extui %sign3A_437 : i1 to i32
      %sign3A_439 = arith.constant 0 : i32
      %sign3A_440 = arith.cmpi slt, %add3A_433, %sign3A_439 : i32
      %sign3A_441 = arith.extui %sign3A_440 : i1 to i32
      %sign3A_442 = arith.subi %sign3A_438, %sign3A_441 : i32
      %sign3A_443 = arith.constant 0 : i32
      %sign3A_444 = arith.cmpi sgt, %jit3A_434, %sign3A_443 : i32
      %sign3A_445 = arith.extui %sign3A_444 : i1 to i32
      %sign3A_446 = arith.constant 0 : i32
      %sign3A_447 = arith.cmpi slt, %jit3A_434, %sign3A_446 : i32
      %sign3A_448 = arith.extui %sign3A_447 : i1 to i32
      %sign3A_449 = arith.subi %sign3A_445, %sign3A_448 : i32
      %ne3A_450 = arith.cmpi ne, %sign3A_442, %sign3A_449 : i32
      %rem3A_451 = arith.remsi %add3A_433, %jit3A_434 : i32
      %ne3A_452 = arith.constant 0 : i32
      %ne3A_453 = arith.cmpi ne, %rem3A_451, %ne3A_452 : i32
      %and3A_454 = arith.andi %ne3A_450, %ne3A_453 : i1
      %sub3A_455 = arith.constant 1 : i32
      %sub3A_456 = arith.subi %div3A_435, %sub3A_455 : i32
      %select_n3A_457 = arith.select %and3A_454, %sub3A_456, %div3A_435 : i32
      %jit3A_458 = arith.constant 32 : i32
      %eq3A_459 = arith.constant 0 : i32
      %eq3A_460 = arith.cmpi eq, %jit3A_458, %eq3A_459 : i32
      %jit3A_461 = arith.constant 1 : i32
      %select_n3A_462 = arith.select %eq3A_460, %jit3A_461, %jit3A_458 : i32
      %rem3A_463 = arith.remsi %add3A_433, %select_n3A_462 : i32
      %ne3A_464 = arith.constant 0 : i32
      %ne3A_465 = arith.cmpi ne, %rem3A_463, %ne3A_464 : i32
      %lt3A_466 = arith.constant 0 : i32
      %lt3A_467 = arith.cmpi slt, %rem3A_463, %lt3A_466 : i32
      %lt3A_468 = arith.constant 0 : i32
      %lt3A_469 = arith.cmpi slt, %select_n3A_462, %lt3A_468 : i32
      %ne3A_470 = arith.xori %lt3A_467, %lt3A_469 : i1
      %and3A_471 = arith.andi %ne3A_470, %ne3A_465 : i1
      %add3A_472 = arith.addi %rem3A_463, %select_n3A_462 : i32
      %select_n3A_473 = arith.select %and3A_471, %add3A_472, %rem3A_463 : i32
      %jit3A_474 = arith.constant 4 : i32
      %div3A_475 = arith.divsi %add3A_433, %jit3A_474 : i32
      %sign3A_476 = arith.constant 0 : i32
      %sign3A_477 = arith.cmpi sgt, %add3A_433, %sign3A_476 : i32
      %sign3A_478 = arith.extui %sign3A_477 : i1 to i32
      %sign3A_479 = arith.constant 0 : i32
      %sign3A_480 = arith.cmpi slt, %add3A_433, %sign3A_479 : i32
      %sign3A_481 = arith.extui %sign3A_480 : i1 to i32
      %sign3A_482 = arith.subi %sign3A_478, %sign3A_481 : i32
      %sign3A_483 = arith.constant 0 : i32
      %sign3A_484 = arith.cmpi sgt, %jit3A_474, %sign3A_483 : i32
      %sign3A_485 = arith.extui %sign3A_484 : i1 to i32
      %sign3A_486 = arith.constant 0 : i32
      %sign3A_487 = arith.cmpi slt, %jit3A_474, %sign3A_486 : i32
      %sign3A_488 = arith.extui %sign3A_487 : i1 to i32
      %sign3A_489 = arith.subi %sign3A_485, %sign3A_488 : i32
      %ne3A_490 = arith.cmpi ne, %sign3A_482, %sign3A_489 : i32
      %rem3A_491 = arith.remsi %add3A_433, %jit3A_474 : i32
      %ne3A_492 = arith.constant 0 : i32
      %ne3A_493 = arith.cmpi ne, %rem3A_491, %ne3A_492 : i32
      %and3A_494 = arith.andi %ne3A_490, %ne3A_493 : i1
      %sub3A_495 = arith.constant 1 : i32
      %sub3A_496 = arith.subi %div3A_475, %sub3A_495 : i32
      %select_n3A_497 = arith.select %and3A_494, %sub3A_496, %div3A_475 : i32
      %jit3A_498 = arith.constant 4 : i32
      %eq3A_499 = arith.constant 0 : i32
      %eq3A_500 = arith.cmpi eq, %jit3A_498, %eq3A_499 : i32
      %jit3A_501 = arith.constant 1 : i32
      %select_n3A_502 = arith.select %eq3A_500, %jit3A_501, %jit3A_498 : i32
      %rem3A_503 = arith.remsi %add3A_433, %select_n3A_502 : i32
      %ne3A_504 = arith.constant 0 : i32
      %ne3A_505 = arith.cmpi ne, %rem3A_503, %ne3A_504 : i32
      %lt3A_506 = arith.constant 0 : i32
      %lt3A_507 = arith.cmpi slt, %rem3A_503, %lt3A_506 : i32
      %lt3A_508 = arith.constant 0 : i32
      %lt3A_509 = arith.cmpi slt, %select_n3A_502, %lt3A_508 : i32
      %ne3A_510 = arith.xori %lt3A_507, %lt3A_509 : i1
      %and3A_511 = arith.andi %ne3A_510, %ne3A_505 : i1
      %add3A_512 = arith.addi %rem3A_503, %select_n3A_502 : i32
      %select_n3A_513 = arith.select %and3A_511, %add3A_512, %rem3A_503 : i32
      %mul3A_514 = arith.constant 8 : i32
      %mul3A_515 = arith.muli %select_n3A_513, %mul3A_514 : i32
      %multiple_of3A_516 = tpu.assume_multiple %mul3A_515, 8 : i32
      %dma_start3A_517 = arith.constant 1 : i32
      %dma_start3A_518 = arith.constant 0 : i32
      %dma_start3A_519 = arith.constant 0 : i32
      %dma_start3A_520 = tpu.memref_slice %arg7[%dma_start3A_517, %dma_start3A_518, %dma_start3A_519] : memref<4x8x1024xf32, #tpu.memory_space<vmem>> -> memref<1x8x1024xf32, #tpu.memory_space<vmem>>
      %dma_start3A_521 = tpu.memref_squeeze %dma_start3A_520 : memref<1x8x1024xf32, #tpu.memory_space<vmem>> -> memref<8x1024xf32, #tpu.memory_space<vmem>>
      %dma_start3A_522 = arith.constant 0 : i32
      %dma_start3A_523 = tpu.memref_slice %arg4[%select_n3A_497, %multiple_of3A_516, %dma_start3A_522] : memref<1600x32x1024xf32, #tpu.memory_space<hbm>> -> memref<1x8x1024xf32, #tpu.memory_space<hbm>>
      %dma_start3A_524 = tpu.memref_squeeze %dma_start3A_523 : memref<1x8x1024xf32, #tpu.memory_space<hbm>> -> memref<8x1024xf32, #tpu.memory_space<hbm>>
      %dma_start3A_525 = arith.constant 0 : i32
      %dma_start3A_526 = tpu.memref_slice %arg4[%select_n3A_497, %multiple_of3A_516, %dma_start3A_525] : memref<1600x32x1024xf32, #tpu.memory_space<hbm>> -> memref<1x8x1024xf32, #tpu.memory_space<hbm>>
      %dma_start3A_527 = tpu.memref_squeeze %dma_start3A_526 : memref<1x8x1024xf32, #tpu.memory_space<hbm>> -> memref<8x1024xf32, #tpu.memory_space<hbm>>
      %dma_start3A_528 = arith.constant 0 : i32
      %dma_start3A_529 = arith.constant 0 : i32
      %dma_start3A_530 = tpu.memref_slice %arg7[%dma_start3A_517, %dma_start3A_528, %dma_start3A_529] : memref<4x8x1024xf32, #tpu.memory_space<vmem>> -> memref<1x8x1024xf32, #tpu.memory_space<vmem>>
      %dma_start3A_531 = tpu.memref_squeeze %dma_start3A_530 : memref<1x8x1024xf32, #tpu.memory_space<vmem>> -> memref<8x1024xf32, #tpu.memory_space<vmem>>
      tpu.enqueue_dma source(%dma_start3A_531 : memref<8x1024xf32, #tpu.memory_space<vmem>>) target(%dma_start3A_527 : memref<8x1024xf32, #tpu.memory_space<hbm>>) target_semaphore(%arg13 : memref<!tpu.dma_semaphore, #tpu.memory_space<semaphore_mem>>)
      %mul3A_532 = arith.constant 4 : i32
      %mul3A_533 = arith.muli %scan3A_285, %mul3A_532 : i32
      %add3A_534 = arith.constant 1 : i32
      %add3A_535 = arith.addi %mul3A_533, %add3A_534 : i32
      %add3A_536 = arith.constant 4 : i32
      %add3A_537 = arith.addi %add3A_535, %add3A_536 : i32
      %lt3A_538 = arith.constant 200 : i32
      %lt3A_539 = arith.cmpi slt, %add3A_537, %lt3A_538 : i32
      %convert_element_type3A_540 = arith.extui %lt3A_539 : i1 to i32
      %cond3A_541 = arith.constant 0 : i32
      %cond3A_542 = arith.cmpi ne, %convert_element_type3A_540, %cond3A_541 : i32
      scf.if %cond3A_542 {
        %add3A_813 = arith.constant 4 : i32
        %add3A_814 = arith.addi %add3A_411, %add3A_813 : i32
        %dma_start3A_815 = arith.constant 1 : i32
        %dma_start3A_816 = arith.constant 0 : i32
        %dma_start3A_817 = arith.constant 0 : i32
        %dma_start3A_818 = tpu.memref_slice %arg6[%dma_start3A_815, %dma_start3A_816, %dma_start3A_817] : memref<4x128x64xf32, #tpu.memory_space<vmem>> -> memref<1x128x64xf32, #tpu.memory_space<vmem>>
        %dma_start3A_819 = tpu.memref_squeeze %dma_start3A_818 : memref<1x128x64xf32, #tpu.memory_space<vmem>> -> memref<128x64xf32, #tpu.memory_space<vmem>>
        %dma_start3A_820 = arith.constant 0 : i32
        %dma_start3A_821 = tpu.memref_slice %arg5[%add3A_814, %dma_start3A_820] : memref<200x128xi32, #tpu.memory_space<vmem>> -> memref<1x128xi32, #tpu.memory_space<vmem>>
        %dma_start3A_822 = tpu.memref_squeeze %dma_start3A_821 : memref<1x128xi32, #tpu.memory_space<vmem>> -> memref<128xi32, #tpu.memory_space<vmem>>
        %dma_start3A_823 = arith.constant 0 : i32
        %dma_start3A_824 = arith.constant 0 : i32
        %dma_start3A_825 = tpu.memref_slice %arg3[%dma_start3A_823, %dma_start3A_824] : memref<100000x64xf32, #tpu.memory_space<hbm>> -> memref<100000x64xf32, #tpu.memory_space<hbm>>
        tpu.enqueue_indirect_dma source(%dma_start3A_825 : memref<100000x64xf32, #tpu.memory_space<hbm>>) target(%dma_start3A_819 : memref<128x64xf32, #tpu.memory_space<vmem>>) offsets(%dma_start3A_822 : memref<128xi32, #tpu.memory_space<vmem>>) semaphore(%arg9 : memref<!tpu.dma_semaphore, #tpu.memory_space<semaphore_mem>>)
      } else {
      }
      %mul3A_543 = arith.constant 4 : i32
      %mul3A_544 = arith.muli %scan3A_285, %mul3A_543 : i32
      %add3A_545 = arith.constant 2 : i32
      %add3A_546 = arith.addi %mul3A_544, %add3A_545 : i32
      %dma_wait3A_547 = arith.constant 2 : i32
      %dma_wait3A_548 = arith.constant 0 : i32
      %dma_wait3A_549 = arith.constant 0 : i32
      %dma_wait3A_550 = tpu.memref_slice %arg6[%dma_wait3A_547, %dma_wait3A_548, %dma_wait3A_549] : memref<4x128x64xf32, #tpu.memory_space<vmem>> -> memref<1x128x64xf32, #tpu.memory_space<vmem>>
      %dma_wait3A_551 = tpu.memref_squeeze %dma_wait3A_550 : memref<1x128x64xf32, #tpu.memory_space<vmem>> -> memref<128x64xf32, #tpu.memory_space<vmem>>
      %dma_wait3A_552 = arith.constant 0 : i32
      %dma_wait3A_553 = tpu.memref_slice %arg5[%add3A_546, %dma_wait3A_552] : memref<200x128xi32, #tpu.memory_space<vmem>> -> memref<1x128xi32, #tpu.memory_space<vmem>>
      %dma_wait3A_554 = tpu.memref_squeeze %dma_wait3A_553 : memref<1x128xi32, #tpu.memory_space<vmem>> -> memref<128xi32, #tpu.memory_space<vmem>>
      %dma_wait3A_555 = arith.constant 0 : i32
      %dma_wait3A_556 = arith.constant 0 : i32
      %dma_wait3A_557 = tpu.memref_slice %arg3[%dma_wait3A_555, %dma_wait3A_556] : memref<100000x64xf32, #tpu.memory_space<hbm>> -> memref<100000x64xf32, #tpu.memory_space<hbm>>
      tpu.wait_indirect_dma semaphore(%arg10 : memref<!tpu.dma_semaphore, #tpu.memory_space<semaphore_mem>>) src(%dma_wait3A_557 : memref<100000x64xf32, #tpu.memory_space<hbm>>) dst(%dma_wait3A_551 : memref<128x64xf32, #tpu.memory_space<vmem>>)
      %gt3A_558 = arith.constant 0 : i32
      %gt3A_559 = arith.cmpi sgt, %scan3A_285, %gt3A_558 : i32
      %convert_element_type3A_560 = arith.extui %gt3A_559 : i1 to i32
      %cond3A_561 = arith.constant 0 : i32
      %cond3A_562 = arith.cmpi ne, %convert_element_type3A_560, %cond3A_561 : i32
      scf.if %cond3A_562 {
        %dma_wait3A_813 = arith.constant 2 : i32
        %dma_wait3A_814 = arith.constant 0 : i32
        %dma_wait3A_815 = arith.constant 0 : i32
        %dma_wait3A_816 = arith.constant 0 : i32
        %dma_wait3A_817 = tpu.memref_slice %arg7[%dma_wait3A_813, %dma_wait3A_815, %dma_wait3A_816] : memref<4x8x1024xf32, #tpu.memory_space<vmem>> -> memref<1x8x1024xf32, #tpu.memory_space<vmem>>
        %dma_wait3A_818 = tpu.memref_squeeze %dma_wait3A_817 : memref<1x8x1024xf32, #tpu.memory_space<vmem>> -> memref<8x1024xf32, #tpu.memory_space<vmem>>
        %dma_wait3A_819 = arith.constant 0 : i32
        %dma_wait3A_820 = arith.constant 0 : i32
        %dma_wait3A_821 = tpu.memref_slice %arg4[%dma_wait3A_814, %dma_wait3A_819, %dma_wait3A_820] : memref<1600x32x1024xf32, #tpu.memory_space<hbm>> -> memref<1x8x1024xf32, #tpu.memory_space<hbm>>
        %dma_wait3A_822 = tpu.memref_squeeze %dma_wait3A_821 : memref<1x8x1024xf32, #tpu.memory_space<hbm>> -> memref<8x1024xf32, #tpu.memory_space<hbm>>
        %dma_wait3A_823 = arith.constant 0 : i32
        %dma_wait3A_824 = arith.constant 0 : i32
        %dma_wait3A_825 = tpu.memref_slice %arg4[%dma_wait3A_814, %dma_wait3A_823, %dma_wait3A_824] : memref<1600x32x1024xf32, #tpu.memory_space<hbm>> -> memref<1x8x1024xf32, #tpu.memory_space<hbm>>
        %dma_wait3A_826 = tpu.memref_squeeze %dma_wait3A_825 : memref<1x8x1024xf32, #tpu.memory_space<hbm>> -> memref<8x1024xf32, #tpu.memory_space<hbm>>
        %dma_wait3A_827 = arith.constant 0 : i32
        %dma_wait3A_828 = arith.constant 0 : i32
        %dma_wait3A_829 = tpu.memref_slice %arg7[%dma_wait3A_813, %dma_wait3A_827, %dma_wait3A_828] : memref<4x8x1024xf32, #tpu.memory_space<vmem>> -> memref<1x8x1024xf32, #tpu.memory_space<vmem>>
        %dma_wait3A_830 = tpu.memref_squeeze %dma_wait3A_829 : memref<1x8x1024xf32, #tpu.memory_space<vmem>> -> memref<8x1024xf32, #tpu.memory_space<vmem>>
        tpu.wait_dma2 semaphore(%arg14 : memref<!tpu.dma_semaphore, #tpu.memory_space<semaphore_mem>>) src(%dma_wait3A_830 : memref<8x1024xf32, #tpu.memory_space<vmem>>) dst(%dma_wait3A_826 : memref<8x1024xf32, #tpu.memory_space<hbm>>)
      } else {
      }
      %parallel_loop3A_563 = arith.constant 0 : i32
      %parallel_loop3A_564 = arith.constant 64 : i32
      %parallel_loop3A_565 = arith.constant 1 : i32
      %parallel_loop3A_566 = arith.constant 2 : i32
      %parallel_loop3A_567 = arith.constant 2 : i32
      scf.for %parallel_loop3A_813 = %parallel_loop3A_563 to %parallel_loop3A_564 step %parallel_loop3A_565  : i32 {
        %parallel_loop3A_814 = arith.constant 15 : i32
        %parallel_loop3A_815 = arith.andi %parallel_loop3A_813, %parallel_loop3A_814 : i32
        %parallel_loop3A_816 = arith.constant 4 : i32
        %parallel_loop3A_817 = arith.shrui %parallel_loop3A_813, %parallel_loop3A_816 : i32
        %parallel_loop3A_818 = vector.broadcast %parallel_loop3A_815 : i32 to vector<16xi32>
        %parallel_loop3A_819 = arith.addi %iota3A, %parallel_loop3A_818 : vector<16xi32>
        %parallel_loop3A_820 = arith.constant 15 : i32
        %parallel_loop3A_821 = vector.broadcast %parallel_loop3A_820 : i32 to vector<16xi32>
        %parallel_loop3A_822 = arith.andi %parallel_loop3A_819, %parallel_loop3A_821 : vector<16xi32>
        %parallel_loop3A_823 = arith.constant 16 : i32
        %parallel_loop3A_824 = arith.muli %parallel_loop3A_817, %parallel_loop3A_823 : i32
        %parallel_loop3A_825 = vector.broadcast %parallel_loop3A_824 : i32 to vector<16xi32>
        %parallel_loop3A_826 = arith.addi %parallel_loop3A_825, %parallel_loop3A_822 : vector<16xi32>
        %parallel_loop3A_827 = arith.constant 3 : i32
        %parallel_loop3A_828 = vector.broadcast %parallel_loop3A_827 : i32 to vector<16xi32>
        %parallel_loop3A_829 = arith.shrui %parallel_loop3A_826, %parallel_loop3A_828 : vector<16xi32>
        %parallel_loop3A_830 = arith.constant 7 : i32
        %parallel_loop3A_831 = vector.broadcast %parallel_loop3A_830 : i32 to vector<16xi32>
        %parallel_loop3A_832 = arith.andi %parallel_loop3A_826, %parallel_loop3A_831 : vector<16xi32>
        %parallel_loop3A_833 = arith.constant 7 : i32
        %parallel_loop3A_834 = vector.broadcast %parallel_loop3A_833 : i32 to vector<16xi32>
        %parallel_loop3A_835 = arith.shli %parallel_loop3A_832, %parallel_loop3A_834 : vector<16xi32>
        %parallel_loop3A_836 = arith.constant 0 : i32
        %parallel_loop3A_837 = vector.broadcast %parallel_loop3A_836 : i32 to vector<16xi32>
        %parallel_loop3A_838 = arith.addi %iota3A, %parallel_loop3A_837 : vector<16xi32>
        %parallel_loop3A_839 = arith.constant 0 : i32
        %parallel_loop3A_840 = arith.constant 0 : i32
        %parallel_loop3A_841 = tpu.memref_slice %arg6[%parallel_loop3A_566, %parallel_loop3A_839, %parallel_loop3A_840] : memref<4x128x64xf32, #tpu.memory_space<vmem>> -> memref<1x128x64xf32, #tpu.memory_space<vmem>>
        %parallel_loop3A_842 = tpu.memref_squeeze %parallel_loop3A_841 : memref<1x128x64xf32, #tpu.memory_space<vmem>> -> memref<128x64xf32, #tpu.memory_space<vmem>>
        %parallel_loop3A_843 = tpu.vector_load_idx %parallel_loop3A_842[%parallel_loop3A_838, %parallel_loop3A_826] : memref<128x64xf32, #tpu.memory_space<vmem>>[vector<16xi32>, vector<16xi32>], vector<16xf32>,
        %parallel_loop3A_844 = arith.addi %parallel_loop3A_835, %parallel_loop3A_838 : vector<16xi32>
        %parallel_loop3A_845 = arith.constant 0 : i32
        %parallel_loop3A_846 = arith.constant 0 : i32
        %parallel_loop3A_847 = tpu.memref_slice %arg7[%parallel_loop3A_567, %parallel_loop3A_845, %parallel_loop3A_846] : memref<4x8x1024xf32, #tpu.memory_space<vmem>> -> memref<1x8x1024xf32, #tpu.memory_space<vmem>>
        %parallel_loop3A_848 = tpu.memref_squeeze %parallel_loop3A_847 : memref<1x8x1024xf32, #tpu.memory_space<vmem>> -> memref<8x1024xf32, #tpu.memory_space<vmem>>
        tpu.vector_store_idx %parallel_loop3A_848[%parallel_loop3A_829, %parallel_loop3A_844], %parallel_loop3A_843 : memref<8x1024xf32, #tpu.memory_space<vmem>>[vector<16xi32>, vector<16xi32>], vector<16xf32>,
        %parallel_loop3A_849 = arith.constant 16 : i32
        %parallel_loop3A_850 = vector.broadcast %parallel_loop3A_849 : i32 to vector<16xi32>
        %parallel_loop3A_851 = arith.addi %iota3A, %parallel_loop3A_850 : vector<16xi32>
        %parallel_loop3A_852 = arith.constant 0 : i32
        %parallel_loop3A_853 = arith.constant 0 : i32
        %parallel_loop3A_854 = tpu.memref_slice %arg6[%parallel_loop3A_566, %parallel_loop3A_852, %parallel_loop3A_853] : memref<4x128x64xf32, #tpu.memory_space<vmem>> -> memref<1x128x64xf32, #tpu.memory_space<vmem>>
        %parallel_loop3A_855 = tpu.memref_squeeze %parallel_loop3A_854 : memref<1x128x64xf32, #tpu.memory_space<vmem>> -> memref<128x64xf32, #tpu.memory_space<vmem>>
        %parallel_loop3A_856 = tpu.vector_load_idx %parallel_loop3A_855[%parallel_loop3A_851, %parallel_loop3A_826] : memref<128x64xf32, #tpu.memory_space<vmem>>[vector<16xi32>, vector<16xi32>], vector<16xf32>,
        %parallel_loop3A_857 = arith.addi %parallel_loop3A_835, %parallel_loop3A_851 : vector<16xi32>
        %parallel_loop3A_858 = arith.constant 0 : i32
        %parallel_loop3A_859 = arith.constant 0 : i32
        %parallel_loop3A_860 = tpu.memref_slice %arg7[%parallel_loop3A_567, %parallel_loop3A_858, %parallel_loop3A_859] : memref<4x8x1024xf32, #tpu.memory_space<vmem>> -> memref<1x8x1024xf32, #tpu.memory_space<vmem>>
        %parallel_loop3A_861 = tpu.memref_squeeze %parallel_loop3A_860 : memref<1x8x1024xf32, #tpu.memory_space<vmem>> -> memref<8x1024xf32, #tpu.memory_space<vmem>>
        tpu.vector_store_idx %parallel_loop3A_861[%parallel_loop3A_829, %parallel_loop3A_857], %parallel_loop3A_856 : memref<8x1024xf32, #tpu.memory_space<vmem>>[vector<16xi32>, vector<16xi32>], vector<16xf32>,
        %parallel_loop3A_862 = arith.constant 32 : i32
        %parallel_loop3A_863 = vector.broadcast %parallel_loop3A_862 : i32 to vector<16xi32>
        %parallel_loop3A_864 = arith.addi %iota3A, %parallel_loop3A_863 : vector<16xi32>
        %parallel_loop3A_865 = arith.constant 0 : i32
        %parallel_loop3A_866 = arith.constant 0 : i32
        %parallel_loop3A_867 = tpu.memref_slice %arg6[%parallel_loop3A_566, %parallel_loop3A_865, %parallel_loop3A_866] : memref<4x128x64xf32, #tpu.memory_space<vmem>> -> memref<1x128x64xf32, #tpu.memory_space<vmem>>
        %parallel_loop3A_868 = tpu.memref_squeeze %parallel_loop3A_867 : memref<1x128x64xf32, #tpu.memory_space<vmem>> -> memref<128x64xf32, #tpu.memory_space<vmem>>
        %parallel_loop3A_869 = tpu.vector_load_idx %parallel_loop3A_868[%parallel_loop3A_864, %parallel_loop3A_826] : memref<128x64xf32, #tpu.memory_space<vmem>>[vector<16xi32>, vector<16xi32>], vector<16xf32>,
        %parallel_loop3A_870 = arith.addi %parallel_loop3A_835, %parallel_loop3A_864 : vector<16xi32>
        %parallel_loop3A_871 = arith.constant 0 : i32
        %parallel_loop3A_872 = arith.constant 0 : i32
        %parallel_loop3A_873 = tpu.memref_slice %arg7[%parallel_loop3A_567, %parallel_loop3A_871, %parallel_loop3A_872] : memref<4x8x1024xf32, #tpu.memory_space<vmem>> -> memref<1x8x1024xf32, #tpu.memory_space<vmem>>
        %parallel_loop3A_874 = tpu.memref_squeeze %parallel_loop3A_873 : memref<1x8x1024xf32, #tpu.memory_space<vmem>> -> memref<8x1024xf32, #tpu.memory_space<vmem>>
        tpu.vector_store_idx %parallel_loop3A_874[%parallel_loop3A_829, %parallel_loop3A_870], %parallel_loop3A_869 : memref<8x1024xf32, #tpu.memory_space<vmem>>[vector<16xi32>, vector<16xi32>], vector<16xf32>,
        %parallel_loop3A_875 = arith.constant 48 : i32
        %parallel_loop3A_876 = vector.broadcast %parallel_loop3A_875 : i32 to vector<16xi32>
        %parallel_loop3A_877 = arith.addi %iota3A, %parallel_loop3A_876 : vector<16xi32>
        %parallel_loop3A_878 = arith.constant 0 : i32
        %parallel_loop3A_879 = arith.constant 0 : i32
        %parallel_loop3A_880 = tpu.memref_slice %arg6[%parallel_loop3A_566, %parallel_loop3A_878, %parallel_loop3A_879] : memref<4x128x64xf32, #tpu.memory_space<vmem>> -> memref<1x128x64xf32, #tpu.memory_space<vmem>>
        %parallel_loop3A_881 = tpu.memref_squeeze %parallel_loop3A_880 : memref<1x128x64xf32, #tpu.memory_space<vmem>> -> memref<128x64xf32, #tpu.memory_space<vmem>>
        %parallel_loop3A_882 = tpu.vector_load_idx %parallel_loop3A_881[%parallel_loop3A_877, %parallel_loop3A_826] : memref<128x64xf32, #tpu.memory_space<vmem>>[vector<16xi32>, vector<16xi32>], vector<16xf32>,
        %parallel_loop3A_883 = arith.addi %parallel_loop3A_835, %parallel_loop3A_877 : vector<16xi32>
        %parallel_loop3A_884 = arith.constant 0 : i32
        %parallel_loop3A_885 = arith.constant 0 : i32
        %parallel_loop3A_886 = tpu.memref_slice %arg7[%parallel_loop3A_567, %parallel_loop3A_884, %parallel_loop3A_885] : memref<4x8x1024xf32, #tpu.memory_space<vmem>> -> memref<1x8x1024xf32, #tpu.memory_space<vmem>>
        %parallel_loop3A_887 = tpu.memref_squeeze %parallel_loop3A_886 : memref<1x8x1024xf32, #tpu.memory_space<vmem>> -> memref<8x1024xf32, #tpu.memory_space<vmem>>
        tpu.vector_store_idx %parallel_loop3A_887[%parallel_loop3A_829, %parallel_loop3A_883], %parallel_loop3A_882 : memref<8x1024xf32, #tpu.memory_space<vmem>>[vector<16xi32>, vector<16xi32>], vector<16xf32>,
        %parallel_loop3A_888 = arith.constant 64 : i32
        %parallel_loop3A_889 = vector.broadcast %parallel_loop3A_888 : i32 to vector<16xi32>
        %parallel_loop3A_890 = arith.addi %iota3A, %parallel_loop3A_889 : vector<16xi32>
        %parallel_loop3A_891 = arith.constant 0 : i32
        %parallel_loop3A_892 = arith.constant 0 : i32
        %parallel_loop3A_893 = tpu.memref_slice %arg6[%parallel_loop3A_566, %parallel_loop3A_891, %parallel_loop3A_892] : memref<4x128x64xf32, #tpu.memory_space<vmem>> -> memref<1x128x64xf32, #tpu.memory_space<vmem>>
        %parallel_loop3A_894 = tpu.memref_squeeze %parallel_loop3A_893 : memref<1x128x64xf32, #tpu.memory_space<vmem>> -> memref<128x64xf32, #tpu.memory_space<vmem>>
        %parallel_loop3A_895 = tpu.vector_load_idx %parallel_loop3A_894[%parallel_loop3A_890, %parallel_loop3A_826] : memref<128x64xf32, #tpu.memory_space<vmem>>[vector<16xi32>, vector<16xi32>], vector<16xf32>,
        %parallel_loop3A_896 = arith.addi %parallel_loop3A_835, %parallel_loop3A_890 : vector<16xi32>
        %parallel_loop3A_897 = arith.constant 0 : i32
        %parallel_loop3A_898 = arith.constant 0 : i32
        %parallel_loop3A_899 = tpu.memref_slice %arg7[%parallel_loop3A_567, %parallel_loop3A_897, %parallel_loop3A_898] : memref<4x8x1024xf32, #tpu.memory_space<vmem>> -> memref<1x8x1024xf32, #tpu.memory_space<vmem>>
        %parallel_loop3A_900 = tpu.memref_squeeze %parallel_loop3A_899 : memref<1x8x1024xf32, #tpu.memory_space<vmem>> -> memref<8x1024xf32, #tpu.memory_space<vmem>>
        tpu.vector_store_idx %parallel_loop3A_900[%parallel_loop3A_829, %parallel_loop3A_896], %parallel_loop3A_895 : memref<8x1024xf32, #tpu.memory_space<vmem>>[vector<16xi32>, vector<16xi32>], vector<16xf32>,
        %parallel_loop3A_901 = arith.constant 80 : i32
        %parallel_loop3A_902 = vector.broadcast %parallel_loop3A_901 : i32 to vector<16xi32>
        %parallel_loop3A_903 = arith.addi %iota3A, %parallel_loop3A_902 : vector<16xi32>
        %parallel_loop3A_904 = arith.constant 0 : i32
        %parallel_loop3A_905 = arith.constant 0 : i32
        %parallel_loop3A_906 = tpu.memref_slice %arg6[%parallel_loop3A_566, %parallel_loop3A_904, %parallel_loop3A_905] : memref<4x128x64xf32, #tpu.memory_space<vmem>> -> memref<1x128x64xf32, #tpu.memory_space<vmem>>
        %parallel_loop3A_907 = tpu.memref_squeeze %parallel_loop3A_906 : memref<1x128x64xf32, #tpu.memory_space<vmem>> -> memref<128x64xf32, #tpu.memory_space<vmem>>
        %parallel_loop3A_908 = tpu.vector_load_idx %parallel_loop3A_907[%parallel_loop3A_903, %parallel_loop3A_826] : memref<128x64xf32, #tpu.memory_space<vmem>>[vector<16xi32>, vector<16xi32>], vector<16xf32>,
        %parallel_loop3A_909 = arith.addi %parallel_loop3A_835, %parallel_loop3A_903 : vector<16xi32>
        %parallel_loop3A_910 = arith.constant 0 : i32
        %parallel_loop3A_911 = arith.constant 0 : i32
        %parallel_loop3A_912 = tpu.memref_slice %arg7[%parallel_loop3A_567, %parallel_loop3A_910, %parallel_loop3A_911] : memref<4x8x1024xf32, #tpu.memory_space<vmem>> -> memref<1x8x1024xf32, #tpu.memory_space<vmem>>
        %parallel_loop3A_913 = tpu.memref_squeeze %parallel_loop3A_912 : memref<1x8x1024xf32, #tpu.memory_space<vmem>> -> memref<8x1024xf32, #tpu.memory_space<vmem>>
        tpu.vector_store_idx %parallel_loop3A_913[%parallel_loop3A_829, %parallel_loop3A_909], %parallel_loop3A_908 : memref<8x1024xf32, #tpu.memory_space<vmem>>[vector<16xi32>, vector<16xi32>], vector<16xf32>,
        %parallel_loop3A_914 = arith.constant 96 : i32
        %parallel_loop3A_915 = vector.broadcast %parallel_loop3A_914 : i32 to vector<16xi32>
        %parallel_loop3A_916 = arith.addi %iota3A, %parallel_loop3A_915 : vector<16xi32>
        %parallel_loop3A_917 = arith.constant 0 : i32
        %parallel_loop3A_918 = arith.constant 0 : i32
        %parallel_loop3A_919 = tpu.memref_slice %arg6[%parallel_loop3A_566, %parallel_loop3A_917, %parallel_loop3A_918] : memref<4x128x64xf32, #tpu.memory_space<vmem>> -> memref<1x128x64xf32, #tpu.memory_space<vmem>>
        %parallel_loop3A_920 = tpu.memref_squeeze %parallel_loop3A_919 : memref<1x128x64xf32, #tpu.memory_space<vmem>> -> memref<128x64xf32, #tpu.memory_space<vmem>>
        %parallel_loop3A_921 = tpu.vector_load_idx %parallel_loop3A_920[%parallel_loop3A_916, %parallel_loop3A_826] : memref<128x64xf32, #tpu.memory_space<vmem>>[vector<16xi32>, vector<16xi32>], vector<16xf32>,
        %parallel_loop3A_922 = arith.addi %parallel_loop3A_835, %parallel_loop3A_916 : vector<16xi32>
        %parallel_loop3A_923 = arith.constant 0 : i32
        %parallel_loop3A_924 = arith.constant 0 : i32
        %parallel_loop3A_925 = tpu.memref_slice %arg7[%parallel_loop3A_567, %parallel_loop3A_923, %parallel_loop3A_924] : memref<4x8x1024xf32, #tpu.memory_space<vmem>> -> memref<1x8x1024xf32, #tpu.memory_space<vmem>>
        %parallel_loop3A_926 = tpu.memref_squeeze %parallel_loop3A_925 : memref<1x8x1024xf32, #tpu.memory_space<vmem>> -> memref<8x1024xf32, #tpu.memory_space<vmem>>
        tpu.vector_store_idx %parallel_loop3A_926[%parallel_loop3A_829, %parallel_loop3A_922], %parallel_loop3A_921 : memref<8x1024xf32, #tpu.memory_space<vmem>>[vector<16xi32>, vector<16xi32>], vector<16xf32>,
        %parallel_loop3A_927 = arith.constant 112 : i32
        %parallel_loop3A_928 = vector.broadcast %parallel_loop3A_927 : i32 to vector<16xi32>
        %parallel_loop3A_929 = arith.addi %iota3A, %parallel_loop3A_928 : vector<16xi32>
        %parallel_loop3A_930 = arith.constant 0 : i32
        %parallel_loop3A_931 = arith.constant 0 : i32
        %parallel_loop3A_932 = tpu.memref_slice %arg6[%parallel_loop3A_566, %parallel_loop3A_930, %parallel_loop3A_931] : memref<4x128x64xf32, #tpu.memory_space<vmem>> -> memref<1x128x64xf32, #tpu.memory_space<vmem>>
        %parallel_loop3A_933 = tpu.memref_squeeze %parallel_loop3A_932 : memref<1x128x64xf32, #tpu.memory_space<vmem>> -> memref<128x64xf32, #tpu.memory_space<vmem>>
        %parallel_loop3A_934 = tpu.vector_load_idx %parallel_loop3A_933[%parallel_loop3A_929, %parallel_loop3A_826] : memref<128x64xf32, #tpu.memory_space<vmem>>[vector<16xi32>, vector<16xi32>], vector<16xf32>,
        %parallel_loop3A_935 = arith.addi %parallel_loop3A_835, %parallel_loop3A_929 : vector<16xi32>
        %parallel_loop3A_936 = arith.constant 0 : i32
        %parallel_loop3A_937 = arith.constant 0 : i32
        %parallel_loop3A_938 = tpu.memref_slice %arg7[%parallel_loop3A_567, %parallel_loop3A_936, %parallel_loop3A_937] : memref<4x8x1024xf32, #tpu.memory_space<vmem>> -> memref<1x8x1024xf32, #tpu.memory_space<vmem>>
        %parallel_loop3A_939 = tpu.memref_squeeze %parallel_loop3A_938 : memref<1x8x1024xf32, #tpu.memory_space<vmem>> -> memref<8x1024xf32, #tpu.memory_space<vmem>>
        tpu.vector_store_idx %parallel_loop3A_939[%parallel_loop3A_829, %parallel_loop3A_935], %parallel_loop3A_934 : memref<8x1024xf32, #tpu.memory_space<vmem>>[vector<16xi32>, vector<16xi32>], vector<16xf32>,
      } {sc.loop_unroll_factor = 4 : i64, sc.parallel_access}
      %add3A_568 = arith.addi %multiple_of3A, %add3A_546 : i32
      %jit3A_569 = arith.constant 32 : i32
      %div3A_570 = arith.divsi %add3A_568, %jit3A_569 : i32
      %sign3A_571 = arith.constant 0 : i32
      %sign3A_572 = arith.cmpi sgt, %add3A_568, %sign3A_571 : i32
      %sign3A_573 = arith.extui %sign3A_572 : i1 to i32
      %sign3A_574 = arith.constant 0 : i32
      %sign3A_575 = arith.cmpi slt, %add3A_568, %sign3A_574 : i32
      %sign3A_576 = arith.extui %sign3A_575 : i1 to i32
      %sign3A_577 = arith.subi %sign3A_573, %sign3A_576 : i32
      %sign3A_578 = arith.constant 0 : i32
      %sign3A_579 = arith.cmpi sgt, %jit3A_569, %sign3A_578 : i32
      %sign3A_580 = arith.extui %sign3A_579 : i1 to i32
      %sign3A_581 = arith.constant 0 : i32
      %sign3A_582 = arith.cmpi slt, %jit3A_569, %sign3A_581 : i32
      %sign3A_583 = arith.extui %sign3A_582 : i1 to i32
      %sign3A_584 = arith.subi %sign3A_580, %sign3A_583 : i32
      %ne3A_585 = arith.cmpi ne, %sign3A_577, %sign3A_584 : i32
      %rem3A_586 = arith.remsi %add3A_568, %jit3A_569 : i32
      %ne3A_587 = arith.constant 0 : i32
      %ne3A_588 = arith.cmpi ne, %rem3A_586, %ne3A_587 : i32
      %and3A_589 = arith.andi %ne3A_585, %ne3A_588 : i1
      %sub3A_590 = arith.constant 1 : i32
      %sub3A_591 = arith.subi %div3A_570, %sub3A_590 : i32
      %select_n3A_592 = arith.select %and3A_589, %sub3A_591, %div3A_570 : i32
      %jit3A_593 = arith.constant 32 : i32
      %eq3A_594 = arith.constant 0 : i32
      %eq3A_595 = arith.cmpi eq, %jit3A_593, %eq3A_594 : i32
      %jit3A_596 = arith.constant 1 : i32
      %select_n3A_597 = arith.select %eq3A_595, %jit3A_596, %jit3A_593 : i32
      %rem3A_598 = arith.remsi %add3A_568, %select_n3A_597 : i32
      %ne3A_599 = arith.constant 0 : i32
      %ne3A_600 = arith.cmpi ne, %rem3A_598, %ne3A_599 : i32
      %lt3A_601 = arith.constant 0 : i32
      %lt3A_602 = arith.cmpi slt, %rem3A_598, %lt3A_601 : i32
      %lt3A_603 = arith.constant 0 : i32
      %lt3A_604 = arith.cmpi slt, %select_n3A_597, %lt3A_603 : i32
      %ne3A_605 = arith.xori %lt3A_602, %lt3A_604 : i1
      %and3A_606 = arith.andi %ne3A_605, %ne3A_600 : i1
      %add3A_607 = arith.addi %rem3A_598, %select_n3A_597 : i32
      %select_n3A_608 = arith.select %and3A_606, %add3A_607, %rem3A_598 : i32
      %jit3A_609 = arith.constant 4 : i32
      %div3A_610 = arith.divsi %add3A_568, %jit3A_609 : i32
      %sign3A_611 = arith.constant 0 : i32
      %sign3A_612 = arith.cmpi sgt, %add3A_568, %sign3A_611 : i32
      %sign3A_613 = arith.extui %sign3A_612 : i1 to i32
      %sign3A_614 = arith.constant 0 : i32
      %sign3A_615 = arith.cmpi slt, %add3A_568, %sign3A_614 : i32
      %sign3A_616 = arith.extui %sign3A_615 : i1 to i32
      %sign3A_617 = arith.subi %sign3A_613, %sign3A_616 : i32
      %sign3A_618 = arith.constant 0 : i32
      %sign3A_619 = arith.cmpi sgt, %jit3A_609, %sign3A_618 : i32
      %sign3A_620 = arith.extui %sign3A_619 : i1 to i32
      %sign3A_621 = arith.constant 0 : i32
      %sign3A_622 = arith.cmpi slt, %jit3A_609, %sign3A_621 : i32
      %sign3A_623 = arith.extui %sign3A_622 : i1 to i32
      %sign3A_624 = arith.subi %sign3A_620, %sign3A_623 : i32
      %ne3A_625 = arith.cmpi ne, %sign3A_617, %sign3A_624 : i32
      %rem3A_626 = arith.remsi %add3A_568, %jit3A_609 : i32
      %ne3A_627 = arith.constant 0 : i32
      %ne3A_628 = arith.cmpi ne, %rem3A_626, %ne3A_627 : i32
      %and3A_629 = arith.andi %ne3A_625, %ne3A_628 : i1
      %sub3A_630 = arith.constant 1 : i32
      %sub3A_631 = arith.subi %div3A_610, %sub3A_630 : i32
      %select_n3A_632 = arith.select %and3A_629, %sub3A_631, %div3A_610 : i32
      %jit3A_633 = arith.constant 4 : i32
      %eq3A_634 = arith.constant 0 : i32
      %eq3A_635 = arith.cmpi eq, %jit3A_633, %eq3A_634 : i32
      %jit3A_636 = arith.constant 1 : i32
      %select_n3A_637 = arith.select %eq3A_635, %jit3A_636, %jit3A_633 : i32
      %rem3A_638 = arith.remsi %add3A_568, %select_n3A_637 : i32
      %ne3A_639 = arith.constant 0 : i32
      %ne3A_640 = arith.cmpi ne, %rem3A_638, %ne3A_639 : i32
      %lt3A_641 = arith.constant 0 : i32
      %lt3A_642 = arith.cmpi slt, %rem3A_638, %lt3A_641 : i32
      %lt3A_643 = arith.constant 0 : i32
      %lt3A_644 = arith.cmpi slt, %select_n3A_637, %lt3A_643 : i32
      %ne3A_645 = arith.xori %lt3A_642, %lt3A_644 : i1
      %and3A_646 = arith.andi %ne3A_645, %ne3A_640 : i1
      %add3A_647 = arith.addi %rem3A_638, %select_n3A_637 : i32
      %select_n3A_648 = arith.select %and3A_646, %add3A_647, %rem3A_638 : i32
      %mul3A_649 = arith.constant 8 : i32
      %mul3A_650 = arith.muli %select_n3A_648, %mul3A_649 : i32
      %multiple_of3A_651 = tpu.assume_multiple %mul3A_650, 8 : i32
      %dma_start3A_652 = arith.constant 2 : i32
      %dma_start3A_653 = arith.constant 0 : i32
      %dma_start3A_654 = arith.constant 0 : i32
      %dma_start3A_655 = tpu.memref_slice %arg7[%dma_start3A_652, %dma_start3A_653, %dma_start3A_654] : memref<4x8x1024xf32, #tpu.memory_space<vmem>> -> memref<1x8x1024xf32, #tpu.memory_space<vmem>>
      %dma_start3A_656 = tpu.memref_squeeze %dma_start3A_655 : memref<1x8x1024xf32, #tpu.memory_space<vmem>> -> memref<8x1024xf32, #tpu.memory_space<vmem>>
      %dma_start3A_657 = arith.constant 0 : i32
      %dma_start3A_658 = tpu.memref_slice %arg4[%select_n3A_632, %multiple_of3A_651, %dma_start3A_657] : memref<1600x32x1024xf32, #tpu.memory_space<hbm>> -> memref<1x8x1024xf32, #tpu.memory_space<hbm>>
      %dma_start3A_659 = tpu.memref_squeeze %dma_start3A_658 : memref<1x8x1024xf32, #tpu.memory_space<hbm>> -> memref<8x1024xf32, #tpu.memory_space<hbm>>
      %dma_start3A_660 = arith.constant 0 : i32
      %dma_start3A_661 = tpu.memref_slice %arg4[%select_n3A_632, %multiple_of3A_651, %dma_start3A_660] : memref<1600x32x1024xf32, #tpu.memory_space<hbm>> -> memref<1x8x1024xf32, #tpu.memory_space<hbm>>
      %dma_start3A_662 = tpu.memref_squeeze %dma_start3A_661 : memref<1x8x1024xf32, #tpu.memory_space<hbm>> -> memref<8x1024xf32, #tpu.memory_space<hbm>>
      %dma_start3A_663 = arith.constant 0 : i32
      %dma_start3A_664 = arith.constant 0 : i32
      %dma_start3A_665 = tpu.memref_slice %arg7[%dma_start3A_652, %dma_start3A_663, %dma_start3A_664] : memref<4x8x1024xf32, #tpu.memory_space<vmem>> -> memref<1x8x1024xf32, #tpu.memory_space<vmem>>
      %dma_start3A_666 = tpu.memref_squeeze %dma_start3A_665 : memref<1x8x1024xf32, #tpu.memory_space<vmem>> -> memref<8x1024xf32, #tpu.memory_space<vmem>>
      tpu.enqueue_dma source(%dma_start3A_666 : memref<8x1024xf32, #tpu.memory_space<vmem>>) target(%dma_start3A_662 : memref<8x1024xf32, #tpu.memory_space<hbm>>) target_semaphore(%arg14 : memref<!tpu.dma_semaphore, #tpu.memory_space<semaphore_mem>>)
      %mul3A_667 = arith.constant 4 : i32
      %mul3A_668 = arith.muli %scan3A_285, %mul3A_667 : i32
      %add3A_669 = arith.constant 2 : i32
      %add3A_670 = arith.addi %mul3A_668, %add3A_669 : i32
      %add3A_671 = arith.constant 4 : i32
      %add3A_672 = arith.addi %add3A_670, %add3A_671 : i32
      %lt3A_673 = arith.constant 200 : i32
      %lt3A_674 = arith.cmpi slt, %add3A_672, %lt3A_673 : i32
      %convert_element_type3A_675 = arith.extui %lt3A_674 : i1 to i32
      %cond3A_676 = arith.constant 0 : i32
      %cond3A_677 = arith.cmpi ne, %convert_element_type3A_675, %cond3A_676 : i32
      scf.if %cond3A_677 {
        %add3A_813 = arith.constant 4 : i32
        %add3A_814 = arith.addi %add3A_546, %add3A_813 : i32
        %dma_start3A_815 = arith.constant 2 : i32
        %dma_start3A_816 = arith.constant 0 : i32
        %dma_start3A_817 = arith.constant 0 : i32
        %dma_start3A_818 = tpu.memref_slice %arg6[%dma_start3A_815, %dma_start3A_816, %dma_start3A_817] : memref<4x128x64xf32, #tpu.memory_space<vmem>> -> memref<1x128x64xf32, #tpu.memory_space<vmem>>
        %dma_start3A_819 = tpu.memref_squeeze %dma_start3A_818 : memref<1x128x64xf32, #tpu.memory_space<vmem>> -> memref<128x64xf32, #tpu.memory_space<vmem>>
        %dma_start3A_820 = arith.constant 0 : i32
        %dma_start3A_821 = tpu.memref_slice %arg5[%add3A_814, %dma_start3A_820] : memref<200x128xi32, #tpu.memory_space<vmem>> -> memref<1x128xi32, #tpu.memory_space<vmem>>
        %dma_start3A_822 = tpu.memref_squeeze %dma_start3A_821 : memref<1x128xi32, #tpu.memory_space<vmem>> -> memref<128xi32, #tpu.memory_space<vmem>>
        %dma_start3A_823 = arith.constant 0 : i32
        %dma_start3A_824 = arith.constant 0 : i32
        %dma_start3A_825 = tpu.memref_slice %arg3[%dma_start3A_823, %dma_start3A_824] : memref<100000x64xf32, #tpu.memory_space<hbm>> -> memref<100000x64xf32, #tpu.memory_space<hbm>>
        tpu.enqueue_indirect_dma source(%dma_start3A_825 : memref<100000x64xf32, #tpu.memory_space<hbm>>) target(%dma_start3A_819 : memref<128x64xf32, #tpu.memory_space<vmem>>) offsets(%dma_start3A_822 : memref<128xi32, #tpu.memory_space<vmem>>) semaphore(%arg10 : memref<!tpu.dma_semaphore, #tpu.memory_space<semaphore_mem>>)
      } else {
      }
      %mul3A_678 = arith.constant 4 : i32
      %mul3A_679 = arith.muli %scan3A_285, %mul3A_678 : i32
      %add3A_680 = arith.constant 3 : i32
      %add3A_681 = arith.addi %mul3A_679, %add3A_680 : i32
      %dma_wait3A_682 = arith.constant 3 : i32
      %dma_wait3A_683 = arith.constant 0 : i32
      %dma_wait3A_684 = arith.constant 0 : i32
      %dma_wait3A_685 = tpu.memref_slice %arg6[%dma_wait3A_682, %dma_wait3A_683, %dma_wait3A_684] : memref<4x128x64xf32, #tpu.memory_space<vmem>> -> memref<1x128x64xf32, #tpu.memory_space<vmem>>
      %dma_wait3A_686 = tpu.memref_squeeze %dma_wait3A_685 : memref<1x128x64xf32, #tpu.memory_space<vmem>> -> memref<128x64xf32, #tpu.memory_space<vmem>>
      %dma_wait3A_687 = arith.constant 0 : i32
      %dma_wait3A_688 = tpu.memref_slice %arg5[%add3A_681, %dma_wait3A_687] : memref<200x128xi32, #tpu.memory_space<vmem>> -> memref<1x128xi32, #tpu.memory_space<vmem>>
      %dma_wait3A_689 = tpu.memref_squeeze %dma_wait3A_688 : memref<1x128xi32, #tpu.memory_space<vmem>> -> memref<128xi32, #tpu.memory_space<vmem>>
      %dma_wait3A_690 = arith.constant 0 : i32
      %dma_wait3A_691 = arith.constant 0 : i32
      %dma_wait3A_692 = tpu.memref_slice %arg3[%dma_wait3A_690, %dma_wait3A_691] : memref<100000x64xf32, #tpu.memory_space<hbm>> -> memref<100000x64xf32, #tpu.memory_space<hbm>>
      tpu.wait_indirect_dma semaphore(%arg11 : memref<!tpu.dma_semaphore, #tpu.memory_space<semaphore_mem>>) src(%dma_wait3A_692 : memref<100000x64xf32, #tpu.memory_space<hbm>>) dst(%dma_wait3A_686 : memref<128x64xf32, #tpu.memory_space<vmem>>)
      %gt3A_693 = arith.constant 0 : i32
      %gt3A_694 = arith.cmpi sgt, %scan3A_285, %gt3A_693 : i32
      %convert_element_type3A_695 = arith.extui %gt3A_694 : i1 to i32
      %cond3A_696 = arith.constant 0 : i32
      %cond3A_697 = arith.cmpi ne, %convert_element_type3A_695, %cond3A_696 : i32
      scf.if %cond3A_697 {
        %dma_wait3A_813 = arith.constant 3 : i32
        %dma_wait3A_814 = arith.constant 0 : i32
        %dma_wait3A_815 = arith.constant 0 : i32
        %dma_wait3A_816 = arith.constant 0 : i32
        %dma_wait3A_817 = tpu.memref_slice %arg7[%dma_wait3A_813, %dma_wait3A_815, %dma_wait3A_816] : memref<4x8x1024xf32, #tpu.memory_space<vmem>> -> memref<1x8x1024xf32, #tpu.memory_space<vmem>>
        %dma_wait3A_818 = tpu.memref_squeeze %dma_wait3A_817 : memref<1x8x1024xf32, #tpu.memory_space<vmem>> -> memref<8x1024xf32, #tpu.memory_space<vmem>>
        %dma_wait3A_819 = arith.constant 0 : i32
        %dma_wait3A_820 = arith.constant 0 : i32
        %dma_wait3A_821 = tpu.memref_slice %arg4[%dma_wait3A_814, %dma_wait3A_819, %dma_wait3A_820] : memref<1600x32x1024xf32, #tpu.memory_space<hbm>> -> memref<1x8x1024xf32, #tpu.memory_space<hbm>>
        %dma_wait3A_822 = tpu.memref_squeeze %dma_wait3A_821 : memref<1x8x1024xf32, #tpu.memory_space<hbm>> -> memref<8x1024xf32, #tpu.memory_space<hbm>>
        %dma_wait3A_823 = arith.constant 0 : i32
        %dma_wait3A_824 = arith.constant 0 : i32
        %dma_wait3A_825 = tpu.memref_slice %arg4[%dma_wait3A_814, %dma_wait3A_823, %dma_wait3A_824] : memref<1600x32x1024xf32, #tpu.memory_space<hbm>> -> memref<1x8x1024xf32, #tpu.memory_space<hbm>>
        %dma_wait3A_826 = tpu.memref_squeeze %dma_wait3A_825 : memref<1x8x1024xf32, #tpu.memory_space<hbm>> -> memref<8x1024xf32, #tpu.memory_space<hbm>>
        %dma_wait3A_827 = arith.constant 0 : i32
        %dma_wait3A_828 = arith.constant 0 : i32
        %dma_wait3A_829 = tpu.memref_slice %arg7[%dma_wait3A_813, %dma_wait3A_827, %dma_wait3A_828] : memref<4x8x1024xf32, #tpu.memory_space<vmem>> -> memref<1x8x1024xf32, #tpu.memory_space<vmem>>
        %dma_wait3A_830 = tpu.memref_squeeze %dma_wait3A_829 : memref<1x8x1024xf32, #tpu.memory_space<vmem>> -> memref<8x1024xf32, #tpu.memory_space<vmem>>
        tpu.wait_dma2 semaphore(%arg15 : memref<!tpu.dma_semaphore, #tpu.memory_space<semaphore_mem>>) src(%dma_wait3A_830 : memref<8x1024xf32, #tpu.memory_space<vmem>>) dst(%dma_wait3A_826 : memref<8x1024xf32, #tpu.memory_space<hbm>>)
      } else {
      }
      %parallel_loop3A_698 = arith.constant 0 : i32
      %parallel_loop3A_699 = arith.constant 64 : i32
      %parallel_loop3A_700 = arith.constant 1 : i32
      %parallel_loop3A_701 = arith.constant 3 : i32
      %parallel_loop3A_702 = arith.constant 3 : i32
      scf.for %parallel_loop3A_813 = %parallel_loop3A_698 to %parallel_loop3A_699 step %parallel_loop3A_700  : i32 {
        %parallel_loop3A_814 = arith.constant 15 : i32
        %parallel_loop3A_815 = arith.andi %parallel_loop3A_813, %parallel_loop3A_814 : i32
        %parallel_loop3A_816 = arith.constant 4 : i32
        %parallel_loop3A_817 = arith.shrui %parallel_loop3A_813, %parallel_loop3A_816 : i32
        %parallel_loop3A_818 = vector.broadcast %parallel_loop3A_815 : i32 to vector<16xi32>
        %parallel_loop3A_819 = arith.addi %iota3A, %parallel_loop3A_818 : vector<16xi32>
        %parallel_loop3A_820 = arith.constant 15 : i32
        %parallel_loop3A_821 = vector.broadcast %parallel_loop3A_820 : i32 to vector<16xi32>
        %parallel_loop3A_822 = arith.andi %parallel_loop3A_819, %parallel_loop3A_821 : vector<16xi32>
        %parallel_loop3A_823 = arith.constant 16 : i32
        %parallel_loop3A_824 = arith.muli %parallel_loop3A_817, %parallel_loop3A_823 : i32
        %parallel_loop3A_825 = vector.broadcast %parallel_loop3A_824 : i32 to vector<16xi32>
        %parallel_loop3A_826 = arith.addi %parallel_loop3A_825, %parallel_loop3A_822 : vector<16xi32>
        %parallel_loop3A_827 = arith.constant 3 : i32
        %parallel_loop3A_828 = vector.broadcast %parallel_loop3A_827 : i32 to vector<16xi32>
        %parallel_loop3A_829 = arith.shrui %parallel_loop3A_826, %parallel_loop3A_828 : vector<16xi32>
        %parallel_loop3A_830 = arith.constant 7 : i32
        %parallel_loop3A_831 = vector.broadcast %parallel_loop3A_830 : i32 to vector<16xi32>
        %parallel_loop3A_832 = arith.andi %parallel_loop3A_826, %parallel_loop3A_831 : vector<16xi32>
        %parallel_loop3A_833 = arith.constant 7 : i32
        %parallel_loop3A_834 = vector.broadcast %parallel_loop3A_833 : i32 to vector<16xi32>
        %parallel_loop3A_835 = arith.shli %parallel_loop3A_832, %parallel_loop3A_834 : vector<16xi32>
        %parallel_loop3A_836 = arith.constant 0 : i32
        %parallel_loop3A_837 = vector.broadcast %parallel_loop3A_836 : i32 to vector<16xi32>
        %parallel_loop3A_838 = arith.addi %iota3A, %parallel_loop3A_837 : vector<16xi32>
        %parallel_loop3A_839 = arith.constant 0 : i32
        %parallel_loop3A_840 = arith.constant 0 : i32
        %parallel_loop3A_841 = tpu.memref_slice %arg6[%parallel_loop3A_701, %parallel_loop3A_839, %parallel_loop3A_840] : memref<4x128x64xf32, #tpu.memory_space<vmem>> -> memref<1x128x64xf32, #tpu.memory_space<vmem>>
        %parallel_loop3A_842 = tpu.memref_squeeze %parallel_loop3A_841 : memref<1x128x64xf32, #tpu.memory_space<vmem>> -> memref<128x64xf32, #tpu.memory_space<vmem>>
        %parallel_loop3A_843 = tpu.vector_load_idx %parallel_loop3A_842[%parallel_loop3A_838, %parallel_loop3A_826] : memref<128x64xf32, #tpu.memory_space<vmem>>[vector<16xi32>, vector<16xi32>], vector<16xf32>,
        %parallel_loop3A_844 = arith.addi %parallel_loop3A_835, %parallel_loop3A_838 : vector<16xi32>
        %parallel_loop3A_845 = arith.constant 0 : i32
        %parallel_loop3A_846 = arith.constant 0 : i32
        %parallel_loop3A_847 = tpu.memref_slice %arg7[%parallel_loop3A_702, %parallel_loop3A_845, %parallel_loop3A_846] : memref<4x8x1024xf32, #tpu.memory_space<vmem>> -> memref<1x8x1024xf32, #tpu.memory_space<vmem>>
        %parallel_loop3A_848 = tpu.memref_squeeze %parallel_loop3A_847 : memref<1x8x1024xf32, #tpu.memory_space<vmem>> -> memref<8x1024xf32, #tpu.memory_space<vmem>>
        tpu.vector_store_idx %parallel_loop3A_848[%parallel_loop3A_829, %parallel_loop3A_844], %parallel_loop3A_843 : memref<8x1024xf32, #tpu.memory_space<vmem>>[vector<16xi32>, vector<16xi32>], vector<16xf32>,
        %parallel_loop3A_849 = arith.constant 16 : i32
        %parallel_loop3A_850 = vector.broadcast %parallel_loop3A_849 : i32 to vector<16xi32>
        %parallel_loop3A_851 = arith.addi %iota3A, %parallel_loop3A_850 : vector<16xi32>
        %parallel_loop3A_852 = arith.constant 0 : i32
        %parallel_loop3A_853 = arith.constant 0 : i32
        %parallel_loop3A_854 = tpu.memref_slice %arg6[%parallel_loop3A_701, %parallel_loop3A_852, %parallel_loop3A_853] : memref<4x128x64xf32, #tpu.memory_space<vmem>> -> memref<1x128x64xf32, #tpu.memory_space<vmem>>
        %parallel_loop3A_855 = tpu.memref_squeeze %parallel_loop3A_854 : memref<1x128x64xf32, #tpu.memory_space<vmem>> -> memref<128x64xf32, #tpu.memory_space<vmem>>
        %parallel_loop3A_856 = tpu.vector_load_idx %parallel_loop3A_855[%parallel_loop3A_851, %parallel_loop3A_826] : memref<128x64xf32, #tpu.memory_space<vmem>>[vector<16xi32>, vector<16xi32>], vector<16xf32>,
        %parallel_loop3A_857 = arith.addi %parallel_loop3A_835, %parallel_loop3A_851 : vector<16xi32>
        %parallel_loop3A_858 = arith.constant 0 : i32
        %parallel_loop3A_859 = arith.constant 0 : i32
        %parallel_loop3A_860 = tpu.memref_slice %arg7[%parallel_loop3A_702, %parallel_loop3A_858, %parallel_loop3A_859] : memref<4x8x1024xf32, #tpu.memory_space<vmem>> -> memref<1x8x1024xf32, #tpu.memory_space<vmem>>
        %parallel_loop3A_861 = tpu.memref_squeeze %parallel_loop3A_860 : memref<1x8x1024xf32, #tpu.memory_space<vmem>> -> memref<8x1024xf32, #tpu.memory_space<vmem>>
        tpu.vector_store_idx %parallel_loop3A_861[%parallel_loop3A_829, %parallel_loop3A_857], %parallel_loop3A_856 : memref<8x1024xf32, #tpu.memory_space<vmem>>[vector<16xi32>, vector<16xi32>], vector<16xf32>,
        %parallel_loop3A_862 = arith.constant 32 : i32
        %parallel_loop3A_863 = vector.broadcast %parallel_loop3A_862 : i32 to vector<16xi32>
        %parallel_loop3A_864 = arith.addi %iota3A, %parallel_loop3A_863 : vector<16xi32>
        %parallel_loop3A_865 = arith.constant 0 : i32
        %parallel_loop3A_866 = arith.constant 0 : i32
        %parallel_loop3A_867 = tpu.memref_slice %arg6[%parallel_loop3A_701, %parallel_loop3A_865, %parallel_loop3A_866] : memref<4x128x64xf32, #tpu.memory_space<vmem>> -> memref<1x128x64xf32, #tpu.memory_space<vmem>>
        %parallel_loop3A_868 = tpu.memref_squeeze %parallel_loop3A_867 : memref<1x128x64xf32, #tpu.memory_space<vmem>> -> memref<128x64xf32, #tpu.memory_space<vmem>>
        %parallel_loop3A_869 = tpu.vector_load_idx %parallel_loop3A_868[%parallel_loop3A_864, %parallel_loop3A_826] : memref<128x64xf32, #tpu.memory_space<vmem>>[vector<16xi32>, vector<16xi32>], vector<16xf32>,
        %parallel_loop3A_870 = arith.addi %parallel_loop3A_835, %parallel_loop3A_864 : vector<16xi32>
        %parallel_loop3A_871 = arith.constant 0 : i32
        %parallel_loop3A_872 = arith.constant 0 : i32
        %parallel_loop3A_873 = tpu.memref_slice %arg7[%parallel_loop3A_702, %parallel_loop3A_871, %parallel_loop3A_872] : memref<4x8x1024xf32, #tpu.memory_space<vmem>> -> memref<1x8x1024xf32, #tpu.memory_space<vmem>>
        %parallel_loop3A_874 = tpu.memref_squeeze %parallel_loop3A_873 : memref<1x8x1024xf32, #tpu.memory_space<vmem>> -> memref<8x1024xf32, #tpu.memory_space<vmem>>
        tpu.vector_store_idx %parallel_loop3A_874[%parallel_loop3A_829, %parallel_loop3A_870], %parallel_loop3A_869 : memref<8x1024xf32, #tpu.memory_space<vmem>>[vector<16xi32>, vector<16xi32>], vector<16xf32>,
        %parallel_loop3A_875 = arith.constant 48 : i32
        %parallel_loop3A_876 = vector.broadcast %parallel_loop3A_875 : i32 to vector<16xi32>
        %parallel_loop3A_877 = arith.addi %iota3A, %parallel_loop3A_876 : vector<16xi32>
        %parallel_loop3A_878 = arith.constant 0 : i32
        %parallel_loop3A_879 = arith.constant 0 : i32
        %parallel_loop3A_880 = tpu.memref_slice %arg6[%parallel_loop3A_701, %parallel_loop3A_878, %parallel_loop3A_879] : memref<4x128x64xf32, #tpu.memory_space<vmem>> -> memref<1x128x64xf32, #tpu.memory_space<vmem>>
        %parallel_loop3A_881 = tpu.memref_squeeze %parallel_loop3A_880 : memref<1x128x64xf32, #tpu.memory_space<vmem>> -> memref<128x64xf32, #tpu.memory_space<vmem>>
        %parallel_loop3A_882 = tpu.vector_load_idx %parallel_loop3A_881[%parallel_loop3A_877, %parallel_loop3A_826] : memref<128x64xf32, #tpu.memory_space<vmem>>[vector<16xi32>, vector<16xi32>], vector<16xf32>,
        %parallel_loop3A_883 = arith.addi %parallel_loop3A_835, %parallel_loop3A_877 : vector<16xi32>
        %parallel_loop3A_884 = arith.constant 0 : i32
        %parallel_loop3A_885 = arith.constant 0 : i32
        %parallel_loop3A_886 = tpu.memref_slice %arg7[%parallel_loop3A_702, %parallel_loop3A_884, %parallel_loop3A_885] : memref<4x8x1024xf32, #tpu.memory_space<vmem>> -> memref<1x8x1024xf32, #tpu.memory_space<vmem>>
        %parallel_loop3A_887 = tpu.memref_squeeze %parallel_loop3A_886 : memref<1x8x1024xf32, #tpu.memory_space<vmem>> -> memref<8x1024xf32, #tpu.memory_space<vmem>>
        tpu.vector_store_idx %parallel_loop3A_887[%parallel_loop3A_829, %parallel_loop3A_883], %parallel_loop3A_882 : memref<8x1024xf32, #tpu.memory_space<vmem>>[vector<16xi32>, vector<16xi32>], vector<16xf32>,
        %parallel_loop3A_888 = arith.constant 64 : i32
        %parallel_loop3A_889 = vector.broadcast %parallel_loop3A_888 : i32 to vector<16xi32>
        %parallel_loop3A_890 = arith.addi %iota3A, %parallel_loop3A_889 : vector<16xi32>
        %parallel_loop3A_891 = arith.constant 0 : i32
        %parallel_loop3A_892 = arith.constant 0 : i32
        %parallel_loop3A_893 = tpu.memref_slice %arg6[%parallel_loop3A_701, %parallel_loop3A_891, %parallel_loop3A_892] : memref<4x128x64xf32, #tpu.memory_space<vmem>> -> memref<1x128x64xf32, #tpu.memory_space<vmem>>
        %parallel_loop3A_894 = tpu.memref_squeeze %parallel_loop3A_893 : memref<1x128x64xf32, #tpu.memory_space<vmem>> -> memref<128x64xf32, #tpu.memory_space<vmem>>
        %parallel_loop3A_895 = tpu.vector_load_idx %parallel_loop3A_894[%parallel_loop3A_890, %parallel_loop3A_826] : memref<128x64xf32, #tpu.memory_space<vmem>>[vector<16xi32>, vector<16xi32>], vector<16xf32>,
        %parallel_loop3A_896 = arith.addi %parallel_loop3A_835, %parallel_loop3A_890 : vector<16xi32>
        %parallel_loop3A_897 = arith.constant 0 : i32
        %parallel_loop3A_898 = arith.constant 0 : i32
        %parallel_loop3A_899 = tpu.memref_slice %arg7[%parallel_loop3A_702, %parallel_loop3A_897, %parallel_loop3A_898] : memref<4x8x1024xf32, #tpu.memory_space<vmem>> -> memref<1x8x1024xf32, #tpu.memory_space<vmem>>
        %parallel_loop3A_900 = tpu.memref_squeeze %parallel_loop3A_899 : memref<1x8x1024xf32, #tpu.memory_space<vmem>> -> memref<8x1024xf32, #tpu.memory_space<vmem>>
        tpu.vector_store_idx %parallel_loop3A_900[%parallel_loop3A_829, %parallel_loop3A_896], %parallel_loop3A_895 : memref<8x1024xf32, #tpu.memory_space<vmem>>[vector<16xi32>, vector<16xi32>], vector<16xf32>,
        %parallel_loop3A_901 = arith.constant 80 : i32
        %parallel_loop3A_902 = vector.broadcast %parallel_loop3A_901 : i32 to vector<16xi32>
        %parallel_loop3A_903 = arith.addi %iota3A, %parallel_loop3A_902 : vector<16xi32>
        %parallel_loop3A_904 = arith.constant 0 : i32
        %parallel_loop3A_905 = arith.constant 0 : i32
        %parallel_loop3A_906 = tpu.memref_slice %arg6[%parallel_loop3A_701, %parallel_loop3A_904, %parallel_loop3A_905] : memref<4x128x64xf32, #tpu.memory_space<vmem>> -> memref<1x128x64xf32, #tpu.memory_space<vmem>>
        %parallel_loop3A_907 = tpu.memref_squeeze %parallel_loop3A_906 : memref<1x128x64xf32, #tpu.memory_space<vmem>> -> memref<128x64xf32, #tpu.memory_space<vmem>>
        %parallel_loop3A_908 = tpu.vector_load_idx %parallel_loop3A_907[%parallel_loop3A_903, %parallel_loop3A_826] : memref<128x64xf32, #tpu.memory_space<vmem>>[vector<16xi32>, vector<16xi32>], vector<16xf32>,
        %parallel_loop3A_909 = arith.addi %parallel_loop3A_835, %parallel_loop3A_903 : vector<16xi32>
        %parallel_loop3A_910 = arith.constant 0 : i32
        %parallel_loop3A_911 = arith.constant 0 : i32
        %parallel_loop3A_912 = tpu.memref_slice %arg7[%parallel_loop3A_702, %parallel_loop3A_910, %parallel_loop3A_911] : memref<4x8x1024xf32, #tpu.memory_space<vmem>> -> memref<1x8x1024xf32, #tpu.memory_space<vmem>>
        %parallel_loop3A_913 = tpu.memref_squeeze %parallel_loop3A_912 : memref<1x8x1024xf32, #tpu.memory_space<vmem>> -> memref<8x1024xf32, #tpu.memory_space<vmem>>
        tpu.vector_store_idx %parallel_loop3A_913[%parallel_loop3A_829, %parallel_loop3A_909], %parallel_loop3A_908 : memref<8x1024xf32, #tpu.memory_space<vmem>>[vector<16xi32>, vector<16xi32>], vector<16xf32>,
        %parallel_loop3A_914 = arith.constant 96 : i32
        %parallel_loop3A_915 = vector.broadcast %parallel_loop3A_914 : i32 to vector<16xi32>
        %parallel_loop3A_916 = arith.addi %iota3A, %parallel_loop3A_915 : vector<16xi32>
        %parallel_loop3A_917 = arith.constant 0 : i32
        %parallel_loop3A_918 = arith.constant 0 : i32
        %parallel_loop3A_919 = tpu.memref_slice %arg6[%parallel_loop3A_701, %parallel_loop3A_917, %parallel_loop3A_918] : memref<4x128x64xf32, #tpu.memory_space<vmem>> -> memref<1x128x64xf32, #tpu.memory_space<vmem>>
        %parallel_loop3A_920 = tpu.memref_squeeze %parallel_loop3A_919 : memref<1x128x64xf32, #tpu.memory_space<vmem>> -> memref<128x64xf32, #tpu.memory_space<vmem>>
        %parallel_loop3A_921 = tpu.vector_load_idx %parallel_loop3A_920[%parallel_loop3A_916, %parallel_loop3A_826] : memref<128x64xf32, #tpu.memory_space<vmem>>[vector<16xi32>, vector<16xi32>], vector<16xf32>,
        %parallel_loop3A_922 = arith.addi %parallel_loop3A_835, %parallel_loop3A_916 : vector<16xi32>
        %parallel_loop3A_923 = arith.constant 0 : i32
        %parallel_loop3A_924 = arith.constant 0 : i32
        %parallel_loop3A_925 = tpu.memref_slice %arg7[%parallel_loop3A_702, %parallel_loop3A_923, %parallel_loop3A_924] : memref<4x8x1024xf32, #tpu.memory_space<vmem>> -> memref<1x8x1024xf32, #tpu.memory_space<vmem>>
        %parallel_loop3A_926 = tpu.memref_squeeze %parallel_loop3A_925 : memref<1x8x1024xf32, #tpu.memory_space<vmem>> -> memref<8x1024xf32, #tpu.memory_space<vmem>>
        tpu.vector_store_idx %parallel_loop3A_926[%parallel_loop3A_829, %parallel_loop3A_922], %parallel_loop3A_921 : memref<8x1024xf32, #tpu.memory_space<vmem>>[vector<16xi32>, vector<16xi32>], vector<16xf32>,
        %parallel_loop3A_927 = arith.constant 112 : i32
        %parallel_loop3A_928 = vector.broadcast %parallel_loop3A_927 : i32 to vector<16xi32>
        %parallel_loop3A_929 = arith.addi %iota3A, %parallel_loop3A_928 : vector<16xi32>
        %parallel_loop3A_930 = arith.constant 0 : i32
        %parallel_loop3A_931 = arith.constant 0 : i32
        %parallel_loop3A_932 = tpu.memref_slice %arg6[%parallel_loop3A_701, %parallel_loop3A_930, %parallel_loop3A_931] : memref<4x128x64xf32, #tpu.memory_space<vmem>> -> memref<1x128x64xf32, #tpu.memory_space<vmem>>
        %parallel_loop3A_933 = tpu.memref_squeeze %parallel_loop3A_932 : memref<1x128x64xf32, #tpu.memory_space<vmem>> -> memref<128x64xf32, #tpu.memory_space<vmem>>
        %parallel_loop3A_934 = tpu.vector_load_idx %parallel_loop3A_933[%parallel_loop3A_929, %parallel_loop3A_826] : memref<128x64xf32, #tpu.memory_space<vmem>>[vector<16xi32>, vector<16xi32>], vector<16xf32>,
        %parallel_loop3A_935 = arith.addi %parallel_loop3A_835, %parallel_loop3A_929 : vector<16xi32>
        %parallel_loop3A_936 = arith.constant 0 : i32
        %parallel_loop3A_937 = arith.constant 0 : i32
        %parallel_loop3A_938 = tpu.memref_slice %arg7[%parallel_loop3A_702, %parallel_loop3A_936, %parallel_loop3A_937] : memref<4x8x1024xf32, #tpu.memory_space<vmem>> -> memref<1x8x1024xf32, #tpu.memory_space<vmem>>
        %parallel_loop3A_939 = tpu.memref_squeeze %parallel_loop3A_938 : memref<1x8x1024xf32, #tpu.memory_space<vmem>> -> memref<8x1024xf32, #tpu.memory_space<vmem>>
        tpu.vector_store_idx %parallel_loop3A_939[%parallel_loop3A_829, %parallel_loop3A_935], %parallel_loop3A_934 : memref<8x1024xf32, #tpu.memory_space<vmem>>[vector<16xi32>, vector<16xi32>], vector<16xf32>,
      } {sc.loop_unroll_factor = 4 : i64, sc.parallel_access}
      %add3A_703 = arith.addi %multiple_of3A, %add3A_681 : i32
      %jit3A_704 = arith.constant 32 : i32
      %div3A_705 = arith.divsi %add3A_703, %jit3A_704 : i32
      %sign3A_706 = arith.constant 0 : i32
      %sign3A_707 = arith.cmpi sgt, %add3A_703, %sign3A_706 : i32
      %sign3A_708 = arith.extui %sign3A_707 : i1 to i32
      %sign3A_709 = arith.constant 0 : i32
      %sign3A_710 = arith.cmpi slt, %add3A_703, %sign3A_709 : i32
      %sign3A_711 = arith.extui %sign3A_710 : i1 to i32
      %sign3A_712 = arith.subi %sign3A_708, %sign3A_711 : i32
      %sign3A_713 = arith.constant 0 : i32
      %sign3A_714 = arith.cmpi sgt, %jit3A_704, %sign3A_713 : i32
      %sign3A_715 = arith.extui %sign3A_714 : i1 to i32
      %sign3A_716 = arith.constant 0 : i32
      %sign3A_717 = arith.cmpi slt, %jit3A_704, %sign3A_716 : i32
      %sign3A_718 = arith.extui %sign3A_717 : i1 to i32
      %sign3A_719 = arith.subi %sign3A_715, %sign3A_718 : i32
      %ne3A_720 = arith.cmpi ne, %sign3A_712, %sign3A_719 : i32
      %rem3A_721 = arith.remsi %add3A_703, %jit3A_704 : i32
      %ne3A_722 = arith.constant 0 : i32
      %ne3A_723 = arith.cmpi ne, %rem3A_721, %ne3A_722 : i32
      %and3A_724 = arith.andi %ne3A_720, %ne3A_723 : i1
      %sub3A_725 = arith.constant 1 : i32
      %sub3A_726 = arith.subi %div3A_705, %sub3A_725 : i32
      %select_n3A_727 = arith.select %and3A_724, %sub3A_726, %div3A_705 : i32
      %jit3A_728 = arith.constant 32 : i32
      %eq3A_729 = arith.constant 0 : i32
      %eq3A_730 = arith.cmpi eq, %jit3A_728, %eq3A_729 : i32
      %jit3A_731 = arith.constant 1 : i32
      %select_n3A_732 = arith.select %eq3A_730, %jit3A_731, %jit3A_728 : i32
      %rem3A_733 = arith.remsi %add3A_703, %select_n3A_732 : i32
      %ne3A_734 = arith.constant 0 : i32
      %ne3A_735 = arith.cmpi ne, %rem3A_733, %ne3A_734 : i32
      %lt3A_736 = arith.constant 0 : i32
      %lt3A_737 = arith.cmpi slt, %rem3A_733, %lt3A_736 : i32
      %lt3A_738 = arith.constant 0 : i32
      %lt3A_739 = arith.cmpi slt, %select_n3A_732, %lt3A_738 : i32
      %ne3A_740 = arith.xori %lt3A_737, %lt3A_739 : i1
      %and3A_741 = arith.andi %ne3A_740, %ne3A_735 : i1
      %add3A_742 = arith.addi %rem3A_733, %select_n3A_732 : i32
      %select_n3A_743 = arith.select %and3A_741, %add3A_742, %rem3A_733 : i32
      %jit3A_744 = arith.constant 4 : i32
      %div3A_745 = arith.divsi %add3A_703, %jit3A_744 : i32
      %sign3A_746 = arith.constant 0 : i32
      %sign3A_747 = arith.cmpi sgt, %add3A_703, %sign3A_746 : i32
      %sign3A_748 = arith.extui %sign3A_747 : i1 to i32
      %sign3A_749 = arith.constant 0 : i32
      %sign3A_750 = arith.cmpi slt, %add3A_703, %sign3A_749 : i32
      %sign3A_751 = arith.extui %sign3A_750 : i1 to i32
      %sign3A_752 = arith.subi %sign3A_748, %sign3A_751 : i32
      %sign3A_753 = arith.constant 0 : i32
      %sign3A_754 = arith.cmpi sgt, %jit3A_744, %sign3A_753 : i32
      %sign3A_755 = arith.extui %sign3A_754 : i1 to i32
      %sign3A_756 = arith.constant 0 : i32
      %sign3A_757 = arith.cmpi slt, %jit3A_744, %sign3A_756 : i32
      %sign3A_758 = arith.extui %sign3A_757 : i1 to i32
      %sign3A_759 = arith.subi %sign3A_755, %sign3A_758 : i32
      %ne3A_760 = arith.cmpi ne, %sign3A_752, %sign3A_759 : i32
      %rem3A_761 = arith.remsi %add3A_703, %jit3A_744 : i32
      %ne3A_762 = arith.constant 0 : i32
      %ne3A_763 = arith.cmpi ne, %rem3A_761, %ne3A_762 : i32
      %and3A_764 = arith.andi %ne3A_760, %ne3A_763 : i1
      %sub3A_765 = arith.constant 1 : i32
      %sub3A_766 = arith.subi %div3A_745, %sub3A_765 : i32
      %select_n3A_767 = arith.select %and3A_764, %sub3A_766, %div3A_745 : i32
      %jit3A_768 = arith.constant 4 : i32
      %eq3A_769 = arith.constant 0 : i32
      %eq3A_770 = arith.cmpi eq, %jit3A_768, %eq3A_769 : i32
      %jit3A_771 = arith.constant 1 : i32
      %select_n3A_772 = arith.select %eq3A_770, %jit3A_771, %jit3A_768 : i32
      %rem3A_773 = arith.remsi %add3A_703, %select_n3A_772 : i32
      %ne3A_774 = arith.constant 0 : i32
      %ne3A_775 = arith.cmpi ne, %rem3A_773, %ne3A_774 : i32
      %lt3A_776 = arith.constant 0 : i32
      %lt3A_777 = arith.cmpi slt, %rem3A_773, %lt3A_776 : i32
      %lt3A_778 = arith.constant 0 : i32
      %lt3A_779 = arith.cmpi slt, %select_n3A_772, %lt3A_778 : i32
      %ne3A_780 = arith.xori %lt3A_777, %lt3A_779 : i1
      %and3A_781 = arith.andi %ne3A_780, %ne3A_775 : i1
      %add3A_782 = arith.addi %rem3A_773, %select_n3A_772 : i32
      %select_n3A_783 = arith.select %and3A_781, %add3A_782, %rem3A_773 : i32
      %mul3A_784 = arith.constant 8 : i32
      %mul3A_785 = arith.muli %select_n3A_783, %mul3A_784 : i32
      %multiple_of3A_786 = tpu.assume_multiple %mul3A_785, 8 : i32
      %dma_start3A_787 = arith.constant 3 : i32
      %dma_start3A_788 = arith.constant 0 : i32
      %dma_start3A_789 = arith.constant 0 : i32
      %dma_start3A_790 = tpu.memref_slice %arg7[%dma_start3A_787, %dma_start3A_788, %dma_start3A_789] : memref<4x8x1024xf32, #tpu.memory_space<vmem>> -> memref<1x8x1024xf32, #tpu.memory_space<vmem>>
      %dma_start3A_791 = tpu.memref_squeeze %dma_start3A_790 : memref<1x8x1024xf32, #tpu.memory_space<vmem>> -> memref<8x1024xf32, #tpu.memory_space<vmem>>
      %dma_start3A_792 = arith.constant 0 : i32
      %dma_start3A_793 = tpu.memref_slice %arg4[%select_n3A_767, %multiple_of3A_786, %dma_start3A_792] : memref<1600x32x1024xf32, #tpu.memory_space<hbm>> -> memref<1x8x1024xf32, #tpu.memory_space<hbm>>
      %dma_start3A_794 = tpu.memref_squeeze %dma_start3A_793 : memref<1x8x1024xf32, #tpu.memory_space<hbm>> -> memref<8x1024xf32, #tpu.memory_space<hbm>>
      %dma_start3A_795 = arith.constant 0 : i32
      %dma_start3A_796 = tpu.memref_slice %arg4[%select_n3A_767, %multiple_of3A_786, %dma_start3A_795] : memref<1600x32x1024xf32, #tpu.memory_space<hbm>> -> memref<1x8x1024xf32, #tpu.memory_space<hbm>>
      %dma_start3A_797 = tpu.memref_squeeze %dma_start3A_796 : memref<1x8x1024xf32, #tpu.memory_space<hbm>> -> memref<8x1024xf32, #tpu.memory_space<hbm>>
      %dma_start3A_798 = arith.constant 0 : i32
      %dma_start3A_799 = arith.constant 0 : i32
      %dma_start3A_800 = tpu.memref_slice %arg7[%dma_start3A_787, %dma_start3A_798, %dma_start3A_799] : memref<4x8x1024xf32, #tpu.memory_space<vmem>> -> memref<1x8x1024xf32, #tpu.memory_space<vmem>>
      %dma_start3A_801 = tpu.memref_squeeze %dma_start3A_800 : memref<1x8x1024xf32, #tpu.memory_space<vmem>> -> memref<8x1024xf32, #tpu.memory_space<vmem>>
      tpu.enqueue_dma source(%dma_start3A_801 : memref<8x1024xf32, #tpu.memory_space<vmem>>) target(%dma_start3A_797 : memref<8x1024xf32, #tpu.memory_space<hbm>>) target_semaphore(%arg15 : memref<!tpu.dma_semaphore, #tpu.memory_space<semaphore_mem>>)
      %mul3A_802 = arith.constant 4 : i32
      %mul3A_803 = arith.muli %scan3A_285, %mul3A_802 : i32
      %add3A_804 = arith.constant 3 : i32
      %add3A_805 = arith.addi %mul3A_803, %add3A_804 : i32
      %add3A_806 = arith.constant 4 : i32
      %add3A_807 = arith.addi %add3A_805, %add3A_806 : i32
      %lt3A_808 = arith.constant 200 : i32
      %lt3A_809 = arith.cmpi slt, %add3A_807, %lt3A_808 : i32
      %convert_element_type3A_810 = arith.extui %lt3A_809 : i1 to i32
      %cond3A_811 = arith.constant 0 : i32
      %cond3A_812 = arith.cmpi ne, %convert_element_type3A_810, %cond3A_811 : i32
      scf.if %cond3A_812 {
        %add3A_813 = arith.constant 4 : i32
        %add3A_814 = arith.addi %add3A_681, %add3A_813 : i32
        %dma_start3A_815 = arith.constant 3 : i32
        %dma_start3A_816 = arith.constant 0 : i32
        %dma_start3A_817 = arith.constant 0 : i32
        %dma_start3A_818 = tpu.memref_slice %arg6[%dma_start3A_815, %dma_start3A_816, %dma_start3A_817] : memref<4x128x64xf32, #tpu.memory_space<vmem>> -> memref<1x128x64xf32, #tpu.memory_space<vmem>>
        %dma_start3A_819 = tpu.memref_squeeze %dma_start3A_818 : memref<1x128x64xf32, #tpu.memory_space<vmem>> -> memref<128x64xf32, #tpu.memory_space<vmem>>
        %dma_start3A_820 = arith.constant 0 : i32
        %dma_start3A_821 = tpu.memref_slice %arg5[%add3A_814, %dma_start3A_820] : memref<200x128xi32, #tpu.memory_space<vmem>> -> memref<1x128xi32, #tpu.memory_space<vmem>>
        %dma_start3A_822 = tpu.memref_squeeze %dma_start3A_821 : memref<1x128xi32, #tpu.memory_space<vmem>> -> memref<128xi32, #tpu.memory_space<vmem>>
        %dma_start3A_823 = arith.constant 0 : i32
        %dma_start3A_824 = arith.constant 0 : i32
        %dma_start3A_825 = tpu.memref_slice %arg3[%dma_start3A_823, %dma_start3A_824] : memref<100000x64xf32, #tpu.memory_space<hbm>> -> memref<100000x64xf32, #tpu.memory_space<hbm>>
        tpu.enqueue_indirect_dma source(%dma_start3A_825 : memref<100000x64xf32, #tpu.memory_space<hbm>>) target(%dma_start3A_819 : memref<128x64xf32, #tpu.memory_space<vmem>>) offsets(%dma_start3A_822 : memref<128xi32, #tpu.memory_space<vmem>>) semaphore(%arg11 : memref<!tpu.dma_semaphore, #tpu.memory_space<semaphore_mem>>)
      } else {
      }
    }
    %scan3A_213 = arith.constant 50 : i32
    %dma_wait3A = arith.constant 0 : i32
    %dma_wait3A_214 = arith.constant 0 : i32
    %dma_wait3A_215 = arith.constant 0 : i32
    %dma_wait3A_216 = arith.constant 0 : i32
    %dma_wait3A_217 = tpu.memref_slice %arg7[%dma_wait3A, %dma_wait3A_215, %dma_wait3A_216] : memref<4x8x1024xf32, #tpu.memory_space<vmem>> -> memref<1x8x1024xf32, #tpu.memory_space<vmem>>
    %dma_wait3A_218 = tpu.memref_squeeze %dma_wait3A_217 : memref<1x8x1024xf32, #tpu.memory_space<vmem>> -> memref<8x1024xf32, #tpu.memory_space<vmem>>
    %dma_wait3A_219 = arith.constant 0 : i32
    %dma_wait3A_220 = arith.constant 0 : i32
    %dma_wait3A_221 = tpu.memref_slice %arg4[%dma_wait3A_214, %dma_wait3A_219, %dma_wait3A_220] : memref<1600x32x1024xf32, #tpu.memory_space<hbm>> -> memref<1x8x1024xf32, #tpu.memory_space<hbm>>
    %dma_wait3A_222 = tpu.memref_squeeze %dma_wait3A_221 : memref<1x8x1024xf32, #tpu.memory_space<hbm>> -> memref<8x1024xf32, #tpu.memory_space<hbm>>
    %dma_wait3A_223 = arith.constant 0 : i32
    %dma_wait3A_224 = arith.constant 0 : i32
    %dma_wait3A_225 = tpu.memref_slice %arg4[%dma_wait3A_214, %dma_wait3A_223, %dma_wait3A_224] : memref<1600x32x1024xf32, #tpu.memory_space<hbm>> -> memref<1x8x1024xf32, #tpu.memory_space<hbm>>
    %dma_wait3A_226 = tpu.memref_squeeze %dma_wait3A_225 : memref<1x8x1024xf32, #tpu.memory_space<hbm>> -> memref<8x1024xf32, #tpu.memory_space<hbm>>
    %dma_wait3A_227 = arith.constant 0 : i32
    %dma_wait3A_228 = arith.constant 0 : i32
    %dma_wait3A_229 = tpu.memref_slice %arg7[%dma_wait3A, %dma_wait3A_227, %dma_wait3A_228] : memref<4x8x1024xf32, #tpu.memory_space<vmem>> -> memref<1x8x1024xf32, #tpu.memory_space<vmem>>
    %dma_wait3A_230 = tpu.memref_squeeze %dma_wait3A_229 : memref<1x8x1024xf32, #tpu.memory_space<vmem>> -> memref<8x1024xf32, #tpu.memory_space<vmem>>
    tpu.wait_dma2 semaphore(%arg12 : memref<!tpu.dma_semaphore, #tpu.memory_space<semaphore_mem>>) src(%dma_wait3A_230 : memref<8x1024xf32, #tpu.memory_space<vmem>>) dst(%dma_wait3A_226 : memref<8x1024xf32, #tpu.memory_space<hbm>>)
    %dma_wait3A_231 = arith.constant 1 : i32
    %dma_wait3A_232 = arith.constant 0 : i32
    %dma_wait3A_233 = arith.constant 0 : i32
    %dma_wait3A_234 = arith.constant 0 : i32
    %dma_wait3A_235 = tpu.memref_slice %arg7[%dma_wait3A_231, %dma_wait3A_233, %dma_wait3A_234] : memref<4x8x1024xf32, #tpu.memory_space<vmem>> -> memref<1x8x1024xf32, #tpu.memory_space<vmem>>
    %dma_wait3A_236 = tpu.memref_squeeze %dma_wait3A_235 : memref<1x8x1024xf32, #tpu.memory_space<vmem>> -> memref<8x1024xf32, #tpu.memory_space<vmem>>
    %dma_wait3A_237 = arith.constant 0 : i32
    %dma_wait3A_238 = arith.constant 0 : i32
    %dma_wait3A_239 = tpu.memref_slice %arg4[%dma_wait3A_232, %dma_wait3A_237, %dma_wait3A_238] : memref<1600x32x1024xf32, #tpu.memory_space<hbm>> -> memref<1x8x1024xf32, #tpu.memory_space<hbm>>
    %dma_wait3A_240 = tpu.memref_squeeze %dma_wait3A_239 : memref<1x8x1024xf32, #tpu.memory_space<hbm>> -> memref<8x1024xf32, #tpu.memory_space<hbm>>
    %dma_wait3A_241 = arith.constant 0 : i32
    %dma_wait3A_242 = arith.constant 0 : i32
    %dma_wait3A_243 = tpu.memref_slice %arg4[%dma_wait3A_232, %dma_wait3A_241, %dma_wait3A_242] : memref<1600x32x1024xf32, #tpu.memory_space<hbm>> -> memref<1x8x1024xf32, #tpu.memory_space<hbm>>
    %dma_wait3A_244 = tpu.memref_squeeze %dma_wait3A_243 : memref<1x8x1024xf32, #tpu.memory_space<hbm>> -> memref<8x1024xf32, #tpu.memory_space<hbm>>
    %dma_wait3A_245 = arith.constant 0 : i32
    %dma_wait3A_246 = arith.constant 0 : i32
    %dma_wait3A_247 = tpu.memref_slice %arg7[%dma_wait3A_231, %dma_wait3A_245, %dma_wait3A_246] : memref<4x8x1024xf32, #tpu.memory_space<vmem>> -> memref<1x8x1024xf32, #tpu.memory_space<vmem>>
    %dma_wait3A_248 = tpu.memref_squeeze %dma_wait3A_247 : memref<1x8x1024xf32, #tpu.memory_space<vmem>> -> memref<8x1024xf32, #tpu.memory_space<vmem>>
    tpu.wait_dma2 semaphore(%arg13 : memref<!tpu.dma_semaphore, #tpu.memory_space<semaphore_mem>>) src(%dma_wait3A_248 : memref<8x1024xf32, #tpu.memory_space<vmem>>) dst(%dma_wait3A_244 : memref<8x1024xf32, #tpu.memory_space<hbm>>)
    %dma_wait3A_249 = arith.constant 2 : i32
    %dma_wait3A_250 = arith.constant 0 : i32
    %dma_wait3A_251 = arith.constant 0 : i32
    %dma_wait3A_252 = arith.constant 0 : i32
    %dma_wait3A_253 = tpu.memref_slice %arg7[%dma_wait3A_249, %dma_wait3A_251, %dma_wait3A_252] : memref<4x8x1024xf32, #tpu.memory_space<vmem>> -> memref<1x8x1024xf32, #tpu.memory_space<vmem>>
    %dma_wait3A_254 = tpu.memref_squeeze %dma_wait3A_253 : memref<1x8x1024xf32, #tpu.memory_space<vmem>> -> memref<8x1024xf32, #tpu.memory_space<vmem>>
    %dma_wait3A_255 = arith.constant 0 : i32
    %dma_wait3A_256 = arith.constant 0 : i32
    %dma_wait3A_257 = tpu.memref_slice %arg4[%dma_wait3A_250, %dma_wait3A_255, %dma_wait3A_256] : memref<1600x32x1024xf32, #tpu.memory_space<hbm>> -> memref<1x8x1024xf32, #tpu.memory_space<hbm>>
    %dma_wait3A_258 = tpu.memref_squeeze %dma_wait3A_257 : memref<1x8x1024xf32, #tpu.memory_space<hbm>> -> memref<8x1024xf32, #tpu.memory_space<hbm>>
    %dma_wait3A_259 = arith.constant 0 : i32
    %dma_wait3A_260 = arith.constant 0 : i32
    %dma_wait3A_261 = tpu.memref_slice %arg4[%dma_wait3A_250, %dma_wait3A_259, %dma_wait3A_260] : memref<1600x32x1024xf32, #tpu.memory_space<hbm>> -> memref<1x8x1024xf32, #tpu.memory_space<hbm>>
    %dma_wait3A_262 = tpu.memref_squeeze %dma_wait3A_261 : memref<1x8x1024xf32, #tpu.memory_space<hbm>> -> memref<8x1024xf32, #tpu.memory_space<hbm>>
    %dma_wait3A_263 = arith.constant 0 : i32
    %dma_wait3A_264 = arith.constant 0 : i32
    %dma_wait3A_265 = tpu.memref_slice %arg7[%dma_wait3A_249, %dma_wait3A_263, %dma_wait3A_264] : memref<4x8x1024xf32, #tpu.memory_space<vmem>> -> memref<1x8x1024xf32, #tpu.memory_space<vmem>>
    %dma_wait3A_266 = tpu.memref_squeeze %dma_wait3A_265 : memref<1x8x1024xf32, #tpu.memory_space<vmem>> -> memref<8x1024xf32, #tpu.memory_space<vmem>>
    tpu.wait_dma2 semaphore(%arg14 : memref<!tpu.dma_semaphore, #tpu.memory_space<semaphore_mem>>) src(%dma_wait3A_266 : memref<8x1024xf32, #tpu.memory_space<vmem>>) dst(%dma_wait3A_262 : memref<8x1024xf32, #tpu.memory_space<hbm>>)
    %dma_wait3A_267 = arith.constant 3 : i32
    %dma_wait3A_268 = arith.constant 0 : i32
    %dma_wait3A_269 = arith.constant 0 : i32
    %dma_wait3A_270 = arith.constant 0 : i32
    %dma_wait3A_271 = tpu.memref_slice %arg7[%dma_wait3A_267, %dma_wait3A_269, %dma_wait3A_270] : memref<4x8x1024xf32, #tpu.memory_space<vmem>> -> memref<1x8x1024xf32, #tpu.memory_space<vmem>>
    %dma_wait3A_272 = tpu.memref_squeeze %dma_wait3A_271 : memref<1x8x1024xf32, #tpu.memory_space<vmem>> -> memref<8x1024xf32, #tpu.memory_space<vmem>>
    %dma_wait3A_273 = arith.constant 0 : i32
    %dma_wait3A_274 = arith.constant 0 : i32
    %dma_wait3A_275 = tpu.memref_slice %arg4[%dma_wait3A_268, %dma_wait3A_273, %dma_wait3A_274] : memref<1600x32x1024xf32, #tpu.memory_space<hbm>> -> memref<1x8x1024xf32, #tpu.memory_space<hbm>>
    %dma_wait3A_276 = tpu.memref_squeeze %dma_wait3A_275 : memref<1x8x1024xf32, #tpu.memory_space<hbm>> -> memref<8x1024xf32, #tpu.memory_space<hbm>>
    %dma_wait3A_277 = arith.constant 0 : i32
    %dma_wait3A_278 = arith.constant 0 : i32
    %dma_wait3A_279 = tpu.memref_slice %arg4[%dma_wait3A_268, %dma_wait3A_277, %dma_wait3A_278] : memref<1600x32x1024xf32, #tpu.memory_space<hbm>> -> memref<1x8x1024xf32, #tpu.memory_space<hbm>>
    %dma_wait3A_280 = tpu.memref_squeeze %dma_wait3A_279 : memref<1x8x1024xf32, #tpu.memory_space<hbm>> -> memref<8x1024xf32, #tpu.memory_space<hbm>>
    %dma_wait3A_281 = arith.constant 0 : i32
    %dma_wait3A_282 = arith.constant 0 : i32
    %dma_wait3A_283 = tpu.memref_slice %arg7[%dma_wait3A_267, %dma_wait3A_281, %dma_wait3A_282] : memref<4x8x1024xf32, #tpu.memory_space<vmem>> -> memref<1x8x1024xf32, #tpu.memory_space<vmem>>
    %dma_wait3A_284 = tpu.memref_squeeze %dma_wait3A_283 : memref<1x8x1024xf32, #tpu.memory_space<vmem>> -> memref<8x1024xf32, #tpu.memory_space<vmem>>
    tpu.wait_dma2 semaphore(%arg15 : memref<!tpu.dma_semaphore, #tpu.memory_space<semaphore_mem>>) src(%dma_wait3A_284 : memref<8x1024xf32, #tpu.memory_space<vmem>>) dst(%dma_wait3A_280 : memref<8x1024xf32, #tpu.memory_space<hbm>>)
    return
  }
}

</mosaic_0001>

<sc_bundles>
// kernel: kernel.3.cloned.1.call-start
scs
__scs_entry_jumppad:
0x0: {  	(pc) =	sbr.rel $0x88, $3  }
0x1: {  	(tag) =	ssettag $0x0;
	lr =	simm.s32 $0x1  }
0x2: {  	[smem:$0x3F9F] =	sst lr;
	_ =	strace $0xD0000000  }
0x3: {  	_ = 	snop  }
0x4: {  	_ = 	snop  }
0x5: {  	_ = 	snop  }
0x6: {  	_ = 	snop  }
0x7: {  	_ = 	snop  }
__scs_overlays_trampoline_lowered:
0x8: {  	[smem:$0x3FAE] =	sst s0  }
0x9: {  	[smem:$0x3FAF] =	sst s1  }
0xa: {  	[smem:$0x3FB0] =	sst s2  }
0xb: {  	[smem:$0x3FB1] =	sst s3  }
0xc: {  	[smem:$0x3FB2] =	sst s4  }
0xd: {  	[smem:$0x3FB3] =	sst s5  }
0xe: {  	[smem:$0x3FB4] =	sst s6  }
0xf: {  	[smem:$0x3FB5] =	sst s7  }
0x10: {  	[smem:$0x3FB6] =	sst s8  }
0x11: {  	[smem:$0x3FB7] =	sst s9;
	s0 =	simm.s32 @!p0 $0x0  }
0x12: {  	s1 =	sld [smem:$0x3F9D];
	s0 =	simm.s32 @p0 $0x1  }
0x13: {  	[smem:$0x3FB8] =	sst s0;
	s0 =	simm.s32 @!p1 $0x0  }
0x14: {  	s2 =	sld [smem:$0x3F9C];
	s0 =	simm.s32 @p1 $0x1  }
0x15: {  	[smem:$0x3FB9] =	sst s0;
	s0 =	simm.s32 @!p2 $0x0  }
0x16: {  	s3 =	sld [smem:$0x3FDB];
	s0 =	simm.s32 @p2 $0x1  }
0x17: {  	s4 =	simm.s32 $0x1BF5;
	[smem:$0x3FBB] =	sst s0  }
0x18: {  	s0 =	sld [smem:$0x3F9E];
	_ =	swait.ge [sflag:s4], $0x0  }
0x19: {  	s7 =	sld [smem:$0x3F9F]  }
0x1a: {  	s8 =	sadd.s32 $0xFFFFE003, lr  }
0x1b: {  	s9 =	sadd.s32 $0xFFFFFEF7, lr;
	s5 =	simm.s32 $0xFFFFFFFF;
	p2 =	slt.u32 s8, $0xFFFFF086  }
0x1c: {  	p1 =	slt.u32 s9, $0xF7A;
	s5 =	simm.s32 @!p2 $0x0  }
0x1d: {  	s5 =	simm.s32 @p1 $0x1;
	p0 =	seq.s32 s7, s2  }
0x1e: {  	s7 =	smul.u32 @!p0 $0xF7A, s2;
	p2 =	seq.s32 @!p0 s5, $0x0  }
0x1f: {  	s9 =	smul.u32 $0xF7A, s1;
	s8 =	simm.s32 @!p0 $0x1BF5;
	p2 =	por !p2, p0  }
0x20: {  	[sflag:s8] =	ssyncset.s32 @!p0 $0xFFFFF086;
	s6 =	sadd.s32 @!p0 s3, s7;
	s7 =	simm.s32 @!p0 $0x108  }
0x21: {  	s3 =	sadd.s32 s3, s9;
	s6 =	sadd.s32 @!p0 $0x88, s6;
	s7 =	simm.s32 @p2 $0x1082  }
0x22: {  	[simem:s7], [sflag:s8] =	dma.local @!p0 [hbm:s6], $0xF7A  }
0x23: {  	s9 =	sor.u32 $0xD0000000, s2;
	s6 =	simm.s32 $0x108;
	_ =	swait.ge @!p0 [sflag:s8], $0x0  }
0x24: {  	s3 =	sadd.s32 $0x88, s3;
	s6 =	simm.s32 @!p1 $0x1082;
	[sflag:s4] =	ssyncset.s32 $0xFFFFF086  }
0x25: {  	[simem:s6], [sflag:s4] =	dma.local [hbm:s3], $0xF7A  }
0x26: {  	[smem:$0x3F9F] =	sst s1;
	(tag) =	ssettag s2;
	_ =	strace s9  }
0x27: {  	s1 =	sld [smem:$0x3FAF]  }
0x28: {  	s2 =	sld [smem:$0x3FB0]  }
0x29: {  	s4 =	sld [smem:$0x3FB2]  }
0x2a: {  	p0 =	seq.s32 s5, $0x0;
	s5 =	sld [smem:$0x3FB3]  }
0x2b: {  	s6 =	sld [smem:$0x3FB4]  }
0x2c: {  	s7 =	sld [smem:$0x3FB5]  }
0x2d: {  	s3 =	simm.s32 $0x108;
	s8 =	sld [smem:$0x3FB6]  }
0x2e: {  	s3 =	simm.s32 @!p0 $0x1082;
	s9 =	sld [smem:$0x3FB7]  }
0x2f: {  	lr =	sadd.s32 s0, s3;
	s0 =	sld [smem:$0x3FAE]  }
0x30: {  	s3 =	sld [smem:$0x3FB1]  }
0x31: {  	[smem:$0x3FBA] =	sst s10  }
0x32: {  	s10 =	sld [smem:$0x3FB8];
	_ =	sdelay $0x3  }
0x33: {  	p0 =	seq.s32 s10, $0x1;
	s10 =	sld [smem:$0x3FBA];
	_ =	sdelay $0x3  }
0x34: {  	[smem:$0x3FBA] =	sst s10  }
0x35: {  	s10 =	sld [smem:$0x3FB9];
	_ =	sdelay $0x3  }
0x36: {  	p1 =	seq.s32 s10, $0x1;
	s10 =	sld [smem:$0x3FBA];
	_ =	sdelay $0x3  }
0x37: {  	[smem:$0x3FBA] =	sst s10  }
0x38: {  	s10 =	sld [smem:$0x3FBB]  }
0x39: {  	_ = 	snop;
	(pc) =	sbr.ind lr, $3  }
0x3a: {  	_ = 	snop  }
0x3b: {  	_ = 	snop  }
0x3c: {  	p2 =	seq.s32 s10, $0x1;
	s10 =	sld [smem:$0x3FBA]  }
0x3d: {  	_ =	shalt  }
0x3e: {  	_ =	shalt  }
0x3f: {  	_ =	shalt  }
0x40: {  	_ =	shalt  }
0x41: {  	_ =	shalt  }
0x42: {  	_ =	shalt  }
0x43: {  	_ =	shalt  }
0x44: {  	_ =	shalt  }
0x45: {  	_ =	shalt  }
0x46: {  	_ =	shalt  }
0x47: {  	_ =	shalt  }
0x48: {  	_ =	shalt  }
0x49: {  	_ =	shalt  }
0x4a: {  	_ =	shalt  }
0x4b: {  	_ =	shalt  }
0x4c: {  	_ =	shalt  }
0x4d: {  	_ =	shalt  }
0x4e: {  	_ =	shalt  }
0x4f: {  	_ =	shalt  }
0x50: {  	_ =	shalt  }
0x51: {  	_ =	shalt  }
0x52: {  	_ =	shalt  }
0x53: {  	_ =	shalt  }
0x54: {  	_ =	shalt  }
0x55: {  	_ =	shalt  }
0x56: {  	_ =	shalt  }
0x57: {  	_ =	shalt  }
0x58: {  	_ =	shalt  }
0x59: {  	_ =	shalt  }
0x5a: {  	_ =	shalt  }
0x5b: {  	_ =	shalt  }
0x5c: {  	_ =	shalt  }
0x5d: {  	_ =	shalt  }
0x5e: {  	_ =	shalt  }
0x5f: {  	_ =	shalt  }
0x60: {  	_ =	shalt  }
0x61: {  	_ =	shalt  }
0x62: {  	_ =	shalt  }
0x63: {  	_ =	shalt  }
0x64: {  	_ =	shalt  }
0x65: {  	_ =	shalt  }
0x66: {  	_ =	shalt  }
0x67: {  	_ =	shalt  }
0x68: {  	_ =	shalt  }
0x69: {  	_ =	shalt  }
0x6a: {  	_ =	shalt  }
0x6b: {  	_ =	shalt  }
0x6c: {  	_ =	shalt  }
0x6d: {  	_ =	shalt  }
0x6e: {  	_ =	shalt  }
0x6f: {  	_ =	shalt  }
0x70: {  	_ =	shalt  }
0x71: {  	_ =	shalt  }
0x72: {  	_ =	shalt  }
0x73: {  	_ =	shalt  }
0x74: {  	_ =	shalt  }
0x75: {  	_ =	shalt  }
0x76: {  	_ =	shalt  }
0x77: {  	_ =	shalt  }
0x78: {  	_ =	shalt  }
0x79: {  	_ =	shalt  }
0x7a: {  	_ =	shalt  }
0x7b: {  	_ =	shalt  }
0x7c: {  	_ =	shalt  }
0x7d: {  	_ =	shalt  }
0x7e: {  	_ =	shalt  }
0x7f: {  	_ =	shalt  }
0x80: {  	_ =	shalt  }
0x81: {  	_ =	shalt  }
0x82: {  	_ =	shalt  }
0x83: {  	_ =	shalt  }
0x84: {  	_ =	shalt  }
0x85: {  	_ =	shalt  }
0x86: {  	_ =	shalt  }
0x87: {  	_ =	shalt  }
.Lfunc_end0:
.L_simem_size_0:
called_computation_lowered:
.L_overlay_start_0:
0x88: {  	s2 =	sld [smem:$0x3FD9]  }
0x89: {  	s3 =	sld [smem:$0x3FFE];
	_ =	sdelay $0x1  }
0x8a: {  	s1 =	srdreg.scid  }
0x8b: {  	s0 =	sand.u32 $0x1, s1  }
0x8c: {  	s17 =	sshll.u32 s0, $0xA;
	s2 =	sadd.s32 s3, s2  }
0x8d: {  	s2 =	sadd.s32 s2, s17  }
0x8e: {  	[smem:$0x3FC6] =	sst s2  }
0x8f: {  	_ = 	snop  }
0x90: {  	s2 =	sld [smem:$0x3FD0];
	(tm) =	ssettm $0x1  }
0x91: {  	s18 =	sld [smem:$0x3FFB];
	_ =	sdelay $0x3  }
0x92: {  	_ =	strace s18  }
0x93: {  	s3 =	sld [smem:$0x3FFC];
	_ =	sdelay $0x3  }
0x94: {  	_ =	strace s3  }
0x95: {  	s3 =	sld [smem:$0x3FFD];
	_ =	sdelay $0x3  }
0x96: {  	_ =	strace s3  }
0x97: {  	_ =	strace $0x8FFFFFFF  }
0x98: {  	s19 =	sld [smem:$0x3FDB];
	_ =	sdelay $0x1  }
0x99: {  	s4 =	simm.s32 $_scs_section_size  }
0x9a: {  	s5 =	simm.s32 $_size__tile_overlayer_lowered;
	s6 =	simm.s32 $_tile_overlayer_lowered  }
0x9b: {  	s22 =	simm.s32 $0x1BFF;
	s21 =	sshll.u32 s6, $0x1;
	s3 =	sadd.s32 s4, s19  }
0x9c: {  	s7 =	simm.s32 $0x0;
	s20 =	sshll.u32 s5, $0x1;
	s5 =	sadd.s32 s21, s3  }
0x9d: {  	[timem:s7], [sflag:s22] =	dma.local [hbm:s5], s20  }
0x9e: {  	_ =	swait.ge [sflag:s22], s20  }
0x9f: {  	s4 =	ssub.s32 $0x0, s20;
	[sflag:s22] =	ssyncset.done $0x0  }
0xa0: {  	[sflag:s22] =	ssyncadd.s32 s4;
	_ =	sdelay $0x1  }
0xa1: {  	s23 =	simm.s32 $0x1B8B  }
0xa2: {  	_ =	swait.ge [sflag:s23], $0x1  }
0xa3: {  	[sflag:s23] =	ssyncset.done $0x0  }
0xa4: {  	s25 =	simm.s32 $0x1B8E;
	s24 =	sld [smem:$0x3FFE];
	[sflag:s23] =	ssyncadd.s32 $0xFFFFFFFF  }
0xa5: {  	s26 =	simm.s32 $execute0_lowered;
	[smem:$0x3FD2] =	sst s25  }
0xa6: {  	s5 =	sshll.u32 s26, $0x1;
	_ =	strace $0x80000046;
	[dreg:$0x1] =	wrdreg $0xFFFFFFFF  }
0xa7: {  	s28 =	simm.s32 $_size_execute0_lowered;
	s3 =	sadd.s32 s3, s5;
	[dreg:$0x0] =	wrdreg $0x0  }
0xa8: {  	s5 =	sshll.u32 s28, $0x1;
	[dreg:$0x2] =	wrdreg s3  }
0xa9: {  	[dreg:$0x3] =	wrdreg s5  }
0xaa: {  	[dreg:$0x4] =	wrdreg $0xC0  }
0xab: {  	_ =	task [dreg:s7], $0x5FFFF  }
0xac: {  	[dreg:$0x1] =	wrdreg $0xFFFFFFFF  }
0xad: {  	[dreg:$0x0] =	wrdreg $0x60  }
0xae: {  	[dreg:$0x2] =	wrdreg s24  }
0xaf: {  	[dreg:$0x3] =	wrdreg s2  }
0xb0: {  	[dreg:$0x4] =	wrdreg $0x9  }
0xb1: {  	_ =	task.clear_ibuf [dreg:s7], $0x5FFFF;
	_ =	strace $0x90000046  }
0xb2: {  	s29 =	simm.s32 $0x9;
	_ =	strace $0x80000048  }
0xb3: {  	_ =	swait.ge [sflag:s29], $0x1  }
0xb4: {  	[sflag:s29] =	ssyncadd.s32 $0xFFFFFFFF  }
0xb5: {  	_ =	strace $0x90000048  }
0xb6: {  	_ =	sfence  }
0xb7: {  	s30 =	sld [smem:$0x0];
	_ =	sdelay $0x2  }
0xb8: {  	s31 =	sshll.u32 s1, $0xD;
	s1 =	sshrl.u32 s1, $0x2  }
0xb9: {  	s3 =	sand.u32 $0x4000, s31;
	s1 =	sadd.s32 s1, s30  }
0xba: {  	s0 =	sor.u32 s3, s0;
	s1 =	sshll.u32 s1, $0x11  }
0xbb: {  	s0 =	sor.u32 s1, s0  }
0xbc: {  	s0 =	sadd.s32 $0x8F2B, s0  }
0xbd: {  	[sflag:s0] =	ssyncadd.remote.s32 $0x1  }
0xbe: {  	_ =	sfence.sel $0xFFFF  }
0xbf: {  	[dreg:$0x0] =	wrdreg $0xFFFFFFFF;
	(pc) =	sbr.abs _section_cstart, $3  }
0xc0: {  	[dreg:$0x1] =	wrdreg $0xFFFFFFFF  }
0xc1: {  	_ =	task.clear_ibuf [dreg:s7], $0x2FFFF;
	_ =	strace $0x9FFFFFFF  }
0xc2: {  	(tm) =	ssettm $0x7FFFFFFF  }
0xc3: {  	_ =	shalt  }
tec
execute0_lowered:
.L_overlay_start_1:
0x0: {  	(tag) =	ssettag $0x1  }
0x1: {  	s3 =	stileid.u32  }
0x2: {  	s0 =	rddreg [dreg:$0x0];
	v59 =	vlaneseq.u32;
	s4 =	sshll.u32 s3, $0x1;
	s3 =	simm.s32 $0x0  }
0x3: {  	v62 =	vmul.u32 $0x40, v59;
	v0 =	vor.u32 $0x30, v59;
	[smem:$0x7FF] =	sst s3  }
0x4: {  	s2 =	rddreg [dreg:$0x1];
	_ =	strace $0x80000047;
	[tilespmem:$0x1FF00] =	vst v0  }
0x5: {  	v19 =	vor.u32 $0x10, v59;
	[tilespmem:$0x1FF20] =	vst v62  }
0x6: {  	v23 =	vor.u32 $0x20, v59;
	[tilespmem:$0x1FF40] =	vst v19  }
0x7: {  	v51 =	vor.u32 $0x40, v59;
	[tilespmem:$0x1FF60] =	vst v23  }
0x8: {  	s1 =	srdreg.scid;
	s12 =	simm.s32 $0x80;
	v57 =	vor.u32 $0x50, v59;
	[tilespmem:$0x1FF90] =	vst v51  }
0x9: {  	s13 =	simm.s32 $0x6400;
	s14 =	simm.s32 $0x8400;
	s16 =	simm.s32 $0xA400;
	v37 =	vor.u32 $0x60, v59;
	[tilespmem:$0x1FFA0] =	vst v57  }
0xa: {  	s18 =	simm.s32 $0xC400;
	s19 =	simm.s32 $0x1;
	s20 =	simm.s32 $0xE400;
	v31 =	vor.u32 $0x70, v59;
	[tilespmem:$0x1FFC0] =	vst v37  }
0xb: {  	s21 =	simm.s32 $0x2;
	s22 =	simm.s32 $0x6;
	s1 =	sand.u32 $0x1, s1;
	v28 =	vand.u32 $0x7, v59;
	[tilespmem:$0x1FFE0] =	vst v31  }
0xc: {  	s23 =	simm.s32 $0x10400;
	s24 =	simm.s32 $0x3;
	s4 =	sor.u32 s1, s4;
	v63 =	vor.u32 $0x1400, v62;
	[tilespmem:$0x1FFF0] =	vst v28  }
0xd: {  	s25 =	simm.s32 $0x7;
	s28 =	simm.s32 $0x4;
	s5 =	smul.u32 $0xC80, s4;
	v21 =	vor.u32 $0x400, v62;
	[tilespmem:$0x1FF10] =	vst v63  }
0xe: {  	s29 =	simm.s32 $0x8;
	s1 =	ssub.s32 $0x2, s1;
	s4 =	smul.u32 $0xC8, s4;
	v34 =	vor.u32 $0x800, v62;
	[tilespmem:$0x1FF30] =	vst v21  }
.Ltmp0:
0xf: {  	s30 =	simm.s32 $0x14400;
	s26 =	sshrl.u32 s1, $0x1;
	v24 =	vor.u32 $0xC00, v62;
	[tilespmem:$0x1FF50] =	vst v34;
	(pc) =	sbr.rel .LBB2_1-.Ltmp0, $4  }
0x10: {  	v36 =	vor.u32 $0x1000, v62;
	[tilespmem:$0x1FF70] =	vst v24;
	s6 =	sadd.s32 s5, s0;
	s5 =	sadd.s32 $0x19400, s0;
	s0 =	ssub.s32 s1, s26  }
0x11: {  	v54 =	vor.u32 $0x1800, v62;
	[tilespmem:$0x1FF80] =	vst v36;
	s7 =	sor.u32 $0x1, s4;
	s8 =	sor.u32 $0x2, s4;
	s31 =	sadd.s32 $0x400, s6  }
0x12: {  	v52 =	vor.u32 $0x1C00, v62;
	[tilespmem:$0x1FFB0] =	vst v54;
	s9 =	sor.u32 $0x3, s4;
	s0 =	smax.u32 s0, $0x1;
	[dreg:$0x3] =	wrdreg s31  }
0x13: {  	[tilespmem:$0x1FFD0] =	vst v52;
	s26 =	simm.s32 $0x12400;
	s1 =	simm.s32 $0x0;
	[dreg:$0x4] =	wrdreg s0  }
.LBB2_24:
0x14: {  	s0 =	simm.s32 $0x5  }
0x15: {  	_ =	swait.ge [sflag:s0], $0x2000  }
0x16: {  	[sflag:s0] =	ssyncset.done $0x0  }
0x17: {  	[sflag:s0] =	ssyncadd.s32 $0xFFFFE000  }
0x18: {  	_ =	swait.ge [sflag:s22], $0x2000  }
0x19: {  	[sflag:s22] =	ssyncset.done $0x0  }
0x1a: {  	[sflag:s22] =	ssyncadd.s32 $0xFFFFE000  }
0x1b: {  	_ =	swait.ge [sflag:s25], $0x2000  }
0x1c: {  	[sflag:s25] =	ssyncset.done $0x0  }
0x1d: {  	[sflag:s25] =	ssyncadd.s32 $0xFFFFE000  }
0x1e: {  	_ =	swait.ge [sflag:s29], $0x2000  }
0x1f: {  	v62 =	vld [tilespmem:$0x1FF20]  }
0x20: {  	v21 =	vld [tilespmem:$0x1FF30]  }
0x21: {  	s1 =	sadd.s32 $0x1, s1;
	s31 =	rddreg [dreg:$0x4];
	v19 =	vld [tilespmem:$0x1FF40]  }
0x22: {  	v23 =	vld [tilespmem:$0x1FF60];
	p0 =	sne.s32 s1, s31  }
.Ltmp1:
0x23: {  	v24 =	vld [tilespmem:$0x1FF70];
	(pc) =	sbr.rel @!p0 .LBB2_25-.Ltmp1, $4  }
0x24: {  	v51 =	vld [tilespmem:$0x1FF90]  }
0x25: {  	v57 =	vld [tilespmem:$0x1FFA0]  }
0x26: {  	[sflag:s29] =	ssyncset.done $0x0;
	v54 =	vld [tilespmem:$0x1FFB0]  }
0x27: {  	v59 =	vlaneseq.u32;
	v52 =	vld [tilespmem:$0x1FFD0];
	[sflag:s29] =	ssyncadd.s32 $0xFFFFE000  }
.LBB2_1:
0x28: {  	s0 =	rddreg [dreg:$0x3];
	s15 =	simm.s32 $0x9  }
0x29: {  	[tilespmem:s3], [sflag:$0x9] =	stream.linear.gather [hbm4b:s0+s3], $0x6400, $0x38;
	[tilespmem:$0x16400] =	vst v63  }
0x2a: {  	_ =	swait.ge [sflag:s15], $0x6400  }
0x2b: {  	[sflag:s15] =	ssyncset.done $0x0  }
0x2c: {  	[sflag:s15] =	ssyncadd.s32 $0xFFFF9C00  }
0x2d: {  	[tilespmem:s13], [sflag:$0x1] =	stream.indirect.gather [hbm4b:s5+s12], $0x40, s3, s12, $0xb8;
	[tilespmem:$0x16400] =	vst v63  }
0x2e: {  	_ = 	snop  }
0x2f: {  	[tilespmem:s14], [sflag:$0x2] =	stream.indirect.gather [hbm4b:s5+s12], $0x40, s12, s12, $0xb8;
	[tilespmem:$0x16400] =	vst v63  }
0x30: {  	s17 =	simm.s32 $0x100  }
0x31: {  	[tilespmem:s16], [sflag:$0x3] =	stream.indirect.gather [hbm4b:s5+s12], $0x40, s17, s12, $0xb8;
	[tilespmem:$0x16400] =	vst v63  }
0x32: {  	s31 =	simm.s32 $0x180;
	s0 =	simm.s32 $0x0  }
0x33: {  	[tilespmem:s18], [sflag:$0x4] =	stream.indirect.gather [hbm4b:s5+s12], $0x40, s31, s12, $0xb8;
	[tilespmem:$0x16400] =	vst v63  }
.LBB2_2:
0x34: {  	s6 =	simm.s32 $0x0  }
0x35: {  	s15 =	sand.u32 $0xC, s6  }
0x36: {  	s17 =	sor.u32 $0x1, s15;
	s10 =	sor.u32 $0x2, s15  }
0x37: {  	v0 =	vadd.s32 s15, v59;
	s15 =	sor.u32 $0x3, s15;
	v1 =	vadd.s32 s17, v59;
	v3 =	vadd.s32 s10, v59  }
0x38: {  	s6 =	sand.u32 $0x30, s6;
	v2 =	vand.u32 $0xF, v0;
	v5 =	vadd.s32 s15, v59;
	v6 =	vand.u32 $0xF, v3  }
0x39: {  	v10 =	vand.u32 $0x7, v0;
	v14 =	vshll.u32 v0, $0x7;
	v6 =	vor.u32 s6, v6  }
0x3a: {  	v9 =	vand.u32 $0x7, v3;
	v0 =	vor.u32 v31, v14;
	v12 =	vand.u32 $0x38, v6  }
0x3b: {  	v4 =	vand.u32 $0xF, v1;
	v0 =	vand.u32 $0x3F8, v0;
	v9 =	vor.u32 v9, v12  }
0x3c: {  	v2 =	vor.u32 s6, v2;
	v17 =	vor.u32 s6, v4;
	[tilespmem:$0x1FE10] =	vst v0;
	v0 =	vor.u32 v36, v9  }
0x3d: {  	v7 =	vshll.u32 v1, $0x7;
	v1 =	vand.u32 $0x7, v1;
	v4 =	vand.u32 $0x38, v17  }
0x3e: {  	v63 =	vmovc v19;
	v15 =	vshll.u32 v5, $0x7;
	v8 =	vand.u32 $0x38, v2;
	v25 =	vor.u32 v1, v4  }
0x3f: {  	v1 =	vshll.u32 v2, $0x7;
	v2 =	vshll.u32 v6, $0x7;
	v6 =	vor.u32 v63, v7;
	[tilespmem:$0x1FDE0] =	vst v0;
	v0 =	vmovc v23  }
0x40: {  	v30 =	vand.u32 $0x398, v6;
	v6 =	vor.u32 v0, v15  }
0x41: {  	v38 =	vand.u32 $0x3A8, v6;
	v6 =	vld [tilespmem:$0x1FFE0];
	_ =	sdelay $0x1  }
0x42: {  	v4 =	vor.u32 v19, v14;
	v1 =	vand.u32 $0x1C00, v1  }
0x43: {  	v2 =	vand.u32 $0x1C00, v2;
	v19 =	vand.u32 $0x398, v4;
	v35 =	vor.u32 v28, v1  }
0x44: {  	v56 =	vld [tilespmem:$0x1FF10];
	v4 =	vor.u32 v28, v2;
	v2 =	vor.u32 v63, v15;
	v1 =	vor.u32 v24, v25  }
0x45: {  	v13 =	vand.u32 $0x398, v2;
	v2 =	vshll.u32 v17, $0x7;
	v17 =	vmovc v0;
	v0 =	vmovc v24;
	v24 =	vor.u32 v6, v7;
	v6 =	vld [tilespmem:$0x1FF50]  }
0x46: {  	v27 =	vor.u32 v10, v8;
	v10 =	vand.u32 $0xF, v5  }
0x47: {  	v10 =	vor.u32 s6, v10;
	v2 =	vand.u32 $0x1C00, v2  }
0x48: {  	v5 =	vand.u32 $0x7, v5;
	v33 =	vor.u32 v28, v2;
	v2 =	vand.u32 $0x38, v10  }
0x49: {  	v5 =	vor.u32 v5, v2  }
0x4a: {  	v61 =	vmov v28;
	v28 =	vor.u32 v6, v9;
	v6 =	vor.u32 v56, v5  }
0x4b: {  	[tilespmem:$0x1FCE0] =	vst v6;
	v6 =	vor.u32 v52, v5  }
0x4c: {  	[tilespmem:$0x1FCF0] =	vst v6;
	v6 =	vor.u32 v54, v5  }
0x4d: {  	v16 =	vor.u32 v59, v15;
	[tilespmem:$0x1FD00] =	vst v6;
	v6 =	vld [tilespmem:$0x1FF50]  }
0x4e: {  	v11 =	vor.u32 v59, v7  }
0x4f: {  	v18 =	vand.u32 $0x388, v11;
	v11 =	vshll.u32 v3, $0x7  }
0x50: {  	v58 =	vld [tilespmem:$0x1FF00];
	v3 =	vor.u32 v23, v7;
	v12 =	vor.u32 v23, v14;
	v23 =	vand.u32 $0x388, v16;
	v16 =	vmovc v21  }
0x51: {  	v50 =	vor.u32 v59, v14;
	v31 =	vor.u32 v37, v15;
	[tilespmem:$0x1FD90] =	vst v1;
	v1 =	vor.u32 v16, v5  }
0x52: {  	v8 =	vor.u32 v59, v11;
	v3 =	vand.u32 $0x3A8, v3;
	[tilespmem:$0x1FDC0] =	vst v1;
	v1 =	vor.u32 v6, v5  }
0x53: {  	v53 =	vor.u32 v62, v27;
	v42 =	vor.u32 v3, v33;
	v3 =	vor.u32 v57, v15;
	[tilespmem:$0x1FE00] =	vst v1  }
0x54: {  	v22 =	vand.u32 $0x3A8, v12;
	v43 =	vand.u32 $0x3D8, v3;
	v3 =	vand.u32 $0x3F8, v24;
	_ =	swait.ge [sflag:s19], $0x2000  }
0x55: {  	p0 =	seq.s32 s0, $0x0;
	v29 =	vor.u32 v62, v25;
	v12 =	vor.u32 v58, v15;
	v3 =	vor.u32 v3, v33;
	[sflag:s19] =	ssyncset.done $0x0  }
0x56: {  	s6 =	simm.s32 @!p0 $0x5;
	v8 =	vand.u32 $0x388, v8;
	v39 =	vor.u32 v34, v25;
	v40 =	vand.u32 $0x3B8, v12;
	[tilespmem:$0x1FD10] =	vst v3;
	[sflag:s19] =	ssyncadd.s32 $0xFFFFE000  }
0x57: {  	v36 =	vor.u32 v8, v4;
	v8 =	vor.u32 v58, v7;
	v34 =	vor.u32 v19, v35;
	_ =	swait.ge @!p0 [sflag:s6], $0x2000  }
0x58: {  	v55 =	vmovc v37;
	v19 =	vor.u32 v57, v7;
	v2 =	vor.u32 v63, v11;
	v12 =	vor.u32 v0, v9;
	[sflag:s6] =	ssyncset.done @!p0 $0x0  }
0x59: {  	v46 =	vor.u32 v0, v27;
	v1 =	vmovc v0;
	v3 =	vor.u32 v51, v7;
	v0 =	vor.u32 v52, v25;
	[sflag:s6] =	ssyncadd.s32 @!p0 $0xFFFFE000  }
0x5a: {  	v8 =	vand.u32 $0x3B8, v8;
	v7 =	vor.u32 v55, v7;
	v37 =	vld.idx.msk [tilespmem:v53+s13+$0x0], $0xffff;
	[tilespmem:$0x1FEC0] =	vst v0;
	v0 =	vor.u32 v52, v27  }
0x5b: {  	v2 =	vand.u32 $0x398, v2;
	v7 =	vand.u32 $0x3E8, v7;
	[tilespmem:$0x1FE30] =	vst v0;
	v0 =	vor.u32 v54, v25  }
0x5c: {  	v24 =	vor.u32 v8, v33;
	v8 =	vor.u32 v58, v14;
	[tilespmem:$0x1FE20] =	vst v0;
	v0 =	vor.u32 v7, v33  }
0x5d: {  	v45 =	vor.u32 v18, v33;
	v47 =	vor.u32 v2, v4;
	v2 =	vand.u32 $0x3B8, v8;
	[tilespmem:$0x1FE50] =	vst v0  }
0x5e: {  	v18 =	vand.u32 $0x388, v50;
	v48 =	vor.u32 v2, v35;
	v2 =	vor.u32 v56, v9;
	v29 =	vld.idx.msk [tilespmem:v29+s13+$0x0], $0xffff  }
0x5f: {  	v18 =	vor.u32 v18, v35;
	[tilespmem:$0x1FED0] =	vst v2;
	v2 =	vld [tilespmem:$0x1FF80]  }
0x60: {  	v44 =	vor.u32 v16, v27  }
0x61: {  	v3 =	vand.u32 $0x3C8, v3  }
0x62: {  	v49 =	vand.u32 $0x3D8, v19;
	v8 =	vor.u32 v17, v11;
	v19 =	vor.u32 v3, v33  }
0x63: {  	v3 =	vand.u32 $0x3A8, v8;
	v8 =	vor.u32 v22, v35;
	v22 =	vor.u32 v55, v14  }
0x64: {  	v7 =	vmov v55;
	[tilespmem:v18+s20+$0x0] =	vst.idx.msk $0xffff, v37;
	v55 =	vor.u32 v2, v25;
	v2 =	vor.u32 v52, v9  }
0x65: {  	v44 =	vld.idx.msk [tilespmem:v44+s13+$0x0], $0xffff;
	[tilespmem:$0x1FD20] =	vst v2;
	v2 =	vor.u32 v54, v9  }
0x66: {  	[tilespmem:$0x1FD30] =	vst v2;
	v2 =	vld [tilespmem:$0x1FF50];
	_ =	sdelay $0x3  }
0x67: {  	[tilespmem:v45+s20+$0x0] =	vst.idx.msk $0xffff, v29  }
0x68: {  	v30 =	vor.u32 v30, v33;
	v18 =	vor.u32 v49, v33;
	v33 =	vor.u32 v2, v27;
	v2 =	vld [tilespmem:$0x1FF80];
	_ =	sdelay $0x1  }
0x69: {  	v26 =	vor.u32 v62, v9  }
0x6a: {  	v32 =	vor.u32 v21, v25;
	v0 =	vor.u32 v57, v14  }
0x6b: {  	v29 =	vand.u32 $0x3D8, v0;
	v0 =	vor.u32 v1, v5  }
0x6c: {  	[tilespmem:$0x1FE60] =	vst v0;
	v0 =	vor.u32 v2, v5  }
0x6d: {  	v45 =	vor.u32 v29, v35;
	v29 =	vor.u32 v57, v11;
	[tilespmem:$0x1FEE0] =	vst v0  }
0x6e: {  	v29 =	vand.u32 $0x3D8, v29;
	v26 =	vld.idx.msk [tilespmem:v26+s13+$0x0], $0xffff  }
0x6f: {  	v2 =	vor.u32 v29, v4;
	v32 =	vld.idx.msk [tilespmem:v32+s13+$0x0], $0xffff;
	[tilespmem:v34+s20+$0x0] =	vst.idx.msk $0xffff, v44  }
0x70: {  	[tilespmem:$0x1FD40] =	vst v2;
	v2 =	vld [tilespmem:$0x1FFE0];
	_ =	sdelay $0x2  }
0x71: {  	v20 =	vor.u32 v51, v14  }
0x72: {  	v20 =	vand.u32 $0x3C8, v20;
	v10 =	vshll.u32 v10, $0x7  }
0x73: {  	v41 =	vor.u32 v16, v9;
	v50 =	vor.u32 v51, v15;
	v15 =	vor.u32 v2, v15;
	v2 =	vld [tilespmem:$0x1FF80]  }
0x74: {  	v6 =	vand.u32 $0x1C00, v10;
	v14 =	vand.u32 $0x3E8, v22;
	v22 =	vor.u32 v58, v11  }
0x75: {  	v10 =	vor.u32 v3, v4;
	v53 =	vor.u32 v51, v11;
	v60 =	vand.u32 $0x3B8, v22  }
0x76: {  	v22 =	vor.u32 v54, v27;
	v49 =	vor.u32 v60, v4;
	v60 =	vor.u32 v7, v11  }
0x77: {  	v3 =	vmovc v51;
	v37 =	vor.u32 v56, v25;
	v51 =	vand.u32 $0x3E8, v60;
	v44 =	vor.u32 v56, v27  }
0x78: {  	v56 =	vor.u32 v20, v35;
	v54 =	vor.u32 v2, v27;
	v2 =	vor.u32 v51, v4  }
0x79: {  	v34 =	vor.u32 v61, v6;
	v29 =	vld.idx.msk [tilespmem:v33+s13+$0x0], $0xffff;
	v20 =	vand.u32 $0x3F8, v15;
	v15 =	vand.u32 $0x3C8, v50;
	[tilespmem:$0x1FD50] =	vst v2  }
0x7a: {  	v2 =	vor.u32 v15, v34;
	[tilespmem:v36+s20+$0x0] =	vst.idx.msk $0xffff, v26  }
0x7b: {  	v31 =	vand.u32 $0x3E8, v31;
	[tilespmem:$0x1FD60] =	vst v2  }
0x7c: {  	v2 =	vor.u32 v31, v34;
	[tilespmem:v30+s20+$0x0] =	vst.idx.msk $0xffff, v32  }
0x7d: {  	v50 =	vor.u32 v23, v34;
	v23 =	vld.idx.msk [tilespmem:v41+s13+$0x0], $0xffff;
	[tilespmem:$0x1FD70] =	vst v2  }
0x7e: {  	[tilespmem:v8+s20+$0x0] =	vst.idx.msk $0xffff, v29  }
0x7f: {  	v2 =	vld [tilespmem:$0x1FFE0]  }
0x80: {  	s17 =	simm.s32 $0x4  }
0x81: {  	s6 =	sand.u32 $0xC, s17  }
0x82: {  	s31 =	sor.u32 $0x1, s6;
	v0 =	vor.u32 v40, v34;
	v36 =	vadd.s32 s6, v59;
	v31 =	vld.idx.msk [tilespmem:v39+s13+$0x0], $0xffff  }
0x83: {  	v27 =	vor.u32 v38, v34;
	v15 =	vand.u32 $0xF, v36;
	v30 =	vadd.s32 s31, v59;
	s31 =	sand.u32 $0x30, s17  }
0x84: {  	v38 =	vor.u32 s31, v15;
	[tilespmem:$0x1FEA0] =	vst v0;
	v15 =	vor.u32 v2, v11;
	v2 =	vor.u32 v43, v34  }
0x85: {  	v40 =	vld.idx.msk [tilespmem:v46+s13+$0x0], $0xffff;
	[tilespmem:$0x1FD80] =	vst v2  }
0x86: {  	[tilespmem:v47+s20+$0x0] =	vst.idx.msk $0xffff, v23  }
0x87: {  	[tilespmem:v42+s20+$0x0] =	vst.idx.msk $0xffff, v31  }
0x88: {  	v0 =	vld [tilespmem:$0x1FD90];
	_ =	sdelay $0x1  }
0x89: {  	v21 =	vor.u32 v62, v5;
	_ =	sdelay $0x4  }
0x8a: {  	v41 =	vshll.u32 v36, $0x7;
	v46 =	vld.idx.msk [tilespmem:v21+s13+$0x0], $0xffff  }
0x8b: {  	v9 =	vmov v1;
	v1 =	vor.u32 v13, v34;
	v13 =	vld.idx.msk [tilespmem:v0+s13+$0x0], $0xffff;
	v0 =	vor.u32 v3, v41  }
0x8c: {  	v31 =	vld.idx.msk [tilespmem:v28+s13+$0x0], $0xffff;
	[tilespmem:$0x1FEF0] =	vst v0  }
0x8d: {  	[tilespmem:v48+s20+$0x0] =	vst.idx.msk $0xffff, v40  }
0x8e: {  	v2 =	vld [tilespmem:$0x1FFE0];
	_ =	sdelay $0x4  }
0x8f: {  	v28 =	vor.u32 v2, v41  }
0x90: {  	v0 =	vand.u32 $0x3F8, v28  }
0x91: {  	[tilespmem:$0x1FDA0] =	vst v0  }
0x92: {  	[tilespmem:v50+s20+$0x0] =	vst.idx.msk $0xffff, v46  }
0x93: {  	[tilespmem:v10+s20+$0x0] =	vst.idx.msk $0xffff, v31  }
0x94: {  	s11 =	sor.u32 $0x2, s6;
	v31 =	vld [tilespmem:$0x1FFE0];
	[tilespmem:v24+s20+$0x0] =	vst.idx.msk $0xffff, v13  }
0x95: {  	v25 =	vand.u32 $0x3C8, v53;
	v32 =	vadd.s32 s11, v59;
	v47 =	vand.u32 $0x7, v36;
	v36 =	vld [tilespmem:$0x1FF80]  }
0x96: {  	v25 =	vor.u32 v25, v4;
	v29 =	vand.u32 $0xF, v32  }
0x97: {  	v51 =	vand.u32 $0xF, v30;
	v60 =	vand.u32 $0x7, v32;
	v29 =	vor.u32 s31, v29;
	v40 =	vld.idx.msk [tilespmem:v54+s13+$0x0], $0xffff  }
0x98: {  	v39 =	vshll.u32 v30, $0x7;
	v43 =	vor.u32 s31, v51;
	v21 =	vand.u32 $0x38, v29  }
0x99: {  	v5 =	vmovc v4;
	v4 =	vmovc v17;
	v30 =	vand.u32 $0x7, v30;
	v21 =	vor.u32 v60, v21;
	v60 =	vand.u32 $0x38, v43  }
0x9a: {  	v42 =	vor.u32 v30, v60;
	v30 =	vor.u32 v17, v41;
	v17 =	vld.idx.msk [tilespmem:v12+s13+$0x0], $0xffff;
	v0 =	vor.u32 v36, v21  }
0x9b: {  	v50 =	vld.idx.msk [tilespmem:v55+s13+$0x0], $0xffff;
	[tilespmem:$0x1FDB0] =	vst v0  }
0x9c: {  	[tilespmem:v56+s20+$0x0] =	vst.idx.msk $0xffff, v40  }
0x9d: {  	v0 =	vld [tilespmem:$0x1FDC0];
	_ =	sdelay $0x2  }
0x9e: {  	s15 =	sor.u32 $0x3, s6  }
0x9f: {  	v53 =	vmovc v57;
	v57 =	vadd.s32 s15, v59;
	v11 =	vand.u32 $0x38, v38;
	v51 =	vshll.u32 v38, $0x7  }
0xa0: {  	v23 =	vshll.u32 v57, $0x7;
	v29 =	vshll.u32 v29, $0x7;
	v13 =	vand.u32 $0x1C00, v51  }
0xa1: {  	v54 =	vand.u32 $0x3A8, v30;
	v30 =	vor.u32 v61, v13;
	v13 =	vand.u32 $0x1C00, v29  }
0xa2: {  	v29 =	vor.u32 v61, v13;
	v40 =	vor.u32 v47, v11;
	v11 =	vor.u32 v63, v23;
	v13 =	vld.idx.msk [tilespmem:v44+s13+$0x0], $0xffff  }
0xa3: {  	[tilespmem:v49+s20+$0x0] =	vst.idx.msk $0xffff, v17;
	v12 =	vld.idx.msk [tilespmem:v0+s13+$0x0], $0xffff;
	v0 =	vand.u32 $0x398, v11  }
0xa4: {  	[tilespmem:$0x1FDD0] =	vst v0;
	v0 =	vld [tilespmem:$0x1FDE0];
	_ =	sdelay $0x7  }
0xa5: {  	v38 =	vmov v4;
	v44 =	vor.u32 v4, v39;
	v4 =	vld.idx.msk [tilespmem:v0+s13+$0x0], $0xffff;
	v0 =	vor.u32 v9, v42  }
0xa6: {  	[tilespmem:$0x1FDF0] =	vst v0  }
0xa7: {  	[tilespmem:v19+s20+$0x0] =	vst.idx.msk $0xffff, v50  }
0xa8: {  	[tilespmem:v45+s20+$0x0] =	vst.idx.msk $0xffff, v13  }
0xa9: {  	[tilespmem:v1+s20+$0x0] =	vst.idx.msk $0xffff, v12  }
0xaa: {  	[tilespmem:v25+s20+$0x0] =	vst.idx.msk $0xffff, v4  }
0xab: {  	v0 =	vld [tilespmem:$0x1FE00];
	_ =	sdelay $0x7  }
0xac: {  	v6 =	vld.idx.msk [tilespmem:v0+s13+$0x0], $0xffff  }
0xad: {  	v0 =	vld [tilespmem:$0x1FE10];
	_ =	sdelay $0x2  }
0xae: {  	v51 =	vor.u32 v63, v39;
	v12 =	vor.u32 v38, v23;
	v37 =	vld.idx.msk [tilespmem:v37+s13+$0x0], $0xffff  }
0xaf: {  	v19 =	vshll.u32 v43, $0x7;
	v43 =	vand.u32 $0x398, v51;
	v51 =	vand.u32 $0x3A8, v12;
	v12 =	vld.idx.msk [tilespmem:v22+s13+$0x0], $0xffff  }
0xb0: {  	v14 =	vor.u32 v14, v35;
	v1 =	vor.u32 v0, v35;
	v0 =	vld [tilespmem:$0x1FF50];
	_ =	sdelay $0x1  }
0xb1: {  	v32 =	vshll.u32 v32, $0x7  }
0xb2: {  	v33 =	vmovc v3;
	v52 =	vor.u32 v59, v39;
	v60 =	vand.u32 $0xF, v57;
	v13 =	vand.u32 $0x1C00, v19  }
0xb3: {  	v17 =	vor.u32 v62, v42;
	v61 =	vor.u32 v61, v13;
	v13 =	vand.u32 $0x3A8, v44;
	[tilespmem:v18+s20+$0x0] =	vst.idx.msk $0xffff, v37  }
0xb4: {  	v46 =	vand.u32 $0x388, v52;
	v3 =	vor.u32 v0, v42;
	v0 =	vor.u32 v13, v61;
	v13 =	vld [tilespmem:$0x1FF50];
	[tilespmem:v14+s20+$0x0] =	vst.idx.msk $0xffff, v12  }
0xb5: {  	v52 =	vor.u32 v59, v32;
	v55 =	vor.u32 s31, v60;
	v60 =	vor.u32 v58, v39;
	[tilespmem:v27+s20+$0x0] =	vst.idx.msk $0xffff, v6  }
0xb6: {  	v56 =	vand.u32 $0x388, v52;
	v49 =	vand.u32 $0x7, v57;
	v11 =	vor.u32 v58, v23;
	v8 =	vld [tilespmem:$0x1FE20]  }
0xb7: {  	v57 =	vand.u32 $0x38, v55;
	v22 =	vshll.u32 v55, $0x7;
	v55 =	vand.u32 $0x3B8, v11  }
0xb8: {  	v11 =	vand.u32 $0x3B8, v60;
	v4 =	vor.u32 v63, v32;
	v25 =	vor.u32 v31, v39  }
0xb9: {  	v6 =	vld.idx.msk [tilespmem:v17+s13+$0x0], $0xffff;
	v14 =	vor.u32 v46, v61;
	v60 =	vor.u32 v13, v21;
	v13 =	vor.u32 v53, v23  }
0xba: {  	v4 =	vand.u32 $0x398, v4;
	v52 =	vand.u32 $0x3D8, v13;
	v13 =	vand.u32 $0x3F8, v25  }
0xbb: {  	v2 =	vor.u32 v49, v57;
	v49 =	vor.u32 v13, v61;
	v13 =	vor.u32 v4, v29;
	v4 =	vld [tilespmem:$0x1FE30]  }
0xbc: {  	v48 =	vor.u32 v59, v23;
	v28 =	vor.u32 v56, v29  }
0xbd: {  	v56 =	vor.u32 v11, v61;
	v11 =	vor.u32 v58, v41;
	v37 =	vor.u32 v20, v34;
	v34 =	vld [tilespmem:$0x1FF50]  }
0xbe: {  	v47 =	vand.u32 $0x388, v48;
	[tilespmem:v14+s20+$0x0] =	vst.idx.msk $0xffff, v6;
	v10 =	vld.idx.msk [tilespmem:v8+s13+$0x0], $0xffff;
	v8 =	vand.u32 $0x3B8, v11;
	v11 =	vor.u32 v33, v39  }
0xbf: {  	v48 =	vor.u32 v7, v23;
	v35 =	vmovc v7;
	v6 =	vand.u32 $0x3C8, v11;
	v11 =	vor.u32 v7, v39;
	v7 =	vld [tilespmem:$0x1FE50];
	_ =	sdelay $0x1  }
0xc0: {  	v12 =	vor.u32 v62, v40;
	_ =	sdelay $0x1  }
0xc1: {  	v4 =	vld.idx.msk [tilespmem:v4+s13+$0x0], $0xffff;
	_ =	sdelay $0x1  }
0xc2: {  	v19 =	vor.u32 v16, v42;
	v14 =	vor.u32 v9, v21  }
0xc3: {  	v12 =	vld.idx.msk [tilespmem:v12+s13+$0x0], $0xffff;
	[tilespmem:$0x1FE40] =	vst v14  }
0xc4: {  	[tilespmem:v7+s20+$0x0] =	vst.idx.msk $0xffff, v10  }
0xc5: {  	v18 =	vor.u32 v59, v41;
	v7 =	vand.u32 $0x3E8, v11;
	v11 =	vor.u32 v38, v32;
	[tilespmem:v1+s20+$0x0] =	vst.idx.msk $0xffff, v4  }
0xc6: {  	v17 =	vand.u32 $0x388, v18;
	v1 =	vand.u32 $0x3A8, v11;
	v4 =	vld [tilespmem:$0x1FE60]  }
0xc7: {  	v18 =	vor.u32 v53, v39;
	v39 =	vor.u32 v7, v61;
	v7 =	vor.u32 v1, v29;
	v1 =	vld.idx.msk [tilespmem:v19+s13+$0x0], $0xffff  }
0xc8: {  	v19 =	vld [tilespmem:$0x1FFB0];
	_ =	sdelay $0x1  }
0xc9: {  	v17 =	vor.u32 v17, v30;
	_ =	sdelay $0x2  }
0xca: {  	v50 =	vor.u32 v6, v61;
	v6 =	vor.u32 v19, v42  }
0xcb: {  	v26 =	vor.u32 v62, v21;
	v44 =	vor.u32 v16, v21;
	v4 =	vld.idx.msk [tilespmem:v4+s13+$0x0], $0xffff;
	[tilespmem:$0x1FE70] =	vst v6  }
0xcc: {  	v46 =	vor.u32 v16, v2;
	v10 =	vor.u32 v16, v40;
	v16 =	vld [tilespmem:$0x1FFD0];
	[tilespmem:v17+s20+$0x0] =	vst.idx.msk $0xffff, v12  }
0xcd: {  	v24 =	vor.u32 v63, v41;
	v27 =	vmov v9;
	v9 =	vand.u32 $0x3F8, v15;
	v20 =	vld [tilespmem:$0x1FF10]  }
0xce: {  	v59 =	vor.u32 v9, v5;
	v63 =	vor.u32 v8, v30;
	v8 =	vand.u32 $0x3D8, v18;
	v5 =	vld [tilespmem:$0x1FEA0]  }
0xcf: {  	v25 =	vor.u32 v43, v61;
	v45 =	vor.u32 v8, v61;
	v8 =	vor.u32 v35, v41  }
0xd0: {  	v8 =	vand.u32 $0x3E8, v8;
	v14 =	vld.idx.msk [tilespmem:v26+s13+$0x0], $0xffff  }
0xd1: {  	v24 =	vand.u32 $0x398, v24;
	v8 =	vor.u32 v8, v30  }
0xd2: {  	v24 =	vor.u32 v24, v30;
	v57 =	vor.u32 v62, v2;
	[tilespmem:$0x1FE90] =	vst v8;
	v9 =	vor.u32 v20, v21  }
0xd3: {  	v38 =	vor.u32 v16, v42;
	v43 =	vor.u32 v16, v2;
	v6 =	vor.u32 v53, v41;
	[tilespmem:$0x1FE80] =	vst v9  }
0xd4: {  	v12 =	vor.u32 v36, v42;
	v17 =	vor.u32 v19, v21;
	[tilespmem:v25+s20+$0x0] =	vst.idx.msk $0xffff, v1  }
0xd5: {  	v8 =	vor.u32 v58, v32;
	v58 =	vor.u32 v16, v21;
	[tilespmem:v28+s20+$0x0] =	vst.idx.msk $0xffff, v14  }
0xd6: {  	v61 =	vor.u32 v20, v42;
	v42 =	vor.u32 v36, v2;
	v21 =	vld.idx.msk [tilespmem:v10+s13+$0x0], $0xffff;
	[tilespmem:v5+s20+$0x0] =	vst.idx.msk $0xffff, v4  }
0xd7: {  	v10 =	vor.u32 v20, v2;
	v1 =	vor.u32 v19, v2;
	v4 =	vor.u32 v33, v32;
	v15 =	vld [tilespmem:$0x1FED0]  }
0xd8: {  	v14 =	vor.u32 v34, v2;
	v9 =	vand.u32 $0x3C8, v4;
	v4 =	vand.u32 $0x3D8, v6;
	v5 =	vld [tilespmem:$0x1FEE0]  }
0xd9: {  	v6 =	vand.u32 $0x3E8, v48;
	[tilespmem:$0x1FEB0] =	vst v14;
	v14 =	vld [tilespmem:$0x1FEC0];
	v48 =	vor.u32 v27, v2;
	v2 =	vor.u32 v34, v40;
	_ =	sdelay $0x1  }
0xda: {  	v18 =	vor.u32 v54, v30;
	v11 =	vand.u32 $0x1C00, v22;
	v25 =	vld.idx.msk [tilespmem:v44+s13+$0x0], $0xffff;
	[tilespmem:v24+s20+$0x0] =	vst.idx.msk $0xffff, v21  }
0xdb: {  	v22 =	vmovc v33;
	v41 =	vmovc v35;
	v26 =	vmov v16;
	v8 =	vand.u32 $0x3B8, v8;
	v62 =	vor.u32 v9, v29;
	v9 =	vld [tilespmem:$0x1FEF0]  }
0xdc: {  	v54 =	vmovc v20;
	v28 =	vmov v19;
	v4 =	vor.u32 v4, v30;
	v24 =	vld.idx.msk [tilespmem:v3+s13+$0x0], $0xffff;
	v21 =	vor.u32 v22, v23  }
0xdd: {  	v3 =	vor.u32 v31, v23;
	v22 =	vor.u32 v27, v40;
	v23 =	vor.u32 v54, v40;
	v16 =	vld.idx.msk [tilespmem:v2+s13+$0x0], $0xffff  }
0xde: {  	v2 =	vor.u32 v28, v40;
	v19 =	vld.idx.msk [tilespmem:v15+s13+$0x0], $0xffff;
	v15 =	vor.u32 v8, v29;
	v8 =	vor.u32 v53, v32  }
0xdf: {  	v20 =	vld.idx.msk [tilespmem:v5+s13+$0x0], $0xffff;
	v5 =	vor.u32 v41, v32;
	v41 =	vor.u32 v26, v40;
	v8 =	vand.u32 $0x3D8, v8  }
0xe0: {  	s15 =	sshll.u32 s0, $0x2;
	v14 =	vld.idx.msk [tilespmem:v14+s13+$0x0], $0xffff;
	v9 =	vand.u32 $0x3C8, v9;
	v5 =	vand.u32 $0x3E8, v5;
	v8 =	vor.u32 v8, v29  }
.LBB2_3:
0xe1: {  	v3 =	vand.u32 $0x3F8, v3  }
0xe2: {  	[tilespmem:$0x1FC60] =	vst v3;
	v3 =	vld [tilespmem:$0x1FD60]  }
0xe3: {  	v27 =	vor.u32 v5, v29;
	v5 =	vld [tilespmem:$0x1FCE0];
	_ =	sdelay $0x1  }
0xe4: {  	v35 =	vld [tilespmem:$0x1FFF0];
	_ =	sdelay $0x3  }
0xe5: {  	s17 =	sadd.s32 $0x4, s17;
	v26 =	vor.u32 v9, v30  }
0xe6: {  	v9 =	vmovc v48;
	v48 =	vlaneseq.u32;
	s6 =	sand.u32 $0xC, s17;
	v11 =	vor.u32 v35, v11;
	[tilespmem:v3+s20+$0x0] =	vst.idx.msk $0xffff, v20;
	v3 =	vand.u32 $0x3C8, v21  }
0xe7: {  	s11 =	sor.u32 $0x2, s6;
	[tilespmem:v13+s20+$0x0] =	vst.idx.msk $0xffff, v25;
	v20 =	vld.idx.msk [tilespmem:v5+s13+$0x0], $0xffff;
	v5 =	vmov v10;
	v10 =	vadd.s32 s6, v48;
	v3 =	vor.u32 v3, v11  }
0xe8: {  	v13 =	vor.u32 v47, v11;
	v47 =	vadd.s32 s11, v48;
	s11 =	sand.u32 $0x30, s17;
	[tilespmem:$0x1FD60] =	vst v3;
	v3 =	vand.u32 $0xF, v10  }
0xe9: {  	v21 =	vor.u32 v51, v11;
	v51 =	vor.u32 s11, v3;
	v3 =	vld [tilespmem:$0x1FDF0];
	_ =	sdelay $0x4  }
0xea: {  	[tilespmem:$0x1FCE0] =	vst v5;
	v5 =	vld [tilespmem:$0x1FD40];
	_ =	sdelay $0x1  }
0xeb: {  	[tilespmem:v0+s20+$0x0] =	vst.idx.msk $0xffff, v24  }
0xec: {  	[tilespmem:v18+s20+$0x0] =	vst.idx.msk $0xffff, v16;
	v16 =	vld.idx.msk [tilespmem:v3+s13+$0x0], $0xffff;
	v3 =	vmov v8  }
0xed: {  	[tilespmem:$0x1FD40] =	vst v3;
	v3 =	vld [tilespmem:$0x1FD30];
	_ =	sdelay $0x3  }
0xee: {  	v0 =	vld.idx.msk [tilespmem:v60+s13+$0x0], $0xffff;
	[tilespmem:v5+s20+$0x0] =	vst.idx.msk $0xffff, v19;
	v5 =	vor.u32 v31, v32  }
0xef: {  	[tilespmem:$0x1FCA0] =	vst v5;
	v5 =	vld [tilespmem:$0x1FDD0];
	_ =	sdelay $0x2  }
0xf0: {  	v31 =	vld.idx.msk [tilespmem:v3+s13+$0x0], $0xffff  }
0xf1: {  	v3 =	vld [tilespmem:$0x1FD80]  }
0xf2: {  	v33 =	vor.u32 v5, v11;
	v5 =	vld [tilespmem:$0x1FD00];
	_ =	sdelay $0x6  }
0xf3: {  	v57 =	vld.idx.msk [tilespmem:v57+s13+$0x0], $0xffff;
	[tilespmem:v3+s20+$0x0] =	vst.idx.msk $0xffff, v20  }
0xf4: {  	v53 =	vld.idx.msk [tilespmem:v5+s13+$0x0], $0xffff;
	v5 =	vmov v1  }
0xf5: {  	[tilespmem:$0x1FD00] =	vst v5;
	v5 =	vld [tilespmem:$0x1FD10];
	_ =	sdelay $0x2  }
0xf6: {  	v60 =	vor.u32 v6, v11;
	v6 =	vor.u32 v55, v11  }
0xf7: {  	[tilespmem:$0x1FC80] =	vst v6;
	v6 =	vld [tilespmem:$0x1FF90];
	_ =	sdelay $0x3  }
0xf8: {  	v19 =	vshll.u32 v10, $0x7;
	[tilespmem:v5+s20+$0x0] =	vst.idx.msk $0xffff, v14;
	v5 =	vmov v49  }
0xf9: {  	[tilespmem:$0x1FD10] =	vst v5;
	v5 =	vor.u32 v6, v19  }
0xfa: {  	[tilespmem:$0x1FCC0] =	vst v5;
	v5 =	vld [tilespmem:$0x1FFE0];
	_ =	sdelay $0x4  }
0xfb: {  	[tilespmem:v13+s20+$0x0] =	vst.idx.msk $0xffff, v57;
	v13 =	vor.u32 v5, v19;
	v5 =	vld [tilespmem:$0x1FE40]  }
0xfc: {  	[tilespmem:$0x1FC70] =	vst v38;
	v22 =	vld.idx.msk [tilespmem:v22+s13+$0x0], $0xffff;
	v38 =	vand.u32 $0xF, v47  }
0xfd: {  	v44 =	vand.u32 $0x7, v10;
	v10 =	vor.u32 s11, v38;
	v38 =	vld [tilespmem:$0x1FF60];
	_ =	sdelay $0x2  }
0xfe: {  	s10 =	sor.u32 $0x1, s6  }
0xff: {  	v25 =	vadd.s32 s10, v48;
	[tilespmem:v63+s20+$0x0] =	vst.idx.msk $0xffff, v22  }
0x100: {  	v24 =	vand.u32 $0xF, v25;
	v18 =	vshll.u32 v25, $0x7;
	v22 =	vor.u32 v38, v19;
	[tilespmem:v7+s20+$0x0] =	vst.idx.msk $0xffff, v0  }
0x101: {  	v14 =	vand.u32 $0x7, v25;
	v25 =	vor.u32 s11, v24;
	v24 =	vand.u32 $0x3A8, v22;
	v22 =	vld.idx.msk [tilespmem:v5+s13+$0x0], $0xffff  }
0x102: {  	v5 =	vld [tilespmem:$0x1FD70];
	_ =	sdelay $0x7  }
0x103: {  	[tilespmem:v5+s20+$0x0] =	vst.idx.msk $0xffff, v53;
	v5 =	vld [tilespmem:$0x1FD50];
	_ =	sdelay $0x7  }
0x104: {  	[tilespmem:v5+s20+$0x0] =	vst.idx.msk $0xffff, v31;
	v5 =	vld [tilespmem:$0x1FCF0];
	_ =	sdelay $0x1  }
0x105: {  	v40 =	vor.u32 v36, v40;
	_ =	sdelay $0x2  }
0x106: {  	v1 =	vmov v17  }
0x107: {  	[tilespmem:$0x1FD30] =	vst v1;
	v1 =	vor.u32 v48, v18  }
0x108: {  	[tilespmem:v56+s20+$0x0] =	vst.idx.msk $0xffff, v16;
	v56 =	vand.u32 $0x388, v1;
	v1 =	vld.idx.msk [tilespmem:v40+s13+$0x0], $0xffff  }
0x109: {  	v31 =	vld.idx.msk [tilespmem:v5+s13+$0x0], $0xffff  }
0x10a: {  	v5 =	vld [tilespmem:$0x1FF80]  }
0x10b: {  	v8 =	vmov v39;
	v39 =	vld [tilespmem:$0x1FF20]  }
0x10c: {  	[tilespmem:$0x1FC90] =	vst v42;
	v42 =	vand.u32 $0x7, v47;
	v17 =	vand.u32 $0x38, v10  }
0x10d: {  	v10 =	vshll.u32 v10, $0x7;
	v17 =	vor.u32 v42, v17;
	v16 =	vand.u32 $0x38, v25  }
0x10e: {  	v57 =	vmovc v27;
	v10 =	vand.u32 $0x1C00, v10;
	v20 =	vor.u32 v14, v16;
	v16 =	vshll.u32 v51, $0x7;
	v12 =	vld.idx.msk [tilespmem:v12+s13+$0x0], $0xffff  }
0x10f: {  	v0 =	vand.u32 $0x1C00, v16;
	v16 =	vor.u32 v35, v10;
	[tilespmem:v26+s20+$0x0] =	vst.idx.msk $0xffff, v1;
	v10 =	vor.u32 v5, v17;
	v5 =	vld [tilespmem:$0x1FD20]  }
0x110: {  	v1 =	vor.u32 v39, v20;
	[tilespmem:$0x1FD50] =	vst v57;
	v57 =	vld.idx.msk [tilespmem:v23+s13+$0x0], $0xffff;
	_ =	sdelay $0x1  }
0x111: {  	v32 =	vand.u32 $0x38, v51  }
0x112: {  	v40 =	vor.u32 v44, v32;
	v44 =	vmov v60;
	[tilespmem:v50+s20+$0x0] =	vst.idx.msk $0xffff, v12  }
0x113: {  	[tilespmem:$0x1FD70] =	vst v44;
	v44 =	vld [tilespmem:$0x1FF70]  }
0x114: {  	[tilespmem:v4+s20+$0x0] =	vst.idx.msk $0xffff, v57;
	v4 =	vld.idx.msk [tilespmem:v1+s13+$0x0], $0xffff  }
0x115: {  	v1 =	vld [tilespmem:$0x1FFE0]  }
0x116: {  	v53 =	vld.idx.msk [tilespmem:v5+s13+$0x0], $0xffff;
	v5 =	vmov v58  }
0x117: {  	[tilespmem:$0x1FD20] =	vst v5;
	v5 =	vld [tilespmem:$0x1FDB0];
	_ =	sdelay $0x1  }
0x118: {  	v3 =	vor.u32 v52, v11  }
0x119: {  	v54 =	vmov v43;
	[tilespmem:$0x1FD80] =	vst v3;
	v43 =	vor.u32 v44, v20  }
0x11a: {  	[tilespmem:$0x1FDF0] =	vst v43;
	v43 =	vld.idx.msk [tilespmem:v46+s13+$0x0], $0xffff  }
0x11b: {  	s31 =	sor.u32 $0x3, s6;
	[tilespmem:v37+s20+$0x0] =	vst.idx.msk $0xffff, v31;
	v37 =	vor.u32 v1, v18;
	v1 =	vld [tilespmem:$0x1FDA0]  }
0x11c: {  	v28 =	vadd.s32 s31, v48;
	[tilespmem:v15+s20+$0x0] =	vst.idx.msk $0xffff, v22  }
0x11d: {  	v3 =	vshll.u32 v28, $0x7;
	v42 =	vld [tilespmem:$0x1FF00];
	[tilespmem:v59+s20+$0x0] =	vst.idx.msk $0xffff, v53  }
0x11e: {  	[tilespmem:$0x1FCF0] =	vst v54;
	v54 =	vor.u32 v38, v3;
	v12 =	vld.idx.msk [tilespmem:v5+s13+$0x0], $0xffff;
	v5 =	vmov v10  }
0x11f: {  	[tilespmem:$0x1FDB0] =	vst v5;
	v5 =	vand.u32 $0x3A8, v54  }
0x120: {  	[tilespmem:$0x1FCD0] =	vst v5;
	v5 =	vor.u32 v34, v20;
	v34 =	vor.u32 v1, v30;
	v1 =	vld [tilespmem:$0x1FF50]  }
0x121: {  	v49 =	vor.u32 v48, v3  }
0x122: {  	v60 =	vand.u32 $0xF, v28;
	v49 =	vand.u32 $0x388, v49;
	v22 =	vshll.u32 v25, $0x7  }
0x123: {  	[tilespmem:$0x1FCB0] =	vst v49;
	v60 =	vor.u32 s11, v60;
	v49 =	vor.u32 v42, v18;
	v22 =	vand.u32 $0x1C00, v22  }
0x124: {  	v13 =	vand.u32 $0x3F8, v13;
	v58 =	vor.u32 v35, v22;
	v22 =	vld.idx.msk [tilespmem:v61+s13+$0x0], $0xffff;
	v61 =	vshll.u32 v60, $0x7  }
0x125: {  	v10 =	vand.u32 $0x38, v60;
	v60 =	vor.u32 v1, v17;
	v1 =	vmovc v13;
	v13 =	vand.u32 $0x3B8, v49  }
0x126: {  	[tilespmem:v62+s20+$0x0] =	vst.idx.msk $0xffff, v12;
	v12 =	vor.u32 v56, v58;
	v56 =	vor.u32 v13, v58;
	v13 =	vld [tilespmem:$0x1FE70]  }
0x127: {  	v26 =	vand.u32 $0x7, v28  }
0x128: {  	v63 =	vld [tilespmem:$0x1FF40];
	v14 =	vor.u32 v39, v17;
	v59 =	vor.u32 v26, v10  }
0x129: {  	[tilespmem:v33+s20+$0x0] =	vst.idx.msk $0xffff, v43;
	v33 =	vor.u32 v39, v40;
	v57 =	vor.u32 v39, v59;
	v39 =	vld [tilespmem:$0x1FF50];
	_ =	sdelay $0x2  }
0x12a: {  	[tilespmem:$0x1FDA0] =	vst v1;
	v1 =	vld [tilespmem:$0x1FEB0]  }
0x12b: {  	v32 =	vshll.u32 v47, $0x7;
	[tilespmem:v45+s20+$0x0] =	vst.idx.msk $0xffff, v22  }
0x12c: {  	v0 =	vor.u32 v35, v0;
	v26 =	vor.u32 v63, v32;
	v35 =	vor.u32 v39, v59;
	v39 =	vld.idx.msk [tilespmem:v13+s13+$0x0], $0xffff  }
0x12d: {  	v13 =	vand.u32 $0x398, v26;
	v26 =	vld [tilespmem:$0x1FE90];
	_ =	sdelay $0x2  }
0x12e: {  	v2 =	vld.idx.msk [tilespmem:v2+s13+$0x0], $0xffff  }
0x12f: {  	v53 =	vmov v29;
	v29 =	vld [tilespmem:$0x1FFA0]  }
0x130: {  	v7 =	vor.u32 v63, v19;
	v36 =	vor.u32 v63, v3;
	v51 =	vor.u32 v63, v18;
	v63 =	vld.idx.msk [tilespmem:v1+s13+$0x0], $0xffff;
	_ =	sdelay $0x2  }
0x131: {  	[tilespmem:v26+s20+$0x0] =	vst.idx.msk $0xffff, v2;
	v2 =	vor.u32 v42, v19  }
0x132: {  	v30 =	vmov v0;
	v2 =	vand.u32 $0x3B8, v2  }
0x133: {  	v7 =	vand.u32 $0x398, v7;
	v47 =	vld [tilespmem:$0x1FFC0];
	[tilespmem:v21+s20+$0x0] =	vst.idx.msk $0xffff, v63;
	v63 =	vor.u32 v2, v30;
	v2 =	vor.u32 v29, v18  }
0x134: {  	v27 =	vor.u32 v38, v18;
	v52 =	vor.u32 v48, v32;
	v62 =	vand.u32 $0x3D8, v2;
	v2 =	vld [tilespmem:$0x1FC60]  }
0x135: {  	v28 =	vor.u32 v42, v3;
	v50 =	vor.u32 v48, v19;
	v23 =	vand.u32 $0x398, v36;
	v36 =	vld [tilespmem:$0x1FF30]  }
0x136: {  	v55 =	vand.u32 $0x3B8, v28;
	[tilespmem:$0x1FDD0] =	vst v23;
	v23 =	vand.u32 $0x388, v52;
	v49 =	vand.u32 $0x388, v50  }
0x137: {  	v48 =	vld [tilespmem:$0x1FFB0];
	v52 =	vor.u32 v44, v17;
	v37 =	vand.u32 $0x3F8, v37;
	[tilespmem:$0x1FEB0] =	vst v35;
	v45 =	vor.u32 v49, v30  }
0x138: {  	v49 =	vor.u32 v37, v58;
	v35 =	vor.u32 v7, v30;
	v26 =	vld.idx.msk [tilespmem:v41+s13+$0x0], $0xffff;
	v41 =	vor.u32 v38, v32  }
0x139: {  	v46 =	vld [tilespmem:$0x1FFD0];
	v7 =	vor.u32 v47, v18;
	v37 =	vor.u32 v2, v11;
	v2 =	vand.u32 $0x3A8, v41  }
0x13a: {  	v28 =	vor.u32 v36, v17;
	[tilespmem:v12+s20+$0x0] =	vst.idx.msk $0xffff, v4;
	v12 =	vand.u32 $0x3E8, v7;
	v7 =	vor.u32 v2, v16;
	v2 =	vld [tilespmem:$0x1FC70]  }
0x13b: {  	v27 =	vand.u32 $0x3A8, v27;
	v31 =	vor.u32 v36, v20;
	v54 =	vor.u32 v36, v59;
	[tilespmem:v8+s20+$0x0] =	vst.idx.msk $0xffff, v39;
	v8 =	vld [tilespmem:$0x1FE80]  }
0x13c: {  	v43 =	vld [tilespmem:$0x1FF10];
	v0 =	vor.u32 v27, v58;
	v27 =	vor.u32 v29, v3;
	v50 =	vor.u32 v6, v18  }
0x13d: {  	[tilespmem:$0x1FE40] =	vst v52;
	v52 =	vand.u32 $0x3D8, v27;
	v27 =	vor.u32 v36, v40;
	v36 =	vld.idx.msk [tilespmem:v14+s13+$0x0], $0xffff;
	v4 =	vand.u32 $0x3C8, v50  }
0x13e: {  	v50 =	vor.u32 v4, v58;
	v4 =	vld.idx.msk [tilespmem:v9+s13+$0x0], $0xffff  }
0x13f: {  	v9 =	vor.u32 v46, v20;
	v33 =	vld.idx.msk [tilespmem:v33+s13+$0x0], $0xffff  }
0x140: {  	v38 =	vmov v9;
	v9 =	vld.idx.msk [tilespmem:v31+s13+$0x0], $0xffff;
	v31 =	vor.u32 v42, v32  }
0x141: {  	v21 =	vor.u32 v6, v3;
	[tilespmem:v34+s20+$0x0] =	vst.idx.msk $0xffff, v26;
	v26 =	vand.u32 $0x3B8, v31;
	v31 =	vor.u32 v6, v32;
	v6 =	vld [tilespmem:$0x1FC80]  }
0x142: {  	v18 =	vor.u32 v24, v30;
	v24 =	vor.u32 v29, v19;
	v14 =	vld.idx.msk [tilespmem:v2+s13+$0x0], $0xffff;
	v2 =	vor.u32 v48, v20  }
0x143: {  	[tilespmem:$0x1FE70] =	vst v2;
	v2 =	vor.u32 v47, v19;
	v19 =	vld.idx.msk [tilespmem:v8+s13+$0x0], $0xffff;
	v8 =	vor.u32 v43, v17  }
0x144: {  	[tilespmem:$0x1FE80] =	vst v8;
	v8 =	vld [tilespmem:$0x1FC90];
	_ =	sdelay $0x2  }
0x145: {  	v39 =	vor.u32 v12, v58;
	v12 =	vld [tilespmem:$0x1FF80];
	_ =	sdelay $0x2  }
0x146: {  	v23 =	vor.u32 v23, v16;
	v34 =	vld [tilespmem:$0x1FF50];
	[tilespmem:v45+s20+$0x0] =	vst.idx.msk $0xffff, v33;
	v31 =	vand.u32 $0x3C8, v31  }
0x147: {  	v25 =	vand.u32 $0x398, v51;
	v45 =	vor.u32 v62, v58;
	v62 =	vor.u32 v31, v16;
	v31 =	vld [tilespmem:$0x1FFE0];
	[tilespmem:v6+s20+$0x0] =	vst.idx.msk $0xffff, v4  }
0x148: {  	v12 =	vor.u32 v12, v20;
	v11 =	vand.u32 $0x1C00, v61;
	v61 =	vor.u32 v43, v20;
	v20 =	vld.idx.msk [tilespmem:v8+s13+$0x0], $0xffff  }
0x149: {  	v25 =	vor.u32 v25, v58;
	v8 =	vld [tilespmem:$0x1FCA0]  }
0x14a: {  	v15 =	vor.u32 v47, v3;
	v27 =	vld.idx.msk [tilespmem:v27+s13+$0x0], $0xffff  }
0x14b: {  	v22 =	vor.u32 v44, v40;
	v10 =	vor.u32 v43, v59;
	v51 =	vor.u32 v46, v59  }
0x14c: {  	v58 =	vor.u32 v46, v17;
	v41 =	vor.u32 v46, v40;
	v46 =	vmovc v54;
	v54 =	vor.u32 v34, v40  }
0x14d: {  	v1 =	vor.u32 v48, v59;
	v13 =	vor.u32 v13, v16;
	[tilespmem:v23+s20+$0x0] =	vst.idx.msk $0xffff, v36;
	v36 =	vld [tilespmem:$0x1FF80]  }
0x14e: {  	v3 =	vor.u32 v31, v3;
	v4 =	vand.u32 $0x3D8, v24;
	[tilespmem:v25+s20+$0x0] =	vst.idx.msk $0xffff, v9;
	v9 =	vand.u32 $0x3F8, v8;
	v8 =	vld [tilespmem:$0x1FCC0]  }
0x14f: {  	p1 =	slt.u32 s17, $0x3C;
	[tilespmem:v35+s20+$0x0] =	vst.idx.msk $0xffff, v27;
	v6 =	vand.u32 $0x3E8, v15;
	v15 =	vor.u32 v26, v16;
	v4 =	vor.u32 v4, v30  }
.Ltmp2:
0x150: {  	v17 =	vor.u32 v48, v17;
	v24 =	vld.idx.msk [tilespmem:v5+s13+$0x0], $0xffff;
	v5 =	vor.u32 v29, v32;
	v2 =	vand.u32 $0x3E8, v2;
	(pc) =	sbr.rel @p1 .LBB2_3-.Ltmp2, $4  }
0x151: {  	v23 =	vor.u32 v47, v32;
	v29 =	vmov v16;
	v16 =	vld.idx.msk [tilespmem:v54+s13+$0x0], $0xffff;
	v2 =	vor.u32 v2, v30  }
0x152: {  	v47 =	vld [tilespmem:$0x1FCB0];
	[tilespmem:$0x1FE90] =	vst v2;
	v2 =	vor.u32 v48, v40;
	v48 =	vor.u32 v44, v59;
	v42 =	vor.u32 v36, v59  }
0x153: {  	v25 =	vld.idx.msk [tilespmem:v28+s13+$0x0], $0xffff;
	v59 =	vor.u32 v9, v53;
	v9 =	vand.u32 $0x3C8, v8;
	v8 =	vand.u32 $0x3D8, v5  }
0x154: {  	v5 =	vand.u32 $0x3E8, v23;
	v23 =	vor.u32 v43, v40;
	v43 =	vmovc v51;
	v51 =	vld [tilespmem:$0x1FCD0];
	v8 =	vor.u32 v8, v29  }
0x155: {  	v28 =	vld [tilespmem:$0x1FFF0];
	_ =	sdelay $0x4  }
0x156: {  	v11 =	vor.u32 v28, v11  }
0x157: {  	v27 =	vld.idx.msk [tilespmem:v57+s13+$0x0], $0xffff;
	v26 =	vor.u32 v47, v11;
	_ =	sdelay $0x4  }
0x158: {  	[tilespmem:v26+s20+$0x0] =	vst.idx.msk $0xffff, v27  }
0x159: {  	v26 =	vld [tilespmem:$0x1FDD0];
	_ =	sdelay $0x4  }
0x15a: {  	v27 =	vld.idx.msk [tilespmem:v46+s13+$0x0], $0xffff;
	v26 =	vor.u32 v26, v11;
	_ =	sdelay $0x3  }
0x15b: {  	[tilespmem:v13+s20+$0x0] =	vst.idx.msk $0xffff, v25  }
0x15c: {  	[tilespmem:v26+s20+$0x0] =	vst.idx.msk $0xffff, v27  }
0x15d: {  	v25 =	vld [tilespmem:$0x1FEB0];
	_ =	sdelay $0x7  }
0x15e: {  	v57 =	vor.u32 v51, v11;
	v25 =	vld.idx.msk [tilespmem:v25+s13+$0x0], $0xffff  }
0x15f: {  	v60 =	vld.idx.msk [tilespmem:v60+s13+$0x0], $0xffff;
	_ =	sdelay $0x1  }
0x160: {  	[tilespmem:v18+s20+$0x0] =	vst.idx.msk $0xffff, v16  }
0x161: {  	[tilespmem:v0+s20+$0x0] =	vst.idx.msk $0xffff, v24  }
0x162: {  	[tilespmem:v57+s20+$0x0] =	vst.idx.msk $0xffff, v25  }
0x163: {  	v16 =	vld [tilespmem:$0x1FDF0];
	[tilespmem:v7+s20+$0x0] =	vst.idx.msk $0xffff, v60  }
0x164: {  	v44 =	vld [tilespmem:$0x1FE40];
	_ =	sdelay $0x4  }
0x165: {  	v33 =	vld.idx.msk [tilespmem:v22+s13+$0x0], $0xffff  }
0x166: {  	v34 =	vor.u32 v36, v40;
	v35 =	vor.u32 v55, v11;
	v40 =	vld.idx.msk [tilespmem:v48+s13+$0x0], $0xffff  }
0x167: {  	v16 =	vld.idx.msk [tilespmem:v16+s13+$0x0], $0xffff  }
0x168: {  	v22 =	vld.idx.msk [tilespmem:v44+s13+$0x0], $0xffff;
	_ =	sdelay $0x1  }
0x169: {  	[tilespmem:v63+s20+$0x0] =	vst.idx.msk $0xffff, v33  }
0x16a: {  	[tilespmem:v35+s20+$0x0] =	vst.idx.msk $0xffff, v40  }
0x16b: {  	[tilespmem:v56+s20+$0x0] =	vst.idx.msk $0xffff, v16  }
0x16c: {  	[tilespmem:v15+s20+$0x0] =	vst.idx.msk $0xffff, v22  }
0x16d: {  	v15 =	vld [tilespmem:$0x1FD60];
	_ =	sdelay $0x7  }
0x16e: {  	[tilespmem:v15+s20+$0x0] =	vst.idx.msk $0xffff, v20  }
0x16f: {  	v15 =	vld [tilespmem:$0x1FDB0]  }
0x170: {  	v16 =	vld [tilespmem:$0x1FD40];
	_ =	sdelay $0x4  }
0x171: {  	v46 =	vor.u32 v9, v30;
	v47 =	vld.idx.msk [tilespmem:v34+s13+$0x0], $0xffff  }
0x172: {  	v48 =	vand.u32 $0x3C8, v21;
	v12 =	vld.idx.msk [tilespmem:v12+s13+$0x0], $0xffff  }
0x173: {  	v7 =	vor.u32 v48, v11;
	v51 =	vld.idx.msk [tilespmem:v42+s13+$0x0], $0xffff  }
0x174: {  	v15 =	vld.idx.msk [tilespmem:v15+s13+$0x0], $0xffff;
	[tilespmem:v16+s20+$0x0] =	vst.idx.msk $0xffff, v19  }
0x175: {  	v16 =	vld [tilespmem:$0x1FCE0]  }
0x176: {  	[tilespmem:v46+s20+$0x0] =	vst.idx.msk $0xffff, v47  }
0x177: {  	[tilespmem:v50+s20+$0x0] =	vst.idx.msk $0xffff, v12  }
0x178: {  	[tilespmem:v7+s20+$0x0] =	vst.idx.msk $0xffff, v51  }
0x179: {  	[tilespmem:v62+s20+$0x0] =	vst.idx.msk $0xffff, v15  }
0x17a: {  	v12 =	vld [tilespmem:$0x1FD80];
	_ =	sdelay $0x2  }
0x17b: {  	v16 =	vld.idx.msk [tilespmem:v16+s13+$0x0], $0xffff;
	_ =	sdelay $0x4  }
0x17c: {  	[tilespmem:v12+s20+$0x0] =	vst.idx.msk $0xffff, v16  }
0x17d: {  	v12 =	vld [tilespmem:$0x1FE80]  }
0x17e: {  	v13 =	vld [tilespmem:$0x1FD10];
	_ =	sdelay $0x4  }
0x17f: {  	v0 =	vld.idx.msk [tilespmem:v23+s13+$0x0], $0xffff  }
0x180: {  	v53 =	vld.idx.msk [tilespmem:v61+s13+$0x0], $0xffff  }
0x181: {  	v54 =	vor.u32 v52, v11;
	v10 =	vld.idx.msk [tilespmem:v10+s13+$0x0], $0xffff  }
0x182: {  	v12 =	vld.idx.msk [tilespmem:v12+s13+$0x0], $0xffff;
	[tilespmem:v13+s20+$0x0] =	vst.idx.msk $0xffff, v14  }
0x183: {  	v13 =	vld [tilespmem:$0x1FD00]  }
0x184: {  	[tilespmem:v4+s20+$0x0] =	vst.idx.msk $0xffff, v0  }
0x185: {  	v0 =	vld [tilespmem:$0x1FD30];
	[tilespmem:v45+s20+$0x0] =	vst.idx.msk $0xffff, v53  }
0x186: {  	[tilespmem:v54+s20+$0x0] =	vst.idx.msk $0xffff, v10  }
0x187: {  	v4 =	vld [tilespmem:$0x1FE70];
	[tilespmem:v8+s20+$0x0] =	vst.idx.msk $0xffff, v12  }
0x188: {  	v7 =	vld [tilespmem:$0x1FD70];
	_ =	sdelay $0x2  }
0x189: {  	v13 =	vld.idx.msk [tilespmem:v13+s13+$0x0], $0xffff;
	_ =	sdelay $0x4  }
0x18a: {  	[tilespmem:v7+s20+$0x0] =	vst.idx.msk $0xffff, v13  }
0x18b: {  	v8 =	vld [tilespmem:$0x1FD50];
	_ =	sdelay $0x2  }
0x18c: {  	v0 =	vld.idx.msk [tilespmem:v0+s13+$0x0], $0xffff;
	_ =	sdelay $0x4  }
0x18d: {  	[tilespmem:v8+s20+$0x0] =	vst.idx.msk $0xffff, v0  }
0x18e: {  	v8 =	vld [tilespmem:$0x1FE90];
	_ =	sdelay $0x2  }
0x18f: {  	v2 =	vld.idx.msk [tilespmem:v2+s13+$0x0], $0xffff  }
0x190: {  	v0 =	vld [tilespmem:$0x1FCF0]  }
0x191: {  	v4 =	vld.idx.msk [tilespmem:v4+s13+$0x0], $0xffff;
	_ =	sdelay $0x1  }
0x192: {  	v1 =	vld.idx.msk [tilespmem:v1+s13+$0x0], $0xffff  }
0x193: {  	v6 =	vor.u32 v6, v11;
	v55 =	vld.idx.msk [tilespmem:v17+s13+$0x0], $0xffff;
	[tilespmem:v8+s20+$0x0] =	vst.idx.msk $0xffff, v2  }
0x194: {  	v5 =	vor.u32 v5, v29;
	v2 =	vld [tilespmem:$0x1FD20]  }
0x195: {  	[tilespmem:v39+s20+$0x0] =	vst.idx.msk $0xffff, v4  }
0x196: {  	v4 =	vld [tilespmem:$0x1FDA0]  }
0x197: {  	v0 =	vld.idx.msk [tilespmem:v0+s13+$0x0], $0xffff  }
0x198: {  	v57 =	vor.u32 v31, v32;
	v56 =	vand.u32 $0x3F8, v3;
	[tilespmem:v6+s20+$0x0] =	vst.idx.msk $0xffff, v1;
	v60 =	vld.idx.msk [tilespmem:v38+s13+$0x0], $0xffff  }
0x199: {  	v3 =	vand.u32 $0x3F8, v57;
	[tilespmem:v5+s20+$0x0] =	vst.idx.msk $0xffff, v55;
	v1 =	vor.u32 v56, v11;
	v61 =	vld.idx.msk [tilespmem:v43+s13+$0x0], $0xffff  }
0x19a: {  	v62 =	vor.u32 v3, v29;
	v63 =	vld.idx.msk [tilespmem:v58+s13+$0x0], $0xffff  }
0x19b: {  	v8 =	vld.idx.msk [tilespmem:v41+s13+$0x0], $0xffff;
	v4 =	vor.u32 v4, v30  }
0x19c: {  	[tilespmem:v37+s20+$0x0] =	vst.idx.msk $0xffff, v0;
	v2 =	vld.idx.msk [tilespmem:v2+s13+$0x0], $0xffff  }
0x19d: {  	p1 =	sne.s32 s0, $0x31;
	[tilespmem:v49+s20+$0x0] =	vst.idx.msk $0xffff, v60  }
.Ltmp3:
0x19e: {  	[tilespmem:v1+s20+$0x0] =	vst.idx.msk $0xffff, v61;
	(pc) =	sbr.rel @p1 .LBB2_6-.Ltmp3, $4  }
0x19f: {  	s6 =	sadd.s32 s4, s15;
	[tilespmem:v62+s20+$0x0] =	vst.idx.msk $0xffff, v63  }
0x1a0: {  	s6 =	sshll.u32 s6, $0xA;
	[tilespmem:v4+s20+$0x0] =	vst.idx.msk $0xffff, v8  }
0x1a1: {  	s6 =	sadd.s32 s2, s6;
	[tilespmem:v59+s20+$0x0] =	vst.idx.msk $0xffff, v2  }
0x1a2: {  	v29 =	vmov v28;
	[hbm4b:s6+s3] =	stream.linear.scatter [tilespmem:s20], [sflag:$0x5], $0x2000, $0x38;
	[tilespmem:$0x16400] =	vst v63  }
0x1a3: {  	_ =	swait.ge [sflag:s21], $0x2000  }
0x1a4: {  	v48 =	vld [tilespmem:$0x1FF00]  }
.Ltmp4:
0x1a5: {  	v61 =	vld [tilespmem:$0x1FF10];
	(pc) =	sbr.rel .LBB2_7-.Ltmp4, $4  }
0x1a6: {  	v35 =	vld [tilespmem:$0x1FFA0]  }
0x1a7: {  	v62 =	vld [tilespmem:$0x1FFB0]  }
0x1a8: {  	[sflag:s21] =	ssyncset.done $0x0;
	v27 =	vld [tilespmem:$0x1FFC0]  }
0x1a9: {  	v60 =	vlaneseq.u32;
	v42 =	vld [tilespmem:$0x1FFD0];
	[sflag:s21] =	ssyncadd.s32 $0xFFFFE000  }
.LBB2_6:
0x1aa: {  	s6 =	sshll.u32 s0, $0x9  }
0x1ab: {  	s6 =	sand.u32 $0x3FFFFE00, s6  }
0x1ac: {  	s6 =	sadd.s32 $0x200, s6  }
0x1ad: {  	[tilespmem:s13], [sflag:$0x1] =	stream.indirect.gather [hbm4b:s5+s12], $0x40, s6, s12, $0xb8;
	[tilespmem:$0x16400] =	vst v63  }
0x1ae: {  	_ =	swait.ge [sflag:s21], $0x2000  }
0x1af: {  	v48 =	vld [tilespmem:$0x1FF00]  }
.Ltmp5:
0x1b0: {  	v61 =	vld [tilespmem:$0x1FF10];
	(pc) =	sbr.rel @p0 .LBB2_8-.Ltmp5, $4  }
0x1b1: {  	v35 =	vld [tilespmem:$0x1FFA0]  }
0x1b2: {  	v62 =	vld [tilespmem:$0x1FFB0]  }
0x1b3: {  	[sflag:s21] =	ssyncset.done $0x0;
	v27 =	vld [tilespmem:$0x1FFC0]  }
0x1b4: {  	v60 =	vlaneseq.u32;
	v42 =	vld [tilespmem:$0x1FFD0];
	[sflag:s21] =	ssyncadd.s32 $0xFFFFE000  }
.LBB2_7:
0x1b5: {  	_ =	swait.ge [sflag:s22], $0x2000  }
0x1b6: {  	[sflag:s22] =	ssyncset.done $0x0  }
0x1b7: {  	[sflag:s22] =	ssyncadd.s32 $0xFFFFE000  }
.LBB2_8:
0x1b8: {  	s6 =	simm.s32 $0x0  }
0x1b9: {  	s10 =	sand.u32 $0xC, s6  }
0x1ba: {  	v0 =	vadd.s32 s10, v60;
	s11 =	sor.u32 $0x1, s10  }
0x1bb: {  	s17 =	sor.u32 $0x2, s10;
	v1 =	vadd.s32 s11, v60;
	v2 =	vand.u32 $0xF, v0  }
0x1bc: {  	s6 =	sand.u32 $0x30, s6;
	v3 =	vadd.s32 s17, v60;
	v10 =	vand.u32 $0x7, v0;
	v13 =	vshll.u32 v0, $0x7  }
0x1bd: {  	v4 =	vand.u32 $0xF, v1;
	v2 =	vor.u32 s6, v2;
	v6 =	vshll.u32 v1, $0x7  }
0x1be: {  	v7 =	vand.u32 $0xF, v3;
	v9 =	vand.u32 $0x7, v3;
	v1 =	vand.u32 $0x7, v1  }
0x1bf: {  	v0 =	vor.u32 v31, v13;
	v7 =	vor.u32 s6, v7;
	v4 =	vor.u32 s6, v4  }
0x1c0: {  	v8 =	vand.u32 $0x38, v2;
	v12 =	vand.u32 $0x38, v7;
	v15 =	vand.u32 $0x38, v4  }
0x1c1: {  	v22 =	vor.u32 v1, v15;
	v1 =	vshll.u32 v2, $0x7;
	v2 =	vshll.u32 v7, $0x7  }
0x1c2: {  	v0 =	vand.u32 $0x3F8, v0;
	v9 =	vor.u32 v9, v12;
	v2 =	vand.u32 $0x1C00, v2  }
0x1c3: {  	[tilespmem:$0x1FB80] =	vst v0;
	v0 =	vld [tilespmem:$0x1FF40];
	v58 =	vor.u32 v29, v2;
	v2 =	vor.u32 v36, v9  }
0x1c4: {  	[tilespmem:$0x1FB50] =	vst v2;
	v2 =	vld [tilespmem:$0x1FF70];
	_ =	sdelay $0x1  }
0x1c5: {  	v59 =	vld [tilespmem:$0x1FF60];
	s10 =	sor.u32 $0x3, s10  }
0x1c6: {  	v5 =	vadd.s32 s10, v60;
	v11 =	vor.u32 v60, v6  }
0x1c7: {  	v14 =	vshll.u32 v5, $0x7;
	v17 =	vand.u32 $0x388, v11;
	v11 =	vshll.u32 v3, $0x7  }
0x1c8: {  	v7 =	vor.u32 v0, v13;
	v3 =	vor.u32 v0, v14;
	v15 =	vor.u32 v2, v22  }
0x1c9: {  	v18 =	vand.u32 $0x398, v7;
	v7 =	vor.u32 v0, v6;
	[tilespmem:$0x1FB00] =	vst v15;
	v15 =	vand.u32 $0x398, v3  }
0x1ca: {  	v3 =	vshll.u32 v4, $0x7;
	v4 =	vand.u32 $0x398, v7;
	v7 =	vor.u32 v59, v14  }
0x1cb: {  	v32 =	vand.u32 $0x3A8, v7;
	v7 =	vld [tilespmem:$0x1FF50];
	_ =	sdelay $0x4  }
0x1cc: {  	v34 =	vor.u32 v7, v22;
	v7 =	vld [tilespmem:$0x1FFE0];
	_ =	sdelay $0x3  }
0x1cd: {  	v49 =	vld [tilespmem:$0x1FF90];
	v12 =	vor.u32 v59, v13;
	v1 =	vand.u32 $0x1C00, v1;
	v3 =	vand.u32 $0x1C00, v3  }
0x1ce: {  	v63 =	vmovc v29;
	v1 =	vor.u32 v29, v1;
	v30 =	vor.u32 v29, v3;
	v29 =	vor.u32 v7, v6;
	v7 =	vld [tilespmem:$0x1FF50]  }
0x1cf: {  	v21 =	vand.u32 $0x3A8, v12;
	v12 =	vand.u32 $0xF, v5  }
0x1d0: {  	v12 =	vor.u32 s6, v12  }
0x1d1: {  	v5 =	vand.u32 $0x7, v5;
	v3 =	vand.u32 $0x38, v12  }
0x1d2: {  	v56 =	vld [tilespmem:$0x1FF20];
	v37 =	vor.u32 v60, v13;
	v5 =	vor.u32 v5, v3  }
0x1d3: {  	v19 =	vor.u32 v49, v13;
	v38 =	vor.u32 v7, v9;
	v7 =	vor.u32 v61, v5  }
0x1d4: {  	v20 =	vor.u32 v48, v14;
	v24 =	vor.u32 v10, v8;
	[tilespmem:$0x1FA50] =	vst v7;
	v7 =	vor.u32 v42, v5  }
0x1d5: {  	v8 =	vor.u32 v59, v6;
	v10 =	vor.u32 v60, v11;
	[tilespmem:$0x1FA60] =	vst v7;
	v7 =	vor.u32 v62, v5  }
0x1d6: {  	v39 =	vand.u32 $0x3B8, v20;
	v8 =	vand.u32 $0x3A8, v8;
	v10 =	vand.u32 $0x388, v10;
	[tilespmem:$0x1FA70] =	vst v7;
	v7 =	vld [tilespmem:$0x1FF50]  }
0x1d7: {  	v41 =	vor.u32 v56, v24;
	v31 =	vor.u32 v10, v58;
	v3 =	vor.u32 v0, v11  }
0x1d8: {  	v46 =	vor.u32 v4, v30;
	v4 =	vor.u32 v48, v13;
	v3 =	vand.u32 $0x398, v3  }
0x1d9: {  	v10 =	vor.u32 v48, v6;
	v47 =	vor.u32 v3, v58;
	v3 =	vand.u32 $0x3B8, v4  }
0x1da: {  	v52 =	vmovc v49;
	v10 =	vand.u32 $0x3B8, v10;
	v4 =	vor.u32 v49, v6;
	v49 =	vor.u32 v3, v1;
	v3 =	vld [tilespmem:$0x1FFC0]  }
0x1db: {  	v20 =	vor.u32 v2, v9;
	v45 =	vor.u32 v17, v30;
	v7 =	vor.u32 v7, v5  }
0x1dc: {  	v53 =	vmovc v42;
	v17 =	vand.u32 $0x388, v37;
	v42 =	vor.u32 v8, v30;
	v8 =	vor.u32 v35, v14  }
0x1dd: {  	v37 =	vor.u32 v2, v24;
	v43 =	vand.u32 $0x3D8, v8;
	v8 =	vand.u32 $0x3F8, v29  }
0x1de: {  	v29 =	vor.u32 v10, v30;
	[tilespmem:$0x1FB70] =	vst v7;
	v7 =	vmov v2;
	v2 =	vor.u32 v8, v30  }
0x1df: {  	v10 =	vor.u32 v35, v6;
	v6 =	vor.u32 v3, v6;
	v3 =	vor.u32 v53, v22;
	[tilespmem:$0x1FA80] =	vst v2  }
0x1e0: {  	v41 =	vld.idx.msk [tilespmem:v41+s14+$0x0], $0xffff;
	[tilespmem:$0x1FC10] =	vst v3;
	v3 =	vor.u32 v53, v24  }
0x1e1: {  	v25 =	vor.u32 v56, v22;
	[tilespmem:$0x1FB90] =	vst v3;
	v3 =	vld [tilespmem:$0x1FFC0]  }
0x1e2: {  	v16 =	vor.u32 v60, v14  }
0x1e3: {  	v26 =	vand.u32 $0x388, v16;
	v16 =	vld [tilespmem:$0x1FF30];
	_ =	sdelay $0x2  }
0x1e4: {  	v54 =	vor.u32 v21, v1;
	v25 =	vld.idx.msk [tilespmem:v25+s14+$0x0], $0xffff;
	v21 =	vor.u32 v3, v13;
	v3 =	vor.u32 v61, v9  }
0x1e5: {  	v17 =	vor.u32 v17, v1;
	[tilespmem:$0x1FC20] =	vst v3;
	v3 =	vld [tilespmem:$0x1FF80]  }
0x1e6: {  	v33 =	vshll.u32 v12, $0x7;
	v44 =	vor.u32 v16, v24;
	v8 =	vor.u32 v59, v11  }
0x1e7: {  	v4 =	vand.u32 $0x3C8, v4  }
0x1e8: {  	v2 =	vor.u32 v18, v1;
	v18 =	vor.u32 v4, v30;
	v4 =	vand.u32 $0x3A8, v8  }
0x1e9: {  	v51 =	vor.u32 v52, v14;
	v8 =	vmovc v52;
	v52 =	vand.u32 $0x1C00, v33;
	v33 =	vmovc v53;
	v53 =	vor.u32 v4, v58  }
0x1ea: {  	[tilespmem:v17+s23+$0x0] =	vst.idx.msk $0xffff, v41;
	v4 =	vor.u32 v3, v22;
	v3 =	vor.u32 v33, v9  }
0x1eb: {  	v44 =	vld.idx.msk [tilespmem:v44+s14+$0x0], $0xffff;
	[tilespmem:$0x1FA90] =	vst v3;
	v3 =	vor.u32 v62, v9  }
0x1ec: {  	[tilespmem:$0x1FAA0] =	vst v3;
	v3 =	vld [tilespmem:$0x1FF50];
	_ =	sdelay $0x2  }
0x1ed: {  	v50 =	vand.u32 $0x3D8, v10;
	v6 =	vand.u32 $0x3E8, v6  }
0x1ee: {  	v6 =	vor.u32 v6, v30;
	v17 =	vor.u32 v50, v30  }
0x1ef: {  	[tilespmem:v45+s23+$0x0] =	vst.idx.msk $0xffff, v25;
	v30 =	vor.u32 v3, v24;
	v3 =	vor.u32 v7, v5  }
0x1f0: {  	[tilespmem:$0x1FBC0] =	vst v3;
	v3 =	vld [tilespmem:$0x1FF80];
	_ =	sdelay $0x4  }
0x1f1: {  	v23 =	vor.u32 v56, v9;
	v3 =	vor.u32 v3, v5  }
0x1f2: {  	[tilespmem:$0x1FC30] =	vst v3;
	v3 =	vld [tilespmem:$0x1FFC0];
	_ =	sdelay $0x1  }
0x1f3: {  	v27 =	vor.u32 v27, v14  }
0x1f4: {  	v28 =	vor.u32 v16, v22;
	v10 =	vor.u32 v62, v22;
	v57 =	vor.u32 v8, v11  }
0x1f5: {  	v33 =	vor.u32 v61, v22;
	v22 =	vand.u32 $0x3C8, v57;
	v57 =	vand.u32 $0x3E8, v27;
	v27 =	vld.idx.msk [tilespmem:v23+s14+$0x0], $0xffff;
	[tilespmem:v2+s23+$0x0] =	vst.idx.msk $0xffff, v44  }
0x1f6: {  	v23 =	vor.u32 v3, v11;
	v3 =	vld [tilespmem:$0x1FFE0];
	_ =	sdelay $0x1  }
0x1f7: {  	v50 =	vor.u32 v22, v58;
	v22 =	vor.u32 v35, v11  }
0x1f8: {  	v22 =	vand.u32 $0x3D8, v22  }
0x1f9: {  	v28 =	vld.idx.msk [tilespmem:v28+s14+$0x0], $0xffff;
	v2 =	vor.u32 v22, v58;
	v23 =	vand.u32 $0x3E8, v23  }
0x1fa: {  	v40 =	vor.u32 v16, v9;
	[tilespmem:$0x1FAB0] =	vst v2;
	v2 =	vor.u32 v23, v58;
	v14 =	vor.u32 v3, v14  }
0x1fb: {  	v30 =	vld.idx.msk [tilespmem:v30+s14+$0x0], $0xffff;
	v23 =	vor.u32 v63, v52;
	[tilespmem:$0x1FAC0] =	vst v2;
	v22 =	vand.u32 $0x3F8, v14;
	v14 =	vand.u32 $0x3C8, v51  }
0x1fc: {  	v3 =	vld [tilespmem:$0x1FF80];
	[tilespmem:v31+s23+$0x0] =	vst.idx.msk $0xffff, v27;
	v2 =	vor.u32 v14, v23  }
0x1fd: {  	[tilespmem:$0x1FAD0] =	vst v2  }
0x1fe: {  	v2 =	vor.u32 v57, v23;
	[tilespmem:v46+s23+$0x0] =	vst.idx.msk $0xffff, v28  }
0x1ff: {  	v28 =	vld.idx.msk [tilespmem:v40+s14+$0x0], $0xffff;
	[tilespmem:$0x1FAE0] =	vst v2  }
0x200: {  	v40 =	vld.idx.msk [tilespmem:v34+s14+$0x0], $0xffff  }
0x201: {  	v2 =	vor.u32 v39, v23;
	[tilespmem:v54+s23+$0x0] =	vst.idx.msk $0xffff, v30  }
0x202: {  	[tilespmem:$0x1FBF0] =	vst v2;
	v2 =	vor.u32 v43, v23  }
0x203: {  	v37 =	vld.idx.msk [tilespmem:v37+s14+$0x0], $0xffff;
	[tilespmem:$0x1FAF0] =	vst v2  }
0x204: {  	v9 =	vor.u32 v3, v24;
	v3 =	vld [tilespmem:$0x1FFE0];
	[tilespmem:v47+s23+$0x0] =	vst.idx.msk $0xffff, v28  }
0x205: {  	[tilespmem:v42+s23+$0x0] =	vst.idx.msk $0xffff, v40  }
0x206: {  	v2 =	vld [tilespmem:$0x1FB00];
	_ =	sdelay $0x1  }
0x207: {  	v36 =	vor.u32 v56, v5;
	_ =	sdelay $0x1  }
0x208: {  	s17 =	simm.s32 $0x4;
	v55 =	vor.u32 v35, v13;
	v13 =	vand.u32 $0x3E8, v21;
	v21 =	vor.u32 v48, v11  }
0x209: {  	s6 =	sand.u32 $0xC, s17;
	v41 =	vand.u32 $0x3B8, v21  }
0x20a: {  	v21 =	vor.u32 v62, v24;
	v44 =	vor.u32 v61, v24;
	v24 =	vadd.s32 s6, v60  }
0x20b: {  	v14 =	vand.u32 $0xF, v24;
	v36 =	vld.idx.msk [tilespmem:v36+s14+$0x0], $0xffff;
	v47 =	vand.u32 $0x7, v24;
	v24 =	vshll.u32 v24, $0x7  }
0x20c: {  	v54 =	vld.idx.msk [tilespmem:v2+s14+$0x0], $0xffff;
	v2 =	vor.u32 v8, v24  }
0x20d: {  	v38 =	vld.idx.msk [tilespmem:v38+s14+$0x0], $0xffff;
	[tilespmem:$0x1FC40] =	vst v2  }
0x20e: {  	v19 =	vand.u32 $0x3C8, v19;
	[tilespmem:v49+s23+$0x0] =	vst.idx.msk $0xffff, v37  }
0x20f: {  	v25 =	vand.u32 $0x3D8, v55;
	v55 =	vor.u32 v19, v1;
	v19 =	vor.u32 v3, v11;
	v3 =	vld [tilespmem:$0x1FFE0];
	_ =	sdelay $0x2  }
0x210: {  	v26 =	vor.u32 v26, v23;
	_ =	sdelay $0x1  }
0x211: {  	v28 =	vor.u32 v3, v24  }
0x212: {  	v2 =	vand.u32 $0x3F8, v28  }
0x213: {  	[tilespmem:$0x1FB10] =	vst v2  }
0x214: {  	s31 =	sor.u32 $0x2, s6;
	[tilespmem:v26+s23+$0x0] =	vst.idx.msk $0xffff, v36  }
0x215: {  	v12 =	vor.u32 v16, v5;
	v46 =	vadd.s32 s31, v60;
	[tilespmem:v53+s23+$0x0] =	vst.idx.msk $0xffff, v38  }
0x216: {  	s11 =	sor.u32 $0x1, s6;
	v41 =	vor.u32 v41, v58;
	v5 =	vor.u32 v32, v23;
	s31 =	sand.u32 $0x30, s17;
	v30 =	vand.u32 $0xF, v46;
	[tilespmem:v29+s23+$0x0] =	vst.idx.msk $0xffff, v54  }
0x217: {  	v52 =	vor.u32 v15, v23;
	v31 =	vadd.s32 s11, v60;
	v30 =	vor.u32 s31, v30;
	v3 =	vld [tilespmem:$0x1FF80]  }
0x218: {  	s11 =	sor.u32 $0x3, s6;
	v45 =	vand.u32 $0xF, v31;
	v57 =	vand.u32 $0x7, v46;
	v15 =	vand.u32 $0x38, v30  }
0x219: {  	v51 =	vadd.s32 s11, v60;
	v34 =	vshll.u32 v31, $0x7;
	v15 =	vor.u32 v57, v15;
	v57 =	vld.idx.msk [tilespmem:v9+s14+$0x0], $0xffff  }
0x21a: {  	v31 =	vand.u32 $0x7, v31;
	v11 =	vshll.u32 v51, $0x7;
	v37 =	vor.u32 s31, v45;
	v20 =	vld.idx.msk [tilespmem:v20+s14+$0x0], $0xffff  }
0x21b: {  	v32 =	vor.u32 s31, v14;
	v45 =	vor.u32 v60, v11;
	v49 =	vand.u32 $0x38, v37  }
0x21c: {  	v42 =	vor.u32 v31, v49;
	v31 =	vshll.u32 v32, $0x7;
	v2 =	vor.u32 v3, v15  }
0x21d: {  	v29 =	vand.u32 $0x1C00, v31;
	v31 =	vor.u32 v0, v24;
	v54 =	vshll.u32 v30, $0x7;
	v49 =	vld.idx.msk [tilespmem:v4+s14+$0x0], $0xffff;
	[tilespmem:$0x1FB20] =	vst v2  }
0x21e: {  	v30 =	vor.u32 v63, v29;
	v29 =	vand.u32 $0x1C00, v54;
	v54 =	vand.u32 $0x398, v31;
	v31 =	vld [tilespmem:$0x1FFE0];
	[tilespmem:v55+s23+$0x0] =	vst.idx.msk $0xffff, v57  }
0x21f: {  	v36 =	vor.u32 v0, v11;
	v2 =	vand.u32 $0x388, v45;
	v12 =	vld.idx.msk [tilespmem:v12+s14+$0x0], $0xffff;
	[tilespmem:v41+s23+$0x0] =	vst.idx.msk $0xffff, v20  }
0x220: {  	v55 =	vld.idx.msk [tilespmem:v44+s14+$0x0], $0xffff;
	[tilespmem:$0x1FB30] =	vst v2;
	v2 =	vand.u32 $0x398, v36  }
0x221: {  	[tilespmem:$0x1FB40] =	vst v2;
	v2 =	vld [tilespmem:$0x1FB50];
	_ =	sdelay $0x5  }
0x222: {  	v25 =	vor.u32 v25, v1;
	_ =	sdelay $0x1  }
0x223: {  	v3 =	vor.u32 v7, v42;
	v2 =	vld.idx.msk [tilespmem:v2+s14+$0x0], $0xffff  }
0x224: {  	[tilespmem:$0x1FB60] =	vst v3  }
0x225: {  	v36 =	vld [tilespmem:$0x1FF80];
	[tilespmem:v18+s23+$0x0] =	vst.idx.msk $0xffff, v49  }
0x226: {  	v3 =	vld [tilespmem:$0x1FFC0];
	[tilespmem:v25+s23+$0x0] =	vst.idx.msk $0xffff, v55  }
0x227: {  	[tilespmem:v52+s23+$0x0] =	vst.idx.msk $0xffff, v12  }
0x228: {  	v39 =	vand.u32 $0x38, v32;
	v32 =	vshll.u32 v46, $0x7;
	[tilespmem:v50+s23+$0x0] =	vst.idx.msk $0xffff, v2  }
0x229: {  	v53 =	vor.u32 v0, v34;
	v2 =	vor.u32 v0, v32;
	v0 =	vld [tilespmem:$0x1FB70];
	_ =	sdelay $0x7  }
0x22a: {  	v38 =	vmov v7;
	v7 =	vld.idx.msk [tilespmem:v0+s14+$0x0], $0xffff  }
0x22b: {  	v13 =	vor.u32 v13, v1;
	v0 =	vld [tilespmem:$0x1FB80]  }
0x22c: {  	v40 =	vor.u32 v60, v34;
	v29 =	vor.u32 v63, v29;
	v57 =	vand.u32 $0xF, v51  }
0x22d: {  	v51 =	vand.u32 $0x7, v51;
	v18 =	vshll.u32 v37, $0x7;
	v55 =	vor.u32 s31, v57  }
0x22e: {  	v18 =	vand.u32 $0x1C00, v18;
	v12 =	vor.u32 v59, v11;
	v33 =	vld.idx.msk [tilespmem:v33+s14+$0x0], $0xffff;
	v46 =	vand.u32 $0x38, v55  }
0x22f: {  	v18 =	vor.u32 v63, v18;
	v63 =	vor.u32 v51, v46;
	v51 =	vand.u32 $0x3A8, v12;
	v12 =	vld.idx.msk [tilespmem:v21+s14+$0x0], $0xffff  }
0x230: {  	v28 =	vand.u32 $0x388, v40;
	v40 =	vor.u32 v47, v39;
	v39 =	vor.u32 v0, v1;
	v0 =	vld [tilespmem:$0x1FF50];
	_ =	sdelay $0x3  }
0x231: {  	v14 =	vor.u32 v3, v11;
	[tilespmem:v17+s23+$0x0] =	vst.idx.msk $0xffff, v33  }
0x232: {  	v9 =	vld [tilespmem:$0x1FF50];
	[tilespmem:v13+s23+$0x0] =	vst.idx.msk $0xffff, v12;
	v3 =	vor.u32 v0, v42;
	v0 =	vor.u32 v31, v34  }
0x233: {  	[tilespmem:v5+s23+$0x0] =	vst.idx.msk $0xffff, v7;
	v0 =	vand.u32 $0x3F8, v0  }
0x234: {  	v20 =	vor.u32 v56, v42;
	v49 =	vor.u32 v0, v18;
	v0 =	vld [tilespmem:$0x1FB90];
	_ =	sdelay $0x3  }
0x235: {  	v43 =	vor.u32 v59, v34  }
0x236: {  	v37 =	vand.u32 $0x398, v53;
	v46 =	vand.u32 $0x3A8, v43;
	v7 =	vld.idx.msk [tilespmem:v20+s14+$0x0], $0xffff;
	v20 =	vor.u32 v28, v18  }
0x237: {  	v43 =	vor.u32 v37, v18;
	v17 =	vor.u32 v60, v24;
	v12 =	vor.u32 v56, v40;
	v37 =	vld [tilespmem:$0x1FFC0]  }
0x238: {  	v2 =	vand.u32 $0x398, v2;
	v13 =	vand.u32 $0x388, v17;
	v10 =	vld.idx.msk [tilespmem:v10+s14+$0x0], $0xffff  }
0x239: {  	v17 =	vor.u32 v13, v30;
	v13 =	vor.u32 v2, v29;
	v2 =	vld.idx.msk [tilespmem:v0+s14+$0x0], $0xffff  }
0x23a: {  	v47 =	vor.u32 v48, v34;
	v45 =	vor.u32 v48, v11;
	v21 =	vshll.u32 v55, $0x7  }
0x23b: {  	v55 =	vand.u32 $0x3B8, v45;
	v45 =	vor.u32 v22, v23;
	v4 =	vor.u32 v16, v63;
	[tilespmem:v20+s23+$0x0] =	vst.idx.msk $0xffff, v7  }
0x23c: {  	v23 =	vor.u32 v35, v34;
	v12 =	vld.idx.msk [tilespmem:v12+s14+$0x0], $0xffff;
	v20 =	vor.u32 v37, v34;
	[tilespmem:$0x1FBA0] =	vst v4  }
0x23d: {  	v28 =	vmov v8;
	v8 =	vor.u32 v8, v34;
	v34 =	vld [tilespmem:$0x1FF50];
	[tilespmem:v6+s23+$0x0] =	vst.idx.msk $0xffff, v10;
	v6 =	vand.u32 $0x3E8, v20  }
0x23e: {  	v4 =	vor.u32 v6, v18;
	[tilespmem:v39+s23+$0x0] =	vst.idx.msk $0xffff, v2  }
0x23f: {  	[tilespmem:$0x1FBB0] =	vst v4;
	v4 =	vld [tilespmem:$0x1FBC0];
	_ =	sdelay $0x3  }
0x240: {  	v25 =	vor.u32 v16, v42  }
0x241: {  	v27 =	vor.u32 v56, v15  }
0x242: {  	v44 =	vor.u32 v60, v32;
	v60 =	vor.u32 v9, v15;
	v9 =	vor.u32 v16, v15  }
0x243: {  	v7 =	vand.u32 $0x3C8, v8;
	v10 =	vor.u32 v16, v40;
	v20 =	vor.u32 v59, v32;
	v16 =	vld [tilespmem:$0x1FFD0]  }
0x244: {  	v8 =	vand.u32 $0x3D8, v23;
	v2 =	vand.u32 $0x3A8, v20;
	v6 =	vld.idx.msk [tilespmem:v4+s14+$0x0], $0xffff;
	v4 =	vor.u32 v62, v42  }
0x245: {  	v50 =	vand.u32 $0x3B8, v47;
	v47 =	vor.u32 v8, v18;
	v8 =	vor.u32 v2, v29;
	v2 =	vld.idx.msk [tilespmem:v25+s14+$0x0], $0xffff;
	[tilespmem:$0x1FBD0] =	vst v4  }
0x246: {  	v4 =	vor.u32 v61, v15;
	[tilespmem:v17+s23+$0x0] =	vst.idx.msk $0xffff, v12;
	v17 =	vand.u32 $0x3F8, v19;
	v19 =	vld.idx.msk [tilespmem:v27+s14+$0x0], $0xffff  }
0x247: {  	[tilespmem:$0x1FBE0] =	vst v4;
	v4 =	vld [tilespmem:$0x1FBF0]  }
0x248: {  	v44 =	vand.u32 $0x388, v44  }
0x249: {  	v44 =	vor.u32 v44, v29;
	_ =	sdelay $0x2  }
0x24a: {  	v26 =	vor.u32 v59, v24;
	v22 =	vor.u32 v48, v24  }
0x24b: {  	v57 =	vor.u32 v56, v63;
	v56 =	vor.u32 v50, v18;
	[tilespmem:v43+s23+$0x0] =	vst.idx.msk $0xffff, v2  }
0x24c: {  	v50 =	vor.u32 v7, v18;
	v7 =	vor.u32 v35, v24;
	[tilespmem:v44+s23+$0x0] =	vst.idx.msk $0xffff, v19  }
0x24d: {  	v12 =	vor.u32 v37, v24;
	v24 =	vld.idx.msk [tilespmem:v10+s14+$0x0], $0xffff;
	[tilespmem:v4+s23+$0x0] =	vst.idx.msk $0xffff, v6;
	v4 =	vor.u32 v34, v63  }
0x24e: {  	[tilespmem:$0x1FC00] =	vst v4;
	v4 =	vld [tilespmem:$0x1FC10];
	_ =	sdelay $0x2  }
0x24f: {  	v53 =	vor.u32 v35, v11  }
0x250: {  	v52 =	vand.u32 $0x3D8, v53;
	v53 =	vor.u32 v38, v15;
	v5 =	vmov v38  }
0x251: {  	v0 =	vand.u32 $0x3B8, v22;
	v22 =	vor.u32 v54, v30;
	v54 =	vor.u32 v5, v63  }
0x252: {  	v38 =	vor.u32 v16, v42;
	v41 =	vmovc v16;
	v59 =	vor.u32 v17, v58;
	v17 =	vor.u32 v48, v32  }
0x253: {  	v58 =	vor.u32 v16, v15;
	v48 =	vor.u32 v16, v63;
	v16 =	vmovc v5;
	v6 =	vor.u32 v28, v32;
	v5 =	vld [tilespmem:$0x1FC30]  }
0x254: {  	v23 =	vand.u32 $0x3C8, v6;
	v6 =	vand.u32 $0x3E8, v14;
	v14 =	vld.idx.msk [tilespmem:v4+s14+$0x0], $0xffff  }
0x255: {  	v26 =	vand.u32 $0x3A8, v26;
	v21 =	vand.u32 $0x1C00, v21;
	v4 =	vld [tilespmem:$0x1FC20]  }
0x256: {  	v1 =	vor.u32 v46, v18;
	v0 =	vor.u32 v0, v30;
	v18 =	vor.u32 v26, v30;
	v25 =	vmovc v28  }
0x257: {  	v39 =	vor.u32 v36, v63;
	v25 =	vor.u32 v25, v11;
	v12 =	vand.u32 $0x3E8, v12  }
0x258: {  	v33 =	vor.u32 v12, v30;
	v12 =	vor.u32 v36, v42;
	v20 =	vand.u32 $0x3B8, v17;
	v2 =	vmovc v61  }
0x259: {  	v61 =	vor.u32 v61, v42;
	v17 =	vor.u32 v62, v15;
	v26 =	vld.idx.msk [tilespmem:v9+s14+$0x0], $0xffff;
	[tilespmem:v22+s23+$0x0] =	vst.idx.msk $0xffff, v24  }
0x25a: {  	v7 =	vand.u32 $0x3D8, v7;
	v10 =	vor.u32 v2, v63;
	v27 =	vmovc v2;
	v44 =	vor.u32 v34, v40;
	v28 =	vmovc v62;
	v9 =	vld [tilespmem:$0x1FC40]  }
0x25b: {  	v2 =	vor.u32 v62, v63;
	v15 =	vor.u32 v20, v29;
	v63 =	vor.u32 v28, v40;
	v20 =	vld.idx.msk [tilespmem:v5+s14+$0x0], $0xffff  }
0x25c: {  	v62 =	vor.u32 v23, v29;
	v23 =	vor.u32 v27, v40;
	v5 =	vor.u32 v37, v32;
	v24 =	vld.idx.msk [tilespmem:v3+s14+$0x0], $0xffff  }
0x25d: {  	v3 =	vor.u32 v31, v11;
	v19 =	vld.idx.msk [tilespmem:v4+s14+$0x0], $0xffff;
	v4 =	vor.u32 v7, v30;
	v7 =	vor.u32 v35, v32  }
0x25e: {  	v22 =	vor.u32 v16, v40;
	v11 =	vor.u32 v41, v40;
	v7 =	vand.u32 $0x3D8, v7  }
0x25f: {  	v5 =	vand.u32 $0x3E8, v5;
	v16 =	vld.idx.msk [tilespmem:v44+s14+$0x0], $0xffff;
	v9 =	vand.u32 $0x3C8, v9;
	[tilespmem:$0x1FC50] =	vst v11;
	v7 =	vor.u32 v7, v29  }
.LBB2_9:
0x260: {  	v3 =	vand.u32 $0x3F8, v3  }
0x261: {  	[tilespmem:$0x1F9F0] =	vst v3;
	v3 =	vld [tilespmem:$0x1FAD0]  }
0x262: {  	v28 =	vor.u32 v5, v29;
	v5 =	vld [tilespmem:$0x1FA50];
	_ =	sdelay $0x2  }
0x263: {  	v35 =	vld [tilespmem:$0x1FFF0];
	_ =	sdelay $0x3  }
0x264: {  	s17 =	sadd.s32 $0x4, s17;
	[tilespmem:v3+s23+$0x0] =	vst.idx.msk $0xffff, v20  }
0x265: {  	v46 =	vlaneseq.u32;
	s6 =	sand.u32 $0xC, s17;
	[tilespmem:v13+s23+$0x0] =	vst.idx.msk $0xffff, v26;
	v11 =	vor.u32 v35, v21;
	v3 =	vand.u32 $0x3C8, v25;
	v20 =	vld.idx.msk [tilespmem:v5+s14+$0x0], $0xffff;
	v5 =	vmovc v10  }
0x266: {  	s11 =	sor.u32 $0x2, s6;
	v10 =	vadd.s32 s6, v46;
	v3 =	vor.u32 v3, v11;
	[tilespmem:$0x1FA50] =	vst v5  }
0x267: {  	v26 =	vadd.s32 s11, v46;
	s11 =	sand.u32 $0x30, s17;
	v5 =	vld [tilespmem:$0x1FB30];
	[tilespmem:$0x1FAD0] =	vst v3;
	v3 =	vand.u32 $0xF, v10  }
0x268: {  	v41 =	vor.u32 s11, v3;
	v3 =	vld [tilespmem:$0x1FB60];
	_ =	sdelay $0x4  }
0x269: {  	v13 =	vor.u32 v5, v11;
	v5 =	vld [tilespmem:$0x1FAB0];
	_ =	sdelay $0x1  }
0x26a: {  	[tilespmem:v1+s23+$0x0] =	vst.idx.msk $0xffff, v24  }
0x26b: {  	[tilespmem:v18+s23+$0x0] =	vst.idx.msk $0xffff, v16;
	v16 =	vld.idx.msk [tilespmem:v3+s14+$0x0], $0xffff;
	v3 =	vmov v7  }
0x26c: {  	[tilespmem:$0x1FAB0] =	vst v3;
	v3 =	vld [tilespmem:$0x1FAA0];
	_ =	sdelay $0x3  }
0x26d: {  	v1 =	vld.idx.msk [tilespmem:v60+s14+$0x0], $0xffff;
	[tilespmem:v5+s23+$0x0] =	vst.idx.msk $0xffff, v19;
	v5 =	vor.u32 v31, v32  }
0x26e: {  	[tilespmem:$0x1FA30] =	vst v5;
	v5 =	vld [tilespmem:$0x1FB40];
	_ =	sdelay $0x2  }
0x26f: {  	v31 =	vld.idx.msk [tilespmem:v3+s14+$0x0], $0xffff  }
0x270: {  	v3 =	vld [tilespmem:$0x1FAF0]  }
0x271: {  	v7 =	vmov v33;
	v33 =	vor.u32 v5, v11;
	v5 =	vld [tilespmem:$0x1FA70];
	_ =	sdelay $0x6  }
0x272: {  	v57 =	vld.idx.msk [tilespmem:v57+s14+$0x0], $0xffff;
	[tilespmem:v3+s23+$0x0] =	vst.idx.msk $0xffff, v20  }
0x273: {  	v44 =	vld.idx.msk [tilespmem:v5+s14+$0x0], $0xffff;
	v5 =	vmov v2  }
0x274: {  	[tilespmem:$0x1FA70] =	vst v5;
	v5 =	vld [tilespmem:$0x1FA80];
	_ =	sdelay $0x2  }
0x275: {  	v27 =	vor.u32 v9, v30;
	v9 =	vmovc v47;
	v47 =	vor.u32 v6, v11;
	v6 =	vor.u32 v55, v11  }
0x276: {  	[tilespmem:$0x1FA10] =	vst v6;
	v6 =	vld [tilespmem:$0x1FF90];
	_ =	sdelay $0x3  }
0x277: {  	v19 =	vshll.u32 v10, $0x7;
	[tilespmem:v5+s23+$0x0] =	vst.idx.msk $0xffff, v14;
	v5 =	vmov v49  }
0x278: {  	[tilespmem:$0x1FA80] =	vst v5;
	v5 =	vor.u32 v6, v19  }
0x279: {  	[tilespmem:$0x1FA40] =	vst v5;
	v5 =	vld [tilespmem:$0x1FFE0];
	_ =	sdelay $0x4  }
0x27a: {  	[tilespmem:v13+s23+$0x0] =	vst.idx.msk $0xffff, v57;
	v13 =	vor.u32 v5, v19;
	v5 =	vld [tilespmem:$0x1FAE0];
	_ =	sdelay $0x5  }
0x27b: {  	[tilespmem:$0x1FA00] =	vst v38;
	v38 =	vld [tilespmem:$0x1FF60]  }
0x27c: {  	v22 =	vld.idx.msk [tilespmem:v22+s14+$0x0], $0xffff  }
0x27d: {  	[tilespmem:v5+s23+$0x0] =	vst.idx.msk $0xffff, v44;
	v5 =	vld [tilespmem:$0x1FAC0];
	_ =	sdelay $0x2  }
0x27e: {  	s10 =	sor.u32 $0x1, s6  }
0x27f: {  	[tilespmem:v0+s23+$0x0] =	vst.idx.msk $0xffff, v22;
	v25 =	vadd.s32 s10, v46  }
0x280: {  	v24 =	vand.u32 $0xF, v25;
	v18 =	vshll.u32 v25, $0x7;
	v0 =	vor.u32 v38, v19;
	[tilespmem:v56+s23+$0x0] =	vst.idx.msk $0xffff, v16  }
0x281: {  	[tilespmem:v8+s23+$0x0] =	vst.idx.msk $0xffff, v1;
	v14 =	vand.u32 $0x7, v25;
	v25 =	vor.u32 s11, v24;
	v24 =	vand.u32 $0x3A8, v0;
	v0 =	vld.idx.msk [tilespmem:v12+s14+$0x0], $0xffff  }
0x282: {  	v12 =	vld.idx.msk [tilespmem:v53+s14+$0x0], $0xffff  }
0x283: {  	[tilespmem:v5+s23+$0x0] =	vst.idx.msk $0xffff, v31;
	v5 =	vld [tilespmem:$0x1FA60]  }
0x284: {  	v40 =	vor.u32 v36, v40;
	_ =	sdelay $0x2  }
0x285: {  	v2 =	vmov v17  }
0x286: {  	[tilespmem:$0x1FAA0] =	vst v2;
	v2 =	vor.u32 v46, v18  }
0x287: {  	v22 =	vand.u32 $0x388, v2;
	v2 =	vld.idx.msk [tilespmem:v40+s14+$0x0], $0xffff  }
0x288: {  	[tilespmem:$0x1FA20] =	vst v39;
	v39 =	vld [tilespmem:$0x1FF20]  }
0x289: {  	v31 =	vld.idx.msk [tilespmem:v5+s14+$0x0], $0xffff  }
0x28a: {  	v42 =	vand.u32 $0xF, v26;
	v5 =	vld [tilespmem:$0x1FF80]  }
0x28b: {  	v43 =	vand.u32 $0x7, v26;
	v3 =	vor.u32 v52, v11;
	v16 =	vand.u32 $0x38, v25  }
0x28c: {  	v52 =	vand.u32 $0x7, v10;
	v10 =	vor.u32 s11, v42;
	[tilespmem:v27+s23+$0x0] =	vst.idx.msk $0xffff, v2;
	v20 =	vor.u32 v14, v16  }
0x28d: {  	v17 =	vand.u32 $0x38, v10;
	v10 =	vshll.u32 v10, $0x7;
	v57 =	vld.idx.msk [tilespmem:v23+s14+$0x0], $0xffff;
	v2 =	vor.u32 v39, v20  }
0x28e: {  	v17 =	vor.u32 v43, v17;
	v10 =	vand.u32 $0x1C00, v10;
	v16 =	vshll.u32 v41, $0x7  }
0x28f: {  	v1 =	vand.u32 $0x1C00, v16;
	v16 =	vor.u32 v35, v10;
	v10 =	vor.u32 v5, v17;
	v5 =	vld [tilespmem:$0x1FA90];
	_ =	sdelay $0x1  }
0x290: {  	[tilespmem:v50+s23+$0x0] =	vst.idx.msk $0xffff, v0  }
0x291: {  	[tilespmem:v4+s23+$0x0] =	vst.idx.msk $0xffff, v57;
	v4 =	vld.idx.msk [tilespmem:v2+s14+$0x0], $0xffff  }
0x292: {  	v2 =	vld [tilespmem:$0x1FFE0];
	_ =	sdelay $0x1  }
0x293: {  	s31 =	sor.u32 $0x3, s6  }
0x294: {  	v60 =	vadd.s32 s31, v46;
	v32 =	vand.u32 $0x38, v41;
	v41 =	vld [tilespmem:$0x1FF40]  }
0x295: {  	[tilespmem:$0x1FAF0] =	vst v3;
	v3 =	vshll.u32 v60, $0x7;
	v53 =	vld.idx.msk [tilespmem:v5+s14+$0x0], $0xffff  }
0x296: {  	v42 =	vmov v47;
	[tilespmem:v15+s23+$0x0] =	vst.idx.msk $0xffff, v12;
	v15 =	vor.u32 v37, v3;
	v37 =	vor.u32 v2, v18;
	v2 =	vld [tilespmem:$0x1FB10]  }
0x297: {  	[tilespmem:$0x1FAE0] =	vst v42;
	v42 =	vld [tilespmem:$0x1FF00]  }
0x298: {  	v0 =	vld [tilespmem:$0x1FB20]  }
0x299: {  	v50 =	vld.idx.msk [tilespmem:v63+s14+$0x0], $0xffff;
	v5 =	vmov v58  }
0x29a: {  	[tilespmem:$0x1FA90] =	vst v5;
	v5 =	vld [tilespmem:$0x1FBA0]  }
0x29b: {  	v55 =	vand.u32 $0xF, v60;
	v63 =	vor.u32 v2, v30;
	v2 =	vld [tilespmem:$0x1FF50]  }
0x29c: {  	v21 =	vor.u32 v51, v11;
	v36 =	vor.u32 s11, v55;
	v40 =	vor.u32 v52, v32  }
0x29d: {  	v32 =	vshll.u32 v26, $0x7;
	v27 =	vand.u32 $0x7, v60;
	v60 =	vor.u32 v38, v3  }
0x29e: {  	v51 =	vor.u32 v41, v18;
	v26 =	vor.u32 v41, v3;
	v56 =	vor.u32 v42, v3  }
0x29f: {  	v13 =	vand.u32 $0x3F8, v13;
	v55 =	vand.u32 $0x3B8, v56;
	v56 =	vld [tilespmem:$0x1FF50];
	v12 =	vshll.u32 v25, $0x7;
	[tilespmem:v59+s23+$0x0] =	vst.idx.msk $0xffff, v53  }
0x2a0: {  	v25 =	vand.u32 $0x398, v51;
	v51 =	vand.u32 $0x3A8, v60;
	v0 =	vld.idx.msk [tilespmem:v0+s14+$0x0], $0xffff;
	v60 =	vor.u32 v2, v17;
	v2 =	vmovc v13  }
0x2a1: {  	v43 =	vmov v28;
	v23 =	vand.u32 $0x398, v26;
	[tilespmem:$0x1FB10] =	vst v2;
	v2 =	vld [tilespmem:$0x1FC00]  }
0x2a2: {  	v47 =	vor.u32 v42, v18;
	v12 =	vand.u32 $0x1C00, v12;
	v26 =	vld.idx.msk [tilespmem:v5+s14+$0x0], $0xffff;
	v5 =	vmovc v10;
	v10 =	vand.u32 $0x38, v36  }
0x2a3: {  	v58 =	vor.u32 v35, v12;
	v12 =	vld.idx.msk [tilespmem:v61+s14+$0x0], $0xffff;
	v59 =	vor.u32 v27, v10;
	v13 =	vand.u32 $0x3B8, v47  }
0x2a4: {  	[tilespmem:$0x1FAC0] =	vst v43;
	v43 =	vmovc v48;
	v61 =	vshll.u32 v36, $0x7;
	v36 =	vor.u32 v56, v59;
	v56 =	vor.u32 v13, v58;
	v13 =	vld [tilespmem:$0x1FBD0]  }
0x2a5: {  	[tilespmem:$0x1FA60] =	vst v43  }
0x2a6: {  	[tilespmem:v45+s23+$0x0] =	vst.idx.msk $0xffff, v31  }
0x2a7: {  	v49 =	vor.u32 v46, v3;
	[tilespmem:v62+s23+$0x0] =	vst.idx.msk $0xffff, v0  }
0x2a8: {  	v1 =	vor.u32 v35, v1;
	v43 =	vld [tilespmem:$0x1FFA0];
	v62 =	vor.u32 v22, v58;
	[tilespmem:v33+s23+$0x0] =	vst.idx.msk $0xffff, v26  }
0x2a9: {  	v49 =	vand.u32 $0x388, v49;
	[tilespmem:$0x1FB20] =	vst v5;
	v5 =	vor.u32 v34, v20;
	v34 =	vor.u32 v46, v19;
	v35 =	vld.idx.msk [tilespmem:v2+s14+$0x0], $0xffff  }
0x2aa: {  	v30 =	vmovc v1;
	[tilespmem:v9+s23+$0x0] =	vst.idx.msk $0xffff, v12;
	v27 =	vor.u32 v41, v32;
	v0 =	vand.u32 $0x3F8, v37;
	v12 =	vand.u32 $0x388, v34  }
0x2ab: {  	[tilespmem:$0x1FB30] =	vst v49;
	v47 =	vor.u32 v12, v30;
	v12 =	vand.u32 $0x398, v27;
	v49 =	vor.u32 v0, v58;
	v0 =	vld [tilespmem:$0x1FC50]  }
0x2ac: {  	v8 =	vor.u32 v41, v19;
	v34 =	vld.idx.msk [tilespmem:v13+s14+$0x0], $0xffff;
	v13 =	vor.u32 v12, v16;
	v12 =	vor.u32 v6, v18  }
0x2ad: {  	v8 =	vand.u32 $0x398, v8;
	[tilespmem:v62+s23+$0x0] =	vst.idx.msk $0xffff, v4;
	v4 =	vand.u32 $0x3C8, v12;
	v12 =	vld [tilespmem:$0x1FBB0]  }
0x2ae: {  	[tilespmem:v21+s23+$0x0] =	vst.idx.msk $0xffff, v35;
	v35 =	vor.u32 v8, v30;
	v8 =	vor.u32 v43, v18  }
0x2af: {  	v62 =	vand.u32 $0x3D8, v8;
	v8 =	vld [tilespmem:$0x1FFC0];
	_ =	sdelay $0x1  }
0x2b0: {  	[tilespmem:v7+s23+$0x0] =	vst.idx.msk $0xffff, v50  }
0x2b1: {  	[tilespmem:$0x1FC00] =	vst v36;
	v36 =	vor.u32 v25, v58;
	v25 =	vor.u32 v42, v19  }
0x2b2: {  	v27 =	vld.idx.msk [tilespmem:v0+s14+$0x0], $0xffff;
	v0 =	vand.u32 $0x3B8, v25;
	v25 =	vor.u32 v38, v32  }
0x2b3: {  	v45 =	vld [tilespmem:$0x1FF30];
	v50 =	vor.u32 v4, v58;
	v4 =	vand.u32 $0x3A8, v25;
	v8 =	vor.u32 v8, v18  }
0x2b4: {  	[tilespmem:v12+s23+$0x0] =	vst.idx.msk $0xffff, v34;
	v12 =	vand.u32 $0x3E8, v8;
	v8 =	vor.u32 v4, v16;
	v4 =	vld [tilespmem:$0x1FA00];
	_ =	sdelay $0x1  }
0x2b5: {  	v14 =	vor.u32 v39, v17  }
0x2b6: {  	v7 =	vld [tilespmem:$0x1F9F0]  }
0x2b7: {  	v57 =	vor.u32 v39, v59;
	v31 =	vor.u32 v45, v20;
	v33 =	vor.u32 v39, v40;
	v39 =	vld [tilespmem:$0x1FFD0]  }
0x2b8: {  	v28 =	vor.u32 v38, v18;
	v52 =	vor.u32 v46, v32;
	v46 =	vld [tilespmem:$0x1FFB0]  }
0x2b9: {  	v28 =	vand.u32 $0x3A8, v28;
	v44 =	vld [tilespmem:$0x1FF70]  }
0x2ba: {  	[tilespmem:$0x1FB40] =	vst v23;
	v23 =	vand.u32 $0x388, v52;
	v1 =	vor.u32 v28, v58;
	v28 =	vor.u32 v43, v3;
	v37 =	vld.idx.msk [tilespmem:v14+s14+$0x0], $0xffff  }
0x2bb: {  	v52 =	vand.u32 $0x3D8, v28;
	v26 =	vor.u32 v45, v17;
	v53 =	vor.u32 v45, v59;
	v14 =	vld.idx.msk [tilespmem:v4+s14+$0x0], $0xffff  }
0x2bc: {  	v28 =	vor.u32 v45, v40;
	v45 =	vor.u32 v7, v11;
	v11 =	vor.u32 v39, v20;
	v4 =	vld.idx.msk [tilespmem:v31+s14+$0x0], $0xffff  }
0x2bd: {  	v41 =	vld [tilespmem:$0x1FF10];
	v38 =	vmov v11;
	v11 =	vor.u32 v46, v20  }
0x2be: {  	[tilespmem:$0x1FBD0] =	vst v11;
	v11 =	vor.u32 v12, v58;
	v12 =	vld [tilespmem:$0x1FFC0]  }
0x2bf: {  	v33 =	vld.idx.msk [tilespmem:v33+s14+$0x0], $0xffff  }
0x2c0: {  	v25 =	vor.u32 v6, v3;
	[tilespmem:v63+s23+$0x0] =	vst.idx.msk $0xffff, v27;
	v27 =	vor.u32 v6, v32;
	v6 =	vld [tilespmem:$0x1FA10]  }
0x2c1: {  	[tilespmem:v36+s23+$0x0] =	vst.idx.msk $0xffff, v4;
	v4 =	vld [tilespmem:$0x1FA20]  }
0x2c2: {  	v9 =	vld.idx.msk [tilespmem:v54+s14+$0x0], $0xffff;
	v18 =	vor.u32 v24, v30  }
0x2c3: {  	v24 =	vor.u32 v41, v17;
	[tilespmem:$0x1FBB0] =	vst v11;
	v11 =	vor.u32 v43, v19;
	v12 =	vor.u32 v12, v19;
	v19 =	vld [tilespmem:$0x1FBE0]  }
0x2c4: {  	[tilespmem:$0x1FBE0] =	vst v24;
	v24 =	vand.u32 $0x3E8, v12;
	v12 =	vld [tilespmem:$0x1FF80];
	_ =	sdelay $0x1  }
0x2c5: {  	v34 =	vld [tilespmem:$0x1FF50]  }
0x2c6: {  	[tilespmem:v47+s23+$0x0] =	vst.idx.msk $0xffff, v33  }
0x2c7: {  	v23 =	vor.u32 v23, v16;
	v48 =	vor.u32 v44, v20;
	v28 =	vld.idx.msk [tilespmem:v28+s14+$0x0], $0xffff;
	[tilespmem:v6+s23+$0x0] =	vst.idx.msk $0xffff, v9  }
0x2c8: {  	v21 =	vand.u32 $0x1C00, v61;
	v61 =	vor.u32 v41, v20;
	v12 =	vor.u32 v12, v20;
	v20 =	vld.idx.msk [tilespmem:v4+s14+$0x0], $0xffff  }
0x2c9: {  	[tilespmem:$0x1FB60] =	vst v48;
	v10 =	vor.u32 v41, v59;
	v48 =	vor.u32 v39, v59;
	v31 =	vor.u32 v42, v32;
	v4 =	vld [tilespmem:$0x1FA30]  }
0x2ca: {  	v33 =	vor.u32 v24, v30;
	v24 =	vand.u32 $0x3B8, v31;
	v31 =	vor.u32 v34, v40;
	v36 =	vld [tilespmem:$0x1FF80]  }
0x2cb: {  	v2 =	vor.u32 v46, v59;
	v7 =	vor.u32 v39, v40;
	v27 =	vand.u32 $0x3C8, v27  }
0x2cc: {  	[tilespmem:$0x1FC50] =	vst v7;
	v7 =	vld [tilespmem:$0x1FA40];
	v54 =	vor.u32 v44, v59;
	v47 =	vor.u32 v62, v58;
	v62 =	vor.u32 v27, v16  }
0x2cd: {  	v58 =	vor.u32 v39, v17;
	[tilespmem:v35+s23+$0x0] =	vst.idx.msk $0xffff, v28;
	v6 =	vand.u32 $0x3E8, v15;
	v19 =	vld.idx.msk [tilespmem:v19+s14+$0x0], $0xffff  }
0x2ce: {  	v9 =	vand.u32 $0x3D8, v11;
	v15 =	vor.u32 v24, v16;
	[tilespmem:v23+s23+$0x0] =	vst.idx.msk $0xffff, v37;
	v37 =	vld [tilespmem:$0x1FFC0];
	v11 =	vand.u32 $0x3F8, v4  }
0x2cf: {  	v39 =	vor.u32 v36, v59;
	v59 =	vor.u32 v11, v29;
	v29 =	vmov v16;
	v16 =	vld.idx.msk [tilespmem:v31+s14+$0x0], $0xffff  }
0x2d0: {  	p2 =	slt.u32 s17, $0x3C;
	v31 =	vld [tilespmem:$0x1FFE0]  }
.Ltmp6:
0x2d1: {  	v22 =	vor.u32 v44, v40;
	[tilespmem:$0x1FBA0] =	vst v53;
	v53 =	vor.u32 v44, v17;
	(pc) =	sbr.rel @p2 .LBB2_9-.Ltmp6, $4  }
0x2d2: {  	v0 =	vor.u32 v0, v30;
	v63 =	vor.u32 v46, v40;
	v17 =	vor.u32 v46, v17  }
0x2d3: {  	v24 =	vld.idx.msk [tilespmem:v5+s14+$0x0], $0xffff;
	v5 =	vor.u32 v43, v32;
	v23 =	vor.u32 v41, v40;
	v4 =	vor.u32 v9, v30  }
0x2d4: {  	v9 =	vand.u32 $0x3C8, v7;
	v7 =	vand.u32 $0x3D8, v5;
	v11 =	vor.u32 v37, v32  }
0x2d5: {  	v26 =	vld.idx.msk [tilespmem:v26+s14+$0x0], $0xffff;
	v5 =	vand.u32 $0x3E8, v11;
	v7 =	vor.u32 v7, v29;
	v3 =	vor.u32 v31, v3  }
0x2d6: {  	v28 =	vld [tilespmem:$0x1FFF0]  }
0x2d7: {  	v46 =	vld [tilespmem:$0x1FB30];
	_ =	sdelay $0x3  }
0x2d8: {  	v11 =	vor.u32 v28, v21  }
0x2d9: {  	v27 =	vld.idx.msk [tilespmem:v57+s14+$0x0], $0xffff;
	v21 =	vor.u32 v46, v11;
	_ =	sdelay $0x4  }
0x2da: {  	[tilespmem:v21+s23+$0x0] =	vst.idx.msk $0xffff, v27  }
0x2db: {  	v27 =	vld [tilespmem:$0x1FBA0];
	_ =	sdelay $0x2  }
0x2dc: {  	v21 =	vld [tilespmem:$0x1FB40];
	_ =	sdelay $0x4  }
0x2dd: {  	v21 =	vor.u32 v21, v11;
	v27 =	vld.idx.msk [tilespmem:v27+s14+$0x0], $0xffff;
	_ =	sdelay $0x3  }
0x2de: {  	[tilespmem:v13+s23+$0x0] =	vst.idx.msk $0xffff, v26  }
0x2df: {  	[tilespmem:v21+s23+$0x0] =	vst.idx.msk $0xffff, v27  }
0x2e0: {  	v21 =	vld [tilespmem:$0x1FC00];
	_ =	sdelay $0x7  }
0x2e1: {  	v57 =	vor.u32 v51, v11;
	v21 =	vld.idx.msk [tilespmem:v21+s14+$0x0], $0xffff;
	_ =	sdelay $0x2  }
0x2e2: {  	[tilespmem:v18+s23+$0x0] =	vst.idx.msk $0xffff, v16  }
0x2e3: {  	[tilespmem:v1+s23+$0x0] =	vst.idx.msk $0xffff, v24  }
0x2e4: {  	[tilespmem:v57+s23+$0x0] =	vst.idx.msk $0xffff, v21  }
0x2e5: {  	v16 =	vld [tilespmem:$0x1FB60]  }
0x2e6: {  	v26 =	vld.idx.msk [tilespmem:v60+s14+$0x0], $0xffff;
	_ =	sdelay $0x3  }
0x2e7: {  	v60 =	vld.idx.msk [tilespmem:v22+s14+$0x0], $0xffff  }
0x2e8: {  	v34 =	vor.u32 v55, v11;
	[tilespmem:v8+s23+$0x0] =	vst.idx.msk $0xffff, v26;
	v35 =	vld.idx.msk [tilespmem:v54+s14+$0x0], $0xffff  }
0x2e9: {  	v24 =	vor.u32 v36, v40;
	v40 =	vld.idx.msk [tilespmem:v53+s14+$0x0], $0xffff  }
0x2ea: {  	v16 =	vld.idx.msk [tilespmem:v16+s14+$0x0], $0xffff;
	_ =	sdelay $0x1  }
0x2eb: {  	[tilespmem:v0+s23+$0x0] =	vst.idx.msk $0xffff, v60  }
0x2ec: {  	[tilespmem:v34+s23+$0x0] =	vst.idx.msk $0xffff, v35  }
0x2ed: {  	[tilespmem:v15+s23+$0x0] =	vst.idx.msk $0xffff, v40  }
0x2ee: {  	[tilespmem:v56+s23+$0x0] =	vst.idx.msk $0xffff, v16  }
0x2ef: {  	v46 =	vld [tilespmem:$0x1FAD0];
	_ =	sdelay $0x7  }
0x2f0: {  	[tilespmem:v46+s23+$0x0] =	vst.idx.msk $0xffff, v20  }
0x2f1: {  	v13 =	vld [tilespmem:$0x1FB20]  }
0x2f2: {  	v15 =	vld [tilespmem:$0x1FAB0];
	_ =	sdelay $0x4  }
0x2f3: {  	v41 =	vor.u32 v9, v30;
	v1 =	vld.idx.msk [tilespmem:v24+s14+$0x0], $0xffff  }
0x2f4: {  	v42 =	vand.u32 $0x3C8, v25;
	v43 =	vld.idx.msk [tilespmem:v12+s14+$0x0], $0xffff  }
0x2f5: {  	v8 =	vor.u32 v42, v11;
	v44 =	vld.idx.msk [tilespmem:v39+s14+$0x0], $0xffff  }
0x2f6: {  	v13 =	vld.idx.msk [tilespmem:v13+s14+$0x0], $0xffff;
	[tilespmem:v15+s23+$0x0] =	vst.idx.msk $0xffff, v19  }
0x2f7: {  	v15 =	vld [tilespmem:$0x1FA50]  }
0x2f8: {  	[tilespmem:v41+s23+$0x0] =	vst.idx.msk $0xffff, v1  }
0x2f9: {  	[tilespmem:v50+s23+$0x0] =	vst.idx.msk $0xffff, v43  }
0x2fa: {  	[tilespmem:v8+s23+$0x0] =	vst.idx.msk $0xffff, v44  }
0x2fb: {  	[tilespmem:v62+s23+$0x0] =	vst.idx.msk $0xffff, v13  }
0x2fc: {  	v53 =	vld [tilespmem:$0x1FAF0];
	_ =	sdelay $0x2  }
0x2fd: {  	v15 =	vld.idx.msk [tilespmem:v15+s14+$0x0], $0xffff;
	_ =	sdelay $0x4  }
0x2fe: {  	v51 =	vor.u32 v52, v11;
	v52 =	vld.idx.msk [tilespmem:v10+s14+$0x0], $0xffff;
	[tilespmem:v53+s23+$0x0] =	vst.idx.msk $0xffff, v15  }
0x2ff: {  	v10 =	vld [tilespmem:$0x1FBE0]  }
0x300: {  	v12 =	vld [tilespmem:$0x1FA80];
	_ =	sdelay $0x4  }
0x301: {  	v0 =	vld.idx.msk [tilespmem:v23+s14+$0x0], $0xffff  }
0x302: {  	v50 =	vld.idx.msk [tilespmem:v61+s14+$0x0], $0xffff;
	_ =	sdelay $0x1  }
0x303: {  	v10 =	vld.idx.msk [tilespmem:v10+s14+$0x0], $0xffff;
	[tilespmem:v12+s23+$0x0] =	vst.idx.msk $0xffff, v14  }
0x304: {  	v12 =	vld [tilespmem:$0x1FA70]  }
0x305: {  	[tilespmem:v4+s23+$0x0] =	vst.idx.msk $0xffff, v0  }
0x306: {  	v0 =	vld [tilespmem:$0x1FAA0];
	[tilespmem:v47+s23+$0x0] =	vst.idx.msk $0xffff, v50  }
0x307: {  	[tilespmem:v51+s23+$0x0] =	vst.idx.msk $0xffff, v52  }
0x308: {  	v4 =	vld [tilespmem:$0x1FBD0];
	[tilespmem:v7+s23+$0x0] =	vst.idx.msk $0xffff, v10  }
0x309: {  	v7 =	vld [tilespmem:$0x1FAE0];
	_ =	sdelay $0x2  }
0x30a: {  	v12 =	vld.idx.msk [tilespmem:v12+s14+$0x0], $0xffff;
	_ =	sdelay $0x4  }
0x30b: {  	[tilespmem:v7+s23+$0x0] =	vst.idx.msk $0xffff, v12  }
0x30c: {  	v8 =	vld [tilespmem:$0x1FAC0];
	_ =	sdelay $0x2  }
0x30d: {  	v0 =	vld.idx.msk [tilespmem:v0+s14+$0x0], $0xffff  }
0x30e: {  	v54 =	vld.idx.msk [tilespmem:v63+s14+$0x0], $0xffff;
	_ =	sdelay $0x3  }
0x30f: {  	[tilespmem:v8+s23+$0x0] =	vst.idx.msk $0xffff, v0  }
0x310: {  	v0 =	vld [tilespmem:$0x1FA60];
	[tilespmem:v33+s23+$0x0] =	vst.idx.msk $0xffff, v54  }
0x311: {  	v8 =	vld [tilespmem:$0x1FBB0];
	_ =	sdelay $0x2  }
0x312: {  	v4 =	vld.idx.msk [tilespmem:v4+s14+$0x0], $0xffff;
	_ =	sdelay $0x1  }
0x313: {  	v1 =	vld [tilespmem:$0x1FA90];
	_ =	sdelay $0x2  }
0x314: {  	v2 =	vld.idx.msk [tilespmem:v2+s14+$0x0], $0xffff;
	[tilespmem:v8+s23+$0x0] =	vst.idx.msk $0xffff, v4  }
0x315: {  	v6 =	vor.u32 v6, v11;
	v8 =	vld [tilespmem:$0x1FC50]  }
0x316: {  	v5 =	vor.u32 v5, v29;
	v55 =	vld.idx.msk [tilespmem:v17+s14+$0x0], $0xffff  }
0x317: {  	v0 =	vld.idx.msk [tilespmem:v0+s14+$0x0], $0xffff  }
0x318: {  	v4 =	vld [tilespmem:$0x1FB10]  }
0x319: {  	v1 =	vld.idx.msk [tilespmem:v1+s14+$0x0], $0xffff  }
0x31a: {  	v57 =	vor.u32 v31, v32;
	v56 =	vand.u32 $0x3F8, v3;
	[tilespmem:v6+s23+$0x0] =	vst.idx.msk $0xffff, v2;
	v60 =	vld.idx.msk [tilespmem:v38+s14+$0x0], $0xffff  }
0x31b: {  	v3 =	vand.u32 $0x3F8, v57;
	[tilespmem:v5+s23+$0x0] =	vst.idx.msk $0xffff, v55;
	v2 =	vor.u32 v56, v11;
	v61 =	vld.idx.msk [tilespmem:v48+s14+$0x0], $0xffff  }
0x31c: {  	v62 =	vor.u32 v3, v29;
	v63 =	vld.idx.msk [tilespmem:v58+s14+$0x0], $0xffff  }
0x31d: {  	[tilespmem:v45+s23+$0x0] =	vst.idx.msk $0xffff, v0;
	v4 =	vor.u32 v4, v30;
	v8 =	vld.idx.msk [tilespmem:v8+s14+$0x0], $0xffff  }
0x31e: {  	[tilespmem:v59+s23+$0x0] =	vst.idx.msk $0xffff, v1  }
.Ltmp7:
0x31f: {  	s6 =	sadd.s32 s15, s7;
	[tilespmem:v49+s23+$0x0] =	vst.idx.msk $0xffff, v60;
	(pc) =	sbr.rel @p1 .LBB2_12-.Ltmp7, $4  }
0x320: {  	s6 =	sshll.u32 s6, $0xA;
	[tilespmem:v2+s23+$0x0] =	vst.idx.msk $0xffff, v61  }
0x321: {  	s6 =	sand.u32 $0x1FFFF400, s6;
	[tilespmem:v62+s23+$0x0] =	vst.idx.msk $0xffff, v63  }
0x322: {  	s6 =	sadd.s32 s2, s6;
	[tilespmem:v4+s23+$0x0] =	vst.idx.msk $0xffff, v8  }
0x323: {  	v29 =	vmov v28;
	[hbm4b:s6+s3] =	stream.linear.scatter [tilespmem:s23], [sflag:$0x6], $0x2000, $0x38;
	[tilespmem:$0x16400] =	vst v63  }
0x324: {  	_ =	swait.ge [sflag:s24], $0x2000  }
.Ltmp8:
0x325: {  	v48 =	vld [tilespmem:$0x1FF00];
	(pc) =	sbr.rel .LBB2_13-.Ltmp8, $4  }
0x326: {  	v61 =	vld [tilespmem:$0x1FF10]  }
0x327: {  	v35 =	vld [tilespmem:$0x1FFA0]  }
0x328: {  	[sflag:s24] =	ssyncset.done $0x0;
	v62 =	vld [tilespmem:$0x1FFB0]  }
0x329: {  	v60 =	vlaneseq.u32;
	v42 =	vld [tilespmem:$0x1FFD0];
	[sflag:s24] =	ssyncadd.s32 $0xFFFFE000  }
.LBB2_12:
0x32a: {  	s6 =	sshll.u32 s0, $0x9  }
0x32b: {  	s6 =	sand.u32 $0x3FFFFE00, s6  }
0x32c: {  	s6 =	sadd.s32 $0x280, s6  }
0x32d: {  	[tilespmem:s14], [sflag:$0x2] =	stream.indirect.gather [hbm4b:s5+s12], $0x40, s6, s12, $0xb8;
	[tilespmem:$0x16400] =	vst v63  }
0x32e: {  	_ =	swait.ge [sflag:s24], $0x2000  }
.Ltmp9:
0x32f: {  	v48 =	vld [tilespmem:$0x1FF00];
	(pc) =	sbr.rel @p0 .LBB2_14-.Ltmp9, $4  }
0x330: {  	v61 =	vld [tilespmem:$0x1FF10]  }
0x331: {  	v35 =	vld [tilespmem:$0x1FFA0]  }
0x332: {  	[sflag:s24] =	ssyncset.done $0x0;
	v62 =	vld [tilespmem:$0x1FFB0]  }
0x333: {  	v60 =	vlaneseq.u32;
	v42 =	vld [tilespmem:$0x1FFD0];
	[sflag:s24] =	ssyncadd.s32 $0xFFFFE000  }
.LBB2_13:
0x334: {  	_ =	swait.ge [sflag:s25], $0x2000  }
0x335: {  	[sflag:s25] =	ssyncset.done $0x0  }
0x336: {  	[sflag:s25] =	ssyncadd.s32 $0xFFFFE000  }
.LBB2_14:
0x337: {  	s6 =	simm.s32 $0x0  }
0x338: {  	s10 =	sand.u32 $0xC, s6  }
0x339: {  	v0 =	vadd.s32 s10, v60;
	s11 =	sor.u32 $0x1, s10  }
0x33a: {  	s17 =	sor.u32 $0x2, s10;
	v1 =	vadd.s32 s11, v60;
	v2 =	vand.u32 $0xF, v0  }
0x33b: {  	s6 =	sand.u32 $0x30, s6;
	v3 =	vadd.s32 s17, v60;
	v10 =	vand.u32 $0x7, v0;
	v13 =	vshll.u32 v0, $0x7  }
0x33c: {  	v4 =	vand.u32 $0xF, v1;
	v2 =	vor.u32 s6, v2;
	v6 =	vshll.u32 v1, $0x7  }
0x33d: {  	v7 =	vand.u32 $0xF, v3;
	v9 =	vand.u32 $0x7, v3;
	v1 =	vand.u32 $0x7, v1  }
0x33e: {  	v0 =	vor.u32 v31, v13;
	v7 =	vor.u32 s6, v7;
	v4 =	vor.u32 s6, v4  }
0x33f: {  	v8 =	vand.u32 $0x38, v2;
	v12 =	vand.u32 $0x38, v7;
	v15 =	vand.u32 $0x38, v4  }
0x340: {  	v22 =	vor.u32 v1, v15;
	v1 =	vshll.u32 v2, $0x7;
	v2 =	vshll.u32 v7, $0x7  }
0x341: {  	v0 =	vand.u32 $0x3F8, v0;
	v9 =	vor.u32 v9, v12;
	v2 =	vand.u32 $0x1C00, v2  }
0x342: {  	[tilespmem:$0x1F910] =	vst v0;
	v0 =	vld [tilespmem:$0x1FF40];
	v58 =	vor.u32 v29, v2;
	v2 =	vor.u32 v36, v9  }
0x343: {  	[tilespmem:$0x1F8E0] =	vst v2;
	v2 =	vld [tilespmem:$0x1FF70];
	_ =	sdelay $0x1  }
0x344: {  	v59 =	vld [tilespmem:$0x1FF60];
	s10 =	sor.u32 $0x3, s10  }
0x345: {  	v5 =	vadd.s32 s10, v60;
	v11 =	vor.u32 v60, v6  }
0x346: {  	v14 =	vshll.u32 v5, $0x7;
	v17 =	vand.u32 $0x388, v11;
	v11 =	vshll.u32 v3, $0x7  }
0x347: {  	v7 =	vor.u32 v0, v13;
	v3 =	vor.u32 v0, v14;
	v15 =	vor.u32 v2, v22  }
0x348: {  	v18 =	vand.u32 $0x398, v7;
	v7 =	vor.u32 v0, v6;
	[tilespmem:$0x1F890] =	vst v15;
	v15 =	vand.u32 $0x398, v3  }
0x349: {  	v3 =	vshll.u32 v4, $0x7;
	v4 =	vand.u32 $0x398, v7;
	v7 =	vor.u32 v59, v14  }
0x34a: {  	v32 =	vand.u32 $0x3A8, v7;
	v7 =	vld [tilespmem:$0x1FF50];
	_ =	sdelay $0x4  }
0x34b: {  	v34 =	vor.u32 v7, v22;
	v7 =	vld [tilespmem:$0x1FFE0];
	_ =	sdelay $0x3  }
0x34c: {  	v12 =	vor.u32 v59, v13;
	v1 =	vand.u32 $0x1C00, v1;
	v3 =	vand.u32 $0x1C00, v3  }
0x34d: {  	v63 =	vmovc v29;
	v1 =	vor.u32 v29, v1;
	v30 =	vor.u32 v29, v3;
	v29 =	vor.u32 v7, v6;
	v7 =	vld [tilespmem:$0x1FF50]  }
0x34e: {  	v49 =	vld [tilespmem:$0x1FF90];
	v21 =	vand.u32 $0x3A8, v12;
	v12 =	vand.u32 $0xF, v5  }
0x34f: {  	v12 =	vor.u32 s6, v12  }
0x350: {  	v5 =	vand.u32 $0x7, v5;
	v3 =	vand.u32 $0x38, v12  }
0x351: {  	v5 =	vor.u32 v5, v3  }
0x352: {  	v38 =	vor.u32 v7, v9;
	v7 =	vor.u32 v61, v5  }
0x353: {  	v19 =	vor.u32 v49, v13;
	v20 =	vor.u32 v48, v14;
	[tilespmem:$0x1F7E0] =	vst v7;
	v7 =	vor.u32 v42, v5  }
0x354: {  	v56 =	vld [tilespmem:$0x1FF20];
	v27 =	vor.u32 v37, v14;
	v24 =	vor.u32 v10, v8;
	[tilespmem:$0x1F7F0] =	vst v7;
	v7 =	vor.u32 v62, v5  }
0x355: {  	v8 =	vor.u32 v59, v6;
	v39 =	vand.u32 $0x3B8, v20;
	v10 =	vor.u32 v60, v11;
	[tilespmem:$0x1F800] =	vst v7;
	v7 =	vld [tilespmem:$0x1FF50]  }
0x356: {  	v8 =	vand.u32 $0x3A8, v8;
	v10 =	vand.u32 $0x388, v10;
	v3 =	vor.u32 v0, v11  }
0x357: {  	v46 =	vor.u32 v4, v30;
	v4 =	vor.u32 v48, v13;
	v3 =	vand.u32 $0x398, v3  }
0x358: {  	v31 =	vor.u32 v10, v58;
	v47 =	vor.u32 v3, v58;
	v3 =	vand.u32 $0x3B8, v4  }
0x359: {  	v52 =	vmovc v49;
	v10 =	vor.u32 v48, v6;
	v4 =	vor.u32 v49, v6;
	v49 =	vor.u32 v3, v1;
	v3 =	vld [tilespmem:$0x1FFC0]  }
0x35a: {  	v41 =	vor.u32 v56, v24;
	v10 =	vand.u32 $0x3B8, v10;
	v7 =	vor.u32 v7, v5  }
0x35b: {  	v53 =	vmovc v42;
	v20 =	vor.u32 v2, v9;
	v42 =	vor.u32 v8, v30;
	v8 =	vor.u32 v35, v14  }
0x35c: {  	v37 =	vor.u32 v2, v24;
	v43 =	vand.u32 $0x3D8, v8;
	v8 =	vand.u32 $0x3F8, v29  }
0x35d: {  	v29 =	vor.u32 v10, v30;
	[tilespmem:$0x1F900] =	vst v7;
	v7 =	vmov v2;
	v2 =	vor.u32 v8, v30  }
0x35e: {  	v10 =	vor.u32 v35, v6;
	v6 =	vor.u32 v3, v6;
	v3 =	vor.u32 v53, v22;
	[tilespmem:$0x1F810] =	vst v2  }
0x35f: {  	v41 =	vld.idx.msk [tilespmem:v41+s16+$0x0], $0xffff;
	[tilespmem:$0x1F9A0] =	vst v3;
	v3 =	vor.u32 v53, v24  }
0x360: {  	v25 =	vor.u32 v56, v22;
	[tilespmem:$0x1F920] =	vst v3;
	v3 =	vld [tilespmem:$0x1FFC0]  }
0x361: {  	v16 =	vor.u32 v60, v14  }
0x362: {  	v26 =	vand.u32 $0x388, v16;
	v16 =	vld [tilespmem:$0x1FF30];
	_ =	sdelay $0x1  }
0x363: {  	v50 =	vor.u32 v60, v13;
	v54 =	vor.u32 v21, v1;
	v45 =	vor.u32 v17, v30  }
0x364: {  	v17 =	vand.u32 $0x388, v50;
	v25 =	vld.idx.msk [tilespmem:v25+s16+$0x0], $0xffff;
	v21 =	vor.u32 v3, v13;
	v3 =	vor.u32 v61, v9  }
0x365: {  	v17 =	vor.u32 v17, v1;
	[tilespmem:$0x1F9B0] =	vst v3;
	v3 =	vld [tilespmem:$0x1FF80]  }
0x366: {  	v33 =	vshll.u32 v12, $0x7;
	v44 =	vor.u32 v16, v24;
	v8 =	vor.u32 v59, v11  }
0x367: {  	v4 =	vand.u32 $0x3C8, v4  }
0x368: {  	v2 =	vor.u32 v18, v1;
	v18 =	vor.u32 v4, v30;
	v4 =	vand.u32 $0x3A8, v8  }
0x369: {  	v51 =	vor.u32 v52, v14;
	v8 =	vmovc v52;
	v52 =	vand.u32 $0x1C00, v33;
	v33 =	vmovc v53;
	v53 =	vor.u32 v4, v58  }
0x36a: {  	[tilespmem:v17+s26+$0x0] =	vst.idx.msk $0xffff, v41;
	v4 =	vor.u32 v3, v22;
	v3 =	vor.u32 v33, v9  }
0x36b: {  	v44 =	vld.idx.msk [tilespmem:v44+s16+$0x0], $0xffff;
	[tilespmem:$0x1F820] =	vst v3;
	v3 =	vor.u32 v62, v9  }
0x36c: {  	[tilespmem:$0x1F830] =	vst v3;
	v3 =	vld [tilespmem:$0x1FF50];
	_ =	sdelay $0x2  }
0x36d: {  	v50 =	vand.u32 $0x3D8, v10;
	v6 =	vand.u32 $0x3E8, v6  }
0x36e: {  	v6 =	vor.u32 v6, v30;
	v17 =	vor.u32 v50, v30  }
0x36f: {  	[tilespmem:v45+s26+$0x0] =	vst.idx.msk $0xffff, v25;
	v30 =	vor.u32 v3, v24;
	v3 =	vor.u32 v7, v5  }
0x370: {  	[tilespmem:$0x1F950] =	vst v3;
	v3 =	vld [tilespmem:$0x1FF80];
	_ =	sdelay $0x4  }
0x371: {  	v23 =	vor.u32 v56, v9;
	v3 =	vor.u32 v3, v5  }
0x372: {  	[tilespmem:$0x1F9C0] =	vst v3;
	v3 =	vld [tilespmem:$0x1FFC0];
	_ =	sdelay $0x2  }
0x373: {  	v28 =	vor.u32 v16, v22;
	v10 =	vor.u32 v62, v22;
	v57 =	vor.u32 v8, v11  }
0x374: {  	v33 =	vor.u32 v61, v22;
	v22 =	vand.u32 $0x3C8, v57;
	v57 =	vand.u32 $0x3E8, v27;
	v27 =	vld.idx.msk [tilespmem:v23+s16+$0x0], $0xffff;
	[tilespmem:v2+s26+$0x0] =	vst.idx.msk $0xffff, v44  }
0x375: {  	v23 =	vor.u32 v3, v11;
	v3 =	vld [tilespmem:$0x1FFE0];
	_ =	sdelay $0x1  }
0x376: {  	v50 =	vor.u32 v22, v58;
	v22 =	vor.u32 v35, v11  }
0x377: {  	v22 =	vand.u32 $0x3D8, v22  }
0x378: {  	v28 =	vld.idx.msk [tilespmem:v28+s16+$0x0], $0xffff;
	v2 =	vor.u32 v22, v58;
	v23 =	vand.u32 $0x3E8, v23  }
0x379: {  	v40 =	vor.u32 v16, v9;
	[tilespmem:$0x1F840] =	vst v2;
	v2 =	vor.u32 v23, v58;
	v14 =	vor.u32 v3, v14  }
0x37a: {  	v30 =	vld.idx.msk [tilespmem:v30+s16+$0x0], $0xffff;
	v23 =	vor.u32 v63, v52;
	[tilespmem:$0x1F850] =	vst v2;
	v22 =	vand.u32 $0x3F8, v14;
	v14 =	vand.u32 $0x3C8, v51  }
0x37b: {  	v3 =	vld [tilespmem:$0x1FF80];
	[tilespmem:v31+s26+$0x0] =	vst.idx.msk $0xffff, v27;
	v2 =	vor.u32 v14, v23  }
0x37c: {  	[tilespmem:$0x1F860] =	vst v2  }
0x37d: {  	v2 =	vor.u32 v57, v23;
	[tilespmem:v46+s26+$0x0] =	vst.idx.msk $0xffff, v28  }
0x37e: {  	v28 =	vld.idx.msk [tilespmem:v40+s16+$0x0], $0xffff;
	[tilespmem:$0x1F870] =	vst v2  }
0x37f: {  	v40 =	vld.idx.msk [tilespmem:v34+s16+$0x0], $0xffff  }
0x380: {  	v2 =	vor.u32 v39, v23;
	[tilespmem:v54+s26+$0x0] =	vst.idx.msk $0xffff, v30  }
0x381: {  	[tilespmem:$0x1F980] =	vst v2;
	v2 =	vor.u32 v43, v23  }
0x382: {  	v37 =	vld.idx.msk [tilespmem:v37+s16+$0x0], $0xffff;
	[tilespmem:$0x1F880] =	vst v2  }
0x383: {  	v9 =	vor.u32 v3, v24;
	v3 =	vld [tilespmem:$0x1FFE0];
	[tilespmem:v47+s26+$0x0] =	vst.idx.msk $0xffff, v28  }
0x384: {  	[tilespmem:v42+s26+$0x0] =	vst.idx.msk $0xffff, v40  }
0x385: {  	v2 =	vld [tilespmem:$0x1F890];
	_ =	sdelay $0x1  }
0x386: {  	v36 =	vor.u32 v56, v5;
	_ =	sdelay $0x1  }
0x387: {  	s17 =	simm.s32 $0x4;
	v55 =	vor.u32 v35, v13;
	v13 =	vand.u32 $0x3E8, v21;
	v21 =	vor.u32 v48, v11  }
0x388: {  	s6 =	sand.u32 $0xC, s17;
	v41 =	vand.u32 $0x3B8, v21  }
0x389: {  	v21 =	vor.u32 v62, v24;
	v44 =	vor.u32 v61, v24;
	v24 =	vadd.s32 s6, v60  }
0x38a: {  	v14 =	vand.u32 $0xF, v24;
	v36 =	vld.idx.msk [tilespmem:v36+s16+$0x0], $0xffff;
	v47 =	vand.u32 $0x7, v24;
	v24 =	vshll.u32 v24, $0x7  }
0x38b: {  	v54 =	vld.idx.msk [tilespmem:v2+s16+$0x0], $0xffff;
	v2 =	vor.u32 v8, v24  }
0x38c: {  	v38 =	vld.idx.msk [tilespmem:v38+s16+$0x0], $0xffff;
	[tilespmem:$0x1F9D0] =	vst v2  }
0x38d: {  	v19 =	vand.u32 $0x3C8, v19;
	[tilespmem:v49+s26+$0x0] =	vst.idx.msk $0xffff, v37  }
0x38e: {  	v25 =	vand.u32 $0x3D8, v55;
	v55 =	vor.u32 v19, v1;
	v19 =	vor.u32 v3, v11;
	v3 =	vld [tilespmem:$0x1FFE0];
	_ =	sdelay $0x2  }
0x38f: {  	v26 =	vor.u32 v26, v23;
	_ =	sdelay $0x1  }
0x390: {  	v28 =	vor.u32 v3, v24  }
0x391: {  	v2 =	vand.u32 $0x3F8, v28  }
0x392: {  	[tilespmem:$0x1F8A0] =	vst v2  }
0x393: {  	s31 =	sor.u32 $0x2, s6;
	[tilespmem:v26+s26+$0x0] =	vst.idx.msk $0xffff, v36  }
0x394: {  	v12 =	vor.u32 v16, v5;
	v46 =	vadd.s32 s31, v60;
	[tilespmem:v53+s26+$0x0] =	vst.idx.msk $0xffff, v38  }
0x395: {  	s11 =	sor.u32 $0x1, s6;
	v41 =	vor.u32 v41, v58;
	v5 =	vor.u32 v32, v23;
	s31 =	sand.u32 $0x30, s17;
	v30 =	vand.u32 $0xF, v46;
	[tilespmem:v29+s26+$0x0] =	vst.idx.msk $0xffff, v54  }
0x396: {  	v52 =	vor.u32 v15, v23;
	v31 =	vadd.s32 s11, v60;
	v30 =	vor.u32 s31, v30;
	v3 =	vld [tilespmem:$0x1FF80]  }
0x397: {  	s11 =	sor.u32 $0x3, s6;
	v45 =	vand.u32 $0xF, v31;
	v57 =	vand.u32 $0x7, v46;
	v15 =	vand.u32 $0x38, v30  }
0x398: {  	v51 =	vadd.s32 s11, v60;
	v34 =	vshll.u32 v31, $0x7;
	v15 =	vor.u32 v57, v15;
	v57 =	vld.idx.msk [tilespmem:v9+s16+$0x0], $0xffff  }
0x399: {  	v31 =	vand.u32 $0x7, v31;
	v11 =	vshll.u32 v51, $0x7;
	v37 =	vor.u32 s31, v45;
	v20 =	vld.idx.msk [tilespmem:v20+s16+$0x0], $0xffff  }
0x39a: {  	v32 =	vor.u32 s31, v14;
	v45 =	vor.u32 v60, v11;
	v49 =	vand.u32 $0x38, v37  }
0x39b: {  	v42 =	vor.u32 v31, v49;
	v31 =	vshll.u32 v32, $0x7;
	v2 =	vor.u32 v3, v15  }
0x39c: {  	v29 =	vand.u32 $0x1C00, v31;
	v31 =	vor.u32 v0, v24;
	v54 =	vshll.u32 v30, $0x7;
	v49 =	vld.idx.msk [tilespmem:v4+s16+$0x0], $0xffff;
	[tilespmem:$0x1F8B0] =	vst v2  }
0x39d: {  	v30 =	vor.u32 v63, v29;
	v29 =	vand.u32 $0x1C00, v54;
	v54 =	vand.u32 $0x398, v31;
	v31 =	vld [tilespmem:$0x1FFE0];
	[tilespmem:v55+s26+$0x0] =	vst.idx.msk $0xffff, v57  }
0x39e: {  	v36 =	vor.u32 v0, v11;
	v2 =	vand.u32 $0x388, v45;
	v12 =	vld.idx.msk [tilespmem:v12+s16+$0x0], $0xffff;
	[tilespmem:v41+s26+$0x0] =	vst.idx.msk $0xffff, v20  }
0x39f: {  	v55 =	vld.idx.msk [tilespmem:v44+s16+$0x0], $0xffff;
	[tilespmem:$0x1F8C0] =	vst v2;
	v2 =	vand.u32 $0x398, v36  }
0x3a0: {  	[tilespmem:$0x1F8D0] =	vst v2;
	v2 =	vld [tilespmem:$0x1F8E0];
	_ =	sdelay $0x5  }
0x3a1: {  	v25 =	vor.u32 v25, v1;
	_ =	sdelay $0x1  }
0x3a2: {  	v3 =	vor.u32 v7, v42;
	v2 =	vld.idx.msk [tilespmem:v2+s16+$0x0], $0xffff  }
0x3a3: {  	[tilespmem:$0x1F8F0] =	vst v3  }
0x3a4: {  	v36 =	vld [tilespmem:$0x1FF80];
	[tilespmem:v18+s26+$0x0] =	vst.idx.msk $0xffff, v49  }
0x3a5: {  	v3 =	vld [tilespmem:$0x1FFC0];
	[tilespmem:v25+s26+$0x0] =	vst.idx.msk $0xffff, v55  }
0x3a6: {  	[tilespmem:v52+s26+$0x0] =	vst.idx.msk $0xffff, v12  }
0x3a7: {  	v39 =	vand.u32 $0x38, v32;
	v32 =	vshll.u32 v46, $0x7;
	[tilespmem:v50+s26+$0x0] =	vst.idx.msk $0xffff, v2  }
0x3a8: {  	v53 =	vor.u32 v0, v34;
	v2 =	vor.u32 v0, v32;
	v0 =	vld [tilespmem:$0x1F900];
	_ =	sdelay $0x7  }
0x3a9: {  	v38 =	vmov v7;
	v7 =	vld.idx.msk [tilespmem:v0+s16+$0x0], $0xffff  }
0x3aa: {  	v13 =	vor.u32 v13, v1;
	v0 =	vld [tilespmem:$0x1F910]  }
0x3ab: {  	v40 =	vor.u32 v60, v34;
	v29 =	vor.u32 v63, v29;
	v57 =	vand.u32 $0xF, v51  }
0x3ac: {  	v51 =	vand.u32 $0x7, v51;
	v18 =	vshll.u32 v37, $0x7;
	v55 =	vor.u32 s31, v57  }
0x3ad: {  	v18 =	vand.u32 $0x1C00, v18;
	v12 =	vor.u32 v59, v11;
	v33 =	vld.idx.msk [tilespmem:v33+s16+$0x0], $0xffff;
	v46 =	vand.u32 $0x38, v55  }
0x3ae: {  	v18 =	vor.u32 v63, v18;
	v63 =	vor.u32 v51, v46;
	v51 =	vand.u32 $0x3A8, v12;
	v12 =	vld.idx.msk [tilespmem:v21+s16+$0x0], $0xffff  }
0x3af: {  	v28 =	vand.u32 $0x388, v40;
	v40 =	vor.u32 v47, v39;
	v39 =	vor.u32 v0, v1;
	v0 =	vld [tilespmem:$0x1FF50];
	_ =	sdelay $0x3  }
0x3b0: {  	v14 =	vor.u32 v3, v11;
	[tilespmem:v17+s26+$0x0] =	vst.idx.msk $0xffff, v33  }
0x3b1: {  	v9 =	vld [tilespmem:$0x1FF50];
	[tilespmem:v13+s26+$0x0] =	vst.idx.msk $0xffff, v12;
	v3 =	vor.u32 v0, v42;
	v0 =	vor.u32 v31, v34  }
0x3b2: {  	[tilespmem:v5+s26+$0x0] =	vst.idx.msk $0xffff, v7;
	v0 =	vand.u32 $0x3F8, v0  }
0x3b3: {  	v20 =	vor.u32 v56, v42;
	v49 =	vor.u32 v0, v18;
	v0 =	vld [tilespmem:$0x1F920];
	_ =	sdelay $0x3  }
0x3b4: {  	v43 =	vor.u32 v59, v34  }
0x3b5: {  	v37 =	vand.u32 $0x398, v53;
	v46 =	vand.u32 $0x3A8, v43;
	v7 =	vld.idx.msk [tilespmem:v20+s16+$0x0], $0xffff;
	v20 =	vor.u32 v28, v18  }
0x3b6: {  	v43 =	vor.u32 v37, v18;
	v17 =	vor.u32 v60, v24;
	v12 =	vor.u32 v56, v40;
	v37 =	vld [tilespmem:$0x1FFC0]  }
0x3b7: {  	v2 =	vand.u32 $0x398, v2;
	v13 =	vand.u32 $0x388, v17;
	v10 =	vld.idx.msk [tilespmem:v10+s16+$0x0], $0xffff  }
0x3b8: {  	v17 =	vor.u32 v13, v30;
	v13 =	vor.u32 v2, v29;
	v2 =	vld.idx.msk [tilespmem:v0+s16+$0x0], $0xffff  }
0x3b9: {  	v47 =	vor.u32 v48, v34;
	v45 =	vor.u32 v48, v11;
	v21 =	vshll.u32 v55, $0x7  }
0x3ba: {  	v55 =	vand.u32 $0x3B8, v45;
	v45 =	vor.u32 v22, v23;
	v4 =	vor.u32 v16, v63;
	[tilespmem:v20+s26+$0x0] =	vst.idx.msk $0xffff, v7  }
0x3bb: {  	v23 =	vor.u32 v35, v34;
	v12 =	vld.idx.msk [tilespmem:v12+s16+$0x0], $0xffff;
	v20 =	vor.u32 v37, v34;
	[tilespmem:$0x1F930] =	vst v4  }
0x3bc: {  	v28 =	vmov v8;
	v8 =	vor.u32 v8, v34;
	v34 =	vld [tilespmem:$0x1FF50];
	[tilespmem:v6+s26+$0x0] =	vst.idx.msk $0xffff, v10;
	v6 =	vand.u32 $0x3E8, v20  }
0x3bd: {  	v4 =	vor.u32 v6, v18;
	[tilespmem:v39+s26+$0x0] =	vst.idx.msk $0xffff, v2  }
0x3be: {  	[tilespmem:$0x1F940] =	vst v4;
	v4 =	vld [tilespmem:$0x1F950];
	_ =	sdelay $0x3  }
0x3bf: {  	v25 =	vor.u32 v16, v42  }
0x3c0: {  	v27 =	vor.u32 v56, v15  }
0x3c1: {  	v44 =	vor.u32 v60, v32;
	v60 =	vor.u32 v9, v15;
	v9 =	vor.u32 v16, v15  }
0x3c2: {  	v7 =	vand.u32 $0x3C8, v8;
	v10 =	vor.u32 v16, v40;
	v20 =	vor.u32 v59, v32;
	v16 =	vld [tilespmem:$0x1FFD0]  }
0x3c3: {  	v8 =	vand.u32 $0x3D8, v23;
	v2 =	vand.u32 $0x3A8, v20;
	v6 =	vld.idx.msk [tilespmem:v4+s16+$0x0], $0xffff;
	v4 =	vor.u32 v62, v42  }
0x3c4: {  	v50 =	vand.u32 $0x3B8, v47;
	v47 =	vor.u32 v8, v18;
	v8 =	vor.u32 v2, v29;
	v2 =	vld.idx.msk [tilespmem:v25+s16+$0x0], $0xffff;
	[tilespmem:$0x1F960] =	vst v4  }
0x3c5: {  	v4 =	vor.u32 v61, v15;
	[tilespmem:v17+s26+$0x0] =	vst.idx.msk $0xffff, v12;
	v17 =	vand.u32 $0x3F8, v19;
	v19 =	vld.idx.msk [tilespmem:v27+s16+$0x0], $0xffff  }
0x3c6: {  	[tilespmem:$0x1F970] =	vst v4;
	v4 =	vld [tilespmem:$0x1F980]  }
0x3c7: {  	v44 =	vand.u32 $0x388, v44  }
0x3c8: {  	v44 =	vor.u32 v44, v29;
	_ =	sdelay $0x2  }
0x3c9: {  	v26 =	vor.u32 v59, v24;
	v22 =	vor.u32 v48, v24  }
0x3ca: {  	v57 =	vor.u32 v56, v63;
	v56 =	vor.u32 v50, v18;
	[tilespmem:v43+s26+$0x0] =	vst.idx.msk $0xffff, v2  }
0x3cb: {  	v50 =	vor.u32 v7, v18;
	v7 =	vor.u32 v35, v24;
	[tilespmem:v44+s26+$0x0] =	vst.idx.msk $0xffff, v19  }
0x3cc: {  	v12 =	vor.u32 v37, v24;
	v24 =	vld.idx.msk [tilespmem:v10+s16+$0x0], $0xffff;
	[tilespmem:v4+s26+$0x0] =	vst.idx.msk $0xffff, v6;
	v4 =	vor.u32 v34, v63  }
0x3cd: {  	[tilespmem:$0x1F990] =	vst v4;
	v4 =	vld [tilespmem:$0x1F9A0];
	_ =	sdelay $0x2  }
0x3ce: {  	v53 =	vor.u32 v35, v11  }
0x3cf: {  	v52 =	vand.u32 $0x3D8, v53;
	v53 =	vor.u32 v38, v15;
	v5 =	vmov v38  }
0x3d0: {  	v0 =	vand.u32 $0x3B8, v22;
	v22 =	vor.u32 v54, v30;
	v54 =	vor.u32 v5, v63  }
0x3d1: {  	v38 =	vor.u32 v16, v42;
	v41 =	vmovc v16;
	v59 =	vor.u32 v17, v58;
	v17 =	vor.u32 v48, v32  }
0x3d2: {  	v58 =	vor.u32 v16, v15;
	v48 =	vor.u32 v16, v63;
	v16 =	vmovc v5;
	v6 =	vor.u32 v28, v32;
	v5 =	vld [tilespmem:$0x1F9C0]  }
0x3d3: {  	v23 =	vand.u32 $0x3C8, v6;
	v6 =	vand.u32 $0x3E8, v14;
	v14 =	vld.idx.msk [tilespmem:v4+s16+$0x0], $0xffff  }
0x3d4: {  	v26 =	vand.u32 $0x3A8, v26;
	v21 =	vand.u32 $0x1C00, v21;
	v4 =	vld [tilespmem:$0x1F9B0]  }
0x3d5: {  	v1 =	vor.u32 v46, v18;
	v0 =	vor.u32 v0, v30;
	v18 =	vor.u32 v26, v30;
	v25 =	vmovc v28  }
0x3d6: {  	v39 =	vor.u32 v36, v63;
	v25 =	vor.u32 v25, v11;
	v12 =	vand.u32 $0x3E8, v12  }
0x3d7: {  	v33 =	vor.u32 v12, v30;
	v12 =	vor.u32 v36, v42;
	v20 =	vand.u32 $0x3B8, v17;
	v2 =	vmovc v61  }
0x3d8: {  	v61 =	vor.u32 v61, v42;
	v17 =	vor.u32 v62, v15;
	v26 =	vld.idx.msk [tilespmem:v9+s16+$0x0], $0xffff;
	[tilespmem:v22+s26+$0x0] =	vst.idx.msk $0xffff, v24  }
0x3d9: {  	v7 =	vand.u32 $0x3D8, v7;
	v10 =	vor.u32 v2, v63;
	v27 =	vmovc v2;
	v44 =	vor.u32 v34, v40;
	v28 =	vmovc v62;
	v9 =	vld [tilespmem:$0x1F9D0]  }
0x3da: {  	v2 =	vor.u32 v62, v63;
	v15 =	vor.u32 v20, v29;
	v63 =	vor.u32 v28, v40;
	v20 =	vld.idx.msk [tilespmem:v5+s16+$0x0], $0xffff  }
0x3db: {  	v62 =	vor.u32 v23, v29;
	v23 =	vor.u32 v27, v40;
	v5 =	vor.u32 v37, v32;
	v24 =	vld.idx.msk [tilespmem:v3+s16+$0x0], $0xffff  }
0x3dc: {  	v3 =	vor.u32 v31, v11;
	v19 =	vld.idx.msk [tilespmem:v4+s16+$0x0], $0xffff;
	v4 =	vor.u32 v7, v30;
	v7 =	vor.u32 v35, v32  }
0x3dd: {  	v22 =	vor.u32 v16, v40;
	v11 =	vor.u32 v41, v40;
	v7 =	vand.u32 $0x3D8, v7  }
0x3de: {  	v5 =	vand.u32 $0x3E8, v5;
	v16 =	vld.idx.msk [tilespmem:v44+s16+$0x0], $0xffff;
	v9 =	vand.u32 $0x3C8, v9;
	[tilespmem:$0x1F9E0] =	vst v11;
	v7 =	vor.u32 v7, v29  }
.LBB2_15:
0x3df: {  	v3 =	vand.u32 $0x3F8, v3  }
0x3e0: {  	[tilespmem:$0x1F780] =	vst v3;
	v3 =	vld [tilespmem:$0x1F860]  }
0x3e1: {  	v28 =	vor.u32 v5, v29;
	v5 =	vld [tilespmem:$0x1F7E0];
	_ =	sdelay $0x2  }
0x3e2: {  	v35 =	vld [tilespmem:$0x1FFF0];
	_ =	sdelay $0x3  }
0x3e3: {  	s17 =	sadd.s32 $0x4, s17;
	[tilespmem:v3+s26+$0x0] =	vst.idx.msk $0xffff, v20  }
0x3e4: {  	v46 =	vlaneseq.u32;
	s6 =	sand.u32 $0xC, s17;
	[tilespmem:v13+s26+$0x0] =	vst.idx.msk $0xffff, v26;
	v11 =	vor.u32 v35, v21;
	v3 =	vand.u32 $0x3C8, v25;
	v20 =	vld.idx.msk [tilespmem:v5+s16+$0x0], $0xffff;
	v5 =	vmovc v10  }
0x3e5: {  	s11 =	sor.u32 $0x2, s6;
	v10 =	vadd.s32 s6, v46;
	v3 =	vor.u32 v3, v11;
	[tilespmem:$0x1F7E0] =	vst v5  }
0x3e6: {  	v26 =	vadd.s32 s11, v46;
	s11 =	sand.u32 $0x30, s17;
	v5 =	vld [tilespmem:$0x1F8C0];
	[tilespmem:$0x1F860] =	vst v3;
	v3 =	vand.u32 $0xF, v10  }
0x3e7: {  	v41 =	vor.u32 s11, v3;
	v3 =	vld [tilespmem:$0x1F8F0];
	_ =	sdelay $0x4  }
0x3e8: {  	v13 =	vor.u32 v5, v11;
	v5 =	vld [tilespmem:$0x1F840];
	_ =	sdelay $0x1  }
0x3e9: {  	[tilespmem:v1+s26+$0x0] =	vst.idx.msk $0xffff, v24  }
0x3ea: {  	[tilespmem:v18+s26+$0x0] =	vst.idx.msk $0xffff, v16;
	v16 =	vld.idx.msk [tilespmem:v3+s16+$0x0], $0xffff;
	v3 =	vmov v7  }
0x3eb: {  	[tilespmem:$0x1F840] =	vst v3;
	v3 =	vld [tilespmem:$0x1F830];
	_ =	sdelay $0x3  }
0x3ec: {  	v1 =	vld.idx.msk [tilespmem:v60+s16+$0x0], $0xffff;
	[tilespmem:v5+s26+$0x0] =	vst.idx.msk $0xffff, v19;
	v5 =	vor.u32 v31, v32  }
0x3ed: {  	[tilespmem:$0x1F7C0] =	vst v5;
	v5 =	vld [tilespmem:$0x1F8D0];
	_ =	sdelay $0x2  }
0x3ee: {  	v31 =	vld.idx.msk [tilespmem:v3+s16+$0x0], $0xffff  }
0x3ef: {  	v3 =	vld [tilespmem:$0x1F880]  }
0x3f0: {  	v7 =	vmov v33;
	v33 =	vor.u32 v5, v11;
	v5 =	vld [tilespmem:$0x1F800];
	_ =	sdelay $0x6  }
0x3f1: {  	v57 =	vld.idx.msk [tilespmem:v57+s16+$0x0], $0xffff;
	[tilespmem:v3+s26+$0x0] =	vst.idx.msk $0xffff, v20  }
0x3f2: {  	v44 =	vld.idx.msk [tilespmem:v5+s16+$0x0], $0xffff;
	v5 =	vmov v2  }
0x3f3: {  	[tilespmem:$0x1F800] =	vst v5;
	v5 =	vld [tilespmem:$0x1F810];
	_ =	sdelay $0x2  }
0x3f4: {  	v27 =	vor.u32 v9, v30;
	v9 =	vmovc v47;
	v47 =	vor.u32 v6, v11;
	v6 =	vor.u32 v55, v11  }
0x3f5: {  	[tilespmem:$0x1F7A0] =	vst v6;
	v6 =	vld [tilespmem:$0x1FF90];
	_ =	sdelay $0x3  }
0x3f6: {  	v19 =	vshll.u32 v10, $0x7;
	[tilespmem:v5+s26+$0x0] =	vst.idx.msk $0xffff, v14;
	v5 =	vmov v49  }
0x3f7: {  	[tilespmem:$0x1F810] =	vst v5;
	v5 =	vor.u32 v6, v19  }
0x3f8: {  	[tilespmem:$0x1F7D0] =	vst v5;
	v5 =	vld [tilespmem:$0x1FFE0];
	_ =	sdelay $0x4  }
0x3f9: {  	[tilespmem:v13+s26+$0x0] =	vst.idx.msk $0xffff, v57;
	v13 =	vor.u32 v5, v19;
	v5 =	vld [tilespmem:$0x1F870];
	_ =	sdelay $0x5  }
0x3fa: {  	[tilespmem:$0x1F790] =	vst v38;
	v38 =	vld [tilespmem:$0x1FF60]  }
0x3fb: {  	v22 =	vld.idx.msk [tilespmem:v22+s16+$0x0], $0xffff  }
0x3fc: {  	[tilespmem:v5+s26+$0x0] =	vst.idx.msk $0xffff, v44;
	v5 =	vld [tilespmem:$0x1F850];
	_ =	sdelay $0x2  }
0x3fd: {  	s10 =	sor.u32 $0x1, s6  }
0x3fe: {  	[tilespmem:v0+s26+$0x0] =	vst.idx.msk $0xffff, v22;
	v25 =	vadd.s32 s10, v46  }
0x3ff: {  	v24 =	vand.u32 $0xF, v25;
	v18 =	vshll.u32 v25, $0x7;
	v0 =	vor.u32 v38, v19;
	[tilespmem:v56+s26+$0x0] =	vst.idx.msk $0xffff, v16  }
0x400: {  	[tilespmem:v8+s26+$0x0] =	vst.idx.msk $0xffff, v1;
	v14 =	vand.u32 $0x7, v25;
	v25 =	vor.u32 s11, v24;
	v24 =	vand.u32 $0x3A8, v0;
	v0 =	vld.idx.msk [tilespmem:v12+s16+$0x0], $0xffff  }
0x401: {  	v12 =	vld.idx.msk [tilespmem:v53+s16+$0x0], $0xffff  }
0x402: {  	[tilespmem:v5+s26+$0x0] =	vst.idx.msk $0xffff, v31;
	v5 =	vld [tilespmem:$0x1F7F0]  }
0x403: {  	v40 =	vor.u32 v36, v40;
	_ =	sdelay $0x2  }
0x404: {  	v2 =	vmov v17  }
0x405: {  	[tilespmem:$0x1F830] =	vst v2;
	v2 =	vor.u32 v46, v18  }
0x406: {  	v22 =	vand.u32 $0x388, v2;
	v2 =	vld.idx.msk [tilespmem:v40+s16+$0x0], $0xffff  }
0x407: {  	[tilespmem:$0x1F7B0] =	vst v39;
	v39 =	vld [tilespmem:$0x1FF20]  }
0x408: {  	v31 =	vld.idx.msk [tilespmem:v5+s16+$0x0], $0xffff  }
0x409: {  	v42 =	vand.u32 $0xF, v26;
	v5 =	vld [tilespmem:$0x1FF80]  }
0x40a: {  	v43 =	vand.u32 $0x7, v26;
	v3 =	vor.u32 v52, v11;
	v16 =	vand.u32 $0x38, v25  }
0x40b: {  	v52 =	vand.u32 $0x7, v10;
	v10 =	vor.u32 s11, v42;
	[tilespmem:v27+s26+$0x0] =	vst.idx.msk $0xffff, v2;
	v20 =	vor.u32 v14, v16  }
0x40c: {  	v17 =	vand.u32 $0x38, v10;
	v10 =	vshll.u32 v10, $0x7;
	v57 =	vld.idx.msk [tilespmem:v23+s16+$0x0], $0xffff;
	v2 =	vor.u32 v39, v20  }
0x40d: {  	v17 =	vor.u32 v43, v17;
	v10 =	vand.u32 $0x1C00, v10;
	v16 =	vshll.u32 v41, $0x7  }
0x40e: {  	v1 =	vand.u32 $0x1C00, v16;
	v16 =	vor.u32 v35, v10;
	v10 =	vor.u32 v5, v17;
	v5 =	vld [tilespmem:$0x1F820];
	_ =	sdelay $0x1  }
0x40f: {  	[tilespmem:v50+s26+$0x0] =	vst.idx.msk $0xffff, v0  }
0x410: {  	[tilespmem:v4+s26+$0x0] =	vst.idx.msk $0xffff, v57;
	v4 =	vld.idx.msk [tilespmem:v2+s16+$0x0], $0xffff  }
0x411: {  	v2 =	vld [tilespmem:$0x1FFE0];
	_ =	sdelay $0x1  }
0x412: {  	s31 =	sor.u32 $0x3, s6  }
0x413: {  	v60 =	vadd.s32 s31, v46;
	v32 =	vand.u32 $0x38, v41;
	v41 =	vld [tilespmem:$0x1FF40]  }
0x414: {  	[tilespmem:$0x1F880] =	vst v3;
	v3 =	vshll.u32 v60, $0x7;
	v53 =	vld.idx.msk [tilespmem:v5+s16+$0x0], $0xffff  }
0x415: {  	v42 =	vmov v47;
	[tilespmem:v15+s26+$0x0] =	vst.idx.msk $0xffff, v12;
	v15 =	vor.u32 v37, v3;
	v37 =	vor.u32 v2, v18;
	v2 =	vld [tilespmem:$0x1F8A0]  }
0x416: {  	[tilespmem:$0x1F870] =	vst v42;
	v42 =	vld [tilespmem:$0x1FF00]  }
0x417: {  	v0 =	vld [tilespmem:$0x1F8B0]  }
0x418: {  	v50 =	vld.idx.msk [tilespmem:v63+s16+$0x0], $0xffff;
	v5 =	vmov v58  }
0x419: {  	[tilespmem:$0x1F820] =	vst v5;
	v5 =	vld [tilespmem:$0x1F930]  }
0x41a: {  	v55 =	vand.u32 $0xF, v60;
	v63 =	vor.u32 v2, v30;
	v2 =	vld [tilespmem:$0x1FF50]  }
0x41b: {  	v21 =	vor.u32 v51, v11;
	v36 =	vor.u32 s11, v55;
	v40 =	vor.u32 v52, v32  }
0x41c: {  	v32 =	vshll.u32 v26, $0x7;
	v27 =	vand.u32 $0x7, v60;
	v60 =	vor.u32 v38, v3  }
0x41d: {  	v51 =	vor.u32 v41, v18;
	v26 =	vor.u32 v41, v3;
	v56 =	vor.u32 v42, v3  }
0x41e: {  	v13 =	vand.u32 $0x3F8, v13;
	v55 =	vand.u32 $0x3B8, v56;
	v56 =	vld [tilespmem:$0x1FF50];
	v12 =	vshll.u32 v25, $0x7;
	[tilespmem:v59+s26+$0x0] =	vst.idx.msk $0xffff, v53  }
0x41f: {  	v25 =	vand.u32 $0x398, v51;
	v51 =	vand.u32 $0x3A8, v60;
	v0 =	vld.idx.msk [tilespmem:v0+s16+$0x0], $0xffff;
	v60 =	vor.u32 v2, v17;
	v2 =	vmovc v13  }
0x420: {  	v43 =	vmov v28;
	v23 =	vand.u32 $0x398, v26;
	[tilespmem:$0x1F8A0] =	vst v2;
	v2 =	vld [tilespmem:$0x1F990]  }
0x421: {  	v47 =	vor.u32 v42, v18;
	v12 =	vand.u32 $0x1C00, v12;
	v26 =	vld.idx.msk [tilespmem:v5+s16+$0x0], $0xffff;
	v5 =	vmovc v10;
	v10 =	vand.u32 $0x38, v36  }
0x422: {  	v58 =	vor.u32 v35, v12;
	v12 =	vld.idx.msk [tilespmem:v61+s16+$0x0], $0xffff;
	v59 =	vor.u32 v27, v10;
	v13 =	vand.u32 $0x3B8, v47  }
0x423: {  	[tilespmem:$0x1F850] =	vst v43;
	v43 =	vmovc v48;
	v61 =	vshll.u32 v36, $0x7;
	v36 =	vor.u32 v56, v59;
	v56 =	vor.u32 v13, v58;
	v13 =	vld [tilespmem:$0x1F960]  }
0x424: {  	[tilespmem:$0x1F7F0] =	vst v43  }
0x425: {  	[tilespmem:v45+s26+$0x0] =	vst.idx.msk $0xffff, v31  }
0x426: {  	v49 =	vor.u32 v46, v3;
	[tilespmem:v62+s26+$0x0] =	vst.idx.msk $0xffff, v0  }
0x427: {  	v1 =	vor.u32 v35, v1;
	v43 =	vld [tilespmem:$0x1FFA0];
	v62 =	vor.u32 v22, v58;
	[tilespmem:v33+s26+$0x0] =	vst.idx.msk $0xffff, v26  }
0x428: {  	v49 =	vand.u32 $0x388, v49;
	[tilespmem:$0x1F8B0] =	vst v5;
	v5 =	vor.u32 v34, v20;
	v34 =	vor.u32 v46, v19;
	v35 =	vld.idx.msk [tilespmem:v2+s16+$0x0], $0xffff  }
0x429: {  	v30 =	vmovc v1;
	[tilespmem:v9+s26+$0x0] =	vst.idx.msk $0xffff, v12;
	v27 =	vor.u32 v41, v32;
	v0 =	vand.u32 $0x3F8, v37;
	v12 =	vand.u32 $0x388, v34  }
0x42a: {  	[tilespmem:$0x1F8C0] =	vst v49;
	v47 =	vor.u32 v12, v30;
	v12 =	vand.u32 $0x398, v27;
	v49 =	vor.u32 v0, v58;
	v0 =	vld [tilespmem:$0x1F9E0]  }
0x42b: {  	v8 =	vor.u32 v41, v19;
	v34 =	vld.idx.msk [tilespmem:v13+s16+$0x0], $0xffff;
	v13 =	vor.u32 v12, v16;
	v12 =	vor.u32 v6, v18  }
0x42c: {  	v8 =	vand.u32 $0x398, v8;
	[tilespmem:v62+s26+$0x0] =	vst.idx.msk $0xffff, v4;
	v4 =	vand.u32 $0x3C8, v12;
	v12 =	vld [tilespmem:$0x1F940]  }
0x42d: {  	[tilespmem:v21+s26+$0x0] =	vst.idx.msk $0xffff, v35;
	v35 =	vor.u32 v8, v30;
	v8 =	vor.u32 v43, v18  }
0x42e: {  	v62 =	vand.u32 $0x3D8, v8;
	v8 =	vld [tilespmem:$0x1FFC0];
	_ =	sdelay $0x1  }
0x42f: {  	[tilespmem:v7+s26+$0x0] =	vst.idx.msk $0xffff, v50  }
0x430: {  	[tilespmem:$0x1F990] =	vst v36;
	v36 =	vor.u32 v25, v58;
	v25 =	vor.u32 v42, v19  }
0x431: {  	v27 =	vld.idx.msk [tilespmem:v0+s16+$0x0], $0xffff;
	v0 =	vand.u32 $0x3B8, v25;
	v25 =	vor.u32 v38, v32  }
0x432: {  	v45 =	vld [tilespmem:$0x1FF30];
	v50 =	vor.u32 v4, v58;
	v4 =	vand.u32 $0x3A8, v25;
	v8 =	vor.u32 v8, v18  }
0x433: {  	[tilespmem:v12+s26+$0x0] =	vst.idx.msk $0xffff, v34;
	v12 =	vand.u32 $0x3E8, v8;
	v8 =	vor.u32 v4, v16;
	v4 =	vld [tilespmem:$0x1F790];
	_ =	sdelay $0x1  }
0x434: {  	v14 =	vor.u32 v39, v17  }
0x435: {  	v7 =	vld [tilespmem:$0x1F780]  }
0x436: {  	v57 =	vor.u32 v39, v59;
	v31 =	vor.u32 v45, v20;
	v33 =	vor.u32 v39, v40;
	v39 =	vld [tilespmem:$0x1FFD0]  }
0x437: {  	v28 =	vor.u32 v38, v18;
	v52 =	vor.u32 v46, v32;
	v46 =	vld [tilespmem:$0x1FFB0]  }
0x438: {  	v28 =	vand.u32 $0x3A8, v28;
	v44 =	vld [tilespmem:$0x1FF70]  }
0x439: {  	[tilespmem:$0x1F8D0] =	vst v23;
	v23 =	vand.u32 $0x388, v52;
	v1 =	vor.u32 v28, v58;
	v28 =	vor.u32 v43, v3;
	v37 =	vld.idx.msk [tilespmem:v14+s16+$0x0], $0xffff  }
0x43a: {  	v52 =	vand.u32 $0x3D8, v28;
	v26 =	vor.u32 v45, v17;
	v53 =	vor.u32 v45, v59;
	v14 =	vld.idx.msk [tilespmem:v4+s16+$0x0], $0xffff  }
0x43b: {  	v28 =	vor.u32 v45, v40;
	v45 =	vor.u32 v7, v11;
	v11 =	vor.u32 v39, v20;
	v4 =	vld.idx.msk [tilespmem:v31+s16+$0x0], $0xffff  }
0x43c: {  	v41 =	vld [tilespmem:$0x1FF10];
	v38 =	vmov v11;
	v11 =	vor.u32 v46, v20  }
0x43d: {  	[tilespmem:$0x1F960] =	vst v11;
	v11 =	vor.u32 v12, v58;
	v12 =	vld [tilespmem:$0x1FFC0]  }
0x43e: {  	v33 =	vld.idx.msk [tilespmem:v33+s16+$0x0], $0xffff  }
0x43f: {  	v25 =	vor.u32 v6, v3;
	[tilespmem:v63+s26+$0x0] =	vst.idx.msk $0xffff, v27;
	v27 =	vor.u32 v6, v32;
	v6 =	vld [tilespmem:$0x1F7A0]  }
0x440: {  	[tilespmem:v36+s26+$0x0] =	vst.idx.msk $0xffff, v4;
	v4 =	vld [tilespmem:$0x1F7B0]  }
0x441: {  	v9 =	vld.idx.msk [tilespmem:v54+s16+$0x0], $0xffff;
	v18 =	vor.u32 v24, v30  }
0x442: {  	v24 =	vor.u32 v41, v17;
	[tilespmem:$0x1F940] =	vst v11;
	v11 =	vor.u32 v43, v19;
	v12 =	vor.u32 v12, v19;
	v19 =	vld [tilespmem:$0x1F970]  }
0x443: {  	[tilespmem:$0x1F970] =	vst v24;
	v24 =	vand.u32 $0x3E8, v12;
	v12 =	vld [tilespmem:$0x1FF80];
	_ =	sdelay $0x1  }
0x444: {  	v34 =	vld [tilespmem:$0x1FF50]  }
0x445: {  	[tilespmem:v47+s26+$0x0] =	vst.idx.msk $0xffff, v33  }
0x446: {  	v23 =	vor.u32 v23, v16;
	v48 =	vor.u32 v44, v20;
	v28 =	vld.idx.msk [tilespmem:v28+s16+$0x0], $0xffff;
	[tilespmem:v6+s26+$0x0] =	vst.idx.msk $0xffff, v9  }
0x447: {  	v21 =	vand.u32 $0x1C00, v61;
	v61 =	vor.u32 v41, v20;
	v12 =	vor.u32 v12, v20;
	v20 =	vld.idx.msk [tilespmem:v4+s16+$0x0], $0xffff  }
0x448: {  	[tilespmem:$0x1F8F0] =	vst v48;
	v10 =	vor.u32 v41, v59;
	v48 =	vor.u32 v39, v59;
	v31 =	vor.u32 v42, v32;
	v4 =	vld [tilespmem:$0x1F7C0]  }
0x449: {  	v33 =	vor.u32 v24, v30;
	v24 =	vand.u32 $0x3B8, v31;
	v31 =	vor.u32 v34, v40;
	v36 =	vld [tilespmem:$0x1FF80]  }
0x44a: {  	v2 =	vor.u32 v46, v59;
	v7 =	vor.u32 v39, v40;
	v27 =	vand.u32 $0x3C8, v27  }
0x44b: {  	[tilespmem:$0x1F9E0] =	vst v7;
	v7 =	vld [tilespmem:$0x1F7D0];
	v54 =	vor.u32 v44, v59;
	v47 =	vor.u32 v62, v58;
	v62 =	vor.u32 v27, v16  }
0x44c: {  	v58 =	vor.u32 v39, v17;
	[tilespmem:v35+s26+$0x0] =	vst.idx.msk $0xffff, v28;
	v6 =	vand.u32 $0x3E8, v15;
	v19 =	vld.idx.msk [tilespmem:v19+s16+$0x0], $0xffff  }
0x44d: {  	v9 =	vand.u32 $0x3D8, v11;
	v15 =	vor.u32 v24, v16;
	[tilespmem:v23+s26+$0x0] =	vst.idx.msk $0xffff, v37;
	v37 =	vld [tilespmem:$0x1FFC0];
	v11 =	vand.u32 $0x3F8, v4  }
0x44e: {  	v39 =	vor.u32 v36, v59;
	v59 =	vor.u32 v11, v29;
	v29 =	vmov v16;
	v16 =	vld.idx.msk [tilespmem:v31+s16+$0x0], $0xffff  }
0x44f: {  	p2 =	slt.u32 s17, $0x3C;
	v31 =	vld [tilespmem:$0x1FFE0]  }
.Ltmp10:
0x450: {  	v22 =	vor.u32 v44, v40;
	[tilespmem:$0x1F930] =	vst v53;
	v53 =	vor.u32 v44, v17;
	(pc) =	sbr.rel @p2 .LBB2_15-.Ltmp10, $4  }
0x451: {  	v0 =	vor.u32 v0, v30;
	v63 =	vor.u32 v46, v40;
	v17 =	vor.u32 v46, v17  }
0x452: {  	v24 =	vld.idx.msk [tilespmem:v5+s16+$0x0], $0xffff;
	v5 =	vor.u32 v43, v32;
	v23 =	vor.u32 v41, v40;
	v4 =	vor.u32 v9, v30  }
0x453: {  	v9 =	vand.u32 $0x3C8, v7;
	v7 =	vand.u32 $0x3D8, v5;
	v11 =	vor.u32 v37, v32  }
0x454: {  	v26 =	vld.idx.msk [tilespmem:v26+s16+$0x0], $0xffff;
	v5 =	vand.u32 $0x3E8, v11;
	v7 =	vor.u32 v7, v29;
	v3 =	vor.u32 v31, v3  }
0x455: {  	v28 =	vld [tilespmem:$0x1FFF0]  }
0x456: {  	v46 =	vld [tilespmem:$0x1F8C0];
	_ =	sdelay $0x3  }
0x457: {  	v11 =	vor.u32 v28, v21  }
0x458: {  	v27 =	vld.idx.msk [tilespmem:v57+s16+$0x0], $0xffff;
	v21 =	vor.u32 v46, v11;
	_ =	sdelay $0x4  }
0x459: {  	[tilespmem:v21+s26+$0x0] =	vst.idx.msk $0xffff, v27  }
0x45a: {  	v27 =	vld [tilespmem:$0x1F930];
	_ =	sdelay $0x2  }
0x45b: {  	v21 =	vld [tilespmem:$0x1F8D0];
	_ =	sdelay $0x4  }
0x45c: {  	v21 =	vor.u32 v21, v11;
	v27 =	vld.idx.msk [tilespmem:v27+s16+$0x0], $0xffff;
	_ =	sdelay $0x3  }
0x45d: {  	[tilespmem:v13+s26+$0x0] =	vst.idx.msk $0xffff, v26  }
0x45e: {  	[tilespmem:v21+s26+$0x0] =	vst.idx.msk $0xffff, v27  }
0x45f: {  	v21 =	vld [tilespmem:$0x1F990];
	_ =	sdelay $0x7  }
0x460: {  	v57 =	vor.u32 v51, v11;
	v21 =	vld.idx.msk [tilespmem:v21+s16+$0x0], $0xffff;
	_ =	sdelay $0x2  }
0x461: {  	[tilespmem:v18+s26+$0x0] =	vst.idx.msk $0xffff, v16  }
0x462: {  	[tilespmem:v1+s26+$0x0] =	vst.idx.msk $0xffff, v24  }
0x463: {  	[tilespmem:v57+s26+$0x0] =	vst.idx.msk $0xffff, v21  }
0x464: {  	v16 =	vld [tilespmem:$0x1F8F0]  }
0x465: {  	v26 =	vld.idx.msk [tilespmem:v60+s16+$0x0], $0xffff;
	_ =	sdelay $0x3  }
0x466: {  	v60 =	vld.idx.msk [tilespmem:v22+s16+$0x0], $0xffff  }
0x467: {  	v34 =	vor.u32 v55, v11;
	[tilespmem:v8+s26+$0x0] =	vst.idx.msk $0xffff, v26;
	v35 =	vld.idx.msk [tilespmem:v54+s16+$0x0], $0xffff  }
0x468: {  	v24 =	vor.u32 v36, v40;
	v40 =	vld.idx.msk [tilespmem:v53+s16+$0x0], $0xffff  }
0x469: {  	v16 =	vld.idx.msk [tilespmem:v16+s16+$0x0], $0xffff;
	_ =	sdelay $0x1  }
0x46a: {  	[tilespmem:v0+s26+$0x0] =	vst.idx.msk $0xffff, v60  }
0x46b: {  	[tilespmem:v34+s26+$0x0] =	vst.idx.msk $0xffff, v35  }
0x46c: {  	[tilespmem:v15+s26+$0x0] =	vst.idx.msk $0xffff, v40  }
0x46d: {  	[tilespmem:v56+s26+$0x0] =	vst.idx.msk $0xffff, v16  }
0x46e: {  	v46 =	vld [tilespmem:$0x1F860];
	_ =	sdelay $0x7  }
0x46f: {  	[tilespmem:v46+s26+$0x0] =	vst.idx.msk $0xffff, v20  }
0x470: {  	v13 =	vld [tilespmem:$0x1F8B0]  }
0x471: {  	v15 =	vld [tilespmem:$0x1F840];
	_ =	sdelay $0x4  }
0x472: {  	v41 =	vor.u32 v9, v30;
	v1 =	vld.idx.msk [tilespmem:v24+s16+$0x0], $0xffff  }
0x473: {  	v42 =	vand.u32 $0x3C8, v25;
	v43 =	vld.idx.msk [tilespmem:v12+s16+$0x0], $0xffff  }
0x474: {  	v8 =	vor.u32 v42, v11;
	v44 =	vld.idx.msk [tilespmem:v39+s16+$0x0], $0xffff  }
0x475: {  	v13 =	vld.idx.msk [tilespmem:v13+s16+$0x0], $0xffff;
	[tilespmem:v15+s26+$0x0] =	vst.idx.msk $0xffff, v19  }
0x476: {  	v15 =	vld [tilespmem:$0x1F7E0]  }
0x477: {  	[tilespmem:v41+s26+$0x0] =	vst.idx.msk $0xffff, v1  }
0x478: {  	[tilespmem:v50+s26+$0x0] =	vst.idx.msk $0xffff, v43  }
0x479: {  	[tilespmem:v8+s26+$0x0] =	vst.idx.msk $0xffff, v44  }
0x47a: {  	[tilespmem:v62+s26+$0x0] =	vst.idx.msk $0xffff, v13  }
0x47b: {  	v53 =	vld [tilespmem:$0x1F880];
	_ =	sdelay $0x2  }
0x47c: {  	v15 =	vld.idx.msk [tilespmem:v15+s16+$0x0], $0xffff;
	_ =	sdelay $0x4  }
0x47d: {  	v51 =	vor.u32 v52, v11;
	v52 =	vld.idx.msk [tilespmem:v10+s16+$0x0], $0xffff;
	[tilespmem:v53+s26+$0x0] =	vst.idx.msk $0xffff, v15  }
0x47e: {  	v10 =	vld [tilespmem:$0x1F970]  }
0x47f: {  	v12 =	vld [tilespmem:$0x1F810];
	_ =	sdelay $0x4  }
0x480: {  	v0 =	vld.idx.msk [tilespmem:v23+s16+$0x0], $0xffff  }
0x481: {  	v50 =	vld.idx.msk [tilespmem:v61+s16+$0x0], $0xffff;
	_ =	sdelay $0x1  }
0x482: {  	v10 =	vld.idx.msk [tilespmem:v10+s16+$0x0], $0xffff;
	[tilespmem:v12+s26+$0x0] =	vst.idx.msk $0xffff, v14  }
0x483: {  	v12 =	vld [tilespmem:$0x1F800]  }
0x484: {  	[tilespmem:v4+s26+$0x0] =	vst.idx.msk $0xffff, v0  }
0x485: {  	v0 =	vld [tilespmem:$0x1F830];
	[tilespmem:v47+s26+$0x0] =	vst.idx.msk $0xffff, v50  }
0x486: {  	[tilespmem:v51+s26+$0x0] =	vst.idx.msk $0xffff, v52  }
0x487: {  	v4 =	vld [tilespmem:$0x1F960];
	[tilespmem:v7+s26+$0x0] =	vst.idx.msk $0xffff, v10  }
0x488: {  	v7 =	vld [tilespmem:$0x1F870];
	_ =	sdelay $0x2  }
0x489: {  	v12 =	vld.idx.msk [tilespmem:v12+s16+$0x0], $0xffff;
	_ =	sdelay $0x4  }
0x48a: {  	[tilespmem:v7+s26+$0x0] =	vst.idx.msk $0xffff, v12  }
0x48b: {  	v8 =	vld [tilespmem:$0x1F850];
	_ =	sdelay $0x2  }
0x48c: {  	v0 =	vld.idx.msk [tilespmem:v0+s16+$0x0], $0xffff  }
0x48d: {  	v54 =	vld.idx.msk [tilespmem:v63+s16+$0x0], $0xffff;
	_ =	sdelay $0x3  }
0x48e: {  	[tilespmem:v8+s26+$0x0] =	vst.idx.msk $0xffff, v0  }
0x48f: {  	v0 =	vld [tilespmem:$0x1F7F0];
	[tilespmem:v33+s26+$0x0] =	vst.idx.msk $0xffff, v54  }
0x490: {  	v8 =	vld [tilespmem:$0x1F940];
	_ =	sdelay $0x2  }
0x491: {  	v4 =	vld.idx.msk [tilespmem:v4+s16+$0x0], $0xffff;
	_ =	sdelay $0x1  }
0x492: {  	v1 =	vld [tilespmem:$0x1F820];
	_ =	sdelay $0x2  }
0x493: {  	v2 =	vld.idx.msk [tilespmem:v2+s16+$0x0], $0xffff;
	[tilespmem:v8+s26+$0x0] =	vst.idx.msk $0xffff, v4  }
0x494: {  	v6 =	vor.u32 v6, v11;
	v8 =	vld [tilespmem:$0x1F9E0]  }
0x495: {  	v5 =	vor.u32 v5, v29;
	v55 =	vld.idx.msk [tilespmem:v17+s16+$0x0], $0xffff  }
0x496: {  	v0 =	vld.idx.msk [tilespmem:v0+s16+$0x0], $0xffff  }
0x497: {  	v4 =	vld [tilespmem:$0x1F8A0]  }
0x498: {  	v1 =	vld.idx.msk [tilespmem:v1+s16+$0x0], $0xffff  }
0x499: {  	v57 =	vor.u32 v31, v32;
	v56 =	vand.u32 $0x3F8, v3;
	[tilespmem:v6+s26+$0x0] =	vst.idx.msk $0xffff, v2;
	v60 =	vld.idx.msk [tilespmem:v38+s16+$0x0], $0xffff  }
0x49a: {  	v3 =	vand.u32 $0x3F8, v57;
	[tilespmem:v5+s26+$0x0] =	vst.idx.msk $0xffff, v55;
	v2 =	vor.u32 v56, v11;
	v61 =	vld.idx.msk [tilespmem:v48+s16+$0x0], $0xffff  }
0x49b: {  	v62 =	vor.u32 v3, v29;
	v63 =	vld.idx.msk [tilespmem:v58+s16+$0x0], $0xffff  }
0x49c: {  	[tilespmem:v45+s26+$0x0] =	vst.idx.msk $0xffff, v0;
	v4 =	vor.u32 v4, v30;
	v8 =	vld.idx.msk [tilespmem:v8+s16+$0x0], $0xffff  }
0x49d: {  	[tilespmem:v59+s26+$0x0] =	vst.idx.msk $0xffff, v1  }
.Ltmp11:
0x49e: {  	s6 =	sadd.s32 s15, s8;
	[tilespmem:v49+s26+$0x0] =	vst.idx.msk $0xffff, v60;
	(pc) =	sbr.rel @p1 .LBB2_18-.Ltmp11, $4  }
0x49f: {  	s6 =	sshll.u32 s6, $0xA;
	[tilespmem:v2+s26+$0x0] =	vst.idx.msk $0xffff, v61  }
0x4a0: {  	s6 =	sand.u32 $0x1FFFF800, s6;
	[tilespmem:v62+s26+$0x0] =	vst.idx.msk $0xffff, v63  }
0x4a1: {  	s6 =	sadd.s32 s2, s6;
	[tilespmem:v4+s26+$0x0] =	vst.idx.msk $0xffff, v8  }
0x4a2: {  	v29 =	vmov v28;
	[hbm4b:s6+s3] =	stream.linear.scatter [tilespmem:s26], [sflag:$0x7], $0x2000, $0x38;
	[tilespmem:$0x16400] =	vst v63  }
0x4a3: {  	_ =	swait.ge [sflag:s28], $0x2000  }
.Ltmp12:
0x4a4: {  	v48 =	vld [tilespmem:$0x1FF00];
	(pc) =	sbr.rel .LBB2_19-.Ltmp12, $4  }
0x4a5: {  	v61 =	vld [tilespmem:$0x1FF10]  }
0x4a6: {  	v35 =	vld [tilespmem:$0x1FFA0]  }
0x4a7: {  	[sflag:s28] =	ssyncset.done $0x0;
	v62 =	vld [tilespmem:$0x1FFB0]  }
0x4a8: {  	v60 =	vlaneseq.u32;
	v42 =	vld [tilespmem:$0x1FFD0];
	[sflag:s28] =	ssyncadd.s32 $0xFFFFE000  }
.LBB2_18:
0x4a9: {  	s6 =	sshll.u32 s0, $0x9  }
0x4aa: {  	s6 =	sand.u32 $0x3FFFFE00, s6  }
0x4ab: {  	s6 =	sadd.s32 $0x300, s6  }
0x4ac: {  	[tilespmem:s16], [sflag:$0x3] =	stream.indirect.gather [hbm4b:s5+s12], $0x40, s6, s12, $0xb8;
	[tilespmem:$0x16400] =	vst v63  }
0x4ad: {  	_ =	swait.ge [sflag:s28], $0x2000  }
.Ltmp13:
0x4ae: {  	v48 =	vld [tilespmem:$0x1FF00];
	(pc) =	sbr.rel @p0 .LBB2_20-.Ltmp13, $4  }
0x4af: {  	v61 =	vld [tilespmem:$0x1FF10]  }
0x4b0: {  	v35 =	vld [tilespmem:$0x1FFA0]  }
0x4b1: {  	[sflag:s28] =	ssyncset.done $0x0;
	v62 =	vld [tilespmem:$0x1FFB0]  }
0x4b2: {  	v60 =	vlaneseq.u32;
	v42 =	vld [tilespmem:$0x1FFD0];
	[sflag:s28] =	ssyncadd.s32 $0xFFFFE000  }
.LBB2_19:
0x4b3: {  	_ =	swait.ge [sflag:s29], $0x2000  }
0x4b4: {  	[sflag:s29] =	ssyncset.done $0x0  }
0x4b5: {  	[sflag:s29] =	ssyncadd.s32 $0xFFFFE000  }
.LBB2_20:
0x4b6: {  	s6 =	simm.s32 $0x0  }
0x4b7: {  	s10 =	sand.u32 $0xC, s6  }
0x4b8: {  	v0 =	vadd.s32 s10, v60;
	s11 =	sor.u32 $0x1, s10  }
0x4b9: {  	s17 =	sor.u32 $0x2, s10;
	v1 =	vadd.s32 s11, v60;
	v2 =	vand.u32 $0xF, v0  }
0x4ba: {  	s6 =	sand.u32 $0x30, s6;
	v3 =	vadd.s32 s17, v60;
	v10 =	vand.u32 $0x7, v0;
	v13 =	vshll.u32 v0, $0x7  }
0x4bb: {  	v4 =	vand.u32 $0xF, v1;
	v2 =	vor.u32 s6, v2;
	v6 =	vshll.u32 v1, $0x7  }
0x4bc: {  	v7 =	vand.u32 $0xF, v3;
	v9 =	vand.u32 $0x7, v3;
	v1 =	vand.u32 $0x7, v1  }
0x4bd: {  	v0 =	vor.u32 v31, v13;
	v7 =	vor.u32 s6, v7;
	v4 =	vor.u32 s6, v4  }
0x4be: {  	v8 =	vand.u32 $0x38, v2;
	v12 =	vand.u32 $0x38, v7;
	v15 =	vand.u32 $0x38, v4  }
0x4bf: {  	v22 =	vor.u32 v1, v15;
	v1 =	vshll.u32 v2, $0x7;
	v2 =	vshll.u32 v7, $0x7  }
0x4c0: {  	v0 =	vand.u32 $0x3F8, v0;
	v9 =	vor.u32 v9, v12;
	v2 =	vand.u32 $0x1C00, v2  }
0x4c1: {  	[tilespmem:$0x1F6A0] =	vst v0;
	v0 =	vld [tilespmem:$0x1FF40];
	v58 =	vor.u32 v29, v2;
	v2 =	vor.u32 v36, v9  }
0x4c2: {  	[tilespmem:$0x1F670] =	vst v2;
	v2 =	vld [tilespmem:$0x1FF70];
	_ =	sdelay $0x1  }
0x4c3: {  	v59 =	vld [tilespmem:$0x1FF60];
	s10 =	sor.u32 $0x3, s10  }
0x4c4: {  	v5 =	vadd.s32 s10, v60;
	v11 =	vor.u32 v60, v6  }
0x4c5: {  	v14 =	vshll.u32 v5, $0x7;
	v17 =	vand.u32 $0x388, v11;
	v11 =	vshll.u32 v3, $0x7  }
0x4c6: {  	v7 =	vor.u32 v0, v13;
	v3 =	vor.u32 v0, v14;
	v15 =	vor.u32 v2, v22  }
0x4c7: {  	v18 =	vand.u32 $0x398, v7;
	v7 =	vor.u32 v0, v6;
	[tilespmem:$0x1F630] =	vst v15;
	v15 =	vand.u32 $0x398, v3  }
0x4c8: {  	v3 =	vshll.u32 v4, $0x7;
	v4 =	vand.u32 $0x398, v7;
	v7 =	vor.u32 v59, v14  }
0x4c9: {  	v32 =	vand.u32 $0x3A8, v7;
	v7 =	vld [tilespmem:$0x1FF50];
	_ =	sdelay $0x4  }
0x4ca: {  	v34 =	vor.u32 v7, v22;
	v7 =	vld [tilespmem:$0x1FFE0];
	_ =	sdelay $0x3  }
0x4cb: {  	v12 =	vor.u32 v59, v13;
	v1 =	vand.u32 $0x1C00, v1;
	v3 =	vand.u32 $0x1C00, v3  }
0x4cc: {  	v63 =	vmovc v29;
	v1 =	vor.u32 v29, v1;
	v30 =	vor.u32 v29, v3;
	v29 =	vor.u32 v7, v6;
	v7 =	vld [tilespmem:$0x1FF50]  }
0x4cd: {  	v49 =	vld [tilespmem:$0x1FF90];
	v21 =	vand.u32 $0x3A8, v12;
	v12 =	vand.u32 $0xF, v5  }
0x4ce: {  	v12 =	vor.u32 s6, v12  }
0x4cf: {  	v5 =	vand.u32 $0x7, v5;
	v3 =	vand.u32 $0x38, v12  }
0x4d0: {  	v5 =	vor.u32 v5, v3  }
0x4d1: {  	v38 =	vor.u32 v7, v9;
	v7 =	vor.u32 v61, v5  }
0x4d2: {  	v19 =	vor.u32 v49, v13;
	v20 =	vor.u32 v48, v14;
	[tilespmem:$0x1F580] =	vst v7;
	v7 =	vor.u32 v42, v5  }
0x4d3: {  	v56 =	vld [tilespmem:$0x1FF20];
	v27 =	vor.u32 v37, v14;
	v24 =	vor.u32 v10, v8;
	[tilespmem:$0x1F590] =	vst v7;
	v7 =	vor.u32 v62, v5  }
0x4d4: {  	v8 =	vor.u32 v59, v6;
	v39 =	vand.u32 $0x3B8, v20;
	v10 =	vor.u32 v60, v11;
	[tilespmem:$0x1F5A0] =	vst v7;
	v7 =	vld [tilespmem:$0x1FF50]  }
0x4d5: {  	v8 =	vand.u32 $0x3A8, v8;
	v10 =	vand.u32 $0x388, v10;
	v3 =	vor.u32 v0, v11  }
0x4d6: {  	v46 =	vor.u32 v4, v30;
	v4 =	vor.u32 v48, v13;
	v3 =	vand.u32 $0x398, v3  }
0x4d7: {  	v31 =	vor.u32 v10, v58;
	v47 =	vor.u32 v3, v58;
	v3 =	vand.u32 $0x3B8, v4  }
0x4d8: {  	v52 =	vmovc v49;
	v10 =	vor.u32 v48, v6;
	v4 =	vor.u32 v49, v6;
	v49 =	vor.u32 v3, v1;
	v3 =	vld [tilespmem:$0x1FFC0]  }
0x4d9: {  	v41 =	vor.u32 v56, v24;
	v10 =	vand.u32 $0x3B8, v10;
	v7 =	vor.u32 v7, v5  }
0x4da: {  	v53 =	vmovc v42;
	v20 =	vor.u32 v2, v9;
	v42 =	vor.u32 v8, v30;
	v8 =	vor.u32 v35, v14  }
0x4db: {  	v37 =	vor.u32 v2, v24;
	v43 =	vand.u32 $0x3D8, v8;
	v8 =	vand.u32 $0x3F8, v29  }
0x4dc: {  	v29 =	vor.u32 v10, v30;
	[tilespmem:$0x1F690] =	vst v7;
	v7 =	vmov v2;
	v2 =	vor.u32 v8, v30  }
0x4dd: {  	v10 =	vor.u32 v35, v6;
	v6 =	vor.u32 v3, v6;
	v3 =	vor.u32 v53, v22;
	[tilespmem:$0x1F5B0] =	vst v2  }
0x4de: {  	v41 =	vld.idx.msk [tilespmem:v41+s18+$0x0], $0xffff;
	[tilespmem:$0x1F730] =	vst v3;
	v3 =	vor.u32 v53, v24  }
0x4df: {  	v25 =	vor.u32 v56, v22;
	[tilespmem:$0x1F6B0] =	vst v3;
	v3 =	vld [tilespmem:$0x1FFC0]  }
0x4e0: {  	v16 =	vor.u32 v60, v14  }
0x4e1: {  	v26 =	vand.u32 $0x388, v16;
	v16 =	vld [tilespmem:$0x1FF30];
	_ =	sdelay $0x1  }
0x4e2: {  	v50 =	vor.u32 v60, v13;
	v54 =	vor.u32 v21, v1;
	v45 =	vor.u32 v17, v30  }
0x4e3: {  	v17 =	vand.u32 $0x388, v50;
	v25 =	vld.idx.msk [tilespmem:v25+s18+$0x0], $0xffff;
	v21 =	vor.u32 v3, v13;
	v3 =	vor.u32 v61, v9  }
0x4e4: {  	v17 =	vor.u32 v17, v1;
	[tilespmem:$0x1F740] =	vst v3;
	v3 =	vld [tilespmem:$0x1FF80]  }
0x4e5: {  	v33 =	vshll.u32 v12, $0x7;
	v44 =	vor.u32 v16, v24;
	v8 =	vor.u32 v59, v11  }
0x4e6: {  	v4 =	vand.u32 $0x3C8, v4  }
0x4e7: {  	v2 =	vor.u32 v18, v1;
	v18 =	vor.u32 v4, v30;
	v4 =	vand.u32 $0x3A8, v8  }
0x4e8: {  	v51 =	vor.u32 v52, v14;
	v8 =	vmovc v52;
	v52 =	vand.u32 $0x1C00, v33;
	v33 =	vmovc v53;
	v53 =	vor.u32 v4, v58  }
0x4e9: {  	[tilespmem:v17+s30+$0x0] =	vst.idx.msk $0xffff, v41;
	v4 =	vor.u32 v3, v22;
	v3 =	vor.u32 v33, v9  }
0x4ea: {  	v44 =	vld.idx.msk [tilespmem:v44+s18+$0x0], $0xffff;
	[tilespmem:$0x1F5C0] =	vst v3;
	v3 =	vor.u32 v62, v9  }
0x4eb: {  	[tilespmem:$0x1F5D0] =	vst v3;
	v3 =	vld [tilespmem:$0x1FF50];
	_ =	sdelay $0x2  }
0x4ec: {  	v50 =	vand.u32 $0x3D8, v10;
	v6 =	vand.u32 $0x3E8, v6  }
0x4ed: {  	v6 =	vor.u32 v6, v30;
	v17 =	vor.u32 v50, v30  }
0x4ee: {  	[tilespmem:v45+s30+$0x0] =	vst.idx.msk $0xffff, v25;
	v30 =	vor.u32 v3, v24;
	v3 =	vor.u32 v7, v5  }
0x4ef: {  	[tilespmem:$0x1F6E0] =	vst v3;
	v3 =	vld [tilespmem:$0x1FF80];
	_ =	sdelay $0x4  }
0x4f0: {  	v23 =	vor.u32 v56, v9;
	v3 =	vor.u32 v3, v5  }
0x4f1: {  	[tilespmem:$0x1F750] =	vst v3;
	v3 =	vld [tilespmem:$0x1FFC0];
	_ =	sdelay $0x2  }
0x4f2: {  	v28 =	vor.u32 v16, v22;
	v10 =	vor.u32 v62, v22;
	v57 =	vor.u32 v8, v11  }
0x4f3: {  	v33 =	vor.u32 v61, v22;
	v22 =	vand.u32 $0x3C8, v57;
	v57 =	vand.u32 $0x3E8, v27;
	v27 =	vld.idx.msk [tilespmem:v23+s18+$0x0], $0xffff;
	[tilespmem:v2+s30+$0x0] =	vst.idx.msk $0xffff, v44  }
0x4f4: {  	v23 =	vor.u32 v3, v11;
	v3 =	vld [tilespmem:$0x1FFE0];
	_ =	sdelay $0x1  }
0x4f5: {  	v50 =	vor.u32 v22, v58;
	v22 =	vor.u32 v35, v11  }
0x4f6: {  	v22 =	vand.u32 $0x3D8, v22  }
0x4f7: {  	v28 =	vld.idx.msk [tilespmem:v28+s18+$0x0], $0xffff;
	v2 =	vor.u32 v22, v58;
	v23 =	vand.u32 $0x3E8, v23  }
0x4f8: {  	v40 =	vor.u32 v16, v9;
	[tilespmem:$0x1F5E0] =	vst v2;
	v2 =	vor.u32 v23, v58;
	v14 =	vor.u32 v3, v14  }
0x4f9: {  	v30 =	vld.idx.msk [tilespmem:v30+s18+$0x0], $0xffff;
	v23 =	vor.u32 v63, v52;
	[tilespmem:$0x1F5F0] =	vst v2;
	v22 =	vand.u32 $0x3F8, v14;
	v14 =	vand.u32 $0x3C8, v51  }
0x4fa: {  	v3 =	vld [tilespmem:$0x1FF80];
	[tilespmem:v31+s30+$0x0] =	vst.idx.msk $0xffff, v27;
	v2 =	vor.u32 v14, v23  }
0x4fb: {  	[tilespmem:$0x1F600] =	vst v2  }
0x4fc: {  	v2 =	vor.u32 v57, v23;
	[tilespmem:v46+s30+$0x0] =	vst.idx.msk $0xffff, v28  }
0x4fd: {  	v28 =	vld.idx.msk [tilespmem:v40+s18+$0x0], $0xffff;
	[tilespmem:$0x1F610] =	vst v2  }
0x4fe: {  	v40 =	vld.idx.msk [tilespmem:v34+s18+$0x0], $0xffff  }
0x4ff: {  	v2 =	vor.u32 v39, v23;
	[tilespmem:v54+s30+$0x0] =	vst.idx.msk $0xffff, v30  }
0x500: {  	[tilespmem:$0x1F710] =	vst v2;
	v2 =	vor.u32 v43, v23  }
0x501: {  	v37 =	vld.idx.msk [tilespmem:v37+s18+$0x0], $0xffff;
	[tilespmem:$0x1F620] =	vst v2  }
0x502: {  	v9 =	vor.u32 v3, v24;
	v3 =	vld [tilespmem:$0x1FFE0];
	[tilespmem:v47+s30+$0x0] =	vst.idx.msk $0xffff, v28  }
0x503: {  	[tilespmem:v42+s30+$0x0] =	vst.idx.msk $0xffff, v40  }
0x504: {  	v2 =	vld [tilespmem:$0x1F630];
	_ =	sdelay $0x1  }
0x505: {  	v36 =	vor.u32 v56, v5;
	_ =	sdelay $0x1  }
0x506: {  	s17 =	simm.s32 $0x4;
	v55 =	vor.u32 v35, v13;
	v13 =	vand.u32 $0x3E8, v21;
	v21 =	vor.u32 v48, v11  }
0x507: {  	s6 =	sand.u32 $0xC, s17;
	v41 =	vand.u32 $0x3B8, v21  }
0x508: {  	v21 =	vor.u32 v62, v24;
	v44 =	vor.u32 v61, v24;
	v24 =	vadd.s32 s6, v60  }
0x509: {  	v14 =	vand.u32 $0xF, v24;
	v36 =	vld.idx.msk [tilespmem:v36+s18+$0x0], $0xffff;
	v47 =	vand.u32 $0x7, v24;
	v24 =	vshll.u32 v24, $0x7  }
0x50a: {  	v54 =	vld.idx.msk [tilespmem:v2+s18+$0x0], $0xffff;
	v2 =	vor.u32 v8, v24  }
0x50b: {  	v38 =	vld.idx.msk [tilespmem:v38+s18+$0x0], $0xffff;
	[tilespmem:$0x1F760] =	vst v2  }
0x50c: {  	v19 =	vand.u32 $0x3C8, v19;
	[tilespmem:v49+s30+$0x0] =	vst.idx.msk $0xffff, v37  }
0x50d: {  	v25 =	vand.u32 $0x3D8, v55;
	v55 =	vor.u32 v19, v1;
	v19 =	vor.u32 v3, v11;
	v3 =	vld [tilespmem:$0x1FFE0];
	_ =	sdelay $0x2  }
0x50e: {  	v26 =	vor.u32 v26, v23;
	_ =	sdelay $0x1  }
0x50f: {  	v28 =	vor.u32 v3, v24  }
0x510: {  	v2 =	vand.u32 $0x3F8, v28  }
0x511: {  	[tilespmem:$0x1F640] =	vst v2  }
0x512: {  	s11 =	sor.u32 $0x1, s6;
	s31 =	sor.u32 $0x2, s6;
	v12 =	vor.u32 v16, v5;
	v41 =	vor.u32 v41, v58;
	[tilespmem:v26+s30+$0x0] =	vst.idx.msk $0xffff, v36  }
0x513: {  	v5 =	vor.u32 v32, v23;
	v31 =	vadd.s32 s11, v60;
	v46 =	vadd.s32 s31, v60;
	[tilespmem:v53+s30+$0x0] =	vst.idx.msk $0xffff, v38  }
0x514: {  	v52 =	vor.u32 v15, v23;
	v45 =	vand.u32 $0xF, v31;
	s31 =	sand.u32 $0x30, s17;
	v30 =	vand.u32 $0xF, v46;
	[tilespmem:v29+s30+$0x0] =	vst.idx.msk $0xffff, v54  }
0x515: {  	v57 =	vand.u32 $0x7, v46;
	v34 =	vshll.u32 v31, $0x7;
	v30 =	vor.u32 s31, v30;
	v3 =	vld [tilespmem:$0x1FF80]  }
0x516: {  	v31 =	vand.u32 $0x7, v31;
	v15 =	vand.u32 $0x38, v30;
	v37 =	vor.u32 s31, v45  }
0x517: {  	s11 =	sor.u32 $0x3, s6;
	v32 =	vor.u32 s31, v14;
	v15 =	vor.u32 v57, v15;
	v49 =	vand.u32 $0x38, v37;
	v57 =	vld.idx.msk [tilespmem:v9+s18+$0x0], $0xffff  }
0x518: {  	v51 =	vadd.s32 s11, v60;
	v42 =	vor.u32 v31, v49;
	v31 =	vshll.u32 v32, $0x7;
	v20 =	vld.idx.msk [tilespmem:v20+s18+$0x0], $0xffff  }
0x519: {  	v11 =	vshll.u32 v51, $0x7;
	v29 =	vand.u32 $0x1C00, v31  }
0x51a: {  	v31 =	vor.u32 v0, v24;
	v54 =	vshll.u32 v30, $0x7;
	v49 =	vld.idx.msk [tilespmem:v4+s18+$0x0], $0xffff;
	v2 =	vor.u32 v3, v15  }
0x51b: {  	v30 =	vor.u32 v63, v29;
	v29 =	vand.u32 $0x1C00, v54;
	v54 =	vand.u32 $0x398, v31;
	v31 =	vld [tilespmem:$0x1FFE0];
	[tilespmem:$0x1F650] =	vst v2  }
0x51c: {  	v36 =	vor.u32 v0, v11;
	[tilespmem:v55+s30+$0x0] =	vst.idx.msk $0xffff, v57;
	v12 =	vld.idx.msk [tilespmem:v12+s18+$0x0], $0xffff  }
0x51d: {  	v2 =	vand.u32 $0x398, v36;
	[tilespmem:v41+s30+$0x0] =	vst.idx.msk $0xffff, v20;
	v55 =	vld.idx.msk [tilespmem:v44+s18+$0x0], $0xffff  }
0x51e: {  	[tilespmem:$0x1F660] =	vst v2;
	v2 =	vld [tilespmem:$0x1F670];
	_ =	sdelay $0x5  }
0x51f: {  	v25 =	vor.u32 v25, v1;
	_ =	sdelay $0x1  }
0x520: {  	v3 =	vor.u32 v7, v42;
	v2 =	vld.idx.msk [tilespmem:v2+s18+$0x0], $0xffff  }
0x521: {  	[tilespmem:$0x1F680] =	vst v3  }
0x522: {  	v36 =	vld [tilespmem:$0x1FF80];
	[tilespmem:v18+s30+$0x0] =	vst.idx.msk $0xffff, v49  }
0x523: {  	v3 =	vld [tilespmem:$0x1FFC0];
	[tilespmem:v25+s30+$0x0] =	vst.idx.msk $0xffff, v55  }
0x524: {  	[tilespmem:v52+s30+$0x0] =	vst.idx.msk $0xffff, v12  }
0x525: {  	v39 =	vand.u32 $0x38, v32;
	v32 =	vshll.u32 v46, $0x7;
	[tilespmem:v50+s30+$0x0] =	vst.idx.msk $0xffff, v2  }
0x526: {  	v53 =	vor.u32 v0, v34;
	v2 =	vor.u32 v0, v32;
	v0 =	vld [tilespmem:$0x1F690];
	_ =	sdelay $0x7  }
0x527: {  	v38 =	vmov v7;
	v7 =	vld.idx.msk [tilespmem:v0+s18+$0x0], $0xffff  }
0x528: {  	v13 =	vor.u32 v13, v1;
	v0 =	vld [tilespmem:$0x1F6A0]  }
0x529: {  	v40 =	vor.u32 v60, v34;
	v29 =	vor.u32 v63, v29;
	v57 =	vand.u32 $0xF, v51  }
0x52a: {  	v51 =	vand.u32 $0x7, v51;
	v18 =	vshll.u32 v37, $0x7;
	v55 =	vor.u32 s31, v57  }
0x52b: {  	v18 =	vand.u32 $0x1C00, v18;
	v12 =	vor.u32 v59, v11;
	v33 =	vld.idx.msk [tilespmem:v33+s18+$0x0], $0xffff;
	v46 =	vand.u32 $0x38, v55  }
0x52c: {  	v18 =	vor.u32 v63, v18;
	v63 =	vor.u32 v51, v46;
	v51 =	vand.u32 $0x3A8, v12;
	v12 =	vld.idx.msk [tilespmem:v21+s18+$0x0], $0xffff  }
0x52d: {  	v28 =	vand.u32 $0x388, v40;
	v40 =	vor.u32 v47, v39;
	v39 =	vor.u32 v0, v1;
	v0 =	vld [tilespmem:$0x1FF50];
	_ =	sdelay $0x3  }
0x52e: {  	v14 =	vor.u32 v3, v11;
	[tilespmem:v17+s30+$0x0] =	vst.idx.msk $0xffff, v33  }
0x52f: {  	v9 =	vld [tilespmem:$0x1FF50];
	[tilespmem:v13+s30+$0x0] =	vst.idx.msk $0xffff, v12;
	v3 =	vor.u32 v0, v42;
	v0 =	vor.u32 v31, v34  }
0x530: {  	[tilespmem:v5+s30+$0x0] =	vst.idx.msk $0xffff, v7;
	v0 =	vand.u32 $0x3F8, v0  }
0x531: {  	v20 =	vor.u32 v56, v42;
	v49 =	vor.u32 v0, v18;
	v0 =	vld [tilespmem:$0x1F6B0];
	_ =	sdelay $0x3  }
0x532: {  	v43 =	vor.u32 v59, v34  }
0x533: {  	v41 =	vand.u32 $0x3A8, v43;
	v37 =	vand.u32 $0x398, v53;
	v7 =	vld.idx.msk [tilespmem:v20+s18+$0x0], $0xffff;
	v20 =	vor.u32 v28, v18  }
0x534: {  	v43 =	vor.u32 v37, v18;
	v17 =	vor.u32 v60, v24;
	v12 =	vor.u32 v56, v40;
	v37 =	vld [tilespmem:$0x1FFC0]  }
0x535: {  	v2 =	vand.u32 $0x398, v2;
	v13 =	vand.u32 $0x388, v17;
	v10 =	vld.idx.msk [tilespmem:v10+s18+$0x0], $0xffff  }
0x536: {  	v17 =	vor.u32 v13, v30;
	v13 =	vor.u32 v2, v29;
	v2 =	vld.idx.msk [tilespmem:v0+s18+$0x0], $0xffff;
	_ =	sdelay $0x1  }
0x537: {  	v46 =	vor.u32 v48, v34;
	v4 =	vor.u32 v16, v63;
	[tilespmem:v20+s30+$0x0] =	vst.idx.msk $0xffff, v7  }
0x538: {  	v28 =	vor.u32 v22, v23;
	v5 =	vmov v8;
	v12 =	vld.idx.msk [tilespmem:v12+s18+$0x0], $0xffff;
	v20 =	vor.u32 v37, v34;
	[tilespmem:$0x1F6C0] =	vst v4  }
0x539: {  	v8 =	vor.u32 v8, v34;
	v23 =	vor.u32 v35, v34;
	v34 =	vld [tilespmem:$0x1FF50];
	[tilespmem:v6+s30+$0x0] =	vst.idx.msk $0xffff, v10;
	v6 =	vand.u32 $0x3E8, v20  }
0x53a: {  	v4 =	vor.u32 v6, v18;
	[tilespmem:v39+s30+$0x0] =	vst.idx.msk $0xffff, v2  }
0x53b: {  	[tilespmem:$0x1F6D0] =	vst v4;
	v4 =	vld [tilespmem:$0x1F6E0];
	_ =	sdelay $0x3  }
0x53c: {  	v25 =	vor.u32 v16, v42  }
0x53d: {  	v27 =	vor.u32 v56, v15  }
0x53e: {  	v45 =	vor.u32 v60, v11;
	v22 =	vor.u32 v48, v24;
	v7 =	vand.u32 $0x3C8, v8  }
0x53f: {  	v8 =	vand.u32 $0x3D8, v23;
	v0 =	vand.u32 $0x3B8, v22;
	v20 =	vor.u32 v59, v32;
	v23 =	vld [tilespmem:$0x1FFD0]  }
0x540: {  	v22 =	vor.u32 v54, v30;
	v2 =	vand.u32 $0x3A8, v20;
	v6 =	vld.idx.msk [tilespmem:v4+s18+$0x0], $0xffff;
	v4 =	vor.u32 v62, v42  }
0x541: {  	v54 =	vor.u32 v8, v18;
	v8 =	vor.u32 v2, v29;
	v2 =	vld.idx.msk [tilespmem:v25+s18+$0x0], $0xffff;
	[tilespmem:$0x1F6F0] =	vst v4  }
0x542: {  	v4 =	vor.u32 v61, v15;
	[tilespmem:v17+s30+$0x0] =	vst.idx.msk $0xffff, v12;
	v17 =	vand.u32 $0x3F8, v19;
	v19 =	vld.idx.msk [tilespmem:v27+s18+$0x0], $0xffff  }
0x543: {  	v47 =	vand.u32 $0x388, v45;
	v44 =	vor.u32 v60, v32;
	[tilespmem:$0x1F700] =	vst v4;
	v4 =	vld [tilespmem:$0x1F710]  }
0x544: {  	v45 =	vor.u32 v48, v11;
	v44 =	vand.u32 $0x388, v44;
	v53 =	vor.u32 v35, v11  }
0x545: {  	v26 =	vor.u32 v59, v24;
	v44 =	vor.u32 v44, v29;
	v52 =	vand.u32 $0x3D8, v53  }
0x546: {  	v53 =	vor.u32 v38, v15;
	v50 =	vand.u32 $0x3B8, v46;
	v10 =	vor.u32 v16, v40  }
0x547: {  	v57 =	vor.u32 v56, v63;
	v56 =	vor.u32 v50, v18;
	v50 =	vor.u32 v7, v18  }
0x548: {  	v46 =	vmovc v38;
	v7 =	vor.u32 v35, v24;
	v38 =	vor.u32 v23, v42;
	v12 =	vor.u32 v37, v24  }
0x549: {  	v59 =	vor.u32 v17, v58;
	v12 =	vand.u32 $0x3E8, v12;
	v17 =	vor.u32 v48, v32  }
0x54a: {  	v33 =	vor.u32 v12, v30;
	v12 =	vor.u32 v36, v42;
	[tilespmem:v43+s30+$0x0] =	vst.idx.msk $0xffff, v2  }
0x54b: {  	v2 =	vmov v61;
	v61 =	vor.u32 v61, v42;
	v24 =	vld.idx.msk [tilespmem:v10+s18+$0x0], $0xffff;
	[tilespmem:v4+s30+$0x0] =	vst.idx.msk $0xffff, v6;
	v4 =	vmov v23  }
0x54c: {  	[tilespmem:v44+s30+$0x0] =	vst.idx.msk $0xffff, v19;
	v42 =	vor.u32 v4, v63;
	v48 =	vmov v4;
	v4 =	vor.u32 v34, v63  }
0x54d: {  	[tilespmem:$0x1F720] =	vst v4;
	v4 =	vld [tilespmem:$0x1F730];
	_ =	sdelay $0x6  }
0x54e: {  	v60 =	vor.u32 v9, v15;
	v9 =	vor.u32 v16, v15;
	v16 =	vmovc v5;
	v6 =	vor.u32 v5, v32;
	v5 =	vld [tilespmem:$0x1F750]  }
0x54f: {  	v58 =	vor.u32 v23, v15;
	v23 =	vand.u32 $0x3C8, v6;
	v6 =	vand.u32 $0x3E8, v14;
	v14 =	vld.idx.msk [tilespmem:v4+s18+$0x0], $0xffff  }
0x550: {  	v21 =	vshll.u32 v55, $0x7;
	v4 =	vld [tilespmem:$0x1F740]  }
0x551: {  	v26 =	vand.u32 $0x3A8, v26;
	v55 =	vand.u32 $0x3B8, v45;
	v21 =	vand.u32 $0x1C00, v21  }
0x552: {  	v45 =	vor.u32 v46, v63;
	v1 =	vor.u32 v41, v18;
	v7 =	vand.u32 $0x3D8, v7  }
0x553: {  	v41 =	vor.u32 v34, v40;
	v0 =	vor.u32 v0, v30;
	v18 =	vor.u32 v26, v30  }
0x554: {  	v39 =	vor.u32 v36, v63;
	v25 =	vor.u32 v16, v11;
	v26 =	vld.idx.msk [tilespmem:v9+s18+$0x0], $0xffff;
	[tilespmem:v22+s30+$0x0] =	vst.idx.msk $0xffff, v24  }
0x555: {  	v20 =	vand.u32 $0x3B8, v17;
	v17 =	vor.u32 v62, v15;
	v43 =	vmovc v62;
	v10 =	vor.u32 v2, v63;
	v9 =	vld [tilespmem:$0x1F760]  }
0x556: {  	v27 =	vmovc v2;
	v2 =	vor.u32 v62, v63;
	v15 =	vor.u32 v20, v29;
	v63 =	vor.u32 v43, v40  }
0x557: {  	v62 =	vor.u32 v23, v29;
	v23 =	vor.u32 v27, v40;
	v20 =	vld.idx.msk [tilespmem:v5+s18+$0x0], $0xffff;
	v5 =	vor.u32 v37, v32  }
0x558: {  	v5 =	vand.u32 $0x3E8, v5;
	v19 =	vld.idx.msk [tilespmem:v4+s18+$0x0], $0xffff;
	v4 =	vor.u32 v7, v30;
	v7 =	vor.u32 v35, v32  }
0x559: {  	v44 =	vmovc v28;
	v24 =	vld.idx.msk [tilespmem:v3+s18+$0x0], $0xffff;
	v3 =	vor.u32 v31, v11;
	v11 =	vor.u32 v48, v40;
	v7 =	vand.u32 $0x3D8, v7  }
0x55a: {  	v22 =	vor.u32 v46, v40;
	v16 =	vld.idx.msk [tilespmem:v41+s18+$0x0], $0xffff;
	v9 =	vand.u32 $0x3C8, v9;
	[tilespmem:$0x1F770] =	vst v11;
	v7 =	vor.u32 v7, v29  }
.LBB2_21:
0x55b: {  	v3 =	vand.u32 $0x3F8, v3  }
0x55c: {  	[tilespmem:$0x1F510] =	vst v3;
	v3 =	vld [tilespmem:$0x1F600]  }
0x55d: {  	v28 =	vor.u32 v5, v29;
	v5 =	vld [tilespmem:$0x1F580];
	_ =	sdelay $0x1  }
0x55e: {  	v35 =	vld [tilespmem:$0x1FFF0];
	_ =	sdelay $0x3  }
0x55f: {  	s17 =	sadd.s32 $0x4, s17;
	v27 =	vor.u32 v9, v30  }
0x560: {  	v9 =	vmovc v45;
	v45 =	vlaneseq.u32;
	s6 =	sand.u32 $0xC, s17;
	v11 =	vor.u32 v35, v21;
	[tilespmem:v3+s30+$0x0] =	vst.idx.msk $0xffff, v20;
	v3 =	vand.u32 $0x3C8, v25  }
0x561: {  	s11 =	sor.u32 $0x2, s6;
	[tilespmem:v13+s30+$0x0] =	vst.idx.msk $0xffff, v26;
	v20 =	vld.idx.msk [tilespmem:v5+s18+$0x0], $0xffff;
	v5 =	vmov v10;
	v10 =	vadd.s32 s6, v45;
	v3 =	vor.u32 v3, v11  }
0x562: {  	v26 =	vadd.s32 s11, v45;
	s11 =	sand.u32 $0x30, s17;
	[tilespmem:$0x1F600] =	vst v3;
	v3 =	vand.u32 $0xF, v10  }
0x563: {  	v46 =	vor.u32 s11, v3;
	v3 =	vld [tilespmem:$0x1F680];
	_ =	sdelay $0x4  }
0x564: {  	[tilespmem:$0x1F580] =	vst v5;
	v5 =	vld [tilespmem:$0x1F5E0];
	_ =	sdelay $0x1  }
0x565: {  	[tilespmem:v1+s30+$0x0] =	vst.idx.msk $0xffff, v24  }
0x566: {  	[tilespmem:v18+s30+$0x0] =	vst.idx.msk $0xffff, v16;
	v16 =	vld.idx.msk [tilespmem:v3+s18+$0x0], $0xffff;
	v3 =	vmov v7  }
0x567: {  	[tilespmem:$0x1F5E0] =	vst v3;
	v3 =	vld [tilespmem:$0x1F5D0];
	_ =	sdelay $0x3  }
0x568: {  	v1 =	vld.idx.msk [tilespmem:v60+s18+$0x0], $0xffff;
	[tilespmem:v5+s30+$0x0] =	vst.idx.msk $0xffff, v19;
	v5 =	vor.u32 v31, v32  }
0x569: {  	[tilespmem:$0x1F560] =	vst v5;
	v5 =	vld [tilespmem:$0x1F660];
	_ =	sdelay $0x2  }
0x56a: {  	v31 =	vld.idx.msk [tilespmem:v3+s18+$0x0], $0xffff  }
0x56b: {  	v3 =	vld [tilespmem:$0x1F620]  }
0x56c: {  	v7 =	vmov v33;
	v33 =	vor.u32 v5, v11;
	v5 =	vld [tilespmem:$0x1F5A0];
	_ =	sdelay $0x6  }
0x56d: {  	v57 =	vld.idx.msk [tilespmem:v57+s18+$0x0], $0xffff;
	[tilespmem:v3+s30+$0x0] =	vst.idx.msk $0xffff, v20  }
0x56e: {  	v43 =	vld.idx.msk [tilespmem:v5+s18+$0x0], $0xffff;
	v5 =	vmov v2  }
0x56f: {  	[tilespmem:$0x1F5A0] =	vst v5;
	v5 =	vld [tilespmem:$0x1F5B0];
	_ =	sdelay $0x2  }
0x570: {  	v13 =	vor.u32 v47, v11;
	v47 =	vor.u32 v6, v11;
	v6 =	vor.u32 v55, v11  }
0x571: {  	[tilespmem:$0x1F540] =	vst v6;
	v6 =	vld [tilespmem:$0x1FF90];
	_ =	sdelay $0x3  }
0x572: {  	v19 =	vshll.u32 v10, $0x7;
	[tilespmem:v5+s30+$0x0] =	vst.idx.msk $0xffff, v14;
	v5 =	vmov v49  }
0x573: {  	[tilespmem:$0x1F5B0] =	vst v5;
	v5 =	vor.u32 v6, v19  }
0x574: {  	[tilespmem:$0x1F570] =	vst v5;
	v5 =	vld [tilespmem:$0x1FFE0];
	_ =	sdelay $0x4  }
0x575: {  	[tilespmem:v13+s30+$0x0] =	vst.idx.msk $0xffff, v57;
	v13 =	vor.u32 v5, v19;
	v5 =	vld [tilespmem:$0x1F610];
	_ =	sdelay $0x5  }
0x576: {  	[tilespmem:$0x1F520] =	vst v38;
	v38 =	vld [tilespmem:$0x1FF60]  }
0x577: {  	v22 =	vld.idx.msk [tilespmem:v22+s18+$0x0], $0xffff  }
0x578: {  	[tilespmem:v5+s30+$0x0] =	vst.idx.msk $0xffff, v43;
	v5 =	vld [tilespmem:$0x1F5F0];
	_ =	sdelay $0x2  }
0x579: {  	s10 =	sor.u32 $0x1, s6  }
0x57a: {  	[tilespmem:v0+s30+$0x0] =	vst.idx.msk $0xffff, v22;
	v25 =	vadd.s32 s10, v45  }
0x57b: {  	v24 =	vand.u32 $0xF, v25;
	v18 =	vshll.u32 v25, $0x7;
	v0 =	vor.u32 v38, v19;
	[tilespmem:v56+s30+$0x0] =	vst.idx.msk $0xffff, v16  }
0x57c: {  	[tilespmem:v8+s30+$0x0] =	vst.idx.msk $0xffff, v1;
	v14 =	vand.u32 $0x7, v25;
	v25 =	vor.u32 s11, v24;
	v24 =	vand.u32 $0x3A8, v0;
	v0 =	vld.idx.msk [tilespmem:v12+s18+$0x0], $0xffff  }
0x57d: {  	v12 =	vld.idx.msk [tilespmem:v53+s18+$0x0], $0xffff  }
0x57e: {  	[tilespmem:v5+s30+$0x0] =	vst.idx.msk $0xffff, v31;
	v5 =	vld [tilespmem:$0x1F590]  }
0x57f: {  	v40 =	vor.u32 v36, v40;
	_ =	sdelay $0x2  }
0x580: {  	v2 =	vmov v17  }
0x581: {  	[tilespmem:$0x1F5D0] =	vst v2;
	v2 =	vor.u32 v45, v18  }
0x582: {  	v22 =	vand.u32 $0x388, v2;
	v2 =	vld.idx.msk [tilespmem:v40+s18+$0x0], $0xffff  }
0x583: {  	[tilespmem:$0x1F550] =	vst v39;
	v39 =	vld [tilespmem:$0x1FF20]  }
0x584: {  	v31 =	vld.idx.msk [tilespmem:v5+s18+$0x0], $0xffff  }
0x585: {  	v48 =	vand.u32 $0xF, v26;
	v5 =	vld [tilespmem:$0x1FF80]  }
0x586: {  	v41 =	vand.u32 $0x7, v26;
	v3 =	vor.u32 v52, v11;
	v16 =	vand.u32 $0x38, v25  }
0x587: {  	v52 =	vand.u32 $0x7, v10;
	v10 =	vor.u32 s11, v48;
	[tilespmem:v27+s30+$0x0] =	vst.idx.msk $0xffff, v2;
	v20 =	vor.u32 v14, v16  }
0x588: {  	v17 =	vand.u32 $0x38, v10;
	v10 =	vshll.u32 v10, $0x7;
	v57 =	vld.idx.msk [tilespmem:v23+s18+$0x0], $0xffff;
	v2 =	vor.u32 v39, v20  }
0x589: {  	v17 =	vor.u32 v41, v17;
	v10 =	vand.u32 $0x1C00, v10;
	v16 =	vshll.u32 v46, $0x7  }
0x58a: {  	v1 =	vand.u32 $0x1C00, v16;
	v16 =	vor.u32 v35, v10;
	v10 =	vor.u32 v5, v17;
	v5 =	vld [tilespmem:$0x1F5C0];
	_ =	sdelay $0x1  }
0x58b: {  	[tilespmem:v50+s30+$0x0] =	vst.idx.msk $0xffff, v0  }
0x58c: {  	[tilespmem:v4+s30+$0x0] =	vst.idx.msk $0xffff, v57;
	v4 =	vld.idx.msk [tilespmem:v2+s18+$0x0], $0xffff  }
0x58d: {  	v2 =	vld [tilespmem:$0x1FFE0];
	_ =	sdelay $0x1  }
0x58e: {  	s31 =	sor.u32 $0x3, s6  }
0x58f: {  	v60 =	vadd.s32 s31, v45  }
0x590: {  	[tilespmem:$0x1F620] =	vst v3;
	v3 =	vshll.u32 v60, $0x7;
	v53 =	vld.idx.msk [tilespmem:v5+s18+$0x0], $0xffff  }
0x591: {  	[tilespmem:v15+s30+$0x0] =	vst.idx.msk $0xffff, v12;
	v15 =	vor.u32 v37, v3;
	v37 =	vor.u32 v2, v18;
	v2 =	vld [tilespmem:$0x1F640]  }
0x592: {  	v32 =	vand.u32 $0x38, v46;
	v46 =	vmov v34;
	v34 =	vld [tilespmem:$0x1FF40]  }
0x593: {  	v0 =	vld [tilespmem:$0x1F650]  }
0x594: {  	v50 =	vld.idx.msk [tilespmem:v63+s18+$0x0], $0xffff;
	v5 =	vmov v58  }
0x595: {  	[tilespmem:$0x1F5C0] =	vst v5;
	v5 =	vld [tilespmem:$0x1F6C0]  }
0x596: {  	v63 =	vor.u32 v2, v30;
	v2 =	vld [tilespmem:$0x1FF50]  }
0x597: {  	v41 =	vmov v47  }
0x598: {  	v21 =	vor.u32 v51, v11;
	[tilespmem:$0x1F610] =	vst v41;
	v41 =	vld [tilespmem:$0x1FF00]  }
0x599: {  	v55 =	vand.u32 $0xF, v60;
	v27 =	vand.u32 $0x7, v60;
	v60 =	vor.u32 v38, v3  }
0x59a: {  	v51 =	vor.u32 v34, v18;
	v13 =	vand.u32 $0x3F8, v13;
	v12 =	vshll.u32 v25, $0x7  }
0x59b: {  	v25 =	vand.u32 $0x398, v51;
	v51 =	vand.u32 $0x3A8, v60;
	[tilespmem:v59+s30+$0x0] =	vst.idx.msk $0xffff, v53;
	v60 =	vor.u32 v2, v17;
	v2 =	vmovc v13  }
0x59c: {  	v40 =	vor.u32 v52, v32;
	v32 =	vshll.u32 v26, $0x7;
	v26 =	vor.u32 v34, v3;
	[tilespmem:$0x1F640] =	vst v2;
	v2 =	vld [tilespmem:$0x1F720]  }
0x59d: {  	v23 =	vand.u32 $0x398, v26;
	v47 =	vor.u32 v41, v18;
	v12 =	vand.u32 $0x1C00, v12;
	v0 =	vld.idx.msk [tilespmem:v0+s18+$0x0], $0xffff  }
0x59e: {  	v56 =	vor.u32 v41, v3;
	v58 =	vor.u32 v35, v12;
	v26 =	vld.idx.msk [tilespmem:v5+s18+$0x0], $0xffff;
	v13 =	vand.u32 $0x3B8, v47  }
0x59f: {  	v36 =	vor.u32 s11, v55;
	[tilespmem:$0x1F660] =	vst v23;
	v55 =	vand.u32 $0x3B8, v56;
	v56 =	vor.u32 v13, v58;
	v13 =	vld [tilespmem:$0x1F6F0]  }
0x5a0: {  	v12 =	vld.idx.msk [tilespmem:v61+s18+$0x0], $0xffff;
	[tilespmem:v44+s30+$0x0] =	vst.idx.msk $0xffff, v31;
	v5 =	vmov v10  }
0x5a1: {  	v52 =	vor.u32 v45, v32;
	v49 =	vor.u32 v45, v3;
	[tilespmem:$0x1F650] =	vst v5  }
0x5a2: {  	v49 =	vand.u32 $0x388, v49;
	v1 =	vor.u32 v35, v1;
	v8 =	vor.u32 v34, v19;
	[tilespmem:v62+s30+$0x0] =	vst.idx.msk $0xffff, v0  }
0x5a3: {  	v10 =	vand.u32 $0x38, v36;
	v5 =	vor.u32 v46, v20;
	v46 =	vld [tilespmem:$0x1FFA0];
	v62 =	vor.u32 v22, v58;
	[tilespmem:v33+s30+$0x0] =	vst.idx.msk $0xffff, v26  }
0x5a4: {  	v59 =	vor.u32 v27, v10;
	v27 =	vor.u32 v34, v32;
	v34 =	vor.u32 v45, v19;
	v35 =	vld.idx.msk [tilespmem:v2+s18+$0x0], $0xffff  }
0x5a5: {  	v23 =	vand.u32 $0x388, v52;
	v52 =	vld [tilespmem:$0x1FF50];
	v30 =	vmovc v1;
	[tilespmem:v54+s30+$0x0] =	vst.idx.msk $0xffff, v12;
	v0 =	vand.u32 $0x3F8, v37;
	v12 =	vand.u32 $0x388, v34  }
0x5a6: {  	[tilespmem:$0x1F530] =	vst v49;
	v45 =	vor.u32 v12, v30;
	v12 =	vand.u32 $0x398, v27;
	v49 =	vor.u32 v0, v58;
	v0 =	vld [tilespmem:$0x1F770]  }
0x5a7: {  	v34 =	vld.idx.msk [tilespmem:v13+s18+$0x0], $0xffff;
	v13 =	vor.u32 v12, v16;
	v12 =	vor.u32 v6, v18  }
0x5a8: {  	v8 =	vand.u32 $0x398, v8;
	[tilespmem:v62+s30+$0x0] =	vst.idx.msk $0xffff, v4;
	v4 =	vand.u32 $0x3C8, v12;
	v12 =	vld [tilespmem:$0x1F6D0]  }
0x5a9: {  	v43 =	vmov v28;
	[tilespmem:v21+s30+$0x0] =	vst.idx.msk $0xffff, v35;
	v35 =	vor.u32 v8, v30;
	v8 =	vor.u32 v46, v18  }
0x5aa: {  	v54 =	vand.u32 $0x3D8, v8;
	v8 =	vld [tilespmem:$0x1FFC0]  }
0x5ab: {  	[tilespmem:v7+s30+$0x0] =	vst.idx.msk $0xffff, v50;
	v7 =	vld [tilespmem:$0x1F510]  }
0x5ac: {  	v14 =	vor.u32 v39, v17;
	[tilespmem:$0x1F5F0] =	vst v43;
	v43 =	vmovc v42;
	v42 =	vld [tilespmem:$0x1FF70];
	v61 =	vshll.u32 v36, $0x7;
	v36 =	vor.u32 v52, v59  }
0x5ad: {  	v44 =	vld [tilespmem:$0x1FF30];
	v57 =	vor.u32 v39, v59;
	[tilespmem:$0x1F720] =	vst v36;
	v36 =	vor.u32 v25, v58;
	v25 =	vor.u32 v41, v19  }
0x5ae: {  	v33 =	vor.u32 v39, v40;
	v27 =	vld.idx.msk [tilespmem:v0+s18+$0x0], $0xffff;
	v0 =	vand.u32 $0x3B8, v25;
	v25 =	vor.u32 v38, v32  }
0x5af: {  	v39 =	vld [tilespmem:$0x1FFD0];
	v50 =	vor.u32 v4, v58;
	v4 =	vand.u32 $0x3A8, v25;
	v8 =	vor.u32 v8, v18  }
0x5b0: {  	[tilespmem:v12+s30+$0x0] =	vst.idx.msk $0xffff, v34;
	v12 =	vand.u32 $0x3E8, v8;
	v8 =	vor.u32 v4, v16;
	v4 =	vld [tilespmem:$0x1F520]  }
0x5b1: {  	v28 =	vor.u32 v38, v18;
	v47 =	vld [tilespmem:$0x1FFB0]  }
0x5b2: {  	v28 =	vand.u32 $0x3A8, v28;
	v48 =	vor.u32 v42, v20  }
0x5b3: {  	v1 =	vor.u32 v28, v58;
	v31 =	vor.u32 v44, v20;
	v28 =	vor.u32 v46, v3  }
0x5b4: {  	[tilespmem:$0x1F680] =	vst v48;
	v26 =	vor.u32 v44, v17;
	v48 =	vor.u32 v44, v59;
	v52 =	vand.u32 $0x3D8, v28  }
0x5b5: {  	[tilespmem:$0x1F590] =	vst v43;
	v43 =	vld [tilespmem:$0x1FF10];
	v28 =	vor.u32 v44, v40;
	v44 =	vor.u32 v7, v11;
	v11 =	vor.u32 v39, v20  }
0x5b6: {  	v37 =	vld.idx.msk [tilespmem:v14+s18+$0x0], $0xffff;
	v38 =	vmov v11;
	v11 =	vor.u32 v47, v20  }
0x5b7: {  	[tilespmem:$0x1F6F0] =	vst v11;
	v11 =	vor.u32 v12, v58;
	v12 =	vld [tilespmem:$0x1FFC0]  }
0x5b8: {  	v14 =	vld.idx.msk [tilespmem:v4+s18+$0x0], $0xffff  }
0x5b9: {  	v4 =	vld.idx.msk [tilespmem:v31+s18+$0x0], $0xffff  }
0x5ba: {  	v33 =	vld.idx.msk [tilespmem:v33+s18+$0x0], $0xffff  }
0x5bb: {  	v25 =	vor.u32 v6, v3;
	[tilespmem:v63+s30+$0x0] =	vst.idx.msk $0xffff, v27;
	v27 =	vor.u32 v6, v32;
	v6 =	vld [tilespmem:$0x1F540]  }
0x5bc: {  	[tilespmem:$0x1F6D0] =	vst v11;
	v11 =	vor.u32 v46, v19;
	v12 =	vor.u32 v12, v19;
	v19 =	vld [tilespmem:$0x1F700]  }
0x5bd: {  	v34 =	vld [tilespmem:$0x1FF50]  }
0x5be: {  	v7 =	vor.u32 v39, v40;
	[tilespmem:v36+s30+$0x0] =	vst.idx.msk $0xffff, v4;
	v4 =	vld [tilespmem:$0x1F550]  }
0x5bf: {  	v23 =	vor.u32 v23, v16;
	[tilespmem:$0x1F770] =	vst v7;
	v9 =	vld.idx.msk [tilespmem:v9+s18+$0x0], $0xffff  }
0x5c0: {  	v7 =	vld [tilespmem:$0x1F570];
	[tilespmem:v45+s30+$0x0] =	vst.idx.msk $0xffff, v33;
	v18 =	vor.u32 v24, v30;
	v24 =	vor.u32 v43, v17  }
0x5c1: {  	[tilespmem:$0x1F700] =	vst v24;
	v24 =	vand.u32 $0x3E8, v12;
	v12 =	vld [tilespmem:$0x1FF80]  }
0x5c2: {  	v53 =	vor.u32 v42, v17;
	v28 =	vld.idx.msk [tilespmem:v28+s18+$0x0], $0xffff;
	v31 =	vor.u32 v41, v32  }
0x5c3: {  	[tilespmem:$0x1F6C0] =	vst v48;
	v33 =	vor.u32 v24, v30;
	v24 =	vand.u32 $0x3B8, v31;
	v31 =	vor.u32 v34, v40;
	v36 =	vld [tilespmem:$0x1FF80]  }
0x5c4: {  	v10 =	vor.u32 v43, v59;
	v22 =	vor.u32 v42, v40;
	[tilespmem:v6+s30+$0x0] =	vst.idx.msk $0xffff, v9;
	v19 =	vld.idx.msk [tilespmem:v19+s18+$0x0], $0xffff  }
0x5c5: {  	v48 =	vmov v29;
	v29 =	vor.u32 v39, v59;
	v2 =	vor.u32 v47, v59;
	[tilespmem:v23+s30+$0x0] =	vst.idx.msk $0xffff, v37;
	v37 =	vld [tilespmem:$0x1FFC0]  }
0x5c6: {  	v21 =	vand.u32 $0x1C00, v61;
	v61 =	vor.u32 v43, v20;
	v12 =	vor.u32 v12, v20;
	v20 =	vld.idx.msk [tilespmem:v4+s18+$0x0], $0xffff  }
0x5c7: {  	v27 =	vand.u32 $0x3C8, v27;
	v45 =	vor.u32 v42, v59;
	v42 =	vmov v29;
	[tilespmem:v35+s30+$0x0] =	vst.idx.msk $0xffff, v28;
	v4 =	vld [tilespmem:$0x1F560]  }
0x5c8: {  	v29 =	vmovc v16;
	v62 =	vor.u32 v27, v16;
	v6 =	vand.u32 $0x3E8, v15;
	v15 =	vor.u32 v24, v16;
	v16 =	vld.idx.msk [tilespmem:v31+s18+$0x0], $0xffff  }
0x5c9: {  	p0 =	slt.u32 s17, $0x3C;
	v0 =	vor.u32 v0, v30;
	v63 =	vor.u32 v47, v40;
	v54 =	vor.u32 v54, v58;
	v31 =	vld [tilespmem:$0x1FFE0]  }
.Ltmp14:
0x5ca: {  	v58 =	vor.u32 v39, v17;
	v17 =	vor.u32 v47, v17;
	v9 =	vand.u32 $0x3D8, v11;
	(pc) =	sbr.rel @p0 .LBB2_21-.Ltmp14, $4  }
0x5cb: {  	v24 =	vld.idx.msk [tilespmem:v5+s18+$0x0], $0xffff;
	v5 =	vor.u32 v46, v32;
	v23 =	vor.u32 v43, v40;
	v39 =	vor.u32 v36, v59  }
0x5cc: {  	v11 =	vand.u32 $0x3F8, v4;
	v4 =	vor.u32 v9, v30;
	v9 =	vand.u32 $0x3C8, v7  }
0x5cd: {  	v47 =	vld [tilespmem:$0x1F530];
	v7 =	vand.u32 $0x3D8, v5;
	v59 =	vor.u32 v11, v48;
	v11 =	vor.u32 v37, v32  }
0x5ce: {  	v26 =	vld.idx.msk [tilespmem:v26+s18+$0x0], $0xffff;
	v3 =	vor.u32 v31, v3;
	v7 =	vor.u32 v7, v29;
	v5 =	vand.u32 $0x3E8, v11  }
0x5cf: {  	v28 =	vld [tilespmem:$0x1FFF0];
	_ =	sdelay $0x4  }
0x5d0: {  	v11 =	vor.u32 v28, v21  }
0x5d1: {  	v27 =	vld.idx.msk [tilespmem:v57+s18+$0x0], $0xffff;
	v21 =	vor.u32 v47, v11;
	_ =	sdelay $0x4  }
0x5d2: {  	[tilespmem:v21+s30+$0x0] =	vst.idx.msk $0xffff, v27  }
0x5d3: {  	v27 =	vld [tilespmem:$0x1F6C0];
	_ =	sdelay $0x2  }
0x5d4: {  	v21 =	vld [tilespmem:$0x1F660];
	_ =	sdelay $0x4  }
0x5d5: {  	v21 =	vor.u32 v21, v11;
	v27 =	vld.idx.msk [tilespmem:v27+s18+$0x0], $0xffff;
	_ =	sdelay $0x3  }
0x5d6: {  	[tilespmem:v13+s30+$0x0] =	vst.idx.msk $0xffff, v26  }
0x5d7: {  	[tilespmem:v21+s30+$0x0] =	vst.idx.msk $0xffff, v27  }
0x5d8: {  	v21 =	vld [tilespmem:$0x1F720];
	_ =	sdelay $0x7  }
0x5d9: {  	v57 =	vor.u32 v51, v11;
	v21 =	vld.idx.msk [tilespmem:v21+s18+$0x0], $0xffff;
	_ =	sdelay $0x2  }
0x5da: {  	[tilespmem:v18+s30+$0x0] =	vst.idx.msk $0xffff, v16  }
0x5db: {  	[tilespmem:v1+s30+$0x0] =	vst.idx.msk $0xffff, v24  }
0x5dc: {  	[tilespmem:v57+s30+$0x0] =	vst.idx.msk $0xffff, v21  }
0x5dd: {  	v16 =	vld [tilespmem:$0x1F680]  }
0x5de: {  	v26 =	vld.idx.msk [tilespmem:v60+s18+$0x0], $0xffff;
	_ =	sdelay $0x3  }
0x5df: {  	v60 =	vld.idx.msk [tilespmem:v22+s18+$0x0], $0xffff  }
0x5e0: {  	v35 =	vor.u32 v55, v11;
	v24 =	vor.u32 v36, v40;
	[tilespmem:v8+s30+$0x0] =	vst.idx.msk $0xffff, v26;
	v40 =	vld.idx.msk [tilespmem:v45+s18+$0x0], $0xffff  }
0x5e1: {  	v41 =	vld.idx.msk [tilespmem:v53+s18+$0x0], $0xffff  }
0x5e2: {  	v16 =	vld.idx.msk [tilespmem:v16+s18+$0x0], $0xffff;
	_ =	sdelay $0x1  }
0x5e3: {  	[tilespmem:v0+s30+$0x0] =	vst.idx.msk $0xffff, v60  }
0x5e4: {  	[tilespmem:v35+s30+$0x0] =	vst.idx.msk $0xffff, v40  }
0x5e5: {  	[tilespmem:v15+s30+$0x0] =	vst.idx.msk $0xffff, v41  }
0x5e6: {  	[tilespmem:v56+s30+$0x0] =	vst.idx.msk $0xffff, v16  }
0x5e7: {  	v48 =	vld [tilespmem:$0x1F600];
	_ =	sdelay $0x7  }
0x5e8: {  	[tilespmem:v48+s30+$0x0] =	vst.idx.msk $0xffff, v20  }
0x5e9: {  	v13 =	vld [tilespmem:$0x1F650]  }
0x5ea: {  	v15 =	vld [tilespmem:$0x1F5E0];
	_ =	sdelay $0x4  }
0x5eb: {  	v43 =	vor.u32 v9, v30;
	v1 =	vld.idx.msk [tilespmem:v24+s18+$0x0], $0xffff  }
0x5ec: {  	v45 =	vand.u32 $0x3C8, v25;
	v46 =	vld.idx.msk [tilespmem:v12+s18+$0x0], $0xffff  }
0x5ed: {  	v8 =	vor.u32 v45, v11;
	v47 =	vld.idx.msk [tilespmem:v39+s18+$0x0], $0xffff  }
0x5ee: {  	v13 =	vld.idx.msk [tilespmem:v13+s18+$0x0], $0xffff;
	[tilespmem:v15+s30+$0x0] =	vst.idx.msk $0xffff, v19  }
0x5ef: {  	v15 =	vld [tilespmem:$0x1F580]  }
0x5f0: {  	[tilespmem:v43+s30+$0x0] =	vst.idx.msk $0xffff, v1  }
0x5f1: {  	[tilespmem:v50+s30+$0x0] =	vst.idx.msk $0xffff, v46  }
0x5f2: {  	[tilespmem:v8+s30+$0x0] =	vst.idx.msk $0xffff, v47  }
0x5f3: {  	[tilespmem:v62+s30+$0x0] =	vst.idx.msk $0xffff, v13  }
0x5f4: {  	v53 =	vld [tilespmem:$0x1F620];
	_ =	sdelay $0x2  }
0x5f5: {  	v15 =	vld.idx.msk [tilespmem:v15+s18+$0x0], $0xffff;
	_ =	sdelay $0x4  }
0x5f6: {  	v51 =	vor.u32 v52, v11;
	v52 =	vld.idx.msk [tilespmem:v10+s18+$0x0], $0xffff;
	[tilespmem:v53+s30+$0x0] =	vst.idx.msk $0xffff, v15  }
0x5f7: {  	v10 =	vld [tilespmem:$0x1F700]  }
0x5f8: {  	v12 =	vld [tilespmem:$0x1F5B0];
	_ =	sdelay $0x4  }
0x5f9: {  	v0 =	vld.idx.msk [tilespmem:v23+s18+$0x0], $0xffff  }
0x5fa: {  	v50 =	vld.idx.msk [tilespmem:v61+s18+$0x0], $0xffff;
	_ =	sdelay $0x1  }
0x5fb: {  	v10 =	vld.idx.msk [tilespmem:v10+s18+$0x0], $0xffff;
	[tilespmem:v12+s30+$0x0] =	vst.idx.msk $0xffff, v14  }
0x5fc: {  	v12 =	vld [tilespmem:$0x1F5A0]  }
0x5fd: {  	[tilespmem:v4+s30+$0x0] =	vst.idx.msk $0xffff, v0  }
0x5fe: {  	v0 =	vld [tilespmem:$0x1F5D0];
	[tilespmem:v54+s30+$0x0] =	vst.idx.msk $0xffff, v50  }
0x5ff: {  	[tilespmem:v51+s30+$0x0] =	vst.idx.msk $0xffff, v52  }
0x600: {  	v4 =	vld [tilespmem:$0x1F6F0];
	[tilespmem:v7+s30+$0x0] =	vst.idx.msk $0xffff, v10  }
0x601: {  	v7 =	vld [tilespmem:$0x1F610];
	_ =	sdelay $0x2  }
0x602: {  	v12 =	vld.idx.msk [tilespmem:v12+s18+$0x0], $0xffff;
	_ =	sdelay $0x4  }
0x603: {  	[tilespmem:v7+s30+$0x0] =	vst.idx.msk $0xffff, v12  }
0x604: {  	v8 =	vld [tilespmem:$0x1F5F0];
	_ =	sdelay $0x2  }
0x605: {  	v0 =	vld.idx.msk [tilespmem:v0+s18+$0x0], $0xffff  }
0x606: {  	v54 =	vld.idx.msk [tilespmem:v63+s18+$0x0], $0xffff;
	_ =	sdelay $0x3  }
0x607: {  	[tilespmem:v8+s30+$0x0] =	vst.idx.msk $0xffff, v0  }
0x608: {  	v0 =	vld [tilespmem:$0x1F590];
	[tilespmem:v33+s30+$0x0] =	vst.idx.msk $0xffff, v54  }
0x609: {  	v8 =	vld [tilespmem:$0x1F6D0];
	_ =	sdelay $0x2  }
0x60a: {  	v4 =	vld.idx.msk [tilespmem:v4+s18+$0x0], $0xffff;
	_ =	sdelay $0x1  }
0x60b: {  	v1 =	vld [tilespmem:$0x1F5C0];
	_ =	sdelay $0x2  }
0x60c: {  	v2 =	vld.idx.msk [tilespmem:v2+s18+$0x0], $0xffff;
	[tilespmem:v8+s30+$0x0] =	vst.idx.msk $0xffff, v4  }
0x60d: {  	v6 =	vor.u32 v6, v11;
	v8 =	vld [tilespmem:$0x1F770]  }
0x60e: {  	v5 =	vor.u32 v5, v29;
	v55 =	vld.idx.msk [tilespmem:v17+s18+$0x0], $0xffff  }
0x60f: {  	v0 =	vld.idx.msk [tilespmem:v0+s18+$0x0], $0xffff  }
0x610: {  	v4 =	vld [tilespmem:$0x1F640]  }
0x611: {  	v1 =	vld.idx.msk [tilespmem:v1+s18+$0x0], $0xffff  }
0x612: {  	v57 =	vor.u32 v31, v32;
	v56 =	vand.u32 $0x3F8, v3;
	[tilespmem:v6+s30+$0x0] =	vst.idx.msk $0xffff, v2;
	v60 =	vld.idx.msk [tilespmem:v38+s18+$0x0], $0xffff  }
0x613: {  	v3 =	vand.u32 $0x3F8, v57;
	[tilespmem:v5+s30+$0x0] =	vst.idx.msk $0xffff, v55;
	v2 =	vor.u32 v56, v11;
	v61 =	vld.idx.msk [tilespmem:v42+s18+$0x0], $0xffff  }
0x614: {  	v62 =	vor.u32 v3, v29;
	v63 =	vld.idx.msk [tilespmem:v58+s18+$0x0], $0xffff  }
0x615: {  	[tilespmem:v44+s30+$0x0] =	vst.idx.msk $0xffff, v0;
	v4 =	vor.u32 v4, v30;
	v8 =	vld.idx.msk [tilespmem:v8+s18+$0x0], $0xffff  }
0x616: {  	p0 =	seq.s32 s0, $0x31;
	[tilespmem:v59+s30+$0x0] =	vst.idx.msk $0xffff, v1  }
.Ltmp15:
0x617: {  	s6 =	sadd.s32 s15, s9;
	[tilespmem:v49+s30+$0x0] =	vst.idx.msk $0xffff, v60;
	(pc) =	sbr.rel @p0 .LBB2_24-.Ltmp15, $4  }
0x618: {  	s6 =	sshll.u32 s6, $0xA;
	[tilespmem:v2+s30+$0x0] =	vst.idx.msk $0xffff, v61  }
0x619: {  	s6 =	sand.u32 $0x1FFFFC00, s6;
	[tilespmem:v62+s30+$0x0] =	vst.idx.msk $0xffff, v63  }
0x61a: {  	s6 =	sadd.s32 s2, s6;
	[tilespmem:v4+s30+$0x0] =	vst.idx.msk $0xffff, v8  }
0x61b: {  	[hbm4b:s6+s3] =	stream.linear.scatter [tilespmem:s30], [sflag:$0x8], $0x2000, $0x38;
	[tilespmem:$0x16400] =	vst v63  }
0x61c: {  	v62 =	vld [tilespmem:$0x1FF20]  }
0x61d: {  	v21 =	vld [tilespmem:$0x1FF30]  }
0x61e: {  	v19 =	vld [tilespmem:$0x1FF40]  }
0x61f: {  	v23 =	vld [tilespmem:$0x1FF60]  }
.Ltmp16:
0x620: {  	v24 =	vld [tilespmem:$0x1FF70];
	(pc) =	sbr.rel .LBB2_2-.Ltmp16, $4  }
0x621: {  	s6 =	sshll.u32 s0, $0x9;
	v51 =	vld [tilespmem:$0x1FF90]  }
0x622: {  	v57 =	vld [tilespmem:$0x1FFA0];
	s6 =	sand.u32 $0x3FFFFE00, s6  }
0x623: {  	s0 =	sadd.s32 $0x1, s0;
	v54 =	vld [tilespmem:$0x1FFB0];
	s6 =	sadd.s32 $0x380, s6  }
0x624: {  	v59 =	vlaneseq.u32;
	v52 =	vld [tilespmem:$0x1FFD0];
	[tilespmem:s18], [sflag:$0x4] =	stream.indirect.gather [hbm4b:s5+s12], $0x40, s6, s12, $0xb8  }
.LBB2_25:
0x625: {  	_ =	sfence.sel $0x180000  }
0x626: {  	[bflag:$0x0] =	sbarrier.arrive $0xFFFF  }
0x627: {  	_ =	strace $0x90000047  }
0x628: {  	s0 =	stileid.u32;
	[bflag:$0x2] =	sbarrier.arrive $0xFFFF  }
0x629: {  	p0 =	sne.s32 s0, $0x0;
	s0 =	rddreg [dreg:$0x2]  }
0x62a: {  	s0 =	sadd.s32 @!p0 $0x100000, s0  }
0x62b: {  	[sflag:s0] =	ssyncadd.tile.s32 @!p0 $0x1;
	_ =	shalt  }
.Lfunc_end2:
_tile_overlayer_lowered:
.L_overlay_start_2:
0x62c: {  	(tag) =	ssettag $0x2  }
0x62d: {  	s0 =	rddreg [dreg:$0x0];
	s2 =	stileid.u32  }
0x62e: {  	s1 =	rddreg [dreg:$0x1];
	p0 =	sne.s32 s2, $0x0  }
0x62f: {  	s3 =	rddreg [dreg:$0x2];
	[bflag:$0x3] =	sbarrier.arrive $0xFFFF;
	s2 =	simm.s32 @!p0 $0x1C09  }
0x630: {  	[timem:s3], [sflag:s2] =	dma.local @!p0 [hbm:s0], s1  }
0x631: {  	s0 =	simm.s32 @!p0 $0x9  }
0x632: {  	_ =	swait.ge @!p0 [sflag:s0], s1  }
0x633: {  	s1 =	ssub.s32 @!p0 $0x0, s1;
	[sflag:s0] =	ssyncset.done @!p0 $0x0  }
0x634: {  	[sflag:s0] =	ssyncadd.s32 @!p0 s1  }
0x635: {  	[bflag:$0x3] =	sbarrier.arrive $0xFFFF  }
0x636: {  	_ =	shalt  }

</sc_bundles>
